<compile_context>
chip_gen: v7x
topology: tpu7x:2x2x1
jax: 0.10.2.dev20260603
libtpu: 0.0.44.dev20260713+nightly
codegen_flags: <defaults>
</compile_context>

<pallas_src>
import functools

import jax
import jax.numpy as jnp
from jax import lax
from jax.experimental import pallas as pl
from jax.experimental.pallas import tpu as pltpu
from jax.experimental.pallas import tpu_sc as plsc

N = 10000
DH = 16
NSC = 2
NTILES = 16
NW = NSC * NTILES
CH = 256
NCH0 = 68
NCH1 = 12
NCHMAX = max(NCH0, NCH1)
NROWS = NTILES * (NCH0 + NCH1) + NCHMAX
EPAD = NROWS * CH
NSINK = N + 112
ZROWS = NSINK // NTILES
NBUF = 4
LOOKAHEAD = 2

_f32 = jnp.float32



def _sc_body(*refs):
    (p_hbm, srcs_hbm, dsts_hbm,
     s_out,
     srcs_v, dsts_v,
     rb0, rb1, rb2, rb3, zbuf, s_sp,
     gs0, gs1, gs2, gs3, ss0, ss1, ss2, ss3) = refs
    rows = (rb0, rb1, rb2, rb3)
    gsem = (gs0, gs1, gs2, gs3)
    ssem = (ss0, ss1, ss2, ss3)

    c = lax.axis_index("c")
    t = lax.axis_index("s")
    nch = jnp.where(c == 0, NCH0, NCH1)
    row0 = jnp.where(c == 0, t * NCH0, NTILES * NCH0 + t * NCH1)

    stripe = pl.ds(t * ZROWS, ZROWS)
    width = zbuf.shape[1]
    zv = jnp.zeros((16,), _f32)

    def zrow(i, carry):
        for h in range(width // 16):
            zbuf[i, pl.ds(h * 16, 16)] = zv
        return carry

    lax.fori_loop(0, ZROWS, zrow, 0)
    pltpu.sync_copy(zbuf, s_sp.at[stripe])
    pltpu.sync_copy(srcs_hbm.at[pl.ds(row0, NCH1)], srcs_v.at[pl.ds(0, NCH1)])
    pltpu.sync_copy(dsts_hbm.at[pl.ds(row0, NCH1)], dsts_v.at[pl.ds(0, NCH1)])

    @pl.when(c == 0)
    def _copy_extra():
        extra = pl.ds(row0 + NCH1, NCH0 - NCH1)
        pltpu.sync_copy(srcs_hbm.at[extra], srcs_v.at[pl.ds(NCH1, NCH0 - NCH1)])
        pltpu.sync_copy(dsts_hbm.at[extra], dsts_v.at[pl.ds(NCH1, NCH0 - NCH1)])

    plsc.subcore_barrier()

    def start_gather(j, b):
        pltpu.async_copy(p_hbm.at[srcs_v.at[j]], rows[b], gsem[b])

    def wait_gather(b):
        pltpu.make_async_copy(p_hbm.at[srcs_v.at[0]], rows[b], gsem[b]).wait()

    def start_scatter(j, b):
        pltpu.async_copy(rows[b], s_sp.at[dsts_v.at[j]], ssem[b], add=True)

    def wait_scatter(b):
        pltpu.make_async_copy(rows[b], s_sp.at[dsts_v.at[0]], ssem[b]).wait()

    start_gather(0, 0)
    start_gather(1, 1)
    for j in (0, 1):
        wait_gather(j % NBUF)
        start_scatter(j, j % NBUF)
        start_gather(j + LOOKAHEAD, (j + LOOKAHEAD) % NBUF)

    def main_body(g, carry):
        for b in range(NBUF):
            j = g * NBUF + b + LOOKAHEAD
            bb = (b + LOOKAHEAD) % NBUF
            wait_gather(bb)
            start_scatter(j, bb)
            wait_scatter(b)
            start_gather(j + LOOKAHEAD, b)
        return carry

    lax.fori_loop(0, (nch - 2 * LOOKAHEAD) // NBUF, main_body, 0)

    for k in range(LOOKAHEAD, 0, -1):
        j = nch - k
        b = (NBUF - k) % NBUF
        wait_gather(b)
        start_scatter(j, b)
    for b in range(NBUF):
        wait_scatter(b)
    plsc.subcore_barrier()

    pltpu.sync_copy(s_sp.at[stripe], s_out.at[c, stripe])


def _make_sc(width):
    scratch = [
        pltpu.VMEM((NCHMAX, CH), jnp.int32),
        pltpu.VMEM((NCHMAX, CH), jnp.int32),
    ]
    scratch += [pltpu.VMEM((CH, width), _f32)] * NBUF
    scratch += [
        pltpu.VMEM((ZROWS, width), _f32),
        pltpu.VMEM_SHARED((NSINK, width), _f32),
    ]
    scratch += [pltpu.SemaphoreType.DMA] * (2 * NBUF)
    mesh = plsc.VectorSubcoreMesh(core_axis_name="c", subcore_axis_name="s")
    return pl.kernel(
        _sc_body,
        out_type=jax.ShapeDtypeStruct((NSC, NSINK, width), _f32),
        mesh=mesh,
        scratch_types=scratch,
        compiler_params=pltpu.CompilerParams(use_tc_tiling_on_sc=False,
                                             skip_device_barrier=True),
    )



_BN = 1000


def _elu(h):
    return jnp.where(h > 0, h, jnp.exp(jnp.minimum(h, 0.0)) - 1.0)


def _dense_pre_body(x_ref, wl_ref, wr_ref, bl_ref, p_ref, r_ref):
    xb = x_ref[...]
    pj = jnp.dot(xb, wl_ref[...], preferred_element_type=_f32)
    p_ref[...] = jnp.concatenate(
        [pj, jnp.ones((pj.shape[0], 1), _f32), jnp.zeros((pj.shape[0], 15), _f32)],
        axis=1)
    r_ref[...] = jnp.dot(xb, wr_ref[...], preferred_element_type=_f32) + bl_ref[...]


def _dense_pre(x, Wl, Wr, bl):
    n, d = x.shape
    return pl.pallas_call(
        _dense_pre_body,
        grid=(n // _BN,),
        in_specs=[
            pl.BlockSpec((_BN, d), lambda i: (i, 0)),
            pl.BlockSpec((d, DH), lambda i: (0, 0)),
            pl.BlockSpec((d, DH), lambda i: (0, 0)),
            pl.BlockSpec((1, DH), lambda i: (0, 0)),
        ],
        out_specs=[pl.BlockSpec((_BN, 2 * DH), lambda i: (i, 0)),
                   pl.BlockSpec((_BN, DH), lambda i: (i, 0))],
        out_shape=[jax.ShapeDtypeStruct((n, 2 * DH), _f32),
                   jax.ShapeDtypeStruct((n, DH), _f32)],
    )(x, Wl, Wr, bl.reshape(1, DH))


def _combine(s_ref, cnt_ref, r_ref):
    ssum = s_ref[0, :, :DH] + s_ref[1, :, :DH]
    cnt = cnt_ref[0, :, DH:DH + 1] + cnt_ref[1, :, DH:DH + 1]
    inv = 1.0 / jnp.maximum(cnt, 1.0)
    return _elu(ssum * inv + r_ref[...])


def _combine_pre_body(s_ref, cnt_ref, r_ref, wl_ref, wr_ref, bl_ref,
                      p_ref, rout_ref):
    h = _combine(s_ref, cnt_ref, r_ref)
    p_ref[...] = jnp.dot(h, wl_ref[...], preferred_element_type=_f32)
    rout_ref[...] = jnp.dot(h, wr_ref[...], preferred_element_type=_f32) + bl_ref[...]


def _combine_pre(s, cnt, r, Wl, Wr, bl):
    sw = s.shape[-1]
    return pl.pallas_call(
        _combine_pre_body,
        grid=(N // _BN,),
        in_specs=[
            pl.BlockSpec((NSC, _BN, sw), lambda i: (0, i, 0)),
            pl.BlockSpec((NSC, _BN, 2 * DH), lambda i: (0, i, 0)),
            pl.BlockSpec((_BN, DH), lambda i: (i, 0)),
            pl.BlockSpec((DH, DH), lambda i: (0, 0)),
            pl.BlockSpec((DH, DH), lambda i: (0, 0)),
            pl.BlockSpec((1, DH), lambda i: (0, 0)),
        ],
        out_specs=[pl.BlockSpec((_BN, DH), lambda i: (i, 0))] * 2,
        out_shape=[jax.ShapeDtypeStruct((N, DH), _f32)] * 2,
    )(s, cnt, r, Wl, Wr, bl.reshape(1, DH))


def _combine_mlp_body(s_ref, cnt_ref, r_ref, w0, b0, w1, b1, w2, b2, w3, b3,
                      out_ref):
    h = _combine(s_ref, cnt_ref, r_ref)
    h = _elu(jnp.dot(h, w0[...], preferred_element_type=_f32) + b0[...])
    h = _elu(jnp.dot(h, w1[...], preferred_element_type=_f32) + b1[...])
    h = _elu(jnp.dot(h, w2[...], preferred_element_type=_f32) + b2[...])
    out_ref[...] = jnp.dot(h, w3[...], preferred_element_type=_f32) + b3[...]


def _combine_mlp(s, cnt, r, lws):
    (w0, b0), (w1, b1), (w2, b2), (w3, b3) = lws
    d_out = w3.shape[1]
    wspecs = []
    for w, b in lws:
        wspecs.append(pl.BlockSpec(w.shape, lambda i: (0, 0)))
        wspecs.append(pl.BlockSpec((1, b.shape[0]), lambda i: (0, 0)))
    return pl.pallas_call(
        _combine_mlp_body,
        grid=(N // _BN,),
        in_specs=[
            pl.BlockSpec((NSC, _BN, DH), lambda i: (0, i, 0)),
            pl.BlockSpec((NSC, _BN, 2 * DH), lambda i: (0, i, 0)),
            pl.BlockSpec((_BN, DH), lambda i: (i, 0)),
        ] + wspecs,
        out_specs=pl.BlockSpec((_BN, d_out), lambda i: (i, 0)),
        out_shape=jax.ShapeDtypeStruct((N, d_out), _f32),
    )(s, cnt, r, w0, b0.reshape(1, -1), w1, b1.reshape(1, -1),
      w2, b2.reshape(1, -1), w3, b3.reshape(1, -1))



def kernel(x, edge_index,
           conv0_Wl, conv0_bl, conv0_Wr,
           conv1_Wl, conv1_bl, conv1_Wr,
           conv2_Wl, conv2_bl, conv2_Wr,
           lin0_W, lin0_b, lin1_W, lin1_b, lin2_W, lin2_b, lin3_W, lin3_b):
    src = edge_index[0]
    dst = edge_index[1]
    e = src.shape[0]
    pad = EPAD - e
    srcs = jnp.concatenate([src, jnp.zeros((pad,), jnp.int32)]).reshape(NROWS, CH)
    dsts = jnp.concatenate([dst, jnp.full((pad,), N, jnp.int32)]).reshape(NROWS, CH)
    sc32 = _make_sc(2 * DH)
    sc16 = _make_sc(DH)

    p0, r0 = _dense_pre(x, conv0_Wl, conv0_Wr, conv0_bl)
    s0p = sc32(p0, srcs, dsts)
    p1, r1 = _combine_pre(s0p, s0p, r0, conv1_Wl, conv1_Wr, conv1_bl)
    s1p = sc16(p1, srcs, dsts)
    p2, r2 = _combine_pre(s1p, s0p, r1, conv2_Wl, conv2_Wr, conv2_bl)
    s2p = sc16(p2, srcs, dsts)
    return _combine_mlp(s2p, s0p, r2,
                        [(lin0_W, lin0_b), (lin1_W, lin1_b),
                         (lin2_W, lin2_b), (lin3_W, lin3_b)])

# --- scband reference (transcript-rebuilt; emitter-appended) ---
"""Pipeline reference for scband-graph-sage-14955076125382 (READ-ONLY COPY).

The authoritative reference and input builder live on the scoring server;
editing this copy changes nothing except your own understanding.
"""

import jax, jax.numpy as jnp
import numpy as np

N = 10000
E = 320000
D_IN = 128
D_HID = 16
D_LIN = 64
D_OUT = 64

CONV_DIMS = [(D_IN, D_HID), (D_HID, D_HID), (D_HID, D_HID)]
LIN_DIMS = [(D_HID, D_LIN), (D_LIN, D_LIN), (D_LIN, D_LIN), (D_LIN, D_OUT)]


def setup_inputs(seed: int = 0) -> dict:
    key = jax.random.key(seed)
    ks = jax.random.split(key, 2 + 3 * len(CONV_DIMS) + 2 * len(LIN_DIMS))
    inp = {}
    inp['x'] = jax.random.normal(ks[0], (N, D_IN), dtype=jnp.float32)
    inp['edge_index'] = jax.random.randint(ks[1], (2, E), 0, N, dtype=jnp.int32)
    ki = 2
    for i, (di, do) in enumerate(CONV_DIMS):
        s = 1.0 / np.sqrt(di)
        inp[f'conv{i}_Wl'] = jax.random.normal(ks[ki], (di, do), dtype=jnp.float32) * s; ki += 1
        inp[f'conv{i}_bl'] = jax.random.normal(ks[ki], (do,), dtype=jnp.float32) * s; ki += 1
        inp[f'conv{i}_Wr'] = jax.random.normal(ks[ki], (di, do), dtype=jnp.float32) * s; ki += 1
    for i, (di, do) in enumerate(LIN_DIMS):
        s = 1.0 / np.sqrt(di)
        inp[f'lin{i}_W'] = jax.random.normal(ks[ki], (di, do), dtype=jnp.float32) * s; ki += 1
        inp[f'lin{i}_b'] = jax.random.normal(ks[ki], (do,), dtype=jnp.float32) * s; ki += 1
    return inp


def _sage_conv(x, src, dst, Wl, bl, Wr):
    # PyG SAGEConv with mean aggregation: lin_l(mean_{j->i} x_j) + lin_r(x_i)
    msgs = jnp.take(x, src, axis=0)
    summed = jax.ops.segment_sum(msgs, dst, num_segments=N)
    cnt = jax.ops.segment_sum(jnp.ones((msgs.shape[0],), msgs.dtype), dst, num_segments=N)
    mean = summed / jnp.clip(cnt, 1.0)[:, None]
    return mean @ Wl + bl + x @ Wr


def reference(x, edge_index,
              conv0_Wl, conv0_bl, conv0_Wr,
              conv1_Wl, conv1_bl, conv1_Wr,
              conv2_Wl, conv2_bl, conv2_Wr,
              lin0_W, lin0_b, lin1_W, lin1_b, lin2_W, lin2_b, lin3_W, lin3_b):
    src = edge_index[0]
    dst = edge_index[1]
    convs = [(conv0_Wl, conv0_bl, conv0_Wr), (conv1_Wl, conv1_bl, conv1_Wr), (conv2_Wl, conv2_bl, conv2_Wr)]
    h = x
    for (Wl, bl, Wr) in convs:
        h = _sage_conv(h, src, dst, Wl, bl, Wr)
        # dropout is identity in eval mode
        h = jax.nn.elu(h)
    lins = [(lin0_W, lin0_b), (lin1_W, lin1_b), (lin2_W, lin2_b)]
    for (W, b) in lins:
        h = h @ W + b
        h = jax.nn.elu(h)
    h = h @ lin3_W + lin3_b
    return h

if __name__ == "__main__":
    import jax
    _d = setup_inputs()
    print(jax.jit(kernel)(*tuple(_d.values())))

</pallas_src>

<mosaic_0001>
#map = affine_map<(d0, d1) -> (0, 0)>
#map1 = affine_map<(d0, d1) -> (0, 0, 0)>
module attributes {stable_mosaic.version = 14 : i64} {
  func.func @_sc_body(%arg0: i32, %arg1: i32, %arg2: memref<10000x16xf32, #tpu.memory_space<hbm>>, %arg3: memref<1348x256xi32, #tpu.memory_space<hbm>>, %arg4: memref<1348x256xi32, #tpu.memory_space<hbm>>, %arg5: memref<2x10112x16xf32, #tpu.memory_space<hbm>>, %arg6: memref<68x256xi32, #tpu.memory_space<vmem>>, %arg7: memref<68x256xi32, #tpu.memory_space<vmem>>, %arg8: memref<256x16xf32, #tpu.memory_space<vmem>>, %arg9: memref<256x16xf32, #tpu.memory_space<vmem>>, %arg10: memref<256x16xf32, #tpu.memory_space<vmem>>, %arg11: memref<256x16xf32, #tpu.memory_space<vmem>>, %arg12: memref<632x16xf32, #tpu.memory_space<vmem>>, %arg13: memref<10112x16xf32, #tpu.memory_space<vmem_shared>>, %arg14: memref<!tpu.dma_semaphore, #tpu.memory_space<semaphore_mem>>, %arg15: memref<!tpu.dma_semaphore, #tpu.memory_space<semaphore_mem>>, %arg16: memref<!tpu.dma_semaphore, #tpu.memory_space<semaphore_mem>>, %arg17: memref<!tpu.dma_semaphore, #tpu.memory_space<semaphore_mem>>, %arg18: memref<!tpu.dma_semaphore, #tpu.memory_space<semaphore_mem>>, %arg19: memref<!tpu.dma_semaphore, #tpu.memory_space<semaphore_mem>>, %arg20: memref<!tpu.dma_semaphore, #tpu.memory_space<semaphore_mem>>, %arg21: memref<!tpu.dma_semaphore, #tpu.memory_space<semaphore_mem>>) attributes {dimension_semantics = [#tpu.dimension_semantics<core_parallel>, #tpu.dimension_semantics<subcore_parallel>], iteration_bounds = array<i64: 2, 16>, scalar_prefetch = 0 : i64, scratch_operands = 16 : i64, tpu.core_type = #tpu.core_type<sc_vector_subcore>, window_params = [{transform_indices = #map}, {transform_indices = #map}, {transform_indices = #map}, {transform_indices = #map1}]} {
    %eq3A = arith.constant 0 : i32
    %eq3A_0 = arith.cmpi eq, %arg0, %eq3A : i32
    %jit3A = arith.constant 68 : i32
    %jit3A_1 = arith.constant 12 : i32
    %select_n3A = arith.select %eq3A_0, %jit3A, %jit3A_1 : i32
    %eq3A_2 = arith.constant 0 : i32
    %eq3A_3 = arith.cmpi eq, %arg0, %eq3A_2 : i32
    %mul3A = arith.constant 68 : i32
    %mul3A_4 = arith.muli %arg1, %mul3A : i32
    %mul3A_5 = arith.constant 12 : i32
    %mul3A_6 = arith.muli %arg1, %mul3A_5 : i32
    %add3A = arith.constant 1088 : i32
    %add3A_7 = arith.addi %add3A, %mul3A_6 : i32
    %select_n3A_8 = arith.select %eq3A_3, %mul3A_4, %add3A_7 : i32
    %mul3A_9 = arith.constant 632 : i32
    %mul3A_10 = arith.muli %arg1, %mul3A_9 : i32
    %broadcast_in_dim3A = arith.constant 0.000000e+00 : f32
    %broadcast_in_dim3A_11 = vector.broadcast %broadcast_in_dim3A : f32 to vector<16xf32>
    %scan3A = arith.constant 0 : i32
    %scan3A_12 = arith.constant 0 : i32
    %scan3A_13 = arith.constant 632 : i32
    %scan3A_14 = arith.addi %scan3A_12, %scan3A_13 : i32
    %scan3A_15 = arith.constant 1 : i32
    scf.for %scan3A_162 = %scan3A_12 to %scan3A_14 step %scan3A_15  : i32 {
      %swap3A = arith.index_cast %scan3A_162 : i32 to index
      %swap3A_163 = arith.constant 0 : index
      %swap3A_164 = tpu.vector_load %arg12[%swap3A, %swap3A_163] {strides = array<i32>} : memref<632x16xf32, #tpu.memory_space<vmem>>, vector<1x16xf32>,
      %swap3A_165 = vector.shape_cast %swap3A_164 : vector<1x16xf32> to vector<16xf32>
      %swap3A_166 = vector.shape_cast %broadcast_in_dim3A_11 : vector<16xf32> to vector<1x16xf32>
      tpu.vector_store %arg12[%swap3A, %swap3A_163], %swap3A_166 {strides = array<i32>} : memref<632x16xf32, #tpu.memory_space<vmem>>, vector<1x16xf32>,
    }
    %scan3A_16 = arith.constant 632 : i32
    "tpu.region"() ({
      %run_scoped3A = tpu.sem_alloc : memref<!tpu.dma_semaphore, #tpu.memory_space<semaphore_mem>>
      %dma_start3A_162 = arith.constant 0 : i32
      %dma_start3A_163 = tpu.memref_slice %arg13[%mul3A_10, %dma_start3A_162] : memref<10112x16xf32, #tpu.memory_space<vmem_shared>> -> memref<632x16xf32, #tpu.memory_space<vmem_shared>>
      %dma_start3A_164 = arith.constant 0 : i32
      %dma_start3A_165 = tpu.memref_slice %arg13[%mul3A_10, %dma_start3A_164] : memref<10112x16xf32, #tpu.memory_space<vmem_shared>> -> memref<632x16xf32, #tpu.memory_space<vmem_shared>>
      tpu.enqueue_dma source(%arg12 : memref<632x16xf32, #tpu.memory_space<vmem>>) target(%dma_start3A_165 : memref<632x16xf32, #tpu.memory_space<vmem_shared>>) target_semaphore(%run_scoped3A : memref<!tpu.dma_semaphore, #tpu.memory_space<semaphore_mem>>)
      %dma_wait3A_166 = arith.constant 0 : i32
      %dma_wait3A_167 = tpu.memref_slice %arg13[%mul3A_10, %dma_wait3A_166] : memref<10112x16xf32, #tpu.memory_space<vmem_shared>> -> memref<632x16xf32, #tpu.memory_space<vmem_shared>>
      %dma_wait3A_168 = arith.constant 0 : i32
      %dma_wait3A_169 = tpu.memref_slice %arg13[%mul3A_10, %dma_wait3A_168] : memref<10112x16xf32, #tpu.memory_space<vmem_shared>> -> memref<632x16xf32, #tpu.memory_space<vmem_shared>>
      tpu.wait_dma2 semaphore(%run_scoped3A : memref<!tpu.dma_semaphore, #tpu.memory_space<semaphore_mem>>) src(%arg12 : memref<632x16xf32, #tpu.memory_space<vmem>>) dst(%dma_wait3A_169 : memref<632x16xf32, #tpu.memory_space<vmem_shared>>)
      tpu.yield
    }) : () -> ()
    "tpu.region"() ({
      %run_scoped3A = tpu.sem_alloc : memref<!tpu.dma_semaphore, #tpu.memory_space<semaphore_mem>>
      %dma_start3A_162 = arith.constant 0 : i32
      %dma_start3A_163 = arith.constant 0 : i32
      %dma_start3A_164 = tpu.memref_slice %arg6[%dma_start3A_162, %dma_start3A_163] : memref<68x256xi32, #tpu.memory_space<vmem>> -> memref<12x256xi32, #tpu.memory_space<vmem>>
      %dma_start3A_165 = arith.constant 0 : i32
      %dma_start3A_166 = tpu.memref_slice %arg3[%select_n3A_8, %dma_start3A_165] : memref<1348x256xi32, #tpu.memory_space<hbm>> -> memref<12x256xi32, #tpu.memory_space<hbm>>
      %dma_start3A_167 = arith.constant 0 : i32
      %dma_start3A_168 = arith.constant 0 : i32
      %dma_start3A_169 = tpu.memref_slice %arg6[%dma_start3A_167, %dma_start3A_168] : memref<68x256xi32, #tpu.memory_space<vmem>> -> memref<12x256xi32, #tpu.memory_space<vmem>>
      %dma_start3A_170 = arith.constant 0 : i32
      %dma_start3A_171 = tpu.memref_slice %arg3[%select_n3A_8, %dma_start3A_170] : memref<1348x256xi32, #tpu.memory_space<hbm>> -> memref<12x256xi32, #tpu.memory_space<hbm>>
      tpu.enqueue_dma source(%dma_start3A_171 : memref<12x256xi32, #tpu.memory_space<hbm>>) target(%dma_start3A_169 : memref<12x256xi32, #tpu.memory_space<vmem>>) target_semaphore(%run_scoped3A : memref<!tpu.dma_semaphore, #tpu.memory_space<semaphore_mem>>)
      %dma_wait3A_172 = arith.constant 0 : i32
      %dma_wait3A_173 = arith.constant 0 : i32
      %dma_wait3A_174 = tpu.memref_slice %arg6[%dma_wait3A_172, %dma_wait3A_173] : memref<68x256xi32, #tpu.memory_space<vmem>> -> memref<12x256xi32, #tpu.memory_space<vmem>>
      %dma_wait3A_175 = arith.constant 0 : i32
      %dma_wait3A_176 = tpu.memref_slice %arg3[%select_n3A_8, %dma_wait3A_175] : memref<1348x256xi32, #tpu.memory_space<hbm>> -> memref<12x256xi32, #tpu.memory_space<hbm>>
      %dma_wait3A_177 = arith.constant 0 : i32
      %dma_wait3A_178 = arith.constant 0 : i32
      %dma_wait3A_179 = tpu.memref_slice %arg6[%dma_wait3A_177, %dma_wait3A_178] : memref<68x256xi32, #tpu.memory_space<vmem>> -> memref<12x256xi32, #tpu.memory_space<vmem>>
      %dma_wait3A_180 = arith.constant 0 : i32
      %dma_wait3A_181 = tpu.memref_slice %arg3[%select_n3A_8, %dma_wait3A_180] : memref<1348x256xi32, #tpu.memory_space<hbm>> -> memref<12x256xi32, #tpu.memory_space<hbm>>
      tpu.wait_dma2 semaphore(%run_scoped3A : memref<!tpu.dma_semaphore, #tpu.memory_space<semaphore_mem>>) src(%dma_wait3A_181 : memref<12x256xi32, #tpu.memory_space<hbm>>) dst(%dma_wait3A_179 : memref<12x256xi32, #tpu.memory_space<vmem>>)
      tpu.yield
    }) : () -> ()
    "tpu.region"() ({
      %run_scoped3A = tpu.sem_alloc : memref<!tpu.dma_semaphore, #tpu.memory_space<semaphore_mem>>
      %dma_start3A_162 = arith.constant 0 : i32
      %dma_start3A_163 = arith.constant 0 : i32
      %dma_start3A_164 = tpu.memref_slice %arg7[%dma_start3A_162, %dma_start3A_163] : memref<68x256xi32, #tpu.memory_space<vmem>> -> memref<12x256xi32, #tpu.memory_space<vmem>>
      %dma_start3A_165 = arith.constant 0 : i32
      %dma_start3A_166 = tpu.memref_slice %arg4[%select_n3A_8, %dma_start3A_165] : memref<1348x256xi32, #tpu.memory_space<hbm>> -> memref<12x256xi32, #tpu.memory_space<hbm>>
      %dma_start3A_167 = arith.constant 0 : i32
      %dma_start3A_168 = arith.constant 0 : i32
      %dma_start3A_169 = tpu.memref_slice %arg7[%dma_start3A_167, %dma_start3A_168] : memref<68x256xi32, #tpu.memory_space<vmem>> -> memref<12x256xi32, #tpu.memory_space<vmem>>
      %dma_start3A_170 = arith.constant 0 : i32
      %dma_start3A_171 = tpu.memref_slice %arg4[%select_n3A_8, %dma_start3A_170] : memref<1348x256xi32, #tpu.memory_space<hbm>> -> memref<12x256xi32, #tpu.memory_space<hbm>>
      tpu.enqueue_dma source(%dma_start3A_171 : memref<12x256xi32, #tpu.memory_space<hbm>>) target(%dma_start3A_169 : memref<12x256xi32, #tpu.memory_space<vmem>>) target_semaphore(%run_scoped3A : memref<!tpu.dma_semaphore, #tpu.memory_space<semaphore_mem>>)
      %dma_wait3A_172 = arith.constant 0 : i32
      %dma_wait3A_173 = arith.constant 0 : i32
      %dma_wait3A_174 = tpu.memref_slice %arg7[%dma_wait3A_172, %dma_wait3A_173] : memref<68x256xi32, #tpu.memory_space<vmem>> -> memref<12x256xi32, #tpu.memory_space<vmem>>
      %dma_wait3A_175 = arith.constant 0 : i32
      %dma_wait3A_176 = tpu.memref_slice %arg4[%select_n3A_8, %dma_wait3A_175] : memref<1348x256xi32, #tpu.memory_space<hbm>> -> memref<12x256xi32, #tpu.memory_space<hbm>>
      %dma_wait3A_177 = arith.constant 0 : i32
      %dma_wait3A_178 = arith.constant 0 : i32
      %dma_wait3A_179 = tpu.memref_slice %arg7[%dma_wait3A_177, %dma_wait3A_178] : memref<68x256xi32, #tpu.memory_space<vmem>> -> memref<12x256xi32, #tpu.memory_space<vmem>>
      %dma_wait3A_180 = arith.constant 0 : i32
      %dma_wait3A_181 = tpu.memref_slice %arg4[%select_n3A_8, %dma_wait3A_180] : memref<1348x256xi32, #tpu.memory_space<hbm>> -> memref<12x256xi32, #tpu.memory_space<hbm>>
      tpu.wait_dma2 semaphore(%run_scoped3A : memref<!tpu.dma_semaphore, #tpu.memory_space<semaphore_mem>>) src(%dma_wait3A_181 : memref<12x256xi32, #tpu.memory_space<hbm>>) dst(%dma_wait3A_179 : memref<12x256xi32, #tpu.memory_space<vmem>>)
      tpu.yield
    }) : () -> ()
    %eq3A_17 = arith.constant 0 : i32
    %eq3A_18 = arith.cmpi eq, %arg0, %eq3A_17 : i32
    %convert_element_type3A = arith.extui %eq3A_18 : i1 to i32
    %cond3A = arith.constant 0 : i32
    %cond3A_19 = arith.cmpi ne, %convert_element_type3A, %cond3A : i32
    scf.if %cond3A_19 {
      %add3A_162 = arith.constant 12 : i32
      %add3A_163 = arith.addi %select_n3A_8, %add3A_162 : i32
      "tpu.region"() ({
        %run_scoped3A = tpu.sem_alloc : memref<!tpu.dma_semaphore, #tpu.memory_space<semaphore_mem>>
        %dma_start3A_164 = arith.constant 12 : i32
        %dma_start3A_165 = arith.constant 0 : i32
        %dma_start3A_166 = tpu.memref_slice %arg6[%dma_start3A_164, %dma_start3A_165] : memref<68x256xi32, #tpu.memory_space<vmem>> -> memref<56x256xi32, #tpu.memory_space<vmem>>
        %dma_start3A_167 = arith.constant 0 : i32
        %dma_start3A_168 = tpu.memref_slice %arg3[%add3A_163, %dma_start3A_167] : memref<1348x256xi32, #tpu.memory_space<hbm>> -> memref<56x256xi32, #tpu.memory_space<hbm>>
        %dma_start3A_169 = arith.constant 12 : i32
        %dma_start3A_170 = arith.constant 0 : i32
        %dma_start3A_171 = tpu.memref_slice %arg6[%dma_start3A_169, %dma_start3A_170] : memref<68x256xi32, #tpu.memory_space<vmem>> -> memref<56x256xi32, #tpu.memory_space<vmem>>
        %dma_start3A_172 = arith.constant 0 : i32
        %dma_start3A_173 = tpu.memref_slice %arg3[%add3A_163, %dma_start3A_172] : memref<1348x256xi32, #tpu.memory_space<hbm>> -> memref<56x256xi32, #tpu.memory_space<hbm>>
        tpu.enqueue_dma source(%dma_start3A_173 : memref<56x256xi32, #tpu.memory_space<hbm>>) target(%dma_start3A_171 : memref<56x256xi32, #tpu.memory_space<vmem>>) target_semaphore(%run_scoped3A : memref<!tpu.dma_semaphore, #tpu.memory_space<semaphore_mem>>)
        %dma_wait3A_174 = arith.constant 12 : i32
        %dma_wait3A_175 = arith.constant 0 : i32
        %dma_wait3A_176 = tpu.memref_slice %arg6[%dma_wait3A_174, %dma_wait3A_175] : memref<68x256xi32, #tpu.memory_space<vmem>> -> memref<56x256xi32, #tpu.memory_space<vmem>>
        %dma_wait3A_177 = arith.constant 0 : i32
        %dma_wait3A_178 = tpu.memref_slice %arg3[%add3A_163, %dma_wait3A_177] : memref<1348x256xi32, #tpu.memory_space<hbm>> -> memref<56x256xi32, #tpu.memory_space<hbm>>
        %dma_wait3A_179 = arith.constant 12 : i32
        %dma_wait3A_180 = arith.constant 0 : i32
        %dma_wait3A_181 = tpu.memref_slice %arg6[%dma_wait3A_179, %dma_wait3A_180] : memref<68x256xi32, #tpu.memory_space<vmem>> -> memref<56x256xi32, #tpu.memory_space<vmem>>
        %dma_wait3A_182 = arith.constant 0 : i32
        %dma_wait3A_183 = tpu.memref_slice %arg3[%add3A_163, %dma_wait3A_182] : memref<1348x256xi32, #tpu.memory_space<hbm>> -> memref<56x256xi32, #tpu.memory_space<hbm>>
        tpu.wait_dma2 semaphore(%run_scoped3A : memref<!tpu.dma_semaphore, #tpu.memory_space<semaphore_mem>>) src(%dma_wait3A_183 : memref<56x256xi32, #tpu.memory_space<hbm>>) dst(%dma_wait3A_181 : memref<56x256xi32, #tpu.memory_space<vmem>>)
        tpu.yield
      }) : () -> ()
      "tpu.region"() ({
        %run_scoped3A = tpu.sem_alloc : memref<!tpu.dma_semaphore, #tpu.memory_space<semaphore_mem>>
        %dma_start3A_164 = arith.constant 12 : i32
        %dma_start3A_165 = arith.constant 0 : i32
        %dma_start3A_166 = tpu.memref_slice %arg7[%dma_start3A_164, %dma_start3A_165] : memref<68x256xi32, #tpu.memory_space<vmem>> -> memref<56x256xi32, #tpu.memory_space<vmem>>
        %dma_start3A_167 = arith.constant 0 : i32
        %dma_start3A_168 = tpu.memref_slice %arg4[%add3A_163, %dma_start3A_167] : memref<1348x256xi32, #tpu.memory_space<hbm>> -> memref<56x256xi32, #tpu.memory_space<hbm>>
        %dma_start3A_169 = arith.constant 12 : i32
        %dma_start3A_170 = arith.constant 0 : i32
        %dma_start3A_171 = tpu.memref_slice %arg7[%dma_start3A_169, %dma_start3A_170] : memref<68x256xi32, #tpu.memory_space<vmem>> -> memref<56x256xi32, #tpu.memory_space<vmem>>
        %dma_start3A_172 = arith.constant 0 : i32
        %dma_start3A_173 = tpu.memref_slice %arg4[%add3A_163, %dma_start3A_172] : memref<1348x256xi32, #tpu.memory_space<hbm>> -> memref<56x256xi32, #tpu.memory_space<hbm>>
        tpu.enqueue_dma source(%dma_start3A_173 : memref<56x256xi32, #tpu.memory_space<hbm>>) target(%dma_start3A_171 : memref<56x256xi32, #tpu.memory_space<vmem>>) target_semaphore(%run_scoped3A : memref<!tpu.dma_semaphore, #tpu.memory_space<semaphore_mem>>)
        %dma_wait3A_174 = arith.constant 12 : i32
        %dma_wait3A_175 = arith.constant 0 : i32
        %dma_wait3A_176 = tpu.memref_slice %arg7[%dma_wait3A_174, %dma_wait3A_175] : memref<68x256xi32, #tpu.memory_space<vmem>> -> memref<56x256xi32, #tpu.memory_space<vmem>>
        %dma_wait3A_177 = arith.constant 0 : i32
        %dma_wait3A_178 = tpu.memref_slice %arg4[%add3A_163, %dma_wait3A_177] : memref<1348x256xi32, #tpu.memory_space<hbm>> -> memref<56x256xi32, #tpu.memory_space<hbm>>
        %dma_wait3A_179 = arith.constant 12 : i32
        %dma_wait3A_180 = arith.constant 0 : i32
        %dma_wait3A_181 = tpu.memref_slice %arg7[%dma_wait3A_179, %dma_wait3A_180] : memref<68x256xi32, #tpu.memory_space<vmem>> -> memref<56x256xi32, #tpu.memory_space<vmem>>
        %dma_wait3A_182 = arith.constant 0 : i32
        %dma_wait3A_183 = tpu.memref_slice %arg4[%add3A_163, %dma_wait3A_182] : memref<1348x256xi32, #tpu.memory_space<hbm>> -> memref<56x256xi32, #tpu.memory_space<hbm>>
        tpu.wait_dma2 semaphore(%run_scoped3A : memref<!tpu.dma_semaphore, #tpu.memory_space<semaphore_mem>>) src(%dma_wait3A_183 : memref<56x256xi32, #tpu.memory_space<hbm>>) dst(%dma_wait3A_181 : memref<56x256xi32, #tpu.memory_space<vmem>>)
        tpu.yield
      }) : () -> ()
    } else {
    }
    %barrier3A = arith.constant 0 : index
    tpu.barrier barrier_id(%barrier3A)
    %dma_start3A = arith.constant 0 : i32
    %dma_start3A_20 = arith.constant 0 : i32
    %dma_start3A_21 = tpu.memref_slice %arg6[%dma_start3A, %dma_start3A_20] : memref<68x256xi32, #tpu.memory_space<vmem>> -> memref<1x256xi32, #tpu.memory_space<vmem>>
    %dma_start3A_22 = tpu.memref_squeeze %dma_start3A_21 : memref<1x256xi32, #tpu.memory_space<vmem>> -> memref<256xi32, #tpu.memory_space<vmem>>
    %dma_start3A_23 = arith.constant 0 : i32
    %dma_start3A_24 = arith.constant 0 : i32
    %dma_start3A_25 = tpu.memref_slice %arg2[%dma_start3A_23, %dma_start3A_24] : memref<10000x16xf32, #tpu.memory_space<hbm>> -> memref<10000x16xf32, #tpu.memory_space<hbm>>
    tpu.enqueue_indirect_dma source(%dma_start3A_25 : memref<10000x16xf32, #tpu.memory_space<hbm>>) target(%arg8 : memref<256x16xf32, #tpu.memory_space<vmem>>) offsets(%dma_start3A_22 : memref<256xi32, #tpu.memory_space<vmem>>) semaphore(%arg14 : memref<!tpu.dma_semaphore, #tpu.memory_space<semaphore_mem>>)
    %dma_start3A_26 = arith.constant 1 : i32
    %dma_start3A_27 = arith.constant 0 : i32
    %dma_start3A_28 = tpu.memref_slice %arg6[%dma_start3A_26, %dma_start3A_27] : memref<68x256xi32, #tpu.memory_space<vmem>> -> memref<1x256xi32, #tpu.memory_space<vmem>>
    %dma_start3A_29 = tpu.memref_squeeze %dma_start3A_28 : memref<1x256xi32, #tpu.memory_space<vmem>> -> memref<256xi32, #tpu.memory_space<vmem>>
    %dma_start3A_30 = arith.constant 0 : i32
    %dma_start3A_31 = arith.constant 0 : i32
    %dma_start3A_32 = tpu.memref_slice %arg2[%dma_start3A_30, %dma_start3A_31] : memref<10000x16xf32, #tpu.memory_space<hbm>> -> memref<10000x16xf32, #tpu.memory_space<hbm>>
    tpu.enqueue_indirect_dma source(%dma_start3A_32 : memref<10000x16xf32, #tpu.memory_space<hbm>>) target(%arg9 : memref<256x16xf32, #tpu.memory_space<vmem>>) offsets(%dma_start3A_29 : memref<256xi32, #tpu.memory_space<vmem>>) semaphore(%arg15 : memref<!tpu.dma_semaphore, #tpu.memory_space<semaphore_mem>>)
    %dma_wait3A = arith.constant 0 : i32
    %dma_wait3A_33 = arith.constant 0 : i32
    %dma_wait3A_34 = tpu.memref_slice %arg6[%dma_wait3A, %dma_wait3A_33] : memref<68x256xi32, #tpu.memory_space<vmem>> -> memref<1x256xi32, #tpu.memory_space<vmem>>
    %dma_wait3A_35 = tpu.memref_squeeze %dma_wait3A_34 : memref<1x256xi32, #tpu.memory_space<vmem>> -> memref<256xi32, #tpu.memory_space<vmem>>
    %dma_wait3A_36 = arith.constant 0 : i32
    %dma_wait3A_37 = arith.constant 0 : i32
    %dma_wait3A_38 = tpu.memref_slice %arg2[%dma_wait3A_36, %dma_wait3A_37] : memref<10000x16xf32, #tpu.memory_space<hbm>> -> memref<10000x16xf32, #tpu.memory_space<hbm>>
    tpu.wait_indirect_dma semaphore(%arg14 : memref<!tpu.dma_semaphore, #tpu.memory_space<semaphore_mem>>) src(%dma_wait3A_38 : memref<10000x16xf32, #tpu.memory_space<hbm>>) dst(%arg8 : memref<256x16xf32, #tpu.memory_space<vmem>>)
    %dma_start3A_39 = arith.constant 0 : i32
    %dma_start3A_40 = arith.constant 0 : i32
    %dma_start3A_41 = tpu.memref_slice %arg7[%dma_start3A_39, %dma_start3A_40] : memref<68x256xi32, #tpu.memory_space<vmem>> -> memref<1x256xi32, #tpu.memory_space<vmem>>
    %dma_start3A_42 = tpu.memref_squeeze %dma_start3A_41 : memref<1x256xi32, #tpu.memory_space<vmem>> -> memref<256xi32, #tpu.memory_space<vmem>>
    %dma_start3A_43 = arith.constant 0 : i32
    %dma_start3A_44 = arith.constant 0 : i32
    %dma_start3A_45 = tpu.memref_slice %arg13[%dma_start3A_43, %dma_start3A_44] : memref<10112x16xf32, #tpu.memory_space<vmem_shared>> -> memref<10112x16xf32, #tpu.memory_space<vmem_shared>>
    tpu.enqueue_indirect_dma source(%arg8 : memref<256x16xf32, #tpu.memory_space<vmem>>) target(%dma_start3A_45 : memref<10112x16xf32, #tpu.memory_space<vmem_shared>>) offsets(%dma_start3A_42 : memref<256xi32, #tpu.memory_space<vmem>>) semaphore(%arg18 : memref<!tpu.dma_semaphore, #tpu.memory_space<semaphore_mem>>) {add = true}
    %dma_start3A_46 = arith.constant 2 : i32
    %dma_start3A_47 = arith.constant 0 : i32
    %dma_start3A_48 = tpu.memref_slice %arg6[%dma_start3A_46, %dma_start3A_47] : memref<68x256xi32, #tpu.memory_space<vmem>> -> memref<1x256xi32, #tpu.memory_space<vmem>>
    %dma_start3A_49 = tpu.memref_squeeze %dma_start3A_48 : memref<1x256xi32, #tpu.memory_space<vmem>> -> memref<256xi32, #tpu.memory_space<vmem>>
    %dma_start3A_50 = arith.constant 0 : i32
    %dma_start3A_51 = arith.constant 0 : i32
    %dma_start3A_52 = tpu.memref_slice %arg2[%dma_start3A_50, %dma_start3A_51] : memref<10000x16xf32, #tpu.memory_space<hbm>> -> memref<10000x16xf32, #tpu.memory_space<hbm>>
    tpu.enqueue_indirect_dma source(%dma_start3A_52 : memref<10000x16xf32, #tpu.memory_space<hbm>>) target(%arg10 : memref<256x16xf32, #tpu.memory_space<vmem>>) offsets(%dma_start3A_49 : memref<256xi32, #tpu.memory_space<vmem>>) semaphore(%arg16 : memref<!tpu.dma_semaphore, #tpu.memory_space<semaphore_mem>>)
    %dma_wait3A_53 = arith.constant 0 : i32
    %dma_wait3A_54 = arith.constant 0 : i32
    %dma_wait3A_55 = tpu.memref_slice %arg6[%dma_wait3A_53, %dma_wait3A_54] : memref<68x256xi32, #tpu.memory_space<vmem>> -> memref<1x256xi32, #tpu.memory_space<vmem>>
    %dma_wait3A_56 = tpu.memref_squeeze %dma_wait3A_55 : memref<1x256xi32, #tpu.memory_space<vmem>> -> memref<256xi32, #tpu.memory_space<vmem>>
    %dma_wait3A_57 = arith.constant 0 : i32
    %dma_wait3A_58 = arith.constant 0 : i32
    %dma_wait3A_59 = tpu.memref_slice %arg2[%dma_wait3A_57, %dma_wait3A_58] : memref<10000x16xf32, #tpu.memory_space<hbm>> -> memref<10000x16xf32, #tpu.memory_space<hbm>>
    tpu.wait_indirect_dma semaphore(%arg15 : memref<!tpu.dma_semaphore, #tpu.memory_space<semaphore_mem>>) src(%dma_wait3A_59 : memref<10000x16xf32, #tpu.memory_space<hbm>>) dst(%arg9 : memref<256x16xf32, #tpu.memory_space<vmem>>)
    %dma_start3A_60 = arith.constant 1 : i32
    %dma_start3A_61 = arith.constant 0 : i32
    %dma_start3A_62 = tpu.memref_slice %arg7[%dma_start3A_60, %dma_start3A_61] : memref<68x256xi32, #tpu.memory_space<vmem>> -> memref<1x256xi32, #tpu.memory_space<vmem>>
    %dma_start3A_63 = tpu.memref_squeeze %dma_start3A_62 : memref<1x256xi32, #tpu.memory_space<vmem>> -> memref<256xi32, #tpu.memory_space<vmem>>
    %dma_start3A_64 = arith.constant 0 : i32
    %dma_start3A_65 = arith.constant 0 : i32
    %dma_start3A_66 = tpu.memref_slice %arg13[%dma_start3A_64, %dma_start3A_65] : memref<10112x16xf32, #tpu.memory_space<vmem_shared>> -> memref<10112x16xf32, #tpu.memory_space<vmem_shared>>
    tpu.enqueue_indirect_dma source(%arg9 : memref<256x16xf32, #tpu.memory_space<vmem>>) target(%dma_start3A_66 : memref<10112x16xf32, #tpu.memory_space<vmem_shared>>) offsets(%dma_start3A_63 : memref<256xi32, #tpu.memory_space<vmem>>) semaphore(%arg19 : memref<!tpu.dma_semaphore, #tpu.memory_space<semaphore_mem>>) {add = true}
    %dma_start3A_67 = arith.constant 3 : i32
    %dma_start3A_68 = arith.constant 0 : i32
    %dma_start3A_69 = tpu.memref_slice %arg6[%dma_start3A_67, %dma_start3A_68] : memref<68x256xi32, #tpu.memory_space<vmem>> -> memref<1x256xi32, #tpu.memory_space<vmem>>
    %dma_start3A_70 = tpu.memref_squeeze %dma_start3A_69 : memref<1x256xi32, #tpu.memory_space<vmem>> -> memref<256xi32, #tpu.memory_space<vmem>>
    %dma_start3A_71 = arith.constant 0 : i32
    %dma_start3A_72 = arith.constant 0 : i32
    %dma_start3A_73 = tpu.memref_slice %arg2[%dma_start3A_71, %dma_start3A_72] : memref<10000x16xf32, #tpu.memory_space<hbm>> -> memref<10000x16xf32, #tpu.memory_space<hbm>>
    tpu.enqueue_indirect_dma source(%dma_start3A_73 : memref<10000x16xf32, #tpu.memory_space<hbm>>) target(%arg11 : memref<256x16xf32, #tpu.memory_space<vmem>>) offsets(%dma_start3A_70 : memref<256xi32, #tpu.memory_space<vmem>>) semaphore(%arg17 : memref<!tpu.dma_semaphore, #tpu.memory_space<semaphore_mem>>)
    %sub3A = arith.constant 4 : i32
    %sub3A_74 = arith.subi %select_n3A, %sub3A : i32
    %jit3A_75 = arith.constant 4 : i32
    %div3A = arith.divsi %sub3A_74, %jit3A_75 : i32
    %sign3A = arith.constant 0 : i32
    %sign3A_76 = arith.cmpi sgt, %sub3A_74, %sign3A : i32
    %sign3A_77 = arith.extui %sign3A_76 : i1 to i32
    %sign3A_78 = arith.constant 0 : i32
    %sign3A_79 = arith.cmpi slt, %sub3A_74, %sign3A_78 : i32
    %sign3A_80 = arith.extui %sign3A_79 : i1 to i32
    %sign3A_81 = arith.subi %sign3A_77, %sign3A_80 : i32
    %sign3A_82 = arith.constant 0 : i32
    %sign3A_83 = arith.cmpi sgt, %jit3A_75, %sign3A_82 : i32
    %sign3A_84 = arith.extui %sign3A_83 : i1 to i32
    %sign3A_85 = arith.constant 0 : i32
    %sign3A_86 = arith.cmpi slt, %jit3A_75, %sign3A_85 : i32
    %sign3A_87 = arith.extui %sign3A_86 : i1 to i32
    %sign3A_88 = arith.subi %sign3A_84, %sign3A_87 : i32
    %ne3A = arith.cmpi ne, %sign3A_81, %sign3A_88 : i32
    %rem3A = arith.remsi %sub3A_74, %jit3A_75 : i32
    %ne3A_89 = arith.constant 0 : i32
    %ne3A_90 = arith.cmpi ne, %rem3A, %ne3A_89 : i32
    %and3A = arith.andi %ne3A, %ne3A_90 : i1
    %sub3A_91 = arith.constant 1 : i32
    %sub3A_92 = arith.subi %div3A, %sub3A_91 : i32
    %select_n3A_93 = arith.select %and3A, %sub3A_92, %div3A : i32
    %while3A = arith.constant 0 : i32
    %while3A_94 = arith.constant 0 : i32
    %while3A_95 = arith.subi %select_n3A_93, %while3A_94 : i32
    %while3A_96 = arith.addi %while3A_94, %while3A_95 : i32
    %while3A_97 = arith.constant 1 : i32
    %while3A_98 = arith.divsi %while3A_95, %while3A_97 : i32
    %while3A_99 = arith.muli %while3A_98, %while3A_97 : i32
    %while3A_100 = arith.addi %while3A_94, %while3A_99 : i32
    %while3A_101 = arith.constant 1 : i32
    scf.for %while3A_162 = %while3A_94 to %while3A_100 step %while3A_101  : i32 {
      %mul3A_163 = arith.constant 4 : i32
      %mul3A_164 = arith.muli %while3A_162, %mul3A_163 : i32
      %add3A_165 = arith.constant 0 : i32
      %add3A_166 = arith.addi %mul3A_164, %add3A_165 : i32
      %add3A_167 = arith.constant 2 : i32
      %add3A_168 = arith.addi %add3A_166, %add3A_167 : i32
      %dma_wait3A_169 = arith.constant 0 : i32
      %dma_wait3A_170 = arith.constant 0 : i32
      %dma_wait3A_171 = tpu.memref_slice %arg6[%dma_wait3A_169, %dma_wait3A_170] : memref<68x256xi32, #tpu.memory_space<vmem>> -> memref<1x256xi32, #tpu.memory_space<vmem>>
      %dma_wait3A_172 = tpu.memref_squeeze %dma_wait3A_171 : memref<1x256xi32, #tpu.memory_space<vmem>> -> memref<256xi32, #tpu.memory_space<vmem>>
      %dma_wait3A_173 = arith.constant 0 : i32
      %dma_wait3A_174 = arith.constant 0 : i32
      %dma_wait3A_175 = tpu.memref_slice %arg2[%dma_wait3A_173, %dma_wait3A_174] : memref<10000x16xf32, #tpu.memory_space<hbm>> -> memref<10000x16xf32, #tpu.memory_space<hbm>>
      tpu.wait_indirect_dma semaphore(%arg16 : memref<!tpu.dma_semaphore, #tpu.memory_space<semaphore_mem>>) src(%dma_wait3A_175 : memref<10000x16xf32, #tpu.memory_space<hbm>>) dst(%arg10 : memref<256x16xf32, #tpu.memory_space<vmem>>)
      %dma_start3A_176 = arith.constant 0 : i32
      %dma_start3A_177 = tpu.memref_slice %arg7[%add3A_168, %dma_start3A_176] : memref<68x256xi32, #tpu.memory_space<vmem>> -> memref<1x256xi32, #tpu.memory_space<vmem>>
      %dma_start3A_178 = tpu.memref_squeeze %dma_start3A_177 : memref<1x256xi32, #tpu.memory_space<vmem>> -> memref<256xi32, #tpu.memory_space<vmem>>
      %dma_start3A_179 = arith.constant 0 : i32
      %dma_start3A_180 = arith.constant 0 : i32
      %dma_start3A_181 = tpu.memref_slice %arg13[%dma_start3A_179, %dma_start3A_180] : memref<10112x16xf32, #tpu.memory_space<vmem_shared>> -> memref<10112x16xf32, #tpu.memory_space<vmem_shared>>
      tpu.enqueue_indirect_dma source(%arg10 : memref<256x16xf32, #tpu.memory_space<vmem>>) target(%dma_start3A_181 : memref<10112x16xf32, #tpu.memory_space<vmem_shared>>) offsets(%dma_start3A_178 : memref<256xi32, #tpu.memory_space<vmem>>) semaphore(%arg20 : memref<!tpu.dma_semaphore, #tpu.memory_space<semaphore_mem>>) {add = true}
      %dma_wait3A_182 = arith.constant 0 : i32
      %dma_wait3A_183 = arith.constant 0 : i32
      %dma_wait3A_184 = tpu.memref_slice %arg7[%dma_wait3A_182, %dma_wait3A_183] : memref<68x256xi32, #tpu.memory_space<vmem>> -> memref<1x256xi32, #tpu.memory_space<vmem>>
      %dma_wait3A_185 = tpu.memref_squeeze %dma_wait3A_184 : memref<1x256xi32, #tpu.memory_space<vmem>> -> memref<256xi32, #tpu.memory_space<vmem>>
      %dma_wait3A_186 = arith.constant 0 : i32
      %dma_wait3A_187 = arith.constant 0 : i32
      %dma_wait3A_188 = tpu.memref_slice %arg13[%dma_wait3A_186, %dma_wait3A_187] : memref<10112x16xf32, #tpu.memory_space<vmem_shared>> -> memref<10112x16xf32, #tpu.memory_space<vmem_shared>>
      tpu.wait_indirect_dma semaphore(%arg18 : memref<!tpu.dma_semaphore, #tpu.memory_space<semaphore_mem>>) src(%arg8 : memref<256x16xf32, #tpu.memory_space<vmem>>) dst(%dma_wait3A_188 : memref<10112x16xf32, #tpu.memory_space<vmem_shared>>)
      %add3A_189 = arith.constant 2 : i32
      %add3A_190 = arith.addi %add3A_168, %add3A_189 : i32
      %dma_start3A_191 = arith.constant 0 : i32
      %dma_start3A_192 = tpu.memref_slice %arg6[%add3A_190, %dma_start3A_191] : memref<68x256xi32, #tpu.memory_space<vmem>> -> memref<1x256xi32, #tpu.memory_space<vmem>>
      %dma_start3A_193 = tpu.memref_squeeze %dma_start3A_192 : memref<1x256xi32, #tpu.memory_space<vmem>> -> memref<256xi32, #tpu.memory_space<vmem>>
      %dma_start3A_194 = arith.constant 0 : i32
      %dma_start3A_195 = arith.constant 0 : i32
      %dma_start3A_196 = tpu.memref_slice %arg2[%dma_start3A_194, %dma_start3A_195] : memref<10000x16xf32, #tpu.memory_space<hbm>> -> memref<10000x16xf32, #tpu.memory_space<hbm>>
      tpu.enqueue_indirect_dma source(%dma_start3A_196 : memref<10000x16xf32, #tpu.memory_space<hbm>>) target(%arg8 : memref<256x16xf32, #tpu.memory_space<vmem>>) offsets(%dma_start3A_193 : memref<256xi32, #tpu.memory_space<vmem>>) semaphore(%arg14 : memref<!tpu.dma_semaphore, #tpu.memory_space<semaphore_mem>>)
      %mul3A_197 = arith.constant 4 : i32
      %mul3A_198 = arith.muli %while3A_162, %mul3A_197 : i32
      %add3A_199 = arith.constant 1 : i32
      %add3A_200 = arith.addi %mul3A_198, %add3A_199 : i32
      %add3A_201 = arith.constant 2 : i32
      %add3A_202 = arith.addi %add3A_200, %add3A_201 : i32
      %dma_wait3A_203 = arith.constant 0 : i32
      %dma_wait3A_204 = arith.constant 0 : i32
      %dma_wait3A_205 = tpu.memref_slice %arg6[%dma_wait3A_203, %dma_wait3A_204] : memref<68x256xi32, #tpu.memory_space<vmem>> -> memref<1x256xi32, #tpu.memory_space<vmem>>
      %dma_wait3A_206 = tpu.memref_squeeze %dma_wait3A_205 : memref<1x256xi32, #tpu.memory_space<vmem>> -> memref<256xi32, #tpu.memory_space<vmem>>
      %dma_wait3A_207 = arith.constant 0 : i32
      %dma_wait3A_208 = arith.constant 0 : i32
      %dma_wait3A_209 = tpu.memref_slice %arg2[%dma_wait3A_207, %dma_wait3A_208] : memref<10000x16xf32, #tpu.memory_space<hbm>> -> memref<10000x16xf32, #tpu.memory_space<hbm>>
      tpu.wait_indirect_dma semaphore(%arg17 : memref<!tpu.dma_semaphore, #tpu.memory_space<semaphore_mem>>) src(%dma_wait3A_209 : memref<10000x16xf32, #tpu.memory_space<hbm>>) dst(%arg11 : memref<256x16xf32, #tpu.memory_space<vmem>>)
      %dma_start3A_210 = arith.constant 0 : i32
      %dma_start3A_211 = tpu.memref_slice %arg7[%add3A_202, %dma_start3A_210] : memref<68x256xi32, #tpu.memory_space<vmem>> -> memref<1x256xi32, #tpu.memory_space<vmem>>
      %dma_start3A_212 = tpu.memref_squeeze %dma_start3A_211 : memref<1x256xi32, #tpu.memory_space<vmem>> -> memref<256xi32, #tpu.memory_space<vmem>>
      %dma_start3A_213 = arith.constant 0 : i32
      %dma_start3A_214 = arith.constant 0 : i32
      %dma_start3A_215 = tpu.memref_slice %arg13[%dma_start3A_213, %dma_start3A_214] : memref<10112x16xf32, #tpu.memory_space<vmem_shared>> -> memref<10112x16xf32, #tpu.memory_space<vmem_shared>>
      tpu.enqueue_indirect_dma source(%arg11 : memref<256x16xf32, #tpu.memory_space<vmem>>) target(%dma_start3A_215 : memref<10112x16xf32, #tpu.memory_space<vmem_shared>>) offsets(%dma_start3A_212 : memref<256xi32, #tpu.memory_space<vmem>>) semaphore(%arg21 : memref<!tpu.dma_semaphore, #tpu.memory_space<semaphore_mem>>) {add = true}
      %dma_wait3A_216 = arith.constant 0 : i32
      %dma_wait3A_217 = arith.constant 0 : i32
      %dma_wait3A_218 = tpu.memref_slice %arg7[%dma_wait3A_216, %dma_wait3A_217] : memref<68x256xi32, #tpu.memory_space<vmem>> -> memref<1x256xi32, #tpu.memory_space<vmem>>
      %dma_wait3A_219 = tpu.memref_squeeze %dma_wait3A_218 : memref<1x256xi32, #tpu.memory_space<vmem>> -> memref<256xi32, #tpu.memory_space<vmem>>
      %dma_wait3A_220 = arith.constant 0 : i32
      %dma_wait3A_221 = arith.constant 0 : i32
      %dma_wait3A_222 = tpu.memref_slice %arg13[%dma_wait3A_220, %dma_wait3A_221] : memref<10112x16xf32, #tpu.memory_space<vmem_shared>> -> memref<10112x16xf32, #tpu.memory_space<vmem_shared>>
      tpu.wait_indirect_dma semaphore(%arg19 : memref<!tpu.dma_semaphore, #tpu.memory_space<semaphore_mem>>) src(%arg9 : memref<256x16xf32, #tpu.memory_space<vmem>>) dst(%dma_wait3A_222 : memref<10112x16xf32, #tpu.memory_space<vmem_shared>>)
      %add3A_223 = arith.constant 2 : i32
      %add3A_224 = arith.addi %add3A_202, %add3A_223 : i32
      %dma_start3A_225 = arith.constant 0 : i32
      %dma_start3A_226 = tpu.memref_slice %arg6[%add3A_224, %dma_start3A_225] : memref<68x256xi32, #tpu.memory_space<vmem>> -> memref<1x256xi32, #tpu.memory_space<vmem>>
      %dma_start3A_227 = tpu.memref_squeeze %dma_start3A_226 : memref<1x256xi32, #tpu.memory_space<vmem>> -> memref<256xi32, #tpu.memory_space<vmem>>
      %dma_start3A_228 = arith.constant 0 : i32
      %dma_start3A_229 = arith.constant 0 : i32
      %dma_start3A_230 = tpu.memref_slice %arg2[%dma_start3A_228, %dma_start3A_229] : memref<10000x16xf32, #tpu.memory_space<hbm>> -> memref<10000x16xf32, #tpu.memory_space<hbm>>
      tpu.enqueue_indirect_dma source(%dma_start3A_230 : memref<10000x16xf32, #tpu.memory_space<hbm>>) target(%arg9 : memref<256x16xf32, #tpu.memory_space<vmem>>) offsets(%dma_start3A_227 : memref<256xi32, #tpu.memory_space<vmem>>) semaphore(%arg15 : memref<!tpu.dma_semaphore, #tpu.memory_space<semaphore_mem>>)
      %mul3A_231 = arith.constant 4 : i32
      %mul3A_232 = arith.muli %while3A_162, %mul3A_231 : i32
      %add3A_233 = arith.constant 2 : i32
      %add3A_234 = arith.addi %mul3A_232, %add3A_233 : i32
      %add3A_235 = arith.constant 2 : i32
      %add3A_236 = arith.addi %add3A_234, %add3A_235 : i32
      %dma_wait3A_237 = arith.constant 0 : i32
      %dma_wait3A_238 = arith.constant 0 : i32
      %dma_wait3A_239 = tpu.memref_slice %arg6[%dma_wait3A_237, %dma_wait3A_238] : memref<68x256xi32, #tpu.memory_space<vmem>> -> memref<1x256xi32, #tpu.memory_space<vmem>>
      %dma_wait3A_240 = tpu.memref_squeeze %dma_wait3A_239 : memref<1x256xi32, #tpu.memory_space<vmem>> -> memref<256xi32, #tpu.memory_space<vmem>>
      %dma_wait3A_241 = arith.constant 0 : i32
      %dma_wait3A_242 = arith.constant 0 : i32
      %dma_wait3A_243 = tpu.memref_slice %arg2[%dma_wait3A_241, %dma_wait3A_242] : memref<10000x16xf32, #tpu.memory_space<hbm>> -> memref<10000x16xf32, #tpu.memory_space<hbm>>
      tpu.wait_indirect_dma semaphore(%arg14 : memref<!tpu.dma_semaphore, #tpu.memory_space<semaphore_mem>>) src(%dma_wait3A_243 : memref<10000x16xf32, #tpu.memory_space<hbm>>) dst(%arg8 : memref<256x16xf32, #tpu.memory_space<vmem>>)
      %dma_start3A_244 = arith.constant 0 : i32
      %dma_start3A_245 = tpu.memref_slice %arg7[%add3A_236, %dma_start3A_244] : memref<68x256xi32, #tpu.memory_space<vmem>> -> memref<1x256xi32, #tpu.memory_space<vmem>>
      %dma_start3A_246 = tpu.memref_squeeze %dma_start3A_245 : memref<1x256xi32, #tpu.memory_space<vmem>> -> memref<256xi32, #tpu.memory_space<vmem>>
      %dma_start3A_247 = arith.constant 0 : i32
      %dma_start3A_248 = arith.constant 0 : i32
      %dma_start3A_249 = tpu.memref_slice %arg13[%dma_start3A_247, %dma_start3A_248] : memref<10112x16xf32, #tpu.memory_space<vmem_shared>> -> memref<10112x16xf32, #tpu.memory_space<vmem_shared>>
      tpu.enqueue_indirect_dma source(%arg8 : memref<256x16xf32, #tpu.memory_space<vmem>>) target(%dma_start3A_249 : memref<10112x16xf32, #tpu.memory_space<vmem_shared>>) offsets(%dma_start3A_246 : memref<256xi32, #tpu.memory_space<vmem>>) semaphore(%arg18 : memref<!tpu.dma_semaphore, #tpu.memory_space<semaphore_mem>>) {add = true}
      %dma_wait3A_250 = arith.constant 0 : i32
      %dma_wait3A_251 = arith.constant 0 : i32
      %dma_wait3A_252 = tpu.memref_slice %arg7[%dma_wait3A_250, %dma_wait3A_251] : memref<68x256xi32, #tpu.memory_space<vmem>> -> memref<1x256xi32, #tpu.memory_space<vmem>>
      %dma_wait3A_253 = tpu.memref_squeeze %dma_wait3A_252 : memref<1x256xi32, #tpu.memory_space<vmem>> -> memref<256xi32, #tpu.memory_space<vmem>>
      %dma_wait3A_254 = arith.constant 0 : i32
      %dma_wait3A_255 = arith.constant 0 : i32
      %dma_wait3A_256 = tpu.memref_slice %arg13[%dma_wait3A_254, %dma_wait3A_255] : memref<10112x16xf32, #tpu.memory_space<vmem_shared>> -> memref<10112x16xf32, #tpu.memory_space<vmem_shared>>
      tpu.wait_indirect_dma semaphore(%arg20 : memref<!tpu.dma_semaphore, #tpu.memory_space<semaphore_mem>>) src(%arg10 : memref<256x16xf32, #tpu.memory_space<vmem>>) dst(%dma_wait3A_256 : memref<10112x16xf32, #tpu.memory_space<vmem_shared>>)
      %add3A_257 = arith.constant 2 : i32
      %add3A_258 = arith.addi %add3A_236, %add3A_257 : i32
      %dma_start3A_259 = arith.constant 0 : i32
      %dma_start3A_260 = tpu.memref_slice %arg6[%add3A_258, %dma_start3A_259] : memref<68x256xi32, #tpu.memory_space<vmem>> -> memref<1x256xi32, #tpu.memory_space<vmem>>
      %dma_start3A_261 = tpu.memref_squeeze %dma_start3A_260 : memref<1x256xi32, #tpu.memory_space<vmem>> -> memref<256xi32, #tpu.memory_space<vmem>>
      %dma_start3A_262 = arith.constant 0 : i32
      %dma_start3A_263 = arith.constant 0 : i32
      %dma_start3A_264 = tpu.memref_slice %arg2[%dma_start3A_262, %dma_start3A_263] : memref<10000x16xf32, #tpu.memory_space<hbm>> -> memref<10000x16xf32, #tpu.memory_space<hbm>>
      tpu.enqueue_indirect_dma source(%dma_start3A_264 : memref<10000x16xf32, #tpu.memory_space<hbm>>) target(%arg10 : memref<256x16xf32, #tpu.memory_space<vmem>>) offsets(%dma_start3A_261 : memref<256xi32, #tpu.memory_space<vmem>>) semaphore(%arg16 : memref<!tpu.dma_semaphore, #tpu.memory_space<semaphore_mem>>)
      %mul3A_265 = arith.constant 4 : i32
      %mul3A_266 = arith.muli %while3A_162, %mul3A_265 : i32
      %add3A_267 = arith.constant 3 : i32
      %add3A_268 = arith.addi %mul3A_266, %add3A_267 : i32
      %add3A_269 = arith.constant 2 : i32
      %add3A_270 = arith.addi %add3A_268, %add3A_269 : i32
      %dma_wait3A_271 = arith.constant 0 : i32
      %dma_wait3A_272 = arith.constant 0 : i32
      %dma_wait3A_273 = tpu.memref_slice %arg6[%dma_wait3A_271, %dma_wait3A_272] : memref<68x256xi32, #tpu.memory_space<vmem>> -> memref<1x256xi32, #tpu.memory_space<vmem>>
      %dma_wait3A_274 = tpu.memref_squeeze %dma_wait3A_273 : memref<1x256xi32, #tpu.memory_space<vmem>> -> memref<256xi32, #tpu.memory_space<vmem>>
      %dma_wait3A_275 = arith.constant 0 : i32
      %dma_wait3A_276 = arith.constant 0 : i32
      %dma_wait3A_277 = tpu.memref_slice %arg2[%dma_wait3A_275, %dma_wait3A_276] : memref<10000x16xf32, #tpu.memory_space<hbm>> -> memref<10000x16xf32, #tpu.memory_space<hbm>>
      tpu.wait_indirect_dma semaphore(%arg15 : memref<!tpu.dma_semaphore, #tpu.memory_space<semaphore_mem>>) src(%dma_wait3A_277 : memref<10000x16xf32, #tpu.memory_space<hbm>>) dst(%arg9 : memref<256x16xf32, #tpu.memory_space<vmem>>)
      %dma_start3A_278 = arith.constant 0 : i32
      %dma_start3A_279 = tpu.memref_slice %arg7[%add3A_270, %dma_start3A_278] : memref<68x256xi32, #tpu.memory_space<vmem>> -> memref<1x256xi32, #tpu.memory_space<vmem>>
      %dma_start3A_280 = tpu.memref_squeeze %dma_start3A_279 : memref<1x256xi32, #tpu.memory_space<vmem>> -> memref<256xi32, #tpu.memory_space<vmem>>
      %dma_start3A_281 = arith.constant 0 : i32
      %dma_start3A_282 = arith.constant 0 : i32
      %dma_start3A_283 = tpu.memref_slice %arg13[%dma_start3A_281, %dma_start3A_282] : memref<10112x16xf32, #tpu.memory_space<vmem_shared>> -> memref<10112x16xf32, #tpu.memory_space<vmem_shared>>
      tpu.enqueue_indirect_dma source(%arg9 : memref<256x16xf32, #tpu.memory_space<vmem>>) target(%dma_start3A_283 : memref<10112x16xf32, #tpu.memory_space<vmem_shared>>) offsets(%dma_start3A_280 : memref<256xi32, #tpu.memory_space<vmem>>) semaphore(%arg19 : memref<!tpu.dma_semaphore, #tpu.memory_space<semaphore_mem>>) {add = true}
      %dma_wait3A_284 = arith.constant 0 : i32
      %dma_wait3A_285 = arith.constant 0 : i32
      %dma_wait3A_286 = tpu.memref_slice %arg7[%dma_wait3A_284, %dma_wait3A_285] : memref<68x256xi32, #tpu.memory_space<vmem>> -> memref<1x256xi32, #tpu.memory_space<vmem>>
      %dma_wait3A_287 = tpu.memref_squeeze %dma_wait3A_286 : memref<1x256xi32, #tpu.memory_space<vmem>> -> memref<256xi32, #tpu.memory_space<vmem>>
      %dma_wait3A_288 = arith.constant 0 : i32
      %dma_wait3A_289 = arith.constant 0 : i32
      %dma_wait3A_290 = tpu.memref_slice %arg13[%dma_wait3A_288, %dma_wait3A_289] : memref<10112x16xf32, #tpu.memory_space<vmem_shared>> -> memref<10112x16xf32, #tpu.memory_space<vmem_shared>>
      tpu.wait_indirect_dma semaphore(%arg21 : memref<!tpu.dma_semaphore, #tpu.memory_space<semaphore_mem>>) src(%arg11 : memref<256x16xf32, #tpu.memory_space<vmem>>) dst(%dma_wait3A_290 : memref<10112x16xf32, #tpu.memory_space<vmem_shared>>)
      %add3A_291 = arith.constant 2 : i32
      %add3A_292 = arith.addi %add3A_270, %add3A_291 : i32
      %dma_start3A_293 = arith.constant 0 : i32
      %dma_start3A_294 = tpu.memref_slice %arg6[%add3A_292, %dma_start3A_293] : memref<68x256xi32, #tpu.memory_space<vmem>> -> memref<1x256xi32, #tpu.memory_space<vmem>>
      %dma_start3A_295 = tpu.memref_squeeze %dma_start3A_294 : memref<1x256xi32, #tpu.memory_space<vmem>> -> memref<256xi32, #tpu.memory_space<vmem>>
      %dma_start3A_296 = arith.constant 0 : i32
      %dma_start3A_297 = arith.constant 0 : i32
      %dma_start3A_298 = tpu.memref_slice %arg2[%dma_start3A_296, %dma_start3A_297] : memref<10000x16xf32, #tpu.memory_space<hbm>> -> memref<10000x16xf32, #tpu.memory_space<hbm>>
      tpu.enqueue_indirect_dma source(%dma_start3A_298 : memref<10000x16xf32, #tpu.memory_space<hbm>>) target(%arg11 : memref<256x16xf32, #tpu.memory_space<vmem>>) offsets(%dma_start3A_295 : memref<256xi32, #tpu.memory_space<vmem>>) semaphore(%arg17 : memref<!tpu.dma_semaphore, #tpu.memory_space<semaphore_mem>>)
    }
    %while3A_102 = arith.constant 1 : i32
    scf.for %while3A_162 = %while3A_100 to %while3A_96 step %while3A_102  : i32 {
      %mul3A_163 = arith.constant 4 : i32
      %mul3A_164 = arith.muli %while3A_162, %mul3A_163 : i32
      %add3A_165 = arith.constant 0 : i32
      %add3A_166 = arith.addi %mul3A_164, %add3A_165 : i32
      %add3A_167 = arith.constant 2 : i32
      %add3A_168 = arith.addi %add3A_166, %add3A_167 : i32
      %dma_wait3A_169 = arith.constant 0 : i32
      %dma_wait3A_170 = arith.constant 0 : i32
      %dma_wait3A_171 = tpu.memref_slice %arg6[%dma_wait3A_169, %dma_wait3A_170] : memref<68x256xi32, #tpu.memory_space<vmem>> -> memref<1x256xi32, #tpu.memory_space<vmem>>
      %dma_wait3A_172 = tpu.memref_squeeze %dma_wait3A_171 : memref<1x256xi32, #tpu.memory_space<vmem>> -> memref<256xi32, #tpu.memory_space<vmem>>
      %dma_wait3A_173 = arith.constant 0 : i32
      %dma_wait3A_174 = arith.constant 0 : i32
      %dma_wait3A_175 = tpu.memref_slice %arg2[%dma_wait3A_173, %dma_wait3A_174] : memref<10000x16xf32, #tpu.memory_space<hbm>> -> memref<10000x16xf32, #tpu.memory_space<hbm>>
      tpu.wait_indirect_dma semaphore(%arg16 : memref<!tpu.dma_semaphore, #tpu.memory_space<semaphore_mem>>) src(%dma_wait3A_175 : memref<10000x16xf32, #tpu.memory_space<hbm>>) dst(%arg10 : memref<256x16xf32, #tpu.memory_space<vmem>>)
      %dma_start3A_176 = arith.constant 0 : i32
      %dma_start3A_177 = tpu.memref_slice %arg7[%add3A_168, %dma_start3A_176] : memref<68x256xi32, #tpu.memory_space<vmem>> -> memref<1x256xi32, #tpu.memory_space<vmem>>
      %dma_start3A_178 = tpu.memref_squeeze %dma_start3A_177 : memref<1x256xi32, #tpu.memory_space<vmem>> -> memref<256xi32, #tpu.memory_space<vmem>>
      %dma_start3A_179 = arith.constant 0 : i32
      %dma_start3A_180 = arith.constant 0 : i32
      %dma_start3A_181 = tpu.memref_slice %arg13[%dma_start3A_179, %dma_start3A_180] : memref<10112x16xf32, #tpu.memory_space<vmem_shared>> -> memref<10112x16xf32, #tpu.memory_space<vmem_shared>>
      tpu.enqueue_indirect_dma source(%arg10 : memref<256x16xf32, #tpu.memory_space<vmem>>) target(%dma_start3A_181 : memref<10112x16xf32, #tpu.memory_space<vmem_shared>>) offsets(%dma_start3A_178 : memref<256xi32, #tpu.memory_space<vmem>>) semaphore(%arg20 : memref<!tpu.dma_semaphore, #tpu.memory_space<semaphore_mem>>) {add = true}
      %dma_wait3A_182 = arith.constant 0 : i32
      %dma_wait3A_183 = arith.constant 0 : i32
      %dma_wait3A_184 = tpu.memref_slice %arg7[%dma_wait3A_182, %dma_wait3A_183] : memref<68x256xi32, #tpu.memory_space<vmem>> -> memref<1x256xi32, #tpu.memory_space<vmem>>
      %dma_wait3A_185 = tpu.memref_squeeze %dma_wait3A_184 : memref<1x256xi32, #tpu.memory_space<vmem>> -> memref<256xi32, #tpu.memory_space<vmem>>
      %dma_wait3A_186 = arith.constant 0 : i32
      %dma_wait3A_187 = arith.constant 0 : i32
      %dma_wait3A_188 = tpu.memref_slice %arg13[%dma_wait3A_186, %dma_wait3A_187] : memref<10112x16xf32, #tpu.memory_space<vmem_shared>> -> memref<10112x16xf32, #tpu.memory_space<vmem_shared>>
      tpu.wait_indirect_dma semaphore(%arg18 : memref<!tpu.dma_semaphore, #tpu.memory_space<semaphore_mem>>) src(%arg8 : memref<256x16xf32, #tpu.memory_space<vmem>>) dst(%dma_wait3A_188 : memref<10112x16xf32, #tpu.memory_space<vmem_shared>>)
      %add3A_189 = arith.constant 2 : i32
      %add3A_190 = arith.addi %add3A_168, %add3A_189 : i32
      %dma_start3A_191 = arith.constant 0 : i32
      %dma_start3A_192 = tpu.memref_slice %arg6[%add3A_190, %dma_start3A_191] : memref<68x256xi32, #tpu.memory_space<vmem>> -> memref<1x256xi32, #tpu.memory_space<vmem>>
      %dma_start3A_193 = tpu.memref_squeeze %dma_start3A_192 : memref<1x256xi32, #tpu.memory_space<vmem>> -> memref<256xi32, #tpu.memory_space<vmem>>
      %dma_start3A_194 = arith.constant 0 : i32
      %dma_start3A_195 = arith.constant 0 : i32
      %dma_start3A_196 = tpu.memref_slice %arg2[%dma_start3A_194, %dma_start3A_195] : memref<10000x16xf32, #tpu.memory_space<hbm>> -> memref<10000x16xf32, #tpu.memory_space<hbm>>
      tpu.enqueue_indirect_dma source(%dma_start3A_196 : memref<10000x16xf32, #tpu.memory_space<hbm>>) target(%arg8 : memref<256x16xf32, #tpu.memory_space<vmem>>) offsets(%dma_start3A_193 : memref<256xi32, #tpu.memory_space<vmem>>) semaphore(%arg14 : memref<!tpu.dma_semaphore, #tpu.memory_space<semaphore_mem>>)
      %mul3A_197 = arith.constant 4 : i32
      %mul3A_198 = arith.muli %while3A_162, %mul3A_197 : i32
      %add3A_199 = arith.constant 1 : i32
      %add3A_200 = arith.addi %mul3A_198, %add3A_199 : i32
      %add3A_201 = arith.constant 2 : i32
      %add3A_202 = arith.addi %add3A_200, %add3A_201 : i32
      %dma_wait3A_203 = arith.constant 0 : i32
      %dma_wait3A_204 = arith.constant 0 : i32
      %dma_wait3A_205 = tpu.memref_slice %arg6[%dma_wait3A_203, %dma_wait3A_204] : memref<68x256xi32, #tpu.memory_space<vmem>> -> memref<1x256xi32, #tpu.memory_space<vmem>>
      %dma_wait3A_206 = tpu.memref_squeeze %dma_wait3A_205 : memref<1x256xi32, #tpu.memory_space<vmem>> -> memref<256xi32, #tpu.memory_space<vmem>>
      %dma_wait3A_207 = arith.constant 0 : i32
      %dma_wait3A_208 = arith.constant 0 : i32
      %dma_wait3A_209 = tpu.memref_slice %arg2[%dma_wait3A_207, %dma_wait3A_208] : memref<10000x16xf32, #tpu.memory_space<hbm>> -> memref<10000x16xf32, #tpu.memory_space<hbm>>
      tpu.wait_indirect_dma semaphore(%arg17 : memref<!tpu.dma_semaphore, #tpu.memory_space<semaphore_mem>>) src(%dma_wait3A_209 : memref<10000x16xf32, #tpu.memory_space<hbm>>) dst(%arg11 : memref<256x16xf32, #tpu.memory_space<vmem>>)
      %dma_start3A_210 = arith.constant 0 : i32
      %dma_start3A_211 = tpu.memref_slice %arg7[%add3A_202, %dma_start3A_210] : memref<68x256xi32, #tpu.memory_space<vmem>> -> memref<1x256xi32, #tpu.memory_space<vmem>>
      %dma_start3A_212 = tpu.memref_squeeze %dma_start3A_211 : memref<1x256xi32, #tpu.memory_space<vmem>> -> memref<256xi32, #tpu.memory_space<vmem>>
      %dma_start3A_213 = arith.constant 0 : i32
      %dma_start3A_214 = arith.constant 0 : i32
      %dma_start3A_215 = tpu.memref_slice %arg13[%dma_start3A_213, %dma_start3A_214] : memref<10112x16xf32, #tpu.memory_space<vmem_shared>> -> memref<10112x16xf32, #tpu.memory_space<vmem_shared>>
      tpu.enqueue_indirect_dma source(%arg11 : memref<256x16xf32, #tpu.memory_space<vmem>>) target(%dma_start3A_215 : memref<10112x16xf32, #tpu.memory_space<vmem_shared>>) offsets(%dma_start3A_212 : memref<256xi32, #tpu.memory_space<vmem>>) semaphore(%arg21 : memref<!tpu.dma_semaphore, #tpu.memory_space<semaphore_mem>>) {add = true}
      %dma_wait3A_216 = arith.constant 0 : i32
      %dma_wait3A_217 = arith.constant 0 : i32
      %dma_wait3A_218 = tpu.memref_slice %arg7[%dma_wait3A_216, %dma_wait3A_217] : memref<68x256xi32, #tpu.memory_space<vmem>> -> memref<1x256xi32, #tpu.memory_space<vmem>>
      %dma_wait3A_219 = tpu.memref_squeeze %dma_wait3A_218 : memref<1x256xi32, #tpu.memory_space<vmem>> -> memref<256xi32, #tpu.memory_space<vmem>>
      %dma_wait3A_220 = arith.constant 0 : i32
      %dma_wait3A_221 = arith.constant 0 : i32
      %dma_wait3A_222 = tpu.memref_slice %arg13[%dma_wait3A_220, %dma_wait3A_221] : memref<10112x16xf32, #tpu.memory_space<vmem_shared>> -> memref<10112x16xf32, #tpu.memory_space<vmem_shared>>
      tpu.wait_indirect_dma semaphore(%arg19 : memref<!tpu.dma_semaphore, #tpu.memory_space<semaphore_mem>>) src(%arg9 : memref<256x16xf32, #tpu.memory_space<vmem>>) dst(%dma_wait3A_222 : memref<10112x16xf32, #tpu.memory_space<vmem_shared>>)
      %add3A_223 = arith.constant 2 : i32
      %add3A_224 = arith.addi %add3A_202, %add3A_223 : i32
      %dma_start3A_225 = arith.constant 0 : i32
      %dma_start3A_226 = tpu.memref_slice %arg6[%add3A_224, %dma_start3A_225] : memref<68x256xi32, #tpu.memory_space<vmem>> -> memref<1x256xi32, #tpu.memory_space<vmem>>
      %dma_start3A_227 = tpu.memref_squeeze %dma_start3A_226 : memref<1x256xi32, #tpu.memory_space<vmem>> -> memref<256xi32, #tpu.memory_space<vmem>>
      %dma_start3A_228 = arith.constant 0 : i32
      %dma_start3A_229 = arith.constant 0 : i32
      %dma_start3A_230 = tpu.memref_slice %arg2[%dma_start3A_228, %dma_start3A_229] : memref<10000x16xf32, #tpu.memory_space<hbm>> -> memref<10000x16xf32, #tpu.memory_space<hbm>>
      tpu.enqueue_indirect_dma source(%dma_start3A_230 : memref<10000x16xf32, #tpu.memory_space<hbm>>) target(%arg9 : memref<256x16xf32, #tpu.memory_space<vmem>>) offsets(%dma_start3A_227 : memref<256xi32, #tpu.memory_space<vmem>>) semaphore(%arg15 : memref<!tpu.dma_semaphore, #tpu.memory_space<semaphore_mem>>)
      %mul3A_231 = arith.constant 4 : i32
      %mul3A_232 = arith.muli %while3A_162, %mul3A_231 : i32
      %add3A_233 = arith.constant 2 : i32
      %add3A_234 = arith.addi %mul3A_232, %add3A_233 : i32
      %add3A_235 = arith.constant 2 : i32
      %add3A_236 = arith.addi %add3A_234, %add3A_235 : i32
      %dma_wait3A_237 = arith.constant 0 : i32
      %dma_wait3A_238 = arith.constant 0 : i32
      %dma_wait3A_239 = tpu.memref_slice %arg6[%dma_wait3A_237, %dma_wait3A_238] : memref<68x256xi32, #tpu.memory_space<vmem>> -> memref<1x256xi32, #tpu.memory_space<vmem>>
      %dma_wait3A_240 = tpu.memref_squeeze %dma_wait3A_239 : memref<1x256xi32, #tpu.memory_space<vmem>> -> memref<256xi32, #tpu.memory_space<vmem>>
      %dma_wait3A_241 = arith.constant 0 : i32
      %dma_wait3A_242 = arith.constant 0 : i32
      %dma_wait3A_243 = tpu.memref_slice %arg2[%dma_wait3A_241, %dma_wait3A_242] : memref<10000x16xf32, #tpu.memory_space<hbm>> -> memref<10000x16xf32, #tpu.memory_space<hbm>>
      tpu.wait_indirect_dma semaphore(%arg14 : memref<!tpu.dma_semaphore, #tpu.memory_space<semaphore_mem>>) src(%dma_wait3A_243 : memref<10000x16xf32, #tpu.memory_space<hbm>>) dst(%arg8 : memref<256x16xf32, #tpu.memory_space<vmem>>)
      %dma_start3A_244 = arith.constant 0 : i32
      %dma_start3A_245 = tpu.memref_slice %arg7[%add3A_236, %dma_start3A_244] : memref<68x256xi32, #tpu.memory_space<vmem>> -> memref<1x256xi32, #tpu.memory_space<vmem>>
      %dma_start3A_246 = tpu.memref_squeeze %dma_start3A_245 : memref<1x256xi32, #tpu.memory_space<vmem>> -> memref<256xi32, #tpu.memory_space<vmem>>
      %dma_start3A_247 = arith.constant 0 : i32
      %dma_start3A_248 = arith.constant 0 : i32
      %dma_start3A_249 = tpu.memref_slice %arg13[%dma_start3A_247, %dma_start3A_248] : memref<10112x16xf32, #tpu.memory_space<vmem_shared>> -> memref<10112x16xf32, #tpu.memory_space<vmem_shared>>
      tpu.enqueue_indirect_dma source(%arg8 : memref<256x16xf32, #tpu.memory_space<vmem>>) target(%dma_start3A_249 : memref<10112x16xf32, #tpu.memory_space<vmem_shared>>) offsets(%dma_start3A_246 : memref<256xi32, #tpu.memory_space<vmem>>) semaphore(%arg18 : memref<!tpu.dma_semaphore, #tpu.memory_space<semaphore_mem>>) {add = true}
      %dma_wait3A_250 = arith.constant 0 : i32
      %dma_wait3A_251 = arith.constant 0 : i32
      %dma_wait3A_252 = tpu.memref_slice %arg7[%dma_wait3A_250, %dma_wait3A_251] : memref<68x256xi32, #tpu.memory_space<vmem>> -> memref<1x256xi32, #tpu.memory_space<vmem>>
      %dma_wait3A_253 = tpu.memref_squeeze %dma_wait3A_252 : memref<1x256xi32, #tpu.memory_space<vmem>> -> memref<256xi32, #tpu.memory_space<vmem>>
      %dma_wait3A_254 = arith.constant 0 : i32
      %dma_wait3A_255 = arith.constant 0 : i32
      %dma_wait3A_256 = tpu.memref_slice %arg13[%dma_wait3A_254, %dma_wait3A_255] : memref<10112x16xf32, #tpu.memory_space<vmem_shared>> -> memref<10112x16xf32, #tpu.memory_space<vmem_shared>>
      tpu.wait_indirect_dma semaphore(%arg20 : memref<!tpu.dma_semaphore, #tpu.memory_space<semaphore_mem>>) src(%arg10 : memref<256x16xf32, #tpu.memory_space<vmem>>) dst(%dma_wait3A_256 : memref<10112x16xf32, #tpu.memory_space<vmem_shared>>)
      %add3A_257 = arith.constant 2 : i32
      %add3A_258 = arith.addi %add3A_236, %add3A_257 : i32
      %dma_start3A_259 = arith.constant 0 : i32
      %dma_start3A_260 = tpu.memref_slice %arg6[%add3A_258, %dma_start3A_259] : memref<68x256xi32, #tpu.memory_space<vmem>> -> memref<1x256xi32, #tpu.memory_space<vmem>>
      %dma_start3A_261 = tpu.memref_squeeze %dma_start3A_260 : memref<1x256xi32, #tpu.memory_space<vmem>> -> memref<256xi32, #tpu.memory_space<vmem>>
      %dma_start3A_262 = arith.constant 0 : i32
      %dma_start3A_263 = arith.constant 0 : i32
      %dma_start3A_264 = tpu.memref_slice %arg2[%dma_start3A_262, %dma_start3A_263] : memref<10000x16xf32, #tpu.memory_space<hbm>> -> memref<10000x16xf32, #tpu.memory_space<hbm>>
      tpu.enqueue_indirect_dma source(%dma_start3A_264 : memref<10000x16xf32, #tpu.memory_space<hbm>>) target(%arg10 : memref<256x16xf32, #tpu.memory_space<vmem>>) offsets(%dma_start3A_261 : memref<256xi32, #tpu.memory_space<vmem>>) semaphore(%arg16 : memref<!tpu.dma_semaphore, #tpu.memory_space<semaphore_mem>>)
      %mul3A_265 = arith.constant 4 : i32
      %mul3A_266 = arith.muli %while3A_162, %mul3A_265 : i32
      %add3A_267 = arith.constant 3 : i32
      %add3A_268 = arith.addi %mul3A_266, %add3A_267 : i32
      %add3A_269 = arith.constant 2 : i32
      %add3A_270 = arith.addi %add3A_268, %add3A_269 : i32
      %dma_wait3A_271 = arith.constant 0 : i32
      %dma_wait3A_272 = arith.constant 0 : i32
      %dma_wait3A_273 = tpu.memref_slice %arg6[%dma_wait3A_271, %dma_wait3A_272] : memref<68x256xi32, #tpu.memory_space<vmem>> -> memref<1x256xi32, #tpu.memory_space<vmem>>
      %dma_wait3A_274 = tpu.memref_squeeze %dma_wait3A_273 : memref<1x256xi32, #tpu.memory_space<vmem>> -> memref<256xi32, #tpu.memory_space<vmem>>
      %dma_wait3A_275 = arith.constant 0 : i32
      %dma_wait3A_276 = arith.constant 0 : i32
      %dma_wait3A_277 = tpu.memref_slice %arg2[%dma_wait3A_275, %dma_wait3A_276] : memref<10000x16xf32, #tpu.memory_space<hbm>> -> memref<10000x16xf32, #tpu.memory_space<hbm>>
      tpu.wait_indirect_dma semaphore(%arg15 : memref<!tpu.dma_semaphore, #tpu.memory_space<semaphore_mem>>) src(%dma_wait3A_277 : memref<10000x16xf32, #tpu.memory_space<hbm>>) dst(%arg9 : memref<256x16xf32, #tpu.memory_space<vmem>>)
      %dma_start3A_278 = arith.constant 0 : i32
      %dma_start3A_279 = tpu.memref_slice %arg7[%add3A_270, %dma_start3A_278] : memref<68x256xi32, #tpu.memory_space<vmem>> -> memref<1x256xi32, #tpu.memory_space<vmem>>
      %dma_start3A_280 = tpu.memref_squeeze %dma_start3A_279 : memref<1x256xi32, #tpu.memory_space<vmem>> -> memref<256xi32, #tpu.memory_space<vmem>>
      %dma_start3A_281 = arith.constant 0 : i32
      %dma_start3A_282 = arith.constant 0 : i32
      %dma_start3A_283 = tpu.memref_slice %arg13[%dma_start3A_281, %dma_start3A_282] : memref<10112x16xf32, #tpu.memory_space<vmem_shared>> -> memref<10112x16xf32, #tpu.memory_space<vmem_shared>>
      tpu.enqueue_indirect_dma source(%arg9 : memref<256x16xf32, #tpu.memory_space<vmem>>) target(%dma_start3A_283 : memref<10112x16xf32, #tpu.memory_space<vmem_shared>>) offsets(%dma_start3A_280 : memref<256xi32, #tpu.memory_space<vmem>>) semaphore(%arg19 : memref<!tpu.dma_semaphore, #tpu.memory_space<semaphore_mem>>) {add = true}
      %dma_wait3A_284 = arith.constant 0 : i32
      %dma_wait3A_285 = arith.constant 0 : i32
      %dma_wait3A_286 = tpu.memref_slice %arg7[%dma_wait3A_284, %dma_wait3A_285] : memref<68x256xi32, #tpu.memory_space<vmem>> -> memref<1x256xi32, #tpu.memory_space<vmem>>
      %dma_wait3A_287 = tpu.memref_squeeze %dma_wait3A_286 : memref<1x256xi32, #tpu.memory_space<vmem>> -> memref<256xi32, #tpu.memory_space<vmem>>
      %dma_wait3A_288 = arith.constant 0 : i32
      %dma_wait3A_289 = arith.constant 0 : i32
      %dma_wait3A_290 = tpu.memref_slice %arg13[%dma_wait3A_288, %dma_wait3A_289] : memref<10112x16xf32, #tpu.memory_space<vmem_shared>> -> memref<10112x16xf32, #tpu.memory_space<vmem_shared>>
      tpu.wait_indirect_dma semaphore(%arg21 : memref<!tpu.dma_semaphore, #tpu.memory_space<semaphore_mem>>) src(%arg11 : memref<256x16xf32, #tpu.memory_space<vmem>>) dst(%dma_wait3A_290 : memref<10112x16xf32, #tpu.memory_space<vmem_shared>>)
      %add3A_291 = arith.constant 2 : i32
      %add3A_292 = arith.addi %add3A_270, %add3A_291 : i32
      %dma_start3A_293 = arith.constant 0 : i32
      %dma_start3A_294 = tpu.memref_slice %arg6[%add3A_292, %dma_start3A_293] : memref<68x256xi32, #tpu.memory_space<vmem>> -> memref<1x256xi32, #tpu.memory_space<vmem>>
      %dma_start3A_295 = tpu.memref_squeeze %dma_start3A_294 : memref<1x256xi32, #tpu.memory_space<vmem>> -> memref<256xi32, #tpu.memory_space<vmem>>
      %dma_start3A_296 = arith.constant 0 : i32
      %dma_start3A_297 = arith.constant 0 : i32
      %dma_start3A_298 = tpu.memref_slice %arg2[%dma_start3A_296, %dma_start3A_297] : memref<10000x16xf32, #tpu.memory_space<hbm>> -> memref<10000x16xf32, #tpu.memory_space<hbm>>
      tpu.enqueue_indirect_dma source(%dma_start3A_298 : memref<10000x16xf32, #tpu.memory_space<hbm>>) target(%arg11 : memref<256x16xf32, #tpu.memory_space<vmem>>) offsets(%dma_start3A_295 : memref<256xi32, #tpu.memory_space<vmem>>) semaphore(%arg17 : memref<!tpu.dma_semaphore, #tpu.memory_space<semaphore_mem>>)
    }
    %sub3A_103 = arith.constant 2 : i32
    %sub3A_104 = arith.subi %select_n3A, %sub3A_103 : i32
    %dma_wait3A_105 = arith.constant 0 : i32
    %dma_wait3A_106 = arith.constant 0 : i32
    %dma_wait3A_107 = tpu.memref_slice %arg6[%dma_wait3A_105, %dma_wait3A_106] : memref<68x256xi32, #tpu.memory_space<vmem>> -> memref<1x256xi32, #tpu.memory_space<vmem>>
    %dma_wait3A_108 = tpu.memref_squeeze %dma_wait3A_107 : memref<1x256xi32, #tpu.memory_space<vmem>> -> memref<256xi32, #tpu.memory_space<vmem>>
    %dma_wait3A_109 = arith.constant 0 : i32
    %dma_wait3A_110 = arith.constant 0 : i32
    %dma_wait3A_111 = tpu.memref_slice %arg2[%dma_wait3A_109, %dma_wait3A_110] : memref<10000x16xf32, #tpu.memory_space<hbm>> -> memref<10000x16xf32, #tpu.memory_space<hbm>>
    tpu.wait_indirect_dma semaphore(%arg16 : memref<!tpu.dma_semaphore, #tpu.memory_space<semaphore_mem>>) src(%dma_wait3A_111 : memref<10000x16xf32, #tpu.memory_space<hbm>>) dst(%arg10 : memref<256x16xf32, #tpu.memory_space<vmem>>)
    %dma_start3A_112 = arith.constant 0 : i32
    %dma_start3A_113 = tpu.memref_slice %arg7[%sub3A_104, %dma_start3A_112] : memref<68x256xi32, #tpu.memory_space<vmem>> -> memref<1x256xi32, #tpu.memory_space<vmem>>
    %dma_start3A_114 = tpu.memref_squeeze %dma_start3A_113 : memref<1x256xi32, #tpu.memory_space<vmem>> -> memref<256xi32, #tpu.memory_space<vmem>>
    %dma_start3A_115 = arith.constant 0 : i32
    %dma_start3A_116 = arith.constant 0 : i32
    %dma_start3A_117 = tpu.memref_slice %arg13[%dma_start3A_115, %dma_start3A_116] : memref<10112x16xf32, #tpu.memory_space<vmem_shared>> -> memref<10112x16xf32, #tpu.memory_space<vmem_shared>>
    tpu.enqueue_indirect_dma source(%arg10 : memref<256x16xf32, #tpu.memory_space<vmem>>) target(%dma_start3A_117 : memref<10112x16xf32, #tpu.memory_space<vmem_shared>>) offsets(%dma_start3A_114 : memref<256xi32, #tpu.memory_space<vmem>>) semaphore(%arg20 : memref<!tpu.dma_semaphore, #tpu.memory_space<semaphore_mem>>) {add = true}
    %sub3A_118 = arith.constant 1 : i32
    %sub3A_119 = arith.subi %select_n3A, %sub3A_118 : i32
    %dma_wait3A_120 = arith.constant 0 : i32
    %dma_wait3A_121 = arith.constant 0 : i32
    %dma_wait3A_122 = tpu.memref_slice %arg6[%dma_wait3A_120, %dma_wait3A_121] : memref<68x256xi32, #tpu.memory_space<vmem>> -> memref<1x256xi32, #tpu.memory_space<vmem>>
    %dma_wait3A_123 = tpu.memref_squeeze %dma_wait3A_122 : memref<1x256xi32, #tpu.memory_space<vmem>> -> memref<256xi32, #tpu.memory_space<vmem>>
    %dma_wait3A_124 = arith.constant 0 : i32
    %dma_wait3A_125 = arith.constant 0 : i32
    %dma_wait3A_126 = tpu.memref_slice %arg2[%dma_wait3A_124, %dma_wait3A_125] : memref<10000x16xf32, #tpu.memory_space<hbm>> -> memref<10000x16xf32, #tpu.memory_space<hbm>>
    tpu.wait_indirect_dma semaphore(%arg17 : memref<!tpu.dma_semaphore, #tpu.memory_space<semaphore_mem>>) src(%dma_wait3A_126 : memref<10000x16xf32, #tpu.memory_space<hbm>>) dst(%arg11 : memref<256x16xf32, #tpu.memory_space<vmem>>)
    %dma_start3A_127 = arith.constant 0 : i32
    %dma_start3A_128 = tpu.memref_slice %arg7[%sub3A_119, %dma_start3A_127] : memref<68x256xi32, #tpu.memory_space<vmem>> -> memref<1x256xi32, #tpu.memory_space<vmem>>
    %dma_start3A_129 = tpu.memref_squeeze %dma_start3A_128 : memref<1x256xi32, #tpu.memory_space<vmem>> -> memref<256xi32, #tpu.memory_space<vmem>>
    %dma_start3A_130 = arith.constant 0 : i32
    %dma_start3A_131 = arith.constant 0 : i32
    %dma_start3A_132 = tpu.memref_slice %arg13[%dma_start3A_130, %dma_start3A_131] : memref<10112x16xf32, #tpu.memory_space<vmem_shared>> -> memref<10112x16xf32, #tpu.memory_space<vmem_shared>>
    tpu.enqueue_indirect_dma source(%arg11 : memref<256x16xf32, #tpu.memory_space<vmem>>) target(%dma_start3A_132 : memref<10112x16xf32, #tpu.memory_space<vmem_shared>>) offsets(%dma_start3A_129 : memref<256xi32, #tpu.memory_space<vmem>>) semaphore(%arg21 : memref<!tpu.dma_semaphore, #tpu.memory_space<semaphore_mem>>) {add = true}
    %dma_wait3A_133 = arith.constant 0 : i32
    %dma_wait3A_134 = arith.constant 0 : i32
    %dma_wait3A_135 = tpu.memref_slice %arg7[%dma_wait3A_133, %dma_wait3A_134] : memref<68x256xi32, #tpu.memory_space<vmem>> -> memref<1x256xi32, #tpu.memory_space<vmem>>
    %dma_wait3A_136 = tpu.memref_squeeze %dma_wait3A_135 : memref<1x256xi32, #tpu.memory_space<vmem>> -> memref<256xi32, #tpu.memory_space<vmem>>
    %dma_wait3A_137 = arith.constant 0 : i32
    %dma_wait3A_138 = arith.constant 0 : i32
    %dma_wait3A_139 = tpu.memref_slice %arg13[%dma_wait3A_137, %dma_wait3A_138] : memref<10112x16xf32, #tpu.memory_space<vmem_shared>> -> memref<10112x16xf32, #tpu.memory_space<vmem_shared>>
    tpu.wait_indirect_dma semaphore(%arg18 : memref<!tpu.dma_semaphore, #tpu.memory_space<semaphore_mem>>) src(%arg8 : memref<256x16xf32, #tpu.memory_space<vmem>>) dst(%dma_wait3A_139 : memref<10112x16xf32, #tpu.memory_space<vmem_shared>>)
    %dma_wait3A_140 = arith.constant 0 : i32
    %dma_wait3A_141 = arith.constant 0 : i32
    %dma_wait3A_142 = tpu.memref_slice %arg7[%dma_wait3A_140, %dma_wait3A_141] : memref<68x256xi32, #tpu.memory_space<vmem>> -> memref<1x256xi32, #tpu.memory_space<vmem>>
    %dma_wait3A_143 = tpu.memref_squeeze %dma_wait3A_142 : memref<1x256xi32, #tpu.memory_space<vmem>> -> memref<256xi32, #tpu.memory_space<vmem>>
    %dma_wait3A_144 = arith.constant 0 : i32
    %dma_wait3A_145 = arith.constant 0 : i32
    %dma_wait3A_146 = tpu.memref_slice %arg13[%dma_wait3A_144, %dma_wait3A_145] : memref<10112x16xf32, #tpu.memory_space<vmem_shared>> -> memref<10112x16xf32, #tpu.memory_space<vmem_shared>>
    tpu.wait_indirect_dma semaphore(%arg19 : memref<!tpu.dma_semaphore, #tpu.memory_space<semaphore_mem>>) src(%arg9 : memref<256x16xf32, #tpu.memory_space<vmem>>) dst(%dma_wait3A_146 : memref<10112x16xf32, #tpu.memory_space<vmem_shared>>)
    %dma_wait3A_147 = arith.constant 0 : i32
    %dma_wait3A_148 = arith.constant 0 : i32
    %dma_wait3A_149 = tpu.memref_slice %arg7[%dma_wait3A_147, %dma_wait3A_148] : memref<68x256xi32, #tpu.memory_space<vmem>> -> memref<1x256xi32, #tpu.memory_space<vmem>>
    %dma_wait3A_150 = tpu.memref_squeeze %dma_wait3A_149 : memref<1x256xi32, #tpu.memory_space<vmem>> -> memref<256xi32, #tpu.memory_space<vmem>>
    %dma_wait3A_151 = arith.constant 0 : i32
    %dma_wait3A_152 = arith.constant 0 : i32
    %dma_wait3A_153 = tpu.memref_slice %arg13[%dma_wait3A_151, %dma_wait3A_152] : memref<10112x16xf32, #tpu.memory_space<vmem_shared>> -> memref<10112x16xf32, #tpu.memory_space<vmem_shared>>
    tpu.wait_indirect_dma semaphore(%arg20 : memref<!tpu.dma_semaphore, #tpu.memory_space<semaphore_mem>>) src(%arg10 : memref<256x16xf32, #tpu.memory_space<vmem>>) dst(%dma_wait3A_153 : memref<10112x16xf32, #tpu.memory_space<vmem_shared>>)
    %dma_wait3A_154 = arith.constant 0 : i32
    %dma_wait3A_155 = arith.constant 0 : i32
    %dma_wait3A_156 = tpu.memref_slice %arg7[%dma_wait3A_154, %dma_wait3A_155] : memref<68x256xi32, #tpu.memory_space<vmem>> -> memref<1x256xi32, #tpu.memory_space<vmem>>
    %dma_wait3A_157 = tpu.memref_squeeze %dma_wait3A_156 : memref<1x256xi32, #tpu.memory_space<vmem>> -> memref<256xi32, #tpu.memory_space<vmem>>
    %dma_wait3A_158 = arith.constant 0 : i32
    %dma_wait3A_159 = arith.constant 0 : i32
    %dma_wait3A_160 = tpu.memref_slice %arg13[%dma_wait3A_158, %dma_wait3A_159] : memref<10112x16xf32, #tpu.memory_space<vmem_shared>> -> memref<10112x16xf32, #tpu.memory_space<vmem_shared>>
    tpu.wait_indirect_dma semaphore(%arg21 : memref<!tpu.dma_semaphore, #tpu.memory_space<semaphore_mem>>) src(%arg11 : memref<256x16xf32, #tpu.memory_space<vmem>>) dst(%dma_wait3A_160 : memref<10112x16xf32, #tpu.memory_space<vmem_shared>>)
    %barrier3A_161 = arith.constant 0 : index
    tpu.barrier barrier_id(%barrier3A_161)
    "tpu.region"() ({
      %run_scoped3A = tpu.sem_alloc : memref<!tpu.dma_semaphore, #tpu.memory_space<semaphore_mem>>
      %dma_start3A_162 = arith.constant 0 : i32
      %dma_start3A_163 = tpu.memref_slice %arg5[%arg0, %mul3A_10, %dma_start3A_162] : memref<2x10112x16xf32, #tpu.memory_space<hbm>> -> memref<1x632x16xf32, #tpu.memory_space<hbm>>
      %dma_start3A_164 = tpu.memref_squeeze %dma_start3A_163 : memref<1x632x16xf32, #tpu.memory_space<hbm>> -> memref<632x16xf32, #tpu.memory_space<hbm>>
      %dma_start3A_165 = arith.constant 0 : i32
      %dma_start3A_166 = tpu.memref_slice %arg13[%mul3A_10, %dma_start3A_165] : memref<10112x16xf32, #tpu.memory_space<vmem_shared>> -> memref<632x16xf32, #tpu.memory_space<vmem_shared>>
      tpu.enqueue_dma source(%dma_start3A_166 : memref<632x16xf32, #tpu.memory_space<vmem_shared>>) target(%dma_start3A_164 : memref<632x16xf32, #tpu.memory_space<hbm>>) target_semaphore(%run_scoped3A : memref<!tpu.dma_semaphore, #tpu.memory_space<semaphore_mem>>)
      %dma_wait3A_167 = arith.constant 0 : i32
      %dma_wait3A_168 = tpu.memref_slice %arg5[%arg0, %mul3A_10, %dma_wait3A_167] : memref<2x10112x16xf32, #tpu.memory_space<hbm>> -> memref<1x632x16xf32, #tpu.memory_space<hbm>>
      %dma_wait3A_169 = tpu.memref_squeeze %dma_wait3A_168 : memref<1x632x16xf32, #tpu.memory_space<hbm>> -> memref<632x16xf32, #tpu.memory_space<hbm>>
      %dma_wait3A_170 = arith.constant 0 : i32
      %dma_wait3A_171 = tpu.memref_slice %arg13[%mul3A_10, %dma_wait3A_170] : memref<10112x16xf32, #tpu.memory_space<vmem_shared>> -> memref<632x16xf32, #tpu.memory_space<vmem_shared>>
      tpu.wait_dma2 semaphore(%run_scoped3A : memref<!tpu.dma_semaphore, #tpu.memory_space<semaphore_mem>>) src(%dma_wait3A_171 : memref<632x16xf32, #tpu.memory_space<vmem_shared>>) dst(%dma_wait3A_169 : memref<632x16xf32, #tpu.memory_space<hbm>>)
      tpu.yield
    }) : () -> ()
    return
  }
}

#map = affine_map<(d0, d1) -> (0, 0)>
#map1 = affine_map<(d0, d1) -> (0, 0, 0)>
module attributes {stable_mosaic.version = 14 : i64} {
  func.func @_sc_body(%arg0: i32, %arg1: i32, %arg2: memref<10000x16xf32, #tpu.memory_space<hbm>>, %arg3: memref<1348x256xi32, #tpu.memory_space<hbm>>, %arg4: memref<1348x256xi32, #tpu.memory_space<hbm>>, %arg5: memref<2x10112x16xf32, #tpu.memory_space<hbm>>, %arg6: memref<68x256xi32, #tpu.memory_space<vmem>>, %arg7: memref<68x256xi32, #tpu.memory_space<vmem>>, %arg8: memref<256x16xf32, #tpu.memory_space<vmem>>, %arg9: memref<256x16xf32, #tpu.memory_space<vmem>>, %arg10: memref<256x16xf32, #tpu.memory_space<vmem>>, %arg11: memref<256x16xf32, #tpu.memory_space<vmem>>, %arg12: memref<632x16xf32, #tpu.memory_space<vmem>>, %arg13: memref<10112x16xf32, #tpu.memory_space<vmem_shared>>, %arg14: memref<!tpu.dma_semaphore, #tpu.memory_space<semaphore_mem>>, %arg15: memref<!tpu.dma_semaphore, #tpu.memory_space<semaphore_mem>>, %arg16: memref<!tpu.dma_semaphore, #tpu.memory_space<semaphore_mem>>, %arg17: memref<!tpu.dma_semaphore, #tpu.memory_space<semaphore_mem>>, %arg18: memref<!tpu.dma_semaphore, #tpu.memory_space<semaphore_mem>>, %arg19: memref<!tpu.dma_semaphore, #tpu.memory_space<semaphore_mem>>, %arg20: memref<!tpu.dma_semaphore, #tpu.memory_space<semaphore_mem>>, %arg21: memref<!tpu.dma_semaphore, #tpu.memory_space<semaphore_mem>>) attributes {dimension_semantics = [#tpu.dimension_semantics<core_parallel>, #tpu.dimension_semantics<subcore_parallel>], iteration_bounds = array<i64: 2, 16>, scalar_prefetch = 0 : i64, scratch_operands = 16 : i64, tpu.core_type = #tpu.core_type<sc_vector_subcore>, window_params = [{transform_indices = #map}, {transform_indices = #map}, {transform_indices = #map}, {transform_indices = #map1}]} {
    %eq3A = arith.constant 0 : i32
    %eq3A_0 = arith.cmpi eq, %arg0, %eq3A : i32
    %jit3A = arith.constant 68 : i32
    %jit3A_1 = arith.constant 12 : i32
    %select_n3A = arith.select %eq3A_0, %jit3A, %jit3A_1 : i32
    %eq3A_2 = arith.constant 0 : i32
    %eq3A_3 = arith.cmpi eq, %arg0, %eq3A_2 : i32
    %mul3A = arith.constant 68 : i32
    %mul3A_4 = arith.muli %arg1, %mul3A : i32
    %mul3A_5 = arith.constant 12 : i32
    %mul3A_6 = arith.muli %arg1, %mul3A_5 : i32
    %add3A = arith.constant 1088 : i32
    %add3A_7 = arith.addi %add3A, %mul3A_6 : i32
    %select_n3A_8 = arith.select %eq3A_3, %mul3A_4, %add3A_7 : i32
    %mul3A_9 = arith.constant 632 : i32
    %mul3A_10 = arith.muli %arg1, %mul3A_9 : i32
    %broadcast_in_dim3A = arith.constant 0.000000e+00 : f32
    %broadcast_in_dim3A_11 = vector.broadcast %broadcast_in_dim3A : f32 to vector<16xf32>
    %scan3A = arith.constant 0 : i32
    %scan3A_12 = arith.constant 0 : i32
    %scan3A_13 = arith.constant 632 : i32
    %scan3A_14 = arith.addi %scan3A_12, %scan3A_13 : i32
    %scan3A_15 = arith.constant 1 : i32
    scf.for %scan3A_162 = %scan3A_12 to %scan3A_14 step %scan3A_15  : i32 {
      %swap3A = arith.index_cast %scan3A_162 : i32 to index
      %swap3A_163 = arith.constant 0 : index
      %swap3A_164 = tpu.vector_load %arg12[%swap3A, %swap3A_163] {strides = array<i32>} : memref<632x16xf32, #tpu.memory_space<vmem>>, vector<1x16xf32>,
      %swap3A_165 = vector.shape_cast %swap3A_164 : vector<1x16xf32> to vector<16xf32>
      %swap3A_166 = vector.shape_cast %broadcast_in_dim3A_11 : vector<16xf32> to vector<1x16xf32>
      tpu.vector_store %arg12[%swap3A, %swap3A_163], %swap3A_166 {strides = array<i32>} : memref<632x16xf32, #tpu.memory_space<vmem>>, vector<1x16xf32>,
    }
    %scan3A_16 = arith.constant 632 : i32
    "tpu.region"() ({
      %run_scoped3A = tpu.sem_alloc : memref<!tpu.dma_semaphore, #tpu.memory_space<semaphore_mem>>
      %dma_start3A_162 = arith.constant 0 : i32
      %dma_start3A_163 = tpu.memref_slice %arg13[%mul3A_10, %dma_start3A_162] : memref<10112x16xf32, #tpu.memory_space<vmem_shared>> -> memref<632x16xf32, #tpu.memory_space<vmem_shared>>
      %dma_start3A_164 = arith.constant 0 : i32
      %dma_start3A_165 = tpu.memref_slice %arg13[%mul3A_10, %dma_start3A_164] : memref<10112x16xf32, #tpu.memory_space<vmem_shared>> -> memref<632x16xf32, #tpu.memory_space<vmem_shared>>
      tpu.enqueue_dma source(%arg12 : memref<632x16xf32, #tpu.memory_space<vmem>>) target(%dma_start3A_165 : memref<632x16xf32, #tpu.memory_space<vmem_shared>>) target_semaphore(%run_scoped3A : memref<!tpu.dma_semaphore, #tpu.memory_space<semaphore_mem>>)
      %dma_wait3A_166 = arith.constant 0 : i32
      %dma_wait3A_167 = tpu.memref_slice %arg13[%mul3A_10, %dma_wait3A_166] : memref<10112x16xf32, #tpu.memory_space<vmem_shared>> -> memref<632x16xf32, #tpu.memory_space<vmem_shared>>
      %dma_wait3A_168 = arith.constant 0 : i32
      %dma_wait3A_169 = tpu.memref_slice %arg13[%mul3A_10, %dma_wait3A_168] : memref<10112x16xf32, #tpu.memory_space<vmem_shared>> -> memref<632x16xf32, #tpu.memory_space<vmem_shared>>
      tpu.wait_dma2 semaphore(%run_scoped3A : memref<!tpu.dma_semaphore, #tpu.memory_space<semaphore_mem>>) src(%arg12 : memref<632x16xf32, #tpu.memory_space<vmem>>) dst(%dma_wait3A_169 : memref<632x16xf32, #tpu.memory_space<vmem_shared>>)
      tpu.yield
    }) : () -> ()
    "tpu.region"() ({
      %run_scoped3A = tpu.sem_alloc : memref<!tpu.dma_semaphore, #tpu.memory_space<semaphore_mem>>
      %dma_start3A_162 = arith.constant 0 : i32
      %dma_start3A_163 = arith.constant 0 : i32
      %dma_start3A_164 = tpu.memref_slice %arg6[%dma_start3A_162, %dma_start3A_163] : memref<68x256xi32, #tpu.memory_space<vmem>> -> memref<12x256xi32, #tpu.memory_space<vmem>>
      %dma_start3A_165 = arith.constant 0 : i32
      %dma_start3A_166 = tpu.memref_slice %arg3[%select_n3A_8, %dma_start3A_165] : memref<1348x256xi32, #tpu.memory_space<hbm>> -> memref<12x256xi32, #tpu.memory_space<hbm>>
      %dma_start3A_167 = arith.constant 0 : i32
      %dma_start3A_168 = arith.constant 0 : i32
      %dma_start3A_169 = tpu.memref_slice %arg6[%dma_start3A_167, %dma_start3A_168] : memref<68x256xi32, #tpu.memory_space<vmem>> -> memref<12x256xi32, #tpu.memory_space<vmem>>
      %dma_start3A_170 = arith.constant 0 : i32
      %dma_start3A_171 = tpu.memref_slice %arg3[%select_n3A_8, %dma_start3A_170] : memref<1348x256xi32, #tpu.memory_space<hbm>> -> memref<12x256xi32, #tpu.memory_space<hbm>>
      tpu.enqueue_dma source(%dma_start3A_171 : memref<12x256xi32, #tpu.memory_space<hbm>>) target(%dma_start3A_169 : memref<12x256xi32, #tpu.memory_space<vmem>>) target_semaphore(%run_scoped3A : memref<!tpu.dma_semaphore, #tpu.memory_space<semaphore_mem>>)
      %dma_wait3A_172 = arith.constant 0 : i32
      %dma_wait3A_173 = arith.constant 0 : i32
      %dma_wait3A_174 = tpu.memref_slice %arg6[%dma_wait3A_172, %dma_wait3A_173] : memref<68x256xi32, #tpu.memory_space<vmem>> -> memref<12x256xi32, #tpu.memory_space<vmem>>
      %dma_wait3A_175 = arith.constant 0 : i32
      %dma_wait3A_176 = tpu.memref_slice %arg3[%select_n3A_8, %dma_wait3A_175] : memref<1348x256xi32, #tpu.memory_space<hbm>> -> memref<12x256xi32, #tpu.memory_space<hbm>>
      %dma_wait3A_177 = arith.constant 0 : i32
      %dma_wait3A_178 = arith.constant 0 : i32
      %dma_wait3A_179 = tpu.memref_slice %arg6[%dma_wait3A_177, %dma_wait3A_178] : memref<68x256xi32, #tpu.memory_space<vmem>> -> memref<12x256xi32, #tpu.memory_space<vmem>>
      %dma_wait3A_180 = arith.constant 0 : i32
      %dma_wait3A_181 = tpu.memref_slice %arg3[%select_n3A_8, %dma_wait3A_180] : memref<1348x256xi32, #tpu.memory_space<hbm>> -> memref<12x256xi32, #tpu.memory_space<hbm>>
      tpu.wait_dma2 semaphore(%run_scoped3A : memref<!tpu.dma_semaphore, #tpu.memory_space<semaphore_mem>>) src(%dma_wait3A_181 : memref<12x256xi32, #tpu.memory_space<hbm>>) dst(%dma_wait3A_179 : memref<12x256xi32, #tpu.memory_space<vmem>>)
      tpu.yield
    }) : () -> ()
    "tpu.region"() ({
      %run_scoped3A = tpu.sem_alloc : memref<!tpu.dma_semaphore, #tpu.memory_space<semaphore_mem>>
      %dma_start3A_162 = arith.constant 0 : i32
      %dma_start3A_163 = arith.constant 0 : i32
      %dma_start3A_164 = tpu.memref_slice %arg7[%dma_start3A_162, %dma_start3A_163] : memref<68x256xi32, #tpu.memory_space<vmem>> -> memref<12x256xi32, #tpu.memory_space<vmem>>
      %dma_start3A_165 = arith.constant 0 : i32
      %dma_start3A_166 = tpu.memref_slice %arg4[%select_n3A_8, %dma_start3A_165] : memref<1348x256xi32, #tpu.memory_space<hbm>> -> memref<12x256xi32, #tpu.memory_space<hbm>>
      %dma_start3A_167 = arith.constant 0 : i32
      %dma_start3A_168 = arith.constant 0 : i32
      %dma_start3A_169 = tpu.memref_slice %arg7[%dma_start3A_167, %dma_start3A_168] : memref<68x256xi32, #tpu.memory_space<vmem>> -> memref<12x256xi32, #tpu.memory_space<vmem>>
      %dma_start3A_170 = arith.constant 0 : i32
      %dma_start3A_171 = tpu.memref_slice %arg4[%select_n3A_8, %dma_start3A_170] : memref<1348x256xi32, #tpu.memory_space<hbm>> -> memref<12x256xi32, #tpu.memory_space<hbm>>
      tpu.enqueue_dma source(%dma_start3A_171 : memref<12x256xi32, #tpu.memory_space<hbm>>) target(%dma_start3A_169 : memref<12x256xi32, #tpu.memory_space<vmem>>) target_semaphore(%run_scoped3A : memref<!tpu.dma_semaphore, #tpu.memory_space<semaphore_mem>>)
      %dma_wait3A_172 = arith.constant 0 : i32
      %dma_wait3A_173 = arith.constant 0 : i32
      %dma_wait3A_174 = tpu.memref_slice %arg7[%dma_wait3A_172, %dma_wait3A_173] : memref<68x256xi32, #tpu.memory_space<vmem>> -> memref<12x256xi32, #tpu.memory_space<vmem>>
      %dma_wait3A_175 = arith.constant 0 : i32
      %dma_wait3A_176 = tpu.memref_slice %arg4[%select_n3A_8, %dma_wait3A_175] : memref<1348x256xi32, #tpu.memory_space<hbm>> -> memref<12x256xi32, #tpu.memory_space<hbm>>
      %dma_wait3A_177 = arith.constant 0 : i32
      %dma_wait3A_178 = arith.constant 0 : i32
      %dma_wait3A_179 = tpu.memref_slice %arg7[%dma_wait3A_177, %dma_wait3A_178] : memref<68x256xi32, #tpu.memory_space<vmem>> -> memref<12x256xi32, #tpu.memory_space<vmem>>
      %dma_wait3A_180 = arith.constant 0 : i32
      %dma_wait3A_181 = tpu.memref_slice %arg4[%select_n3A_8, %dma_wait3A_180] : memref<1348x256xi32, #tpu.memory_space<hbm>> -> memref<12x256xi32, #tpu.memory_space<hbm>>
      tpu.wait_dma2 semaphore(%run_scoped3A : memref<!tpu.dma_semaphore, #tpu.memory_space<semaphore_mem>>) src(%dma_wait3A_181 : memref<12x256xi32, #tpu.memory_space<hbm>>) dst(%dma_wait3A_179 : memref<12x256xi32, #tpu.memory_space<vmem>>)
      tpu.yield
    }) : () -> ()
    %eq3A_17 = arith.constant 0 : i32
    %eq3A_18 = arith.cmpi eq, %arg0, %eq3A_17 : i32
    %convert_element_type3A = arith.extui %eq3A_18 : i1 to i32
    %cond3A = arith.constant 0 : i32
    %cond3A_19 = arith.cmpi ne, %convert_element_type3A, %cond3A : i32
    scf.if %cond3A_19 {
      %add3A_162 = arith.constant 12 : i32
      %add3A_163 = arith.addi %select_n3A_8, %add3A_162 : i32
      "tpu.region"() ({
        %run_scoped3A = tpu.sem_alloc : memref<!tpu.dma_semaphore, #tpu.memory_space<semaphore_mem>>
        %dma_start3A_164 = arith.constant 12 : i32
        %dma_start3A_165 = arith.constant 0 : i32
        %dma_start3A_166 = tpu.memref_slice %arg6[%dma_start3A_164, %dma_start3A_165] : memref<68x256xi32, #tpu.memory_space<vmem>> -> memref<56x256xi32, #tpu.memory_space<vmem>>
        %dma_start3A_167 = arith.constant 0 : i32
        %dma_start3A_168 = tpu.memref_slice %arg3[%add3A_163, %dma_start3A_167] : memref<1348x256xi32, #tpu.memory_space<hbm>> -> memref<56x256xi32, #tpu.memory_space<hbm>>
        %dma_start3A_169 = arith.constant 12 : i32
        %dma_start3A_170 = arith.constant 0 : i32
        %dma_start3A_171 = tpu.memref_slice %arg6[%dma_start3A_169, %dma_start3A_170] : memref<68x256xi32, #tpu.memory_space<vmem>> -> memref<56x256xi32, #tpu.memory_space<vmem>>
        %dma_start3A_172 = arith.constant 0 : i32
        %dma_start3A_173 = tpu.memref_slice %arg3[%add3A_163, %dma_start3A_172] : memref<1348x256xi32, #tpu.memory_space<hbm>> -> memref<56x256xi32, #tpu.memory_space<hbm>>
        tpu.enqueue_dma source(%dma_start3A_173 : memref<56x256xi32, #tpu.memory_space<hbm>>) target(%dma_start3A_171 : memref<56x256xi32, #tpu.memory_space<vmem>>) target_semaphore(%run_scoped3A : memref<!tpu.dma_semaphore, #tpu.memory_space<semaphore_mem>>)
        %dma_wait3A_174 = arith.constant 12 : i32
        %dma_wait3A_175 = arith.constant 0 : i32
        %dma_wait3A_176 = tpu.memref_slice %arg6[%dma_wait3A_174, %dma_wait3A_175] : memref<68x256xi32, #tpu.memory_space<vmem>> -> memref<56x256xi32, #tpu.memory_space<vmem>>
        %dma_wait3A_177 = arith.constant 0 : i32
        %dma_wait3A_178 = tpu.memref_slice %arg3[%add3A_163, %dma_wait3A_177] : memref<1348x256xi32, #tpu.memory_space<hbm>> -> memref<56x256xi32, #tpu.memory_space<hbm>>
        %dma_wait3A_179 = arith.constant 12 : i32
        %dma_wait3A_180 = arith.constant 0 : i32
        %dma_wait3A_181 = tpu.memref_slice %arg6[%dma_wait3A_179, %dma_wait3A_180] : memref<68x256xi32, #tpu.memory_space<vmem>> -> memref<56x256xi32, #tpu.memory_space<vmem>>
        %dma_wait3A_182 = arith.constant 0 : i32
        %dma_wait3A_183 = tpu.memref_slice %arg3[%add3A_163, %dma_wait3A_182] : memref<1348x256xi32, #tpu.memory_space<hbm>> -> memref<56x256xi32, #tpu.memory_space<hbm>>
        tpu.wait_dma2 semaphore(%run_scoped3A : memref<!tpu.dma_semaphore, #tpu.memory_space<semaphore_mem>>) src(%dma_wait3A_183 : memref<56x256xi32, #tpu.memory_space<hbm>>) dst(%dma_wait3A_181 : memref<56x256xi32, #tpu.memory_space<vmem>>)
        tpu.yield
      }) : () -> ()
      "tpu.region"() ({
        %run_scoped3A = tpu.sem_alloc : memref<!tpu.dma_semaphore, #tpu.memory_space<semaphore_mem>>
        %dma_start3A_164 = arith.constant 12 : i32
        %dma_start3A_165 = arith.constant 0 : i32
        %dma_start3A_166 = tpu.memref_slice %arg7[%dma_start3A_164, %dma_start3A_165] : memref<68x256xi32, #tpu.memory_space<vmem>> -> memref<56x256xi32, #tpu.memory_space<vmem>>
        %dma_start3A_167 = arith.constant 0 : i32
        %dma_start3A_168 = tpu.memref_slice %arg4[%add3A_163, %dma_start3A_167] : memref<1348x256xi32, #tpu.memory_space<hbm>> -> memref<56x256xi32, #tpu.memory_space<hbm>>
        %dma_start3A_169 = arith.constant 12 : i32
        %dma_start3A_170 = arith.constant 0 : i32
        %dma_start3A_171 = tpu.memref_slice %arg7[%dma_start3A_169, %dma_start3A_170] : memref<68x256xi32, #tpu.memory_space<vmem>> -> memref<56x256xi32, #tpu.memory_space<vmem>>
        %dma_start3A_172 = arith.constant 0 : i32
        %dma_start3A_173 = tpu.memref_slice %arg4[%add3A_163, %dma_start3A_172] : memref<1348x256xi32, #tpu.memory_space<hbm>> -> memref<56x256xi32, #tpu.memory_space<hbm>>
        tpu.enqueue_dma source(%dma_start3A_173 : memref<56x256xi32, #tpu.memory_space<hbm>>) target(%dma_start3A_171 : memref<56x256xi32, #tpu.memory_space<vmem>>) target_semaphore(%run_scoped3A : memref<!tpu.dma_semaphore, #tpu.memory_space<semaphore_mem>>)
        %dma_wait3A_174 = arith.constant 12 : i32
        %dma_wait3A_175 = arith.constant 0 : i32
        %dma_wait3A_176 = tpu.memref_slice %arg7[%dma_wait3A_174, %dma_wait3A_175] : memref<68x256xi32, #tpu.memory_space<vmem>> -> memref<56x256xi32, #tpu.memory_space<vmem>>
        %dma_wait3A_177 = arith.constant 0 : i32
        %dma_wait3A_178 = tpu.memref_slice %arg4[%add3A_163, %dma_wait3A_177] : memref<1348x256xi32, #tpu.memory_space<hbm>> -> memref<56x256xi32, #tpu.memory_space<hbm>>
        %dma_wait3A_179 = arith.constant 12 : i32
        %dma_wait3A_180 = arith.constant 0 : i32
        %dma_wait3A_181 = tpu.memref_slice %arg7[%dma_wait3A_179, %dma_wait3A_180] : memref<68x256xi32, #tpu.memory_space<vmem>> -> memref<56x256xi32, #tpu.memory_space<vmem>>
        %dma_wait3A_182 = arith.constant 0 : i32
        %dma_wait3A_183 = tpu.memref_slice %arg4[%add3A_163, %dma_wait3A_182] : memref<1348x256xi32, #tpu.memory_space<hbm>> -> memref<56x256xi32, #tpu.memory_space<hbm>>
        tpu.wait_dma2 semaphore(%run_scoped3A : memref<!tpu.dma_semaphore, #tpu.memory_space<semaphore_mem>>) src(%dma_wait3A_183 : memref<56x256xi32, #tpu.memory_space<hbm>>) dst(%dma_wait3A_181 : memref<56x256xi32, #tpu.memory_space<vmem>>)
        tpu.yield
      }) : () -> ()
    } else {
    }
    %barrier3A = arith.constant 0 : index
    tpu.barrier barrier_id(%barrier3A)
    %dma_start3A = arith.constant 0 : i32
    %dma_start3A_20 = arith.constant 0 : i32
    %dma_start3A_21 = tpu.memref_slice %arg6[%dma_start3A, %dma_start3A_20] : memref<68x256xi32, #tpu.memory_space<vmem>> -> memref<1x256xi32, #tpu.memory_space<vmem>>
    %dma_start3A_22 = tpu.memref_squeeze %dma_start3A_21 : memref<1x256xi32, #tpu.memory_space<vmem>> -> memref<256xi32, #tpu.memory_space<vmem>>
    %dma_start3A_23 = arith.constant 0 : i32
    %dma_start3A_24 = arith.constant 0 : i32
    %dma_start3A_25 = tpu.memref_slice %arg2[%dma_start3A_23, %dma_start3A_24] : memref<10000x16xf32, #tpu.memory_space<hbm>> -> memref<10000x16xf32, #tpu.memory_space<hbm>>
    tpu.enqueue_indirect_dma source(%dma_start3A_25 : memref<10000x16xf32, #tpu.memory_space<hbm>>) target(%arg8 : memref<256x16xf32, #tpu.memory_space<vmem>>) offsets(%dma_start3A_22 : memref<256xi32, #tpu.memory_space<vmem>>) semaphore(%arg14 : memref<!tpu.dma_semaphore, #tpu.memory_space<semaphore_mem>>)
    %dma_start3A_26 = arith.constant 1 : i32
    %dma_start3A_27 = arith.constant 0 : i32
    %dma_start3A_28 = tpu.memref_slice %arg6[%dma_start3A_26, %dma_start3A_27] : memref<68x256xi32, #tpu.memory_space<vmem>> -> memref<1x256xi32, #tpu.memory_space<vmem>>
    %dma_start3A_29 = tpu.memref_squeeze %dma_start3A_28 : memref<1x256xi32, #tpu.memory_space<vmem>> -> memref<256xi32, #tpu.memory_space<vmem>>
    %dma_start3A_30 = arith.constant 0 : i32
    %dma_start3A_31 = arith.constant 0 : i32
    %dma_start3A_32 = tpu.memref_slice %arg2[%dma_start3A_30, %dma_start3A_31] : memref<10000x16xf32, #tpu.memory_space<hbm>> -> memref<10000x16xf32, #tpu.memory_space<hbm>>
    tpu.enqueue_indirect_dma source(%dma_start3A_32 : memref<10000x16xf32, #tpu.memory_space<hbm>>) target(%arg9 : memref<256x16xf32, #tpu.memory_space<vmem>>) offsets(%dma_start3A_29 : memref<256xi32, #tpu.memory_space<vmem>>) semaphore(%arg15 : memref<!tpu.dma_semaphore, #tpu.memory_space<semaphore_mem>>)
    %dma_wait3A = arith.constant 0 : i32
    %dma_wait3A_33 = arith.constant 0 : i32
    %dma_wait3A_34 = tpu.memref_slice %arg6[%dma_wait3A, %dma_wait3A_33] : memref<68x256xi32, #tpu.memory_space<vmem>> -> memref<1x256xi32, #tpu.memory_space<vmem>>
    %dma_wait3A_35 = tpu.memref_squeeze %dma_wait3A_34 : memref<1x256xi32, #tpu.memory_space<vmem>> -> memref<256xi32, #tpu.memory_space<vmem>>
    %dma_wait3A_36 = arith.constant 0 : i32
    %dma_wait3A_37 = arith.constant 0 : i32
    %dma_wait3A_38 = tpu.memref_slice %arg2[%dma_wait3A_36, %dma_wait3A_37] : memref<10000x16xf32, #tpu.memory_space<hbm>> -> memref<10000x16xf32, #tpu.memory_space<hbm>>
    tpu.wait_indirect_dma semaphore(%arg14 : memref<!tpu.dma_semaphore, #tpu.memory_space<semaphore_mem>>) src(%dma_wait3A_38 : memref<10000x16xf32, #tpu.memory_space<hbm>>) dst(%arg8 : memref<256x16xf32, #tpu.memory_space<vmem>>)
    %dma_start3A_39 = arith.constant 0 : i32
    %dma_start3A_40 = arith.constant 0 : i32
    %dma_start3A_41 = tpu.memref_slice %arg7[%dma_start3A_39, %dma_start3A_40] : memref<68x256xi32, #tpu.memory_space<vmem>> -> memref<1x256xi32, #tpu.memory_space<vmem>>
    %dma_start3A_42 = tpu.memref_squeeze %dma_start3A_41 : memref<1x256xi32, #tpu.memory_space<vmem>> -> memref<256xi32, #tpu.memory_space<vmem>>
    %dma_start3A_43 = arith.constant 0 : i32
    %dma_start3A_44 = arith.constant 0 : i32
    %dma_start3A_45 = tpu.memref_slice %arg13[%dma_start3A_43, %dma_start3A_44] : memref<10112x16xf32, #tpu.memory_space<vmem_shared>> -> memref<10112x16xf32, #tpu.memory_space<vmem_shared>>
    tpu.enqueue_indirect_dma source(%arg8 : memref<256x16xf32, #tpu.memory_space<vmem>>) target(%dma_start3A_45 : memref<10112x16xf32, #tpu.memory_space<vmem_shared>>) offsets(%dma_start3A_42 : memref<256xi32, #tpu.memory_space<vmem>>) semaphore(%arg18 : memref<!tpu.dma_semaphore, #tpu.memory_space<semaphore_mem>>) {add = true}
    %dma_start3A_46 = arith.constant 2 : i32
    %dma_start3A_47 = arith.constant 0 : i32
    %dma_start3A_48 = tpu.memref_slice %arg6[%dma_start3A_46, %dma_start3A_47] : memref<68x256xi32, #tpu.memory_space<vmem>> -> memref<1x256xi32, #tpu.memory_space<vmem>>
    %dma_start3A_49 = tpu.memref_squeeze %dma_start3A_48 : memref<1x256xi32, #tpu.memory_space<vmem>> -> memref<256xi32, #tpu.memory_space<vmem>>
    %dma_start3A_50 = arith.constant 0 : i32
    %dma_start3A_51 = arith.constant 0 : i32
    %dma_start3A_52 = tpu.memref_slice %arg2[%dma_start3A_50, %dma_start3A_51] : memref<10000x16xf32, #tpu.memory_space<hbm>> -> memref<10000x16xf32, #tpu.memory_space<hbm>>
    tpu.enqueue_indirect_dma source(%dma_start3A_52 : memref<10000x16xf32, #tpu.memory_space<hbm>>) target(%arg10 : memref<256x16xf32, #tpu.memory_space<vmem>>) offsets(%dma_start3A_49 : memref<256xi32, #tpu.memory_space<vmem>>) semaphore(%arg16 : memref<!tpu.dma_semaphore, #tpu.memory_space<semaphore_mem>>)
    %dma_wait3A_53 = arith.constant 0 : i32
    %dma_wait3A_54 = arith.constant 0 : i32
    %dma_wait3A_55 = tpu.memref_slice %arg6[%dma_wait3A_53, %dma_wait3A_54] : memref<68x256xi32, #tpu.memory_space<vmem>> -> memref<1x256xi32, #tpu.memory_space<vmem>>
    %dma_wait3A_56 = tpu.memref_squeeze %dma_wait3A_55 : memref<1x256xi32, #tpu.memory_space<vmem>> -> memref<256xi32, #tpu.memory_space<vmem>>
    %dma_wait3A_57 = arith.constant 0 : i32
    %dma_wait3A_58 = arith.constant 0 : i32
    %dma_wait3A_59 = tpu.memref_slice %arg2[%dma_wait3A_57, %dma_wait3A_58] : memref<10000x16xf32, #tpu.memory_space<hbm>> -> memref<10000x16xf32, #tpu.memory_space<hbm>>
    tpu.wait_indirect_dma semaphore(%arg15 : memref<!tpu.dma_semaphore, #tpu.memory_space<semaphore_mem>>) src(%dma_wait3A_59 : memref<10000x16xf32, #tpu.memory_space<hbm>>) dst(%arg9 : memref<256x16xf32, #tpu.memory_space<vmem>>)
    %dma_start3A_60 = arith.constant 1 : i32
    %dma_start3A_61 = arith.constant 0 : i32
    %dma_start3A_62 = tpu.memref_slice %arg7[%dma_start3A_60, %dma_start3A_61] : memref<68x256xi32, #tpu.memory_space<vmem>> -> memref<1x256xi32, #tpu.memory_space<vmem>>
    %dma_start3A_63 = tpu.memref_squeeze %dma_start3A_62 : memref<1x256xi32, #tpu.memory_space<vmem>> -> memref<256xi32, #tpu.memory_space<vmem>>
    %dma_start3A_64 = arith.constant 0 : i32
    %dma_start3A_65 = arith.constant 0 : i32
    %dma_start3A_66 = tpu.memref_slice %arg13[%dma_start3A_64, %dma_start3A_65] : memref<10112x16xf32, #tpu.memory_space<vmem_shared>> -> memref<10112x16xf32, #tpu.memory_space<vmem_shared>>
    tpu.enqueue_indirect_dma source(%arg9 : memref<256x16xf32, #tpu.memory_space<vmem>>) target(%dma_start3A_66 : memref<10112x16xf32, #tpu.memory_space<vmem_shared>>) offsets(%dma_start3A_63 : memref<256xi32, #tpu.memory_space<vmem>>) semaphore(%arg19 : memref<!tpu.dma_semaphore, #tpu.memory_space<semaphore_mem>>) {add = true}
    %dma_start3A_67 = arith.constant 3 : i32
    %dma_start3A_68 = arith.constant 0 : i32
    %dma_start3A_69 = tpu.memref_slice %arg6[%dma_start3A_67, %dma_start3A_68] : memref<68x256xi32, #tpu.memory_space<vmem>> -> memref<1x256xi32, #tpu.memory_space<vmem>>
    %dma_start3A_70 = tpu.memref_squeeze %dma_start3A_69 : memref<1x256xi32, #tpu.memory_space<vmem>> -> memref<256xi32, #tpu.memory_space<vmem>>
    %dma_start3A_71 = arith.constant 0 : i32
    %dma_start3A_72 = arith.constant 0 : i32
    %dma_start3A_73 = tpu.memref_slice %arg2[%dma_start3A_71, %dma_start3A_72] : memref<10000x16xf32, #tpu.memory_space<hbm>> -> memref<10000x16xf32, #tpu.memory_space<hbm>>
    tpu.enqueue_indirect_dma source(%dma_start3A_73 : memref<10000x16xf32, #tpu.memory_space<hbm>>) target(%arg11 : memref<256x16xf32, #tpu.memory_space<vmem>>) offsets(%dma_start3A_70 : memref<256xi32, #tpu.memory_space<vmem>>) semaphore(%arg17 : memref<!tpu.dma_semaphore, #tpu.memory_space<semaphore_mem>>)
    %sub3A = arith.constant 4 : i32
    %sub3A_74 = arith.subi %select_n3A, %sub3A : i32
    %jit3A_75 = arith.constant 4 : i32
    %div3A = arith.divsi %sub3A_74, %jit3A_75 : i32
    %sign3A = arith.constant 0 : i32
    %sign3A_76 = arith.cmpi sgt, %sub3A_74, %sign3A : i32
    %sign3A_77 = arith.extui %sign3A_76 : i1 to i32
    %sign3A_78 = arith.constant 0 : i32
    %sign3A_79 = arith.cmpi slt, %sub3A_74, %sign3A_78 : i32
    %sign3A_80 = arith.extui %sign3A_79 : i1 to i32
    %sign3A_81 = arith.subi %sign3A_77, %sign3A_80 : i32
    %sign3A_82 = arith.constant 0 : i32
    %sign3A_83 = arith.cmpi sgt, %jit3A_75, %sign3A_82 : i32
    %sign3A_84 = arith.extui %sign3A_83 : i1 to i32
    %sign3A_85 = arith.constant 0 : i32
    %sign3A_86 = arith.cmpi slt, %jit3A_75, %sign3A_85 : i32
    %sign3A_87 = arith.extui %sign3A_86 : i1 to i32
    %sign3A_88 = arith.subi %sign3A_84, %sign3A_87 : i32
    %ne3A = arith.cmpi ne, %sign3A_81, %sign3A_88 : i32
    %rem3A = arith.remsi %sub3A_74, %jit3A_75 : i32
    %ne3A_89 = arith.constant 0 : i32
    %ne3A_90 = arith.cmpi ne, %rem3A, %ne3A_89 : i32
    %and3A = arith.andi %ne3A, %ne3A_90 : i1
    %sub3A_91 = arith.constant 1 : i32
    %sub3A_92 = arith.subi %div3A, %sub3A_91 : i32
    %select_n3A_93 = arith.select %and3A, %sub3A_92, %div3A : i32
    %while3A = arith.constant 0 : i32
    %while3A_94 = arith.constant 0 : i32
    %while3A_95 = arith.subi %select_n3A_93, %while3A_94 : i32
    %while3A_96 = arith.addi %while3A_94, %while3A_95 : i32
    %while3A_97 = arith.constant 1 : i32
    %while3A_98 = arith.divsi %while3A_95, %while3A_97 : i32
    %while3A_99 = arith.muli %while3A_98, %while3A_97 : i32
    %while3A_100 = arith.addi %while3A_94, %while3A_99 : i32
    %while3A_101 = arith.constant 1 : i32
    scf.for %while3A_162 = %while3A_94 to %while3A_100 step %while3A_101  : i32 {
      %mul3A_163 = arith.constant 4 : i32
      %mul3A_164 = arith.muli %while3A_162, %mul3A_163 : i32
      %add3A_165 = arith.constant 0 : i32
      %add3A_166 = arith.addi %mul3A_164, %add3A_165 : i32
      %add3A_167 = arith.constant 2 : i32
      %add3A_168 = arith.addi %add3A_166, %add3A_167 : i32
      %dma_wait3A_169 = arith.constant 0 : i32
      %dma_wait3A_170 = arith.constant 0 : i32
      %dma_wait3A_171 = tpu.memref_slice %arg6[%dma_wait3A_169, %dma_wait3A_170] : memref<68x256xi32, #tpu.memory_space<vmem>> -> memref<1x256xi32, #tpu.memory_space<vmem>>
      %dma_wait3A_172 = tpu.memref_squeeze %dma_wait3A_171 : memref<1x256xi32, #tpu.memory_space<vmem>> -> memref<256xi32, #tpu.memory_space<vmem>>
      %dma_wait3A_173 = arith.constant 0 : i32
      %dma_wait3A_174 = arith.constant 0 : i32
      %dma_wait3A_175 = tpu.memref_slice %arg2[%dma_wait3A_173, %dma_wait3A_174] : memref<10000x16xf32, #tpu.memory_space<hbm>> -> memref<10000x16xf32, #tpu.memory_space<hbm>>
      tpu.wait_indirect_dma semaphore(%arg16 : memref<!tpu.dma_semaphore, #tpu.memory_space<semaphore_mem>>) src(%dma_wait3A_175 : memref<10000x16xf32, #tpu.memory_space<hbm>>) dst(%arg10 : memref<256x16xf32, #tpu.memory_space<vmem>>)
      %dma_start3A_176 = arith.constant 0 : i32
      %dma_start3A_177 = tpu.memref_slice %arg7[%add3A_168, %dma_start3A_176] : memref<68x256xi32, #tpu.memory_space<vmem>> -> memref<1x256xi32, #tpu.memory_space<vmem>>
      %dma_start3A_178 = tpu.memref_squeeze %dma_start3A_177 : memref<1x256xi32, #tpu.memory_space<vmem>> -> memref<256xi32, #tpu.memory_space<vmem>>
      %dma_start3A_179 = arith.constant 0 : i32
      %dma_start3A_180 = arith.constant 0 : i32
      %dma_start3A_181 = tpu.memref_slice %arg13[%dma_start3A_179, %dma_start3A_180] : memref<10112x16xf32, #tpu.memory_space<vmem_shared>> -> memref<10112x16xf32, #tpu.memory_space<vmem_shared>>
      tpu.enqueue_indirect_dma source(%arg10 : memref<256x16xf32, #tpu.memory_space<vmem>>) target(%dma_start3A_181 : memref<10112x16xf32, #tpu.memory_space<vmem_shared>>) offsets(%dma_start3A_178 : memref<256xi32, #tpu.memory_space<vmem>>) semaphore(%arg20 : memref<!tpu.dma_semaphore, #tpu.memory_space<semaphore_mem>>) {add = true}
      %dma_wait3A_182 = arith.constant 0 : i32
      %dma_wait3A_183 = arith.constant 0 : i32
      %dma_wait3A_184 = tpu.memref_slice %arg7[%dma_wait3A_182, %dma_wait3A_183] : memref<68x256xi32, #tpu.memory_space<vmem>> -> memref<1x256xi32, #tpu.memory_space<vmem>>
      %dma_wait3A_185 = tpu.memref_squeeze %dma_wait3A_184 : memref<1x256xi32, #tpu.memory_space<vmem>> -> memref<256xi32, #tpu.memory_space<vmem>>
      %dma_wait3A_186 = arith.constant 0 : i32
      %dma_wait3A_187 = arith.constant 0 : i32
      %dma_wait3A_188 = tpu.memref_slice %arg13[%dma_wait3A_186, %dma_wait3A_187] : memref<10112x16xf32, #tpu.memory_space<vmem_shared>> -> memref<10112x16xf32, #tpu.memory_space<vmem_shared>>
      tpu.wait_indirect_dma semaphore(%arg18 : memref<!tpu.dma_semaphore, #tpu.memory_space<semaphore_mem>>) src(%arg8 : memref<256x16xf32, #tpu.memory_space<vmem>>) dst(%dma_wait3A_188 : memref<10112x16xf32, #tpu.memory_space<vmem_shared>>)
      %add3A_189 = arith.constant 2 : i32
      %add3A_190 = arith.addi %add3A_168, %add3A_189 : i32
      %dma_start3A_191 = arith.constant 0 : i32
      %dma_start3A_192 = tpu.memref_slice %arg6[%add3A_190, %dma_start3A_191] : memref<68x256xi32, #tpu.memory_space<vmem>> -> memref<1x256xi32, #tpu.memory_space<vmem>>
      %dma_start3A_193 = tpu.memref_squeeze %dma_start3A_192 : memref<1x256xi32, #tpu.memory_space<vmem>> -> memref<256xi32, #tpu.memory_space<vmem>>
      %dma_start3A_194 = arith.constant 0 : i32
      %dma_start3A_195 = arith.constant 0 : i32
      %dma_start3A_196 = tpu.memref_slice %arg2[%dma_start3A_194, %dma_start3A_195] : memref<10000x16xf32, #tpu.memory_space<hbm>> -> memref<10000x16xf32, #tpu.memory_space<hbm>>
      tpu.enqueue_indirect_dma source(%dma_start3A_196 : memref<10000x16xf32, #tpu.memory_space<hbm>>) target(%arg8 : memref<256x16xf32, #tpu.memory_space<vmem>>) offsets(%dma_start3A_193 : memref<256xi32, #tpu.memory_space<vmem>>) semaphore(%arg14 : memref<!tpu.dma_semaphore, #tpu.memory_space<semaphore_mem>>)
      %mul3A_197 = arith.constant 4 : i32
      %mul3A_198 = arith.muli %while3A_162, %mul3A_197 : i32
      %add3A_199 = arith.constant 1 : i32
      %add3A_200 = arith.addi %mul3A_198, %add3A_199 : i32
      %add3A_201 = arith.constant 2 : i32
      %add3A_202 = arith.addi %add3A_200, %add3A_201 : i32
      %dma_wait3A_203 = arith.constant 0 : i32
      %dma_wait3A_204 = arith.constant 0 : i32
      %dma_wait3A_205 = tpu.memref_slice %arg6[%dma_wait3A_203, %dma_wait3A_204] : memref<68x256xi32, #tpu.memory_space<vmem>> -> memref<1x256xi32, #tpu.memory_space<vmem>>
      %dma_wait3A_206 = tpu.memref_squeeze %dma_wait3A_205 : memref<1x256xi32, #tpu.memory_space<vmem>> -> memref<256xi32, #tpu.memory_space<vmem>>
      %dma_wait3A_207 = arith.constant 0 : i32
      %dma_wait3A_208 = arith.constant 0 : i32
      %dma_wait3A_209 = tpu.memref_slice %arg2[%dma_wait3A_207, %dma_wait3A_208] : memref<10000x16xf32, #tpu.memory_space<hbm>> -> memref<10000x16xf32, #tpu.memory_space<hbm>>
      tpu.wait_indirect_dma semaphore(%arg17 : memref<!tpu.dma_semaphore, #tpu.memory_space<semaphore_mem>>) src(%dma_wait3A_209 : memref<10000x16xf32, #tpu.memory_space<hbm>>) dst(%arg11 : memref<256x16xf32, #tpu.memory_space<vmem>>)
      %dma_start3A_210 = arith.constant 0 : i32
      %dma_start3A_211 = tpu.memref_slice %arg7[%add3A_202, %dma_start3A_210] : memref<68x256xi32, #tpu.memory_space<vmem>> -> memref<1x256xi32, #tpu.memory_space<vmem>>
      %dma_start3A_212 = tpu.memref_squeeze %dma_start3A_211 : memref<1x256xi32, #tpu.memory_space<vmem>> -> memref<256xi32, #tpu.memory_space<vmem>>
      %dma_start3A_213 = arith.constant 0 : i32
      %dma_start3A_214 = arith.constant 0 : i32
      %dma_start3A_215 = tpu.memref_slice %arg13[%dma_start3A_213, %dma_start3A_214] : memref<10112x16xf32, #tpu.memory_space<vmem_shared>> -> memref<10112x16xf32, #tpu.memory_space<vmem_shared>>
      tpu.enqueue_indirect_dma source(%arg11 : memref<256x16xf32, #tpu.memory_space<vmem>>) target(%dma_start3A_215 : memref<10112x16xf32, #tpu.memory_space<vmem_shared>>) offsets(%dma_start3A_212 : memref<256xi32, #tpu.memory_space<vmem>>) semaphore(%arg21 : memref<!tpu.dma_semaphore, #tpu.memory_space<semaphore_mem>>) {add = true}
      %dma_wait3A_216 = arith.constant 0 : i32
      %dma_wait3A_217 = arith.constant 0 : i32
      %dma_wait3A_218 = tpu.memref_slice %arg7[%dma_wait3A_216, %dma_wait3A_217] : memref<68x256xi32, #tpu.memory_space<vmem>> -> memref<1x256xi32, #tpu.memory_space<vmem>>
      %dma_wait3A_219 = tpu.memref_squeeze %dma_wait3A_218 : memref<1x256xi32, #tpu.memory_space<vmem>> -> memref<256xi32, #tpu.memory_space<vmem>>
      %dma_wait3A_220 = arith.constant 0 : i32
      %dma_wait3A_221 = arith.constant 0 : i32
      %dma_wait3A_222 = tpu.memref_slice %arg13[%dma_wait3A_220, %dma_wait3A_221] : memref<10112x16xf32, #tpu.memory_space<vmem_shared>> -> memref<10112x16xf32, #tpu.memory_space<vmem_shared>>
      tpu.wait_indirect_dma semaphore(%arg19 : memref<!tpu.dma_semaphore, #tpu.memory_space<semaphore_mem>>) src(%arg9 : memref<256x16xf32, #tpu.memory_space<vmem>>) dst(%dma_wait3A_222 : memref<10112x16xf32, #tpu.memory_space<vmem_shared>>)
      %add3A_223 = arith.constant 2 : i32
      %add3A_224 = arith.addi %add3A_202, %add3A_223 : i32
      %dma_start3A_225 = arith.constant 0 : i32
      %dma_start3A_226 = tpu.memref_slice %arg6[%add3A_224, %dma_start3A_225] : memref<68x256xi32, #tpu.memory_space<vmem>> -> memref<1x256xi32, #tpu.memory_space<vmem>>
      %dma_start3A_227 = tpu.memref_squeeze %dma_start3A_226 : memref<1x256xi32, #tpu.memory_space<vmem>> -> memref<256xi32, #tpu.memory_space<vmem>>
      %dma_start3A_228 = arith.constant 0 : i32
      %dma_start3A_229 = arith.constant 0 : i32
      %dma_start3A_230 = tpu.memref_slice %arg2[%dma_start3A_228, %dma_start3A_229] : memref<10000x16xf32, #tpu.memory_space<hbm>> -> memref<10000x16xf32, #tpu.memory_space<hbm>>
      tpu.enqueue_indirect_dma source(%dma_start3A_230 : memref<10000x16xf32, #tpu.memory_space<hbm>>) target(%arg9 : memref<256x16xf32, #tpu.memory_space<vmem>>) offsets(%dma_start3A_227 : memref<256xi32, #tpu.memory_space<vmem>>) semaphore(%arg15 : memref<!tpu.dma_semaphore, #tpu.memory_space<semaphore_mem>>)
      %mul3A_231 = arith.constant 4 : i32
      %mul3A_232 = arith.muli %while3A_162, %mul3A_231 : i32
      %add3A_233 = arith.constant 2 : i32
      %add3A_234 = arith.addi %mul3A_232, %add3A_233 : i32
      %add3A_235 = arith.constant 2 : i32
      %add3A_236 = arith.addi %add3A_234, %add3A_235 : i32
      %dma_wait3A_237 = arith.constant 0 : i32
      %dma_wait3A_238 = arith.constant 0 : i32
      %dma_wait3A_239 = tpu.memref_slice %arg6[%dma_wait3A_237, %dma_wait3A_238] : memref<68x256xi32, #tpu.memory_space<vmem>> -> memref<1x256xi32, #tpu.memory_space<vmem>>
      %dma_wait3A_240 = tpu.memref_squeeze %dma_wait3A_239 : memref<1x256xi32, #tpu.memory_space<vmem>> -> memref<256xi32, #tpu.memory_space<vmem>>
      %dma_wait3A_241 = arith.constant 0 : i32
      %dma_wait3A_242 = arith.constant 0 : i32
      %dma_wait3A_243 = tpu.memref_slice %arg2[%dma_wait3A_241, %dma_wait3A_242] : memref<10000x16xf32, #tpu.memory_space<hbm>> -> memref<10000x16xf32, #tpu.memory_space<hbm>>
      tpu.wait_indirect_dma semaphore(%arg14 : memref<!tpu.dma_semaphore, #tpu.memory_space<semaphore_mem>>) src(%dma_wait3A_243 : memref<10000x16xf32, #tpu.memory_space<hbm>>) dst(%arg8 : memref<256x16xf32, #tpu.memory_space<vmem>>)
      %dma_start3A_244 = arith.constant 0 : i32
      %dma_start3A_245 = tpu.memref_slice %arg7[%add3A_236, %dma_start3A_244] : memref<68x256xi32, #tpu.memory_space<vmem>> -> memref<1x256xi32, #tpu.memory_space<vmem>>
      %dma_start3A_246 = tpu.memref_squeeze %dma_start3A_245 : memref<1x256xi32, #tpu.memory_space<vmem>> -> memref<256xi32, #tpu.memory_space<vmem>>
      %dma_start3A_247 = arith.constant 0 : i32
      %dma_start3A_248 = arith.constant 0 : i32
      %dma_start3A_249 = tpu.memref_slice %arg13[%dma_start3A_247, %dma_start3A_248] : memref<10112x16xf32, #tpu.memory_space<vmem_shared>> -> memref<10112x16xf32, #tpu.memory_space<vmem_shared>>
      tpu.enqueue_indirect_dma source(%arg8 : memref<256x16xf32, #tpu.memory_space<vmem>>) target(%dma_start3A_249 : memref<10112x16xf32, #tpu.memory_space<vmem_shared>>) offsets(%dma_start3A_246 : memref<256xi32, #tpu.memory_space<vmem>>) semaphore(%arg18 : memref<!tpu.dma_semaphore, #tpu.memory_space<semaphore_mem>>) {add = true}
      %dma_wait3A_250 = arith.constant 0 : i32
      %dma_wait3A_251 = arith.constant 0 : i32
      %dma_wait3A_252 = tpu.memref_slice %arg7[%dma_wait3A_250, %dma_wait3A_251] : memref<68x256xi32, #tpu.memory_space<vmem>> -> memref<1x256xi32, #tpu.memory_space<vmem>>
      %dma_wait3A_253 = tpu.memref_squeeze %dma_wait3A_252 : memref<1x256xi32, #tpu.memory_space<vmem>> -> memref<256xi32, #tpu.memory_space<vmem>>
      %dma_wait3A_254 = arith.constant 0 : i32
      %dma_wait3A_255 = arith.constant 0 : i32
      %dma_wait3A_256 = tpu.memref_slice %arg13[%dma_wait3A_254, %dma_wait3A_255] : memref<10112x16xf32, #tpu.memory_space<vmem_shared>> -> memref<10112x16xf32, #tpu.memory_space<vmem_shared>>
      tpu.wait_indirect_dma semaphore(%arg20 : memref<!tpu.dma_semaphore, #tpu.memory_space<semaphore_mem>>) src(%arg10 : memref<256x16xf32, #tpu.memory_space<vmem>>) dst(%dma_wait3A_256 : memref<10112x16xf32, #tpu.memory_space<vmem_shared>>)
      %add3A_257 = arith.constant 2 : i32
      %add3A_258 = arith.addi %add3A_236, %add3A_257 : i32
      %dma_start3A_259 = arith.constant 0 : i32
      %dma_start3A_260 = tpu.memref_slice %arg6[%add3A_258, %dma_start3A_259] : memref<68x256xi32, #tpu.memory_space<vmem>> -> memref<1x256xi32, #tpu.memory_space<vmem>>
      %dma_start3A_261 = tpu.memref_squeeze %dma_start3A_260 : memref<1x256xi32, #tpu.memory_space<vmem>> -> memref<256xi32, #tpu.memory_space<vmem>>
      %dma_start3A_262 = arith.constant 0 : i32
      %dma_start3A_263 = arith.constant 0 : i32
      %dma_start3A_264 = tpu.memref_slice %arg2[%dma_start3A_262, %dma_start3A_263] : memref<10000x16xf32, #tpu.memory_space<hbm>> -> memref<10000x16xf32, #tpu.memory_space<hbm>>
      tpu.enqueue_indirect_dma source(%dma_start3A_264 : memref<10000x16xf32, #tpu.memory_space<hbm>>) target(%arg10 : memref<256x16xf32, #tpu.memory_space<vmem>>) offsets(%dma_start3A_261 : memref<256xi32, #tpu.memory_space<vmem>>) semaphore(%arg16 : memref<!tpu.dma_semaphore, #tpu.memory_space<semaphore_mem>>)
      %mul3A_265 = arith.constant 4 : i32
      %mul3A_266 = arith.muli %while3A_162, %mul3A_265 : i32
      %add3A_267 = arith.constant 3 : i32
      %add3A_268 = arith.addi %mul3A_266, %add3A_267 : i32
      %add3A_269 = arith.constant 2 : i32
      %add3A_270 = arith.addi %add3A_268, %add3A_269 : i32
      %dma_wait3A_271 = arith.constant 0 : i32
      %dma_wait3A_272 = arith.constant 0 : i32
      %dma_wait3A_273 = tpu.memref_slice %arg6[%dma_wait3A_271, %dma_wait3A_272] : memref<68x256xi32, #tpu.memory_space<vmem>> -> memref<1x256xi32, #tpu.memory_space<vmem>>
      %dma_wait3A_274 = tpu.memref_squeeze %dma_wait3A_273 : memref<1x256xi32, #tpu.memory_space<vmem>> -> memref<256xi32, #tpu.memory_space<vmem>>
      %dma_wait3A_275 = arith.constant 0 : i32
      %dma_wait3A_276 = arith.constant 0 : i32
      %dma_wait3A_277 = tpu.memref_slice %arg2[%dma_wait3A_275, %dma_wait3A_276] : memref<10000x16xf32, #tpu.memory_space<hbm>> -> memref<10000x16xf32, #tpu.memory_space<hbm>>
      tpu.wait_indirect_dma semaphore(%arg15 : memref<!tpu.dma_semaphore, #tpu.memory_space<semaphore_mem>>) src(%dma_wait3A_277 : memref<10000x16xf32, #tpu.memory_space<hbm>>) dst(%arg9 : memref<256x16xf32, #tpu.memory_space<vmem>>)
      %dma_start3A_278 = arith.constant 0 : i32
      %dma_start3A_279 = tpu.memref_slice %arg7[%add3A_270, %dma_start3A_278] : memref<68x256xi32, #tpu.memory_space<vmem>> -> memref<1x256xi32, #tpu.memory_space<vmem>>
      %dma_start3A_280 = tpu.memref_squeeze %dma_start3A_279 : memref<1x256xi32, #tpu.memory_space<vmem>> -> memref<256xi32, #tpu.memory_space<vmem>>
      %dma_start3A_281 = arith.constant 0 : i32
      %dma_start3A_282 = arith.constant 0 : i32
      %dma_start3A_283 = tpu.memref_slice %arg13[%dma_start3A_281, %dma_start3A_282] : memref<10112x16xf32, #tpu.memory_space<vmem_shared>> -> memref<10112x16xf32, #tpu.memory_space<vmem_shared>>
      tpu.enqueue_indirect_dma source(%arg9 : memref<256x16xf32, #tpu.memory_space<vmem>>) target(%dma_start3A_283 : memref<10112x16xf32, #tpu.memory_space<vmem_shared>>) offsets(%dma_start3A_280 : memref<256xi32, #tpu.memory_space<vmem>>) semaphore(%arg19 : memref<!tpu.dma_semaphore, #tpu.memory_space<semaphore_mem>>) {add = true}
      %dma_wait3A_284 = arith.constant 0 : i32
      %dma_wait3A_285 = arith.constant 0 : i32
      %dma_wait3A_286 = tpu.memref_slice %arg7[%dma_wait3A_284, %dma_wait3A_285] : memref<68x256xi32, #tpu.memory_space<vmem>> -> memref<1x256xi32, #tpu.memory_space<vmem>>
      %dma_wait3A_287 = tpu.memref_squeeze %dma_wait3A_286 : memref<1x256xi32, #tpu.memory_space<vmem>> -> memref<256xi32, #tpu.memory_space<vmem>>
      %dma_wait3A_288 = arith.constant 0 : i32
      %dma_wait3A_289 = arith.constant 0 : i32
      %dma_wait3A_290 = tpu.memref_slice %arg13[%dma_wait3A_288, %dma_wait3A_289] : memref<10112x16xf32, #tpu.memory_space<vmem_shared>> -> memref<10112x16xf32, #tpu.memory_space<vmem_shared>>
      tpu.wait_indirect_dma semaphore(%arg21 : memref<!tpu.dma_semaphore, #tpu.memory_space<semaphore_mem>>) src(%arg11 : memref<256x16xf32, #tpu.memory_space<vmem>>) dst(%dma_wait3A_290 : memref<10112x16xf32, #tpu.memory_space<vmem_shared>>)
      %add3A_291 = arith.constant 2 : i32
      %add3A_292 = arith.addi %add3A_270, %add3A_291 : i32
      %dma_start3A_293 = arith.constant 0 : i32
      %dma_start3A_294 = tpu.memref_slice %arg6[%add3A_292, %dma_start3A_293] : memref<68x256xi32, #tpu.memory_space<vmem>> -> memref<1x256xi32, #tpu.memory_space<vmem>>
      %dma_start3A_295 = tpu.memref_squeeze %dma_start3A_294 : memref<1x256xi32, #tpu.memory_space<vmem>> -> memref<256xi32, #tpu.memory_space<vmem>>
      %dma_start3A_296 = arith.constant 0 : i32
      %dma_start3A_297 = arith.constant 0 : i32
      %dma_start3A_298 = tpu.memref_slice %arg2[%dma_start3A_296, %dma_start3A_297] : memref<10000x16xf32, #tpu.memory_space<hbm>> -> memref<10000x16xf32, #tpu.memory_space<hbm>>
      tpu.enqueue_indirect_dma source(%dma_start3A_298 : memref<10000x16xf32, #tpu.memory_space<hbm>>) target(%arg11 : memref<256x16xf32, #tpu.memory_space<vmem>>) offsets(%dma_start3A_295 : memref<256xi32, #tpu.memory_space<vmem>>) semaphore(%arg17 : memref<!tpu.dma_semaphore, #tpu.memory_space<semaphore_mem>>)
    }
    %while3A_102 = arith.constant 1 : i32
    scf.for %while3A_162 = %while3A_100 to %while3A_96 step %while3A_102  : i32 {
      %mul3A_163 = arith.constant 4 : i32
      %mul3A_164 = arith.muli %while3A_162, %mul3A_163 : i32
      %add3A_165 = arith.constant 0 : i32
      %add3A_166 = arith.addi %mul3A_164, %add3A_165 : i32
      %add3A_167 = arith.constant 2 : i32
      %add3A_168 = arith.addi %add3A_166, %add3A_167 : i32
      %dma_wait3A_169 = arith.constant 0 : i32
      %dma_wait3A_170 = arith.constant 0 : i32
      %dma_wait3A_171 = tpu.memref_slice %arg6[%dma_wait3A_169, %dma_wait3A_170] : memref<68x256xi32, #tpu.memory_space<vmem>> -> memref<1x256xi32, #tpu.memory_space<vmem>>
      %dma_wait3A_172 = tpu.memref_squeeze %dma_wait3A_171 : memref<1x256xi32, #tpu.memory_space<vmem>> -> memref<256xi32, #tpu.memory_space<vmem>>
      %dma_wait3A_173 = arith.constant 0 : i32
      %dma_wait3A_174 = arith.constant 0 : i32
      %dma_wait3A_175 = tpu.memref_slice %arg2[%dma_wait3A_173, %dma_wait3A_174] : memref<10000x16xf32, #tpu.memory_space<hbm>> -> memref<10000x16xf32, #tpu.memory_space<hbm>>
      tpu.wait_indirect_dma semaphore(%arg16 : memref<!tpu.dma_semaphore, #tpu.memory_space<semaphore_mem>>) src(%dma_wait3A_175 : memref<10000x16xf32, #tpu.memory_space<hbm>>) dst(%arg10 : memref<256x16xf32, #tpu.memory_space<vmem>>)
      %dma_start3A_176 = arith.constant 0 : i32
      %dma_start3A_177 = tpu.memref_slice %arg7[%add3A_168, %dma_start3A_176] : memref<68x256xi32, #tpu.memory_space<vmem>> -> memref<1x256xi32, #tpu.memory_space<vmem>>
      %dma_start3A_178 = tpu.memref_squeeze %dma_start3A_177 : memref<1x256xi32, #tpu.memory_space<vmem>> -> memref<256xi32, #tpu.memory_space<vmem>>
      %dma_start3A_179 = arith.constant 0 : i32
      %dma_start3A_180 = arith.constant 0 : i32
      %dma_start3A_181 = tpu.memref_slice %arg13[%dma_start3A_179, %dma_start3A_180] : memref<10112x16xf32, #tpu.memory_space<vmem_shared>> -> memref<10112x16xf32, #tpu.memory_space<vmem_shared>>
      tpu.enqueue_indirect_dma source(%arg10 : memref<256x16xf32, #tpu.memory_space<vmem>>) target(%dma_start3A_181 : memref<10112x16xf32, #tpu.memory_space<vmem_shared>>) offsets(%dma_start3A_178 : memref<256xi32, #tpu.memory_space<vmem>>) semaphore(%arg20 : memref<!tpu.dma_semaphore, #tpu.memory_space<semaphore_mem>>) {add = true}
      %dma_wait3A_182 = arith.constant 0 : i32
      %dma_wait3A_183 = arith.constant 0 : i32
      %dma_wait3A_184 = tpu.memref_slice %arg7[%dma_wait3A_182, %dma_wait3A_183] : memref<68x256xi32, #tpu.memory_space<vmem>> -> memref<1x256xi32, #tpu.memory_space<vmem>>
      %dma_wait3A_185 = tpu.memref_squeeze %dma_wait3A_184 : memref<1x256xi32, #tpu.memory_space<vmem>> -> memref<256xi32, #tpu.memory_space<vmem>>
      %dma_wait3A_186 = arith.constant 0 : i32
      %dma_wait3A_187 = arith.constant 0 : i32
      %dma_wait3A_188 = tpu.memref_slice %arg13[%dma_wait3A_186, %dma_wait3A_187] : memref<10112x16xf32, #tpu.memory_space<vmem_shared>> -> memref<10112x16xf32, #tpu.memory_space<vmem_shared>>
      tpu.wait_indirect_dma semaphore(%arg18 : memref<!tpu.dma_semaphore, #tpu.memory_space<semaphore_mem>>) src(%arg8 : memref<256x16xf32, #tpu.memory_space<vmem>>) dst(%dma_wait3A_188 : memref<10112x16xf32, #tpu.memory_space<vmem_shared>>)
      %add3A_189 = arith.constant 2 : i32
      %add3A_190 = arith.addi %add3A_168, %add3A_189 : i32
      %dma_start3A_191 = arith.constant 0 : i32
      %dma_start3A_192 = tpu.memref_slice %arg6[%add3A_190, %dma_start3A_191] : memref<68x256xi32, #tpu.memory_space<vmem>> -> memref<1x256xi32, #tpu.memory_space<vmem>>
      %dma_start3A_193 = tpu.memref_squeeze %dma_start3A_192 : memref<1x256xi32, #tpu.memory_space<vmem>> -> memref<256xi32, #tpu.memory_space<vmem>>
      %dma_start3A_194 = arith.constant 0 : i32
      %dma_start3A_195 = arith.constant 0 : i32
      %dma_start3A_196 = tpu.memref_slice %arg2[%dma_start3A_194, %dma_start3A_195] : memref<10000x16xf32, #tpu.memory_space<hbm>> -> memref<10000x16xf32, #tpu.memory_space<hbm>>
      tpu.enqueue_indirect_dma source(%dma_start3A_196 : memref<10000x16xf32, #tpu.memory_space<hbm>>) target(%arg8 : memref<256x16xf32, #tpu.memory_space<vmem>>) offsets(%dma_start3A_193 : memref<256xi32, #tpu.memory_space<vmem>>) semaphore(%arg14 : memref<!tpu.dma_semaphore, #tpu.memory_space<semaphore_mem>>)
      %mul3A_197 = arith.constant 4 : i32
      %mul3A_198 = arith.muli %while3A_162, %mul3A_197 : i32
      %add3A_199 = arith.constant 1 : i32
      %add3A_200 = arith.addi %mul3A_198, %add3A_199 : i32
      %add3A_201 = arith.constant 2 : i32
      %add3A_202 = arith.addi %add3A_200, %add3A_201 : i32
      %dma_wait3A_203 = arith.constant 0 : i32
      %dma_wait3A_204 = arith.constant 0 : i32
      %dma_wait3A_205 = tpu.memref_slice %arg6[%dma_wait3A_203, %dma_wait3A_204] : memref<68x256xi32, #tpu.memory_space<vmem>> -> memref<1x256xi32, #tpu.memory_space<vmem>>
      %dma_wait3A_206 = tpu.memref_squeeze %dma_wait3A_205 : memref<1x256xi32, #tpu.memory_space<vmem>> -> memref<256xi32, #tpu.memory_space<vmem>>
      %dma_wait3A_207 = arith.constant 0 : i32
      %dma_wait3A_208 = arith.constant 0 : i32
      %dma_wait3A_209 = tpu.memref_slice %arg2[%dma_wait3A_207, %dma_wait3A_208] : memref<10000x16xf32, #tpu.memory_space<hbm>> -> memref<10000x16xf32, #tpu.memory_space<hbm>>
      tpu.wait_indirect_dma semaphore(%arg17 : memref<!tpu.dma_semaphore, #tpu.memory_space<semaphore_mem>>) src(%dma_wait3A_209 : memref<10000x16xf32, #tpu.memory_space<hbm>>) dst(%arg11 : memref<256x16xf32, #tpu.memory_space<vmem>>)
      %dma_start3A_210 = arith.constant 0 : i32
      %dma_start3A_211 = tpu.memref_slice %arg7[%add3A_202, %dma_start3A_210] : memref<68x256xi32, #tpu.memory_space<vmem>> -> memref<1x256xi32, #tpu.memory_space<vmem>>
      %dma_start3A_212 = tpu.memref_squeeze %dma_start3A_211 : memref<1x256xi32, #tpu.memory_space<vmem>> -> memref<256xi32, #tpu.memory_space<vmem>>
      %dma_start3A_213 = arith.constant 0 : i32
      %dma_start3A_214 = arith.constant 0 : i32
      %dma_start3A_215 = tpu.memref_slice %arg13[%dma_start3A_213, %dma_start3A_214] : memref<10112x16xf32, #tpu.memory_space<vmem_shared>> -> memref<10112x16xf32, #tpu.memory_space<vmem_shared>>
      tpu.enqueue_indirect_dma source(%arg11 : memref<256x16xf32, #tpu.memory_space<vmem>>) target(%dma_start3A_215 : memref<10112x16xf32, #tpu.memory_space<vmem_shared>>) offsets(%dma_start3A_212 : memref<256xi32, #tpu.memory_space<vmem>>) semaphore(%arg21 : memref<!tpu.dma_semaphore, #tpu.memory_space<semaphore_mem>>) {add = true}
      %dma_wait3A_216 = arith.constant 0 : i32
      %dma_wait3A_217 = arith.constant 0 : i32
      %dma_wait3A_218 = tpu.memref_slice %arg7[%dma_wait3A_216, %dma_wait3A_217] : memref<68x256xi32, #tpu.memory_space<vmem>> -> memref<1x256xi32, #tpu.memory_space<vmem>>
      %dma_wait3A_219 = tpu.memref_squeeze %dma_wait3A_218 : memref<1x256xi32, #tpu.memory_space<vmem>> -> memref<256xi32, #tpu.memory_space<vmem>>
      %dma_wait3A_220 = arith.constant 0 : i32
      %dma_wait3A_221 = arith.constant 0 : i32
      %dma_wait3A_222 = tpu.memref_slice %arg13[%dma_wait3A_220, %dma_wait3A_221] : memref<10112x16xf32, #tpu.memory_space<vmem_shared>> -> memref<10112x16xf32, #tpu.memory_space<vmem_shared>>
      tpu.wait_indirect_dma semaphore(%arg19 : memref<!tpu.dma_semaphore, #tpu.memory_space<semaphore_mem>>) src(%arg9 : memref<256x16xf32, #tpu.memory_space<vmem>>) dst(%dma_wait3A_222 : memref<10112x16xf32, #tpu.memory_space<vmem_shared>>)
      %add3A_223 = arith.constant 2 : i32
      %add3A_224 = arith.addi %add3A_202, %add3A_223 : i32
      %dma_start3A_225 = arith.constant 0 : i32
      %dma_start3A_226 = tpu.memref_slice %arg6[%add3A_224, %dma_start3A_225] : memref<68x256xi32, #tpu.memory_space<vmem>> -> memref<1x256xi32, #tpu.memory_space<vmem>>
      %dma_start3A_227 = tpu.memref_squeeze %dma_start3A_226 : memref<1x256xi32, #tpu.memory_space<vmem>> -> memref<256xi32, #tpu.memory_space<vmem>>
      %dma_start3A_228 = arith.constant 0 : i32
      %dma_start3A_229 = arith.constant 0 : i32
      %dma_start3A_230 = tpu.memref_slice %arg2[%dma_start3A_228, %dma_start3A_229] : memref<10000x16xf32, #tpu.memory_space<hbm>> -> memref<10000x16xf32, #tpu.memory_space<hbm>>
      tpu.enqueue_indirect_dma source(%dma_start3A_230 : memref<10000x16xf32, #tpu.memory_space<hbm>>) target(%arg9 : memref<256x16xf32, #tpu.memory_space<vmem>>) offsets(%dma_start3A_227 : memref<256xi32, #tpu.memory_space<vmem>>) semaphore(%arg15 : memref<!tpu.dma_semaphore, #tpu.memory_space<semaphore_mem>>)
      %mul3A_231 = arith.constant 4 : i32
      %mul3A_232 = arith.muli %while3A_162, %mul3A_231 : i32
      %add3A_233 = arith.constant 2 : i32
      %add3A_234 = arith.addi %mul3A_232, %add3A_233 : i32
      %add3A_235 = arith.constant 2 : i32
      %add3A_236 = arith.addi %add3A_234, %add3A_235 : i32
      %dma_wait3A_237 = arith.constant 0 : i32
      %dma_wait3A_238 = arith.constant 0 : i32
      %dma_wait3A_239 = tpu.memref_slice %arg6[%dma_wait3A_237, %dma_wait3A_238] : memref<68x256xi32, #tpu.memory_space<vmem>> -> memref<1x256xi32, #tpu.memory_space<vmem>>
      %dma_wait3A_240 = tpu.memref_squeeze %dma_wait3A_239 : memref<1x256xi32, #tpu.memory_space<vmem>> -> memref<256xi32, #tpu.memory_space<vmem>>
      %dma_wait3A_241 = arith.constant 0 : i32
      %dma_wait3A_242 = arith.constant 0 : i32
      %dma_wait3A_243 = tpu.memref_slice %arg2[%dma_wait3A_241, %dma_wait3A_242] : memref<10000x16xf32, #tpu.memory_space<hbm>> -> memref<10000x16xf32, #tpu.memory_space<hbm>>
      tpu.wait_indirect_dma semaphore(%arg14 : memref<!tpu.dma_semaphore, #tpu.memory_space<semaphore_mem>>) src(%dma_wait3A_243 : memref<10000x16xf32, #tpu.memory_space<hbm>>) dst(%arg8 : memref<256x16xf32, #tpu.memory_space<vmem>>)
      %dma_start3A_244 = arith.constant 0 : i32
      %dma_start3A_245 = tpu.memref_slice %arg7[%add3A_236, %dma_start3A_244] : memref<68x256xi32, #tpu.memory_space<vmem>> -> memref<1x256xi32, #tpu.memory_space<vmem>>
      %dma_start3A_246 = tpu.memref_squeeze %dma_start3A_245 : memref<1x256xi32, #tpu.memory_space<vmem>> -> memref<256xi32, #tpu.memory_space<vmem>>
      %dma_start3A_247 = arith.constant 0 : i32
      %dma_start3A_248 = arith.constant 0 : i32
      %dma_start3A_249 = tpu.memref_slice %arg13[%dma_start3A_247, %dma_start3A_248] : memref<10112x16xf32, #tpu.memory_space<vmem_shared>> -> memref<10112x16xf32, #tpu.memory_space<vmem_shared>>
      tpu.enqueue_indirect_dma source(%arg8 : memref<256x16xf32, #tpu.memory_space<vmem>>) target(%dma_start3A_249 : memref<10112x16xf32, #tpu.memory_space<vmem_shared>>) offsets(%dma_start3A_246 : memref<256xi32, #tpu.memory_space<vmem>>) semaphore(%arg18 : memref<!tpu.dma_semaphore, #tpu.memory_space<semaphore_mem>>) {add = true}
      %dma_wait3A_250 = arith.constant 0 : i32
      %dma_wait3A_251 = arith.constant 0 : i32
      %dma_wait3A_252 = tpu.memref_slice %arg7[%dma_wait3A_250, %dma_wait3A_251] : memref<68x256xi32, #tpu.memory_space<vmem>> -> memref<1x256xi32, #tpu.memory_space<vmem>>
      %dma_wait3A_253 = tpu.memref_squeeze %dma_wait3A_252 : memref<1x256xi32, #tpu.memory_space<vmem>> -> memref<256xi32, #tpu.memory_space<vmem>>
      %dma_wait3A_254 = arith.constant 0 : i32
      %dma_wait3A_255 = arith.constant 0 : i32
      %dma_wait3A_256 = tpu.memref_slice %arg13[%dma_wait3A_254, %dma_wait3A_255] : memref<10112x16xf32, #tpu.memory_space<vmem_shared>> -> memref<10112x16xf32, #tpu.memory_space<vmem_shared>>
      tpu.wait_indirect_dma semaphore(%arg20 : memref<!tpu.dma_semaphore, #tpu.memory_space<semaphore_mem>>) src(%arg10 : memref<256x16xf32, #tpu.memory_space<vmem>>) dst(%dma_wait3A_256 : memref<10112x16xf32, #tpu.memory_space<vmem_shared>>)
      %add3A_257 = arith.constant 2 : i32
      %add3A_258 = arith.addi %add3A_236, %add3A_257 : i32
      %dma_start3A_259 = arith.constant 0 : i32
      %dma_start3A_260 = tpu.memref_slice %arg6[%add3A_258, %dma_start3A_259] : memref<68x256xi32, #tpu.memory_space<vmem>> -> memref<1x256xi32, #tpu.memory_space<vmem>>
      %dma_start3A_261 = tpu.memref_squeeze %dma_start3A_260 : memref<1x256xi32, #tpu.memory_space<vmem>> -> memref<256xi32, #tpu.memory_space<vmem>>
      %dma_start3A_262 = arith.constant 0 : i32
      %dma_start3A_263 = arith.constant 0 : i32
      %dma_start3A_264 = tpu.memref_slice %arg2[%dma_start3A_262, %dma_start3A_263] : memref<10000x16xf32, #tpu.memory_space<hbm>> -> memref<10000x16xf32, #tpu.memory_space<hbm>>
      tpu.enqueue_indirect_dma source(%dma_start3A_264 : memref<10000x16xf32, #tpu.memory_space<hbm>>) target(%arg10 : memref<256x16xf32, #tpu.memory_space<vmem>>) offsets(%dma_start3A_261 : memref<256xi32, #tpu.memory_space<vmem>>) semaphore(%arg16 : memref<!tpu.dma_semaphore, #tpu.memory_space<semaphore_mem>>)
      %mul3A_265 = arith.constant 4 : i32
      %mul3A_266 = arith.muli %while3A_162, %mul3A_265 : i32
      %add3A_267 = arith.constant 3 : i32
      %add3A_268 = arith.addi %mul3A_266, %add3A_267 : i32
      %add3A_269 = arith.constant 2 : i32
      %add3A_270 = arith.addi %add3A_268, %add3A_269 : i32
      %dma_wait3A_271 = arith.constant 0 : i32
      %dma_wait3A_272 = arith.constant 0 : i32
      %dma_wait3A_273 = tpu.memref_slice %arg6[%dma_wait3A_271, %dma_wait3A_272] : memref<68x256xi32, #tpu.memory_space<vmem>> -> memref<1x256xi32, #tpu.memory_space<vmem>>
      %dma_wait3A_274 = tpu.memref_squeeze %dma_wait3A_273 : memref<1x256xi32, #tpu.memory_space<vmem>> -> memref<256xi32, #tpu.memory_space<vmem>>
      %dma_wait3A_275 = arith.constant 0 : i32
      %dma_wait3A_276 = arith.constant 0 : i32
      %dma_wait3A_277 = tpu.memref_slice %arg2[%dma_wait3A_275, %dma_wait3A_276] : memref<10000x16xf32, #tpu.memory_space<hbm>> -> memref<10000x16xf32, #tpu.memory_space<hbm>>
      tpu.wait_indirect_dma semaphore(%arg15 : memref<!tpu.dma_semaphore, #tpu.memory_space<semaphore_mem>>) src(%dma_wait3A_277 : memref<10000x16xf32, #tpu.memory_space<hbm>>) dst(%arg9 : memref<256x16xf32, #tpu.memory_space<vmem>>)
      %dma_start3A_278 = arith.constant 0 : i32
      %dma_start3A_279 = tpu.memref_slice %arg7[%add3A_270, %dma_start3A_278] : memref<68x256xi32, #tpu.memory_space<vmem>> -> memref<1x256xi32, #tpu.memory_space<vmem>>
      %dma_start3A_280 = tpu.memref_squeeze %dma_start3A_279 : memref<1x256xi32, #tpu.memory_space<vmem>> -> memref<256xi32, #tpu.memory_space<vmem>>
      %dma_start3A_281 = arith.constant 0 : i32
      %dma_start3A_282 = arith.constant 0 : i32
      %dma_start3A_283 = tpu.memref_slice %arg13[%dma_start3A_281, %dma_start3A_282] : memref<10112x16xf32, #tpu.memory_space<vmem_shared>> -> memref<10112x16xf32, #tpu.memory_space<vmem_shared>>
      tpu.enqueue_indirect_dma source(%arg9 : memref<256x16xf32, #tpu.memory_space<vmem>>) target(%dma_start3A_283 : memref<10112x16xf32, #tpu.memory_space<vmem_shared>>) offsets(%dma_start3A_280 : memref<256xi32, #tpu.memory_space<vmem>>) semaphore(%arg19 : memref<!tpu.dma_semaphore, #tpu.memory_space<semaphore_mem>>) {add = true}
      %dma_wait3A_284 = arith.constant 0 : i32
      %dma_wait3A_285 = arith.constant 0 : i32
      %dma_wait3A_286 = tpu.memref_slice %arg7[%dma_wait3A_284, %dma_wait3A_285] : memref<68x256xi32, #tpu.memory_space<vmem>> -> memref<1x256xi32, #tpu.memory_space<vmem>>
      %dma_wait3A_287 = tpu.memref_squeeze %dma_wait3A_286 : memref<1x256xi32, #tpu.memory_space<vmem>> -> memref<256xi32, #tpu.memory_space<vmem>>
      %dma_wait3A_288 = arith.constant 0 : i32
      %dma_wait3A_289 = arith.constant 0 : i32
      %dma_wait3A_290 = tpu.memref_slice %arg13[%dma_wait3A_288, %dma_wait3A_289] : memref<10112x16xf32, #tpu.memory_space<vmem_shared>> -> memref<10112x16xf32, #tpu.memory_space<vmem_shared>>
      tpu.wait_indirect_dma semaphore(%arg21 : memref<!tpu.dma_semaphore, #tpu.memory_space<semaphore_mem>>) src(%arg11 : memref<256x16xf32, #tpu.memory_space<vmem>>) dst(%dma_wait3A_290 : memref<10112x16xf32, #tpu.memory_space<vmem_shared>>)
      %add3A_291 = arith.constant 2 : i32
      %add3A_292 = arith.addi %add3A_270, %add3A_291 : i32
      %dma_start3A_293 = arith.constant 0 : i32
      %dma_start3A_294 = tpu.memref_slice %arg6[%add3A_292, %dma_start3A_293] : memref<68x256xi32, #tpu.memory_space<vmem>> -> memref<1x256xi32, #tpu.memory_space<vmem>>
      %dma_start3A_295 = tpu.memref_squeeze %dma_start3A_294 : memref<1x256xi32, #tpu.memory_space<vmem>> -> memref<256xi32, #tpu.memory_space<vmem>>
      %dma_start3A_296 = arith.constant 0 : i32
      %dma_start3A_297 = arith.constant 0 : i32
      %dma_start3A_298 = tpu.memref_slice %arg2[%dma_start3A_296, %dma_start3A_297] : memref<10000x16xf32, #tpu.memory_space<hbm>> -> memref<10000x16xf32, #tpu.memory_space<hbm>>
      tpu.enqueue_indirect_dma source(%dma_start3A_298 : memref<10000x16xf32, #tpu.memory_space<hbm>>) target(%arg11 : memref<256x16xf32, #tpu.memory_space<vmem>>) offsets(%dma_start3A_295 : memref<256xi32, #tpu.memory_space<vmem>>) semaphore(%arg17 : memref<!tpu.dma_semaphore, #tpu.memory_space<semaphore_mem>>)
    }
    %sub3A_103 = arith.constant 2 : i32
    %sub3A_104 = arith.subi %select_n3A, %sub3A_103 : i32
    %dma_wait3A_105 = arith.constant 0 : i32
    %dma_wait3A_106 = arith.constant 0 : i32
    %dma_wait3A_107 = tpu.memref_slice %arg6[%dma_wait3A_105, %dma_wait3A_106] : memref<68x256xi32, #tpu.memory_space<vmem>> -> memref<1x256xi32, #tpu.memory_space<vmem>>
    %dma_wait3A_108 = tpu.memref_squeeze %dma_wait3A_107 : memref<1x256xi32, #tpu.memory_space<vmem>> -> memref<256xi32, #tpu.memory_space<vmem>>
    %dma_wait3A_109 = arith.constant 0 : i32
    %dma_wait3A_110 = arith.constant 0 : i32
    %dma_wait3A_111 = tpu.memref_slice %arg2[%dma_wait3A_109, %dma_wait3A_110] : memref<10000x16xf32, #tpu.memory_space<hbm>> -> memref<10000x16xf32, #tpu.memory_space<hbm>>
    tpu.wait_indirect_dma semaphore(%arg16 : memref<!tpu.dma_semaphore, #tpu.memory_space<semaphore_mem>>) src(%dma_wait3A_111 : memref<10000x16xf32, #tpu.memory_space<hbm>>) dst(%arg10 : memref<256x16xf32, #tpu.memory_space<vmem>>)
    %dma_start3A_112 = arith.constant 0 : i32
    %dma_start3A_113 = tpu.memref_slice %arg7[%sub3A_104, %dma_start3A_112] : memref<68x256xi32, #tpu.memory_space<vmem>> -> memref<1x256xi32, #tpu.memory_space<vmem>>
    %dma_start3A_114 = tpu.memref_squeeze %dma_start3A_113 : memref<1x256xi32, #tpu.memory_space<vmem>> -> memref<256xi32, #tpu.memory_space<vmem>>
    %dma_start3A_115 = arith.constant 0 : i32
    %dma_start3A_116 = arith.constant 0 : i32
    %dma_start3A_117 = tpu.memref_slice %arg13[%dma_start3A_115, %dma_start3A_116] : memref<10112x16xf32, #tpu.memory_space<vmem_shared>> -> memref<10112x16xf32, #tpu.memory_space<vmem_shared>>
    tpu.enqueue_indirect_dma source(%arg10 : memref<256x16xf32, #tpu.memory_space<vmem>>) target(%dma_start3A_117 : memref<10112x16xf32, #tpu.memory_space<vmem_shared>>) offsets(%dma_start3A_114 : memref<256xi32, #tpu.memory_space<vmem>>) semaphore(%arg20 : memref<!tpu.dma_semaphore, #tpu.memory_space<semaphore_mem>>) {add = true}
    %sub3A_118 = arith.constant 1 : i32
    %sub3A_119 = arith.subi %select_n3A, %sub3A_118 : i32
    %dma_wait3A_120 = arith.constant 0 : i32
    %dma_wait3A_121 = arith.constant 0 : i32
    %dma_wait3A_122 = tpu.memref_slice %arg6[%dma_wait3A_120, %dma_wait3A_121] : memref<68x256xi32, #tpu.memory_space<vmem>> -> memref<1x256xi32, #tpu.memory_space<vmem>>
    %dma_wait3A_123 = tpu.memref_squeeze %dma_wait3A_122 : memref<1x256xi32, #tpu.memory_space<vmem>> -> memref<256xi32, #tpu.memory_space<vmem>>
    %dma_wait3A_124 = arith.constant 0 : i32
    %dma_wait3A_125 = arith.constant 0 : i32
    %dma_wait3A_126 = tpu.memref_slice %arg2[%dma_wait3A_124, %dma_wait3A_125] : memref<10000x16xf32, #tpu.memory_space<hbm>> -> memref<10000x16xf32, #tpu.memory_space<hbm>>
    tpu.wait_indirect_dma semaphore(%arg17 : memref<!tpu.dma_semaphore, #tpu.memory_space<semaphore_mem>>) src(%dma_wait3A_126 : memref<10000x16xf32, #tpu.memory_space<hbm>>) dst(%arg11 : memref<256x16xf32, #tpu.memory_space<vmem>>)
    %dma_start3A_127 = arith.constant 0 : i32
    %dma_start3A_128 = tpu.memref_slice %arg7[%sub3A_119, %dma_start3A_127] : memref<68x256xi32, #tpu.memory_space<vmem>> -> memref<1x256xi32, #tpu.memory_space<vmem>>
    %dma_start3A_129 = tpu.memref_squeeze %dma_start3A_128 : memref<1x256xi32, #tpu.memory_space<vmem>> -> memref<256xi32, #tpu.memory_space<vmem>>
    %dma_start3A_130 = arith.constant 0 : i32
    %dma_start3A_131 = arith.constant 0 : i32
    %dma_start3A_132 = tpu.memref_slice %arg13[%dma_start3A_130, %dma_start3A_131] : memref<10112x16xf32, #tpu.memory_space<vmem_shared>> -> memref<10112x16xf32, #tpu.memory_space<vmem_shared>>
    tpu.enqueue_indirect_dma source(%arg11 : memref<256x16xf32, #tpu.memory_space<vmem>>) target(%dma_start3A_132 : memref<10112x16xf32, #tpu.memory_space<vmem_shared>>) offsets(%dma_start3A_129 : memref<256xi32, #tpu.memory_space<vmem>>) semaphore(%arg21 : memref<!tpu.dma_semaphore, #tpu.memory_space<semaphore_mem>>) {add = true}
    %dma_wait3A_133 = arith.constant 0 : i32
    %dma_wait3A_134 = arith.constant 0 : i32
    %dma_wait3A_135 = tpu.memref_slice %arg7[%dma_wait3A_133, %dma_wait3A_134] : memref<68x256xi32, #tpu.memory_space<vmem>> -> memref<1x256xi32, #tpu.memory_space<vmem>>
    %dma_wait3A_136 = tpu.memref_squeeze %dma_wait3A_135 : memref<1x256xi32, #tpu.memory_space<vmem>> -> memref<256xi32, #tpu.memory_space<vmem>>
    %dma_wait3A_137 = arith.constant 0 : i32
    %dma_wait3A_138 = arith.constant 0 : i32
    %dma_wait3A_139 = tpu.memref_slice %arg13[%dma_wait3A_137, %dma_wait3A_138] : memref<10112x16xf32, #tpu.memory_space<vmem_shared>> -> memref<10112x16xf32, #tpu.memory_space<vmem_shared>>
    tpu.wait_indirect_dma semaphore(%arg18 : memref<!tpu.dma_semaphore, #tpu.memory_space<semaphore_mem>>) src(%arg8 : memref<256x16xf32, #tpu.memory_space<vmem>>) dst(%dma_wait3A_139 : memref<10112x16xf32, #tpu.memory_space<vmem_shared>>)
    %dma_wait3A_140 = arith.constant 0 : i32
    %dma_wait3A_141 = arith.constant 0 : i32
    %dma_wait3A_142 = tpu.memref_slice %arg7[%dma_wait3A_140, %dma_wait3A_141] : memref<68x256xi32, #tpu.memory_space<vmem>> -> memref<1x256xi32, #tpu.memory_space<vmem>>
    %dma_wait3A_143 = tpu.memref_squeeze %dma_wait3A_142 : memref<1x256xi32, #tpu.memory_space<vmem>> -> memref<256xi32, #tpu.memory_space<vmem>>
    %dma_wait3A_144 = arith.constant 0 : i32
    %dma_wait3A_145 = arith.constant 0 : i32
    %dma_wait3A_146 = tpu.memref_slice %arg13[%dma_wait3A_144, %dma_wait3A_145] : memref<10112x16xf32, #tpu.memory_space<vmem_shared>> -> memref<10112x16xf32, #tpu.memory_space<vmem_shared>>
    tpu.wait_indirect_dma semaphore(%arg19 : memref<!tpu.dma_semaphore, #tpu.memory_space<semaphore_mem>>) src(%arg9 : memref<256x16xf32, #tpu.memory_space<vmem>>) dst(%dma_wait3A_146 : memref<10112x16xf32, #tpu.memory_space<vmem_shared>>)
    %dma_wait3A_147 = arith.constant 0 : i32
    %dma_wait3A_148 = arith.constant 0 : i32
    %dma_wait3A_149 = tpu.memref_slice %arg7[%dma_wait3A_147, %dma_wait3A_148] : memref<68x256xi32, #tpu.memory_space<vmem>> -> memref<1x256xi32, #tpu.memory_space<vmem>>
    %dma_wait3A_150 = tpu.memref_squeeze %dma_wait3A_149 : memref<1x256xi32, #tpu.memory_space<vmem>> -> memref<256xi32, #tpu.memory_space<vmem>>
    %dma_wait3A_151 = arith.constant 0 : i32
    %dma_wait3A_152 = arith.constant 0 : i32
    %dma_wait3A_153 = tpu.memref_slice %arg13[%dma_wait3A_151, %dma_wait3A_152] : memref<10112x16xf32, #tpu.memory_space<vmem_shared>> -> memref<10112x16xf32, #tpu.memory_space<vmem_shared>>
    tpu.wait_indirect_dma semaphore(%arg20 : memref<!tpu.dma_semaphore, #tpu.memory_space<semaphore_mem>>) src(%arg10 : memref<256x16xf32, #tpu.memory_space<vmem>>) dst(%dma_wait3A_153 : memref<10112x16xf32, #tpu.memory_space<vmem_shared>>)
    %dma_wait3A_154 = arith.constant 0 : i32
    %dma_wait3A_155 = arith.constant 0 : i32
    %dma_wait3A_156 = tpu.memref_slice %arg7[%dma_wait3A_154, %dma_wait3A_155] : memref<68x256xi32, #tpu.memory_space<vmem>> -> memref<1x256xi32, #tpu.memory_space<vmem>>
    %dma_wait3A_157 = tpu.memref_squeeze %dma_wait3A_156 : memref<1x256xi32, #tpu.memory_space<vmem>> -> memref<256xi32, #tpu.memory_space<vmem>>
    %dma_wait3A_158 = arith.constant 0 : i32
    %dma_wait3A_159 = arith.constant 0 : i32
    %dma_wait3A_160 = tpu.memref_slice %arg13[%dma_wait3A_158, %dma_wait3A_159] : memref<10112x16xf32, #tpu.memory_space<vmem_shared>> -> memref<10112x16xf32, #tpu.memory_space<vmem_shared>>
    tpu.wait_indirect_dma semaphore(%arg21 : memref<!tpu.dma_semaphore, #tpu.memory_space<semaphore_mem>>) src(%arg11 : memref<256x16xf32, #tpu.memory_space<vmem>>) dst(%dma_wait3A_160 : memref<10112x16xf32, #tpu.memory_space<vmem_shared>>)
    %barrier3A_161 = arith.constant 0 : index
    tpu.barrier barrier_id(%barrier3A_161)
    "tpu.region"() ({
      %run_scoped3A = tpu.sem_alloc : memref<!tpu.dma_semaphore, #tpu.memory_space<semaphore_mem>>
      %dma_start3A_162 = arith.constant 0 : i32
      %dma_start3A_163 = tpu.memref_slice %arg5[%arg0, %mul3A_10, %dma_start3A_162] : memref<2x10112x16xf32, #tpu.memory_space<hbm>> -> memref<1x632x16xf32, #tpu.memory_space<hbm>>
      %dma_start3A_164 = tpu.memref_squeeze %dma_start3A_163 : memref<1x632x16xf32, #tpu.memory_space<hbm>> -> memref<632x16xf32, #tpu.memory_space<hbm>>
      %dma_start3A_165 = arith.constant 0 : i32
      %dma_start3A_166 = tpu.memref_slice %arg13[%mul3A_10, %dma_start3A_165] : memref<10112x16xf32, #tpu.memory_space<vmem_shared>> -> memref<632x16xf32, #tpu.memory_space<vmem_shared>>
      tpu.enqueue_dma source(%dma_start3A_166 : memref<632x16xf32, #tpu.memory_space<vmem_shared>>) target(%dma_start3A_164 : memref<632x16xf32, #tpu.memory_space<hbm>>) target_semaphore(%run_scoped3A : memref<!tpu.dma_semaphore, #tpu.memory_space<semaphore_mem>>)
      %dma_wait3A_167 = arith.constant 0 : i32
      %dma_wait3A_168 = tpu.memref_slice %arg5[%arg0, %mul3A_10, %dma_wait3A_167] : memref<2x10112x16xf32, #tpu.memory_space<hbm>> -> memref<1x632x16xf32, #tpu.memory_space<hbm>>
      %dma_wait3A_169 = tpu.memref_squeeze %dma_wait3A_168 : memref<1x632x16xf32, #tpu.memory_space<hbm>> -> memref<632x16xf32, #tpu.memory_space<hbm>>
      %dma_wait3A_170 = arith.constant 0 : i32
      %dma_wait3A_171 = tpu.memref_slice %arg13[%mul3A_10, %dma_wait3A_170] : memref<10112x16xf32, #tpu.memory_space<vmem_shared>> -> memref<632x16xf32, #tpu.memory_space<vmem_shared>>
      tpu.wait_dma2 semaphore(%run_scoped3A : memref<!tpu.dma_semaphore, #tpu.memory_space<semaphore_mem>>) src(%dma_wait3A_171 : memref<632x16xf32, #tpu.memory_space<vmem_shared>>) dst(%dma_wait3A_169 : memref<632x16xf32, #tpu.memory_space<hbm>>)
      tpu.yield
    }) : () -> ()
    return
  }
}

#map = affine_map<(d0, d1) -> (0, 0)>
#map1 = affine_map<(d0, d1) -> (0, 0, 0)>
module attributes {stable_mosaic.version = 14 : i64} {
  func.func @_sc_body(%arg0: i32, %arg1: i32, %arg2: memref<10000x32xf32, #tpu.memory_space<hbm>>, %arg3: memref<1348x256xi32, #tpu.memory_space<hbm>>, %arg4: memref<1348x256xi32, #tpu.memory_space<hbm>>, %arg5: memref<2x10112x32xf32, #tpu.memory_space<hbm>>, %arg6: memref<68x256xi32, #tpu.memory_space<vmem>>, %arg7: memref<68x256xi32, #tpu.memory_space<vmem>>, %arg8: memref<256x32xf32, #tpu.memory_space<vmem>>, %arg9: memref<256x32xf32, #tpu.memory_space<vmem>>, %arg10: memref<256x32xf32, #tpu.memory_space<vmem>>, %arg11: memref<256x32xf32, #tpu.memory_space<vmem>>, %arg12: memref<632x32xf32, #tpu.memory_space<vmem>>, %arg13: memref<10112x32xf32, #tpu.memory_space<vmem_shared>>, %arg14: memref<!tpu.dma_semaphore, #tpu.memory_space<semaphore_mem>>, %arg15: memref<!tpu.dma_semaphore, #tpu.memory_space<semaphore_mem>>, %arg16: memref<!tpu.dma_semaphore, #tpu.memory_space<semaphore_mem>>, %arg17: memref<!tpu.dma_semaphore, #tpu.memory_space<semaphore_mem>>, %arg18: memref<!tpu.dma_semaphore, #tpu.memory_space<semaphore_mem>>, %arg19: memref<!tpu.dma_semaphore, #tpu.memory_space<semaphore_mem>>, %arg20: memref<!tpu.dma_semaphore, #tpu.memory_space<semaphore_mem>>, %arg21: memref<!tpu.dma_semaphore, #tpu.memory_space<semaphore_mem>>) attributes {dimension_semantics = [#tpu.dimension_semantics<core_parallel>, #tpu.dimension_semantics<subcore_parallel>], iteration_bounds = array<i64: 2, 16>, scalar_prefetch = 0 : i64, scratch_operands = 16 : i64, tpu.core_type = #tpu.core_type<sc_vector_subcore>, window_params = [{transform_indices = #map}, {transform_indices = #map}, {transform_indices = #map}, {transform_indices = #map1}]} {
    %eq3A = arith.constant 0 : i32
    %eq3A_0 = arith.cmpi eq, %arg0, %eq3A : i32
    %jit3A = arith.constant 68 : i32
    %jit3A_1 = arith.constant 12 : i32
    %select_n3A = arith.select %eq3A_0, %jit3A, %jit3A_1 : i32
    %eq3A_2 = arith.constant 0 : i32
    %eq3A_3 = arith.cmpi eq, %arg0, %eq3A_2 : i32
    %mul3A = arith.constant 68 : i32
    %mul3A_4 = arith.muli %arg1, %mul3A : i32
    %mul3A_5 = arith.constant 12 : i32
    %mul3A_6 = arith.muli %arg1, %mul3A_5 : i32
    %add3A = arith.constant 1088 : i32
    %add3A_7 = arith.addi %add3A, %mul3A_6 : i32
    %select_n3A_8 = arith.select %eq3A_3, %mul3A_4, %add3A_7 : i32
    %mul3A_9 = arith.constant 632 : i32
    %mul3A_10 = arith.muli %arg1, %mul3A_9 : i32
    %broadcast_in_dim3A = arith.constant 0.000000e+00 : f32
    %broadcast_in_dim3A_11 = vector.broadcast %broadcast_in_dim3A : f32 to vector<16xf32>
    %scan3A = arith.constant 0 : i32
    %scan3A_12 = arith.constant 0 : i32
    %scan3A_13 = arith.constant 632 : i32
    %scan3A_14 = arith.addi %scan3A_12, %scan3A_13 : i32
    %scan3A_15 = arith.constant 1 : i32
    scf.for %scan3A_162 = %scan3A_12 to %scan3A_14 step %scan3A_15  : i32 {
      %swap3A = arith.index_cast %scan3A_162 : i32 to index
      %swap3A_163 = arith.constant 0 : index
      %swap3A_164 = tpu.vector_load %arg12[%swap3A, %swap3A_163] {strides = array<i32>} : memref<632x32xf32, #tpu.memory_space<vmem>>, vector<1x16xf32>,
      %swap3A_165 = vector.shape_cast %swap3A_164 : vector<1x16xf32> to vector<16xf32>
      %swap3A_166 = vector.shape_cast %broadcast_in_dim3A_11 : vector<16xf32> to vector<1x16xf32>
      tpu.vector_store %arg12[%swap3A, %swap3A_163], %swap3A_166 {strides = array<i32>} : memref<632x32xf32, #tpu.memory_space<vmem>>, vector<1x16xf32>,
      %swap3A_167 = arith.index_cast %scan3A_162 : i32 to index
      %swap3A_168 = arith.constant 16 : index
      %swap3A_169 = tpu.vector_load %arg12[%swap3A_167, %swap3A_168] {strides = array<i32>} : memref<632x32xf32, #tpu.memory_space<vmem>>, vector<1x16xf32>,
      %swap3A_170 = vector.shape_cast %swap3A_169 : vector<1x16xf32> to vector<16xf32>
      %swap3A_171 = vector.shape_cast %broadcast_in_dim3A_11 : vector<16xf32> to vector<1x16xf32>
      tpu.vector_store %arg12[%swap3A_167, %swap3A_168], %swap3A_171 {strides = array<i32>} : memref<632x32xf32, #tpu.memory_space<vmem>>, vector<1x16xf32>,
    }
    %scan3A_16 = arith.constant 632 : i32
    "tpu.region"() ({
      %run_scoped3A = tpu.sem_alloc : memref<!tpu.dma_semaphore, #tpu.memory_space<semaphore_mem>>
      %dma_start3A_162 = arith.constant 0 : i32
      %dma_start3A_163 = tpu.memref_slice %arg13[%mul3A_10, %dma_start3A_162] : memref<10112x32xf32, #tpu.memory_space<vmem_shared>> -> memref<632x32xf32, #tpu.memory_space<vmem_shared>>
      %dma_start3A_164 = arith.constant 0 : i32
      %dma_start3A_165 = tpu.memref_slice %arg13[%mul3A_10, %dma_start3A_164] : memref<10112x32xf32, #tpu.memory_space<vmem_shared>> -> memref<632x32xf32, #tpu.memory_space<vmem_shared>>
      tpu.enqueue_dma source(%arg12 : memref<632x32xf32, #tpu.memory_space<vmem>>) target(%dma_start3A_165 : memref<632x32xf32, #tpu.memory_space<vmem_shared>>) target_semaphore(%run_scoped3A : memref<!tpu.dma_semaphore, #tpu.memory_space<semaphore_mem>>)
      %dma_wait3A_166 = arith.constant 0 : i32
      %dma_wait3A_167 = tpu.memref_slice %arg13[%mul3A_10, %dma_wait3A_166] : memref<10112x32xf32, #tpu.memory_space<vmem_shared>> -> memref<632x32xf32, #tpu.memory_space<vmem_shared>>
      %dma_wait3A_168 = arith.constant 0 : i32
      %dma_wait3A_169 = tpu.memref_slice %arg13[%mul3A_10, %dma_wait3A_168] : memref<10112x32xf32, #tpu.memory_space<vmem_shared>> -> memref<632x32xf32, #tpu.memory_space<vmem_shared>>
      tpu.wait_dma2 semaphore(%run_scoped3A : memref<!tpu.dma_semaphore, #tpu.memory_space<semaphore_mem>>) src(%arg12 : memref<632x32xf32, #tpu.memory_space<vmem>>) dst(%dma_wait3A_169 : memref<632x32xf32, #tpu.memory_space<vmem_shared>>)
      tpu.yield
    }) : () -> ()
    "tpu.region"() ({
      %run_scoped3A = tpu.sem_alloc : memref<!tpu.dma_semaphore, #tpu.memory_space<semaphore_mem>>
      %dma_start3A_162 = arith.constant 0 : i32
      %dma_start3A_163 = arith.constant 0 : i32
      %dma_start3A_164 = tpu.memref_slice %arg6[%dma_start3A_162, %dma_start3A_163] : memref<68x256xi32, #tpu.memory_space<vmem>> -> memref<12x256xi32, #tpu.memory_space<vmem>>
      %dma_start3A_165 = arith.constant 0 : i32
      %dma_start3A_166 = tpu.memref_slice %arg3[%select_n3A_8, %dma_start3A_165] : memref<1348x256xi32, #tpu.memory_space<hbm>> -> memref<12x256xi32, #tpu.memory_space<hbm>>
      %dma_start3A_167 = arith.constant 0 : i32
      %dma_start3A_168 = arith.constant 0 : i32
      %dma_start3A_169 = tpu.memref_slice %arg6[%dma_start3A_167, %dma_start3A_168] : memref<68x256xi32, #tpu.memory_space<vmem>> -> memref<12x256xi32, #tpu.memory_space<vmem>>
      %dma_start3A_170 = arith.constant 0 : i32
      %dma_start3A_171 = tpu.memref_slice %arg3[%select_n3A_8, %dma_start3A_170] : memref<1348x256xi32, #tpu.memory_space<hbm>> -> memref<12x256xi32, #tpu.memory_space<hbm>>
      tpu.enqueue_dma source(%dma_start3A_171 : memref<12x256xi32, #tpu.memory_space<hbm>>) target(%dma_start3A_169 : memref<12x256xi32, #tpu.memory_space<vmem>>) target_semaphore(%run_scoped3A : memref<!tpu.dma_semaphore, #tpu.memory_space<semaphore_mem>>)
      %dma_wait3A_172 = arith.constant 0 : i32
      %dma_wait3A_173 = arith.constant 0 : i32
      %dma_wait3A_174 = tpu.memref_slice %arg6[%dma_wait3A_172, %dma_wait3A_173] : memref<68x256xi32, #tpu.memory_space<vmem>> -> memref<12x256xi32, #tpu.memory_space<vmem>>
      %dma_wait3A_175 = arith.constant 0 : i32
      %dma_wait3A_176 = tpu.memref_slice %arg3[%select_n3A_8, %dma_wait3A_175] : memref<1348x256xi32, #tpu.memory_space<hbm>> -> memref<12x256xi32, #tpu.memory_space<hbm>>
      %dma_wait3A_177 = arith.constant 0 : i32
      %dma_wait3A_178 = arith.constant 0 : i32
      %dma_wait3A_179 = tpu.memref_slice %arg6[%dma_wait3A_177, %dma_wait3A_178] : memref<68x256xi32, #tpu.memory_space<vmem>> -> memref<12x256xi32, #tpu.memory_space<vmem>>
      %dma_wait3A_180 = arith.constant 0 : i32
      %dma_wait3A_181 = tpu.memref_slice %arg3[%select_n3A_8, %dma_wait3A_180] : memref<1348x256xi32, #tpu.memory_space<hbm>> -> memref<12x256xi32, #tpu.memory_space<hbm>>
      tpu.wait_dma2 semaphore(%run_scoped3A : memref<!tpu.dma_semaphore, #tpu.memory_space<semaphore_mem>>) src(%dma_wait3A_181 : memref<12x256xi32, #tpu.memory_space<hbm>>) dst(%dma_wait3A_179 : memref<12x256xi32, #tpu.memory_space<vmem>>)
      tpu.yield
    }) : () -> ()
    "tpu.region"() ({
      %run_scoped3A = tpu.sem_alloc : memref<!tpu.dma_semaphore, #tpu.memory_space<semaphore_mem>>
      %dma_start3A_162 = arith.constant 0 : i32
      %dma_start3A_163 = arith.constant 0 : i32
      %dma_start3A_164 = tpu.memref_slice %arg7[%dma_start3A_162, %dma_start3A_163] : memref<68x256xi32, #tpu.memory_space<vmem>> -> memref<12x256xi32, #tpu.memory_space<vmem>>
      %dma_start3A_165 = arith.constant 0 : i32
      %dma_start3A_166 = tpu.memref_slice %arg4[%select_n3A_8, %dma_start3A_165] : memref<1348x256xi32, #tpu.memory_space<hbm>> -> memref<12x256xi32, #tpu.memory_space<hbm>>
      %dma_start3A_167 = arith.constant 0 : i32
      %dma_start3A_168 = arith.constant 0 : i32
      %dma_start3A_169 = tpu.memref_slice %arg7[%dma_start3A_167, %dma_start3A_168] : memref<68x256xi32, #tpu.memory_space<vmem>> -> memref<12x256xi32, #tpu.memory_space<vmem>>
      %dma_start3A_170 = arith.constant 0 : i32
      %dma_start3A_171 = tpu.memref_slice %arg4[%select_n3A_8, %dma_start3A_170] : memref<1348x256xi32, #tpu.memory_space<hbm>> -> memref<12x256xi32, #tpu.memory_space<hbm>>
      tpu.enqueue_dma source(%dma_start3A_171 : memref<12x256xi32, #tpu.memory_space<hbm>>) target(%dma_start3A_169 : memref<12x256xi32, #tpu.memory_space<vmem>>) target_semaphore(%run_scoped3A : memref<!tpu.dma_semaphore, #tpu.memory_space<semaphore_mem>>)
      %dma_wait3A_172 = arith.constant 0 : i32
      %dma_wait3A_173 = arith.constant 0 : i32
      %dma_wait3A_174 = tpu.memref_slice %arg7[%dma_wait3A_172, %dma_wait3A_173] : memref<68x256xi32, #tpu.memory_space<vmem>> -> memref<12x256xi32, #tpu.memory_space<vmem>>
      %dma_wait3A_175 = arith.constant 0 : i32
      %dma_wait3A_176 = tpu.memref_slice %arg4[%select_n3A_8, %dma_wait3A_175] : memref<1348x256xi32, #tpu.memory_space<hbm>> -> memref<12x256xi32, #tpu.memory_space<hbm>>
      %dma_wait3A_177 = arith.constant 0 : i32
      %dma_wait3A_178 = arith.constant 0 : i32
      %dma_wait3A_179 = tpu.memref_slice %arg7[%dma_wait3A_177, %dma_wait3A_178] : memref<68x256xi32, #tpu.memory_space<vmem>> -> memref<12x256xi32, #tpu.memory_space<vmem>>
      %dma_wait3A_180 = arith.constant 0 : i32
      %dma_wait3A_181 = tpu.memref_slice %arg4[%select_n3A_8, %dma_wait3A_180] : memref<1348x256xi32, #tpu.memory_space<hbm>> -> memref<12x256xi32, #tpu.memory_space<hbm>>
      tpu.wait_dma2 semaphore(%run_scoped3A : memref<!tpu.dma_semaphore, #tpu.memory_space<semaphore_mem>>) src(%dma_wait3A_181 : memref<12x256xi32, #tpu.memory_space<hbm>>) dst(%dma_wait3A_179 : memref<12x256xi32, #tpu.memory_space<vmem>>)
      tpu.yield
    }) : () -> ()
    %eq3A_17 = arith.constant 0 : i32
    %eq3A_18 = arith.cmpi eq, %arg0, %eq3A_17 : i32
    %convert_element_type3A = arith.extui %eq3A_18 : i1 to i32
    %cond3A = arith.constant 0 : i32
    %cond3A_19 = arith.cmpi ne, %convert_element_type3A, %cond3A : i32
    scf.if %cond3A_19 {
      %add3A_162 = arith.constant 12 : i32
      %add3A_163 = arith.addi %select_n3A_8, %add3A_162 : i32
      "tpu.region"() ({
        %run_scoped3A = tpu.sem_alloc : memref<!tpu.dma_semaphore, #tpu.memory_space<semaphore_mem>>
        %dma_start3A_164 = arith.constant 12 : i32
        %dma_start3A_165 = arith.constant 0 : i32
        %dma_start3A_166 = tpu.memref_slice %arg6[%dma_start3A_164, %dma_start3A_165] : memref<68x256xi32, #tpu.memory_space<vmem>> -> memref<56x256xi32, #tpu.memory_space<vmem>>
        %dma_start3A_167 = arith.constant 0 : i32
        %dma_start3A_168 = tpu.memref_slice %arg3[%add3A_163, %dma_start3A_167] : memref<1348x256xi32, #tpu.memory_space<hbm>> -> memref<56x256xi32, #tpu.memory_space<hbm>>
        %dma_start3A_169 = arith.constant 12 : i32
        %dma_start3A_170 = arith.constant 0 : i32
        %dma_start3A_171 = tpu.memref_slice %arg6[%dma_start3A_169, %dma_start3A_170] : memref<68x256xi32, #tpu.memory_space<vmem>> -> memref<56x256xi32, #tpu.memory_space<vmem>>
        %dma_start3A_172 = arith.constant 0 : i32
        %dma_start3A_173 = tpu.memref_slice %arg3[%add3A_163, %dma_start3A_172] : memref<1348x256xi32, #tpu.memory_space<hbm>> -> memref<56x256xi32, #tpu.memory_space<hbm>>
        tpu.enqueue_dma source(%dma_start3A_173 : memref<56x256xi32, #tpu.memory_space<hbm>>) target(%dma_start3A_171 : memref<56x256xi32, #tpu.memory_space<vmem>>) target_semaphore(%run_scoped3A : memref<!tpu.dma_semaphore, #tpu.memory_space<semaphore_mem>>)
        %dma_wait3A_174 = arith.constant 12 : i32
        %dma_wait3A_175 = arith.constant 0 : i32
        %dma_wait3A_176 = tpu.memref_slice %arg6[%dma_wait3A_174, %dma_wait3A_175] : memref<68x256xi32, #tpu.memory_space<vmem>> -> memref<56x256xi32, #tpu.memory_space<vmem>>
        %dma_wait3A_177 = arith.constant 0 : i32
        %dma_wait3A_178 = tpu.memref_slice %arg3[%add3A_163, %dma_wait3A_177] : memref<1348x256xi32, #tpu.memory_space<hbm>> -> memref<56x256xi32, #tpu.memory_space<hbm>>
        %dma_wait3A_179 = arith.constant 12 : i32
        %dma_wait3A_180 = arith.constant 0 : i32
        %dma_wait3A_181 = tpu.memref_slice %arg6[%dma_wait3A_179, %dma_wait3A_180] : memref<68x256xi32, #tpu.memory_space<vmem>> -> memref<56x256xi32, #tpu.memory_space<vmem>>
        %dma_wait3A_182 = arith.constant 0 : i32
        %dma_wait3A_183 = tpu.memref_slice %arg3[%add3A_163, %dma_wait3A_182] : memref<1348x256xi32, #tpu.memory_space<hbm>> -> memref<56x256xi32, #tpu.memory_space<hbm>>
        tpu.wait_dma2 semaphore(%run_scoped3A : memref<!tpu.dma_semaphore, #tpu.memory_space<semaphore_mem>>) src(%dma_wait3A_183 : memref<56x256xi32, #tpu.memory_space<hbm>>) dst(%dma_wait3A_181 : memref<56x256xi32, #tpu.memory_space<vmem>>)
        tpu.yield
      }) : () -> ()
      "tpu.region"() ({
        %run_scoped3A = tpu.sem_alloc : memref<!tpu.dma_semaphore, #tpu.memory_space<semaphore_mem>>
        %dma_start3A_164 = arith.constant 12 : i32
        %dma_start3A_165 = arith.constant 0 : i32
        %dma_start3A_166 = tpu.memref_slice %arg7[%dma_start3A_164, %dma_start3A_165] : memref<68x256xi32, #tpu.memory_space<vmem>> -> memref<56x256xi32, #tpu.memory_space<vmem>>
        %dma_start3A_167 = arith.constant 0 : i32
        %dma_start3A_168 = tpu.memref_slice %arg4[%add3A_163, %dma_start3A_167] : memref<1348x256xi32, #tpu.memory_space<hbm>> -> memref<56x256xi32, #tpu.memory_space<hbm>>
        %dma_start3A_169 = arith.constant 12 : i32
        %dma_start3A_170 = arith.constant 0 : i32
        %dma_start3A_171 = tpu.memref_slice %arg7[%dma_start3A_169, %dma_start3A_170] : memref<68x256xi32, #tpu.memory_space<vmem>> -> memref<56x256xi32, #tpu.memory_space<vmem>>
        %dma_start3A_172 = arith.constant 0 : i32
        %dma_start3A_173 = tpu.memref_slice %arg4[%add3A_163, %dma_start3A_172] : memref<1348x256xi32, #tpu.memory_space<hbm>> -> memref<56x256xi32, #tpu.memory_space<hbm>>
        tpu.enqueue_dma source(%dma_start3A_173 : memref<56x256xi32, #tpu.memory_space<hbm>>) target(%dma_start3A_171 : memref<56x256xi32, #tpu.memory_space<vmem>>) target_semaphore(%run_scoped3A : memref<!tpu.dma_semaphore, #tpu.memory_space<semaphore_mem>>)
        %dma_wait3A_174 = arith.constant 12 : i32
        %dma_wait3A_175 = arith.constant 0 : i32
        %dma_wait3A_176 = tpu.memref_slice %arg7[%dma_wait3A_174, %dma_wait3A_175] : memref<68x256xi32, #tpu.memory_space<vmem>> -> memref<56x256xi32, #tpu.memory_space<vmem>>
        %dma_wait3A_177 = arith.constant 0 : i32
        %dma_wait3A_178 = tpu.memref_slice %arg4[%add3A_163, %dma_wait3A_177] : memref<1348x256xi32, #tpu.memory_space<hbm>> -> memref<56x256xi32, #tpu.memory_space<hbm>>
        %dma_wait3A_179 = arith.constant 12 : i32
        %dma_wait3A_180 = arith.constant 0 : i32
        %dma_wait3A_181 = tpu.memref_slice %arg7[%dma_wait3A_179, %dma_wait3A_180] : memref<68x256xi32, #tpu.memory_space<vmem>> -> memref<56x256xi32, #tpu.memory_space<vmem>>
        %dma_wait3A_182 = arith.constant 0 : i32
        %dma_wait3A_183 = tpu.memref_slice %arg4[%add3A_163, %dma_wait3A_182] : memref<1348x256xi32, #tpu.memory_space<hbm>> -> memref<56x256xi32, #tpu.memory_space<hbm>>
        tpu.wait_dma2 semaphore(%run_scoped3A : memref<!tpu.dma_semaphore, #tpu.memory_space<semaphore_mem>>) src(%dma_wait3A_183 : memref<56x256xi32, #tpu.memory_space<hbm>>) dst(%dma_wait3A_181 : memref<56x256xi32, #tpu.memory_space<vmem>>)
        tpu.yield
      }) : () -> ()
    } else {
    }
    %barrier3A = arith.constant 0 : index
    tpu.barrier barrier_id(%barrier3A)
    %dma_start3A = arith.constant 0 : i32
    %dma_start3A_20 = arith.constant 0 : i32
    %dma_start3A_21 = tpu.memref_slice %arg6[%dma_start3A, %dma_start3A_20] : memref<68x256xi32, #tpu.memory_space<vmem>> -> memref<1x256xi32, #tpu.memory_space<vmem>>
    %dma_start3A_22 = tpu.memref_squeeze %dma_start3A_21 : memref<1x256xi32, #tpu.memory_space<vmem>> -> memref<256xi32, #tpu.memory_space<vmem>>
    %dma_start3A_23 = arith.constant 0 : i32
    %dma_start3A_24 = arith.constant 0 : i32
    %dma_start3A_25 = tpu.memref_slice %arg2[%dma_start3A_23, %dma_start3A_24] : memref<10000x32xf32, #tpu.memory_space<hbm>> -> memref<10000x32xf32, #tpu.memory_space<hbm>>
    tpu.enqueue_indirect_dma source(%dma_start3A_25 : memref<10000x32xf32, #tpu.memory_space<hbm>>) target(%arg8 : memref<256x32xf32, #tpu.memory_space<vmem>>) offsets(%dma_start3A_22 : memref<256xi32, #tpu.memory_space<vmem>>) semaphore(%arg14 : memref<!tpu.dma_semaphore, #tpu.memory_space<semaphore_mem>>)
    %dma_start3A_26 = arith.constant 1 : i32
    %dma_start3A_27 = arith.constant 0 : i32
    %dma_start3A_28 = tpu.memref_slice %arg6[%dma_start3A_26, %dma_start3A_27] : memref<68x256xi32, #tpu.memory_space<vmem>> -> memref<1x256xi32, #tpu.memory_space<vmem>>
    %dma_start3A_29 = tpu.memref_squeeze %dma_start3A_28 : memref<1x256xi32, #tpu.memory_space<vmem>> -> memref<256xi32, #tpu.memory_space<vmem>>
    %dma_start3A_30 = arith.constant 0 : i32
    %dma_start3A_31 = arith.constant 0 : i32
    %dma_start3A_32 = tpu.memref_slice %arg2[%dma_start3A_30, %dma_start3A_31] : memref<10000x32xf32, #tpu.memory_space<hbm>> -> memref<10000x32xf32, #tpu.memory_space<hbm>>
    tpu.enqueue_indirect_dma source(%dma_start3A_32 : memref<10000x32xf32, #tpu.memory_space<hbm>>) target(%arg9 : memref<256x32xf32, #tpu.memory_space<vmem>>) offsets(%dma_start3A_29 : memref<256xi32, #tpu.memory_space<vmem>>) semaphore(%arg15 : memref<!tpu.dma_semaphore, #tpu.memory_space<semaphore_mem>>)
    %dma_wait3A = arith.constant 0 : i32
    %dma_wait3A_33 = arith.constant 0 : i32
    %dma_wait3A_34 = tpu.memref_slice %arg6[%dma_wait3A, %dma_wait3A_33] : memref<68x256xi32, #tpu.memory_space<vmem>> -> memref<1x256xi32, #tpu.memory_space<vmem>>
    %dma_wait3A_35 = tpu.memref_squeeze %dma_wait3A_34 : memref<1x256xi32, #tpu.memory_space<vmem>> -> memref<256xi32, #tpu.memory_space<vmem>>
    %dma_wait3A_36 = arith.constant 0 : i32
    %dma_wait3A_37 = arith.constant 0 : i32
    %dma_wait3A_38 = tpu.memref_slice %arg2[%dma_wait3A_36, %dma_wait3A_37] : memref<10000x32xf32, #tpu.memory_space<hbm>> -> memref<10000x32xf32, #tpu.memory_space<hbm>>
    tpu.wait_indirect_dma semaphore(%arg14 : memref<!tpu.dma_semaphore, #tpu.memory_space<semaphore_mem>>) src(%dma_wait3A_38 : memref<10000x32xf32, #tpu.memory_space<hbm>>) dst(%arg8 : memref<256x32xf32, #tpu.memory_space<vmem>>)
    %dma_start3A_39 = arith.constant 0 : i32
    %dma_start3A_40 = arith.constant 0 : i32
    %dma_start3A_41 = tpu.memref_slice %arg7[%dma_start3A_39, %dma_start3A_40] : memref<68x256xi32, #tpu.memory_space<vmem>> -> memref<1x256xi32, #tpu.memory_space<vmem>>
    %dma_start3A_42 = tpu.memref_squeeze %dma_start3A_41 : memref<1x256xi32, #tpu.memory_space<vmem>> -> memref<256xi32, #tpu.memory_space<vmem>>
    %dma_start3A_43 = arith.constant 0 : i32
    %dma_start3A_44 = arith.constant 0 : i32
    %dma_start3A_45 = tpu.memref_slice %arg13[%dma_start3A_43, %dma_start3A_44] : memref<10112x32xf32, #tpu.memory_space<vmem_shared>> -> memref<10112x32xf32, #tpu.memory_space<vmem_shared>>
    tpu.enqueue_indirect_dma source(%arg8 : memref<256x32xf32, #tpu.memory_space<vmem>>) target(%dma_start3A_45 : memref<10112x32xf32, #tpu.memory_space<vmem_shared>>) offsets(%dma_start3A_42 : memref<256xi32, #tpu.memory_space<vmem>>) semaphore(%arg18 : memref<!tpu.dma_semaphore, #tpu.memory_space<semaphore_mem>>) {add = true}
    %dma_start3A_46 = arith.constant 2 : i32
    %dma_start3A_47 = arith.constant 0 : i32
    %dma_start3A_48 = tpu.memref_slice %arg6[%dma_start3A_46, %dma_start3A_47] : memref<68x256xi32, #tpu.memory_space<vmem>> -> memref<1x256xi32, #tpu.memory_space<vmem>>
    %dma_start3A_49 = tpu.memref_squeeze %dma_start3A_48 : memref<1x256xi32, #tpu.memory_space<vmem>> -> memref<256xi32, #tpu.memory_space<vmem>>
    %dma_start3A_50 = arith.constant 0 : i32
    %dma_start3A_51 = arith.constant 0 : i32
    %dma_start3A_52 = tpu.memref_slice %arg2[%dma_start3A_50, %dma_start3A_51] : memref<10000x32xf32, #tpu.memory_space<hbm>> -> memref<10000x32xf32, #tpu.memory_space<hbm>>
    tpu.enqueue_indirect_dma source(%dma_start3A_52 : memref<10000x32xf32, #tpu.memory_space<hbm>>) target(%arg10 : memref<256x32xf32, #tpu.memory_space<vmem>>) offsets(%dma_start3A_49 : memref<256xi32, #tpu.memory_space<vmem>>) semaphore(%arg16 : memref<!tpu.dma_semaphore, #tpu.memory_space<semaphore_mem>>)
    %dma_wait3A_53 = arith.constant 0 : i32
    %dma_wait3A_54 = arith.constant 0 : i32
    %dma_wait3A_55 = tpu.memref_slice %arg6[%dma_wait3A_53, %dma_wait3A_54] : memref<68x256xi32, #tpu.memory_space<vmem>> -> memref<1x256xi32, #tpu.memory_space<vmem>>
    %dma_wait3A_56 = tpu.memref_squeeze %dma_wait3A_55 : memref<1x256xi32, #tpu.memory_space<vmem>> -> memref<256xi32, #tpu.memory_space<vmem>>
    %dma_wait3A_57 = arith.constant 0 : i32
    %dma_wait3A_58 = arith.constant 0 : i32
    %dma_wait3A_59 = tpu.memref_slice %arg2[%dma_wait3A_57, %dma_wait3A_58] : memref<10000x32xf32, #tpu.memory_space<hbm>> -> memref<10000x32xf32, #tpu.memory_space<hbm>>
    tpu.wait_indirect_dma semaphore(%arg15 : memref<!tpu.dma_semaphore, #tpu.memory_space<semaphore_mem>>) src(%dma_wait3A_59 : memref<10000x32xf32, #tpu.memory_space<hbm>>) dst(%arg9 : memref<256x32xf32, #tpu.memory_space<vmem>>)
    %dma_start3A_60 = arith.constant 1 : i32
    %dma_start3A_61 = arith.constant 0 : i32
    %dma_start3A_62 = tpu.memref_slice %arg7[%dma_start3A_60, %dma_start3A_61] : memref<68x256xi32, #tpu.memory_space<vmem>> -> memref<1x256xi32, #tpu.memory_space<vmem>>
    %dma_start3A_63 = tpu.memref_squeeze %dma_start3A_62 : memref<1x256xi32, #tpu.memory_space<vmem>> -> memref<256xi32, #tpu.memory_space<vmem>>
    %dma_start3A_64 = arith.constant 0 : i32
    %dma_start3A_65 = arith.constant 0 : i32
    %dma_start3A_66 = tpu.memref_slice %arg13[%dma_start3A_64, %dma_start3A_65] : memref<10112x32xf32, #tpu.memory_space<vmem_shared>> -> memref<10112x32xf32, #tpu.memory_space<vmem_shared>>
    tpu.enqueue_indirect_dma source(%arg9 : memref<256x32xf32, #tpu.memory_space<vmem>>) target(%dma_start3A_66 : memref<10112x32xf32, #tpu.memory_space<vmem_shared>>) offsets(%dma_start3A_63 : memref<256xi32, #tpu.memory_space<vmem>>) semaphore(%arg19 : memref<!tpu.dma_semaphore, #tpu.memory_space<semaphore_mem>>) {add = true}
    %dma_start3A_67 = arith.constant 3 : i32
    %dma_start3A_68 = arith.constant 0 : i32
    %dma_start3A_69 = tpu.memref_slice %arg6[%dma_start3A_67, %dma_start3A_68] : memref<68x256xi32, #tpu.memory_space<vmem>> -> memref<1x256xi32, #tpu.memory_space<vmem>>
    %dma_start3A_70 = tpu.memref_squeeze %dma_start3A_69 : memref<1x256xi32, #tpu.memory_space<vmem>> -> memref<256xi32, #tpu.memory_space<vmem>>
    %dma_start3A_71 = arith.constant 0 : i32
    %dma_start3A_72 = arith.constant 0 : i32
    %dma_start3A_73 = tpu.memref_slice %arg2[%dma_start3A_71, %dma_start3A_72] : memref<10000x32xf32, #tpu.memory_space<hbm>> -> memref<10000x32xf32, #tpu.memory_space<hbm>>
    tpu.enqueue_indirect_dma source(%dma_start3A_73 : memref<10000x32xf32, #tpu.memory_space<hbm>>) target(%arg11 : memref<256x32xf32, #tpu.memory_space<vmem>>) offsets(%dma_start3A_70 : memref<256xi32, #tpu.memory_space<vmem>>) semaphore(%arg17 : memref<!tpu.dma_semaphore, #tpu.memory_space<semaphore_mem>>)
    %sub3A = arith.constant 4 : i32
    %sub3A_74 = arith.subi %select_n3A, %sub3A : i32
    %jit3A_75 = arith.constant 4 : i32
    %div3A = arith.divsi %sub3A_74, %jit3A_75 : i32
    %sign3A = arith.constant 0 : i32
    %sign3A_76 = arith.cmpi sgt, %sub3A_74, %sign3A : i32
    %sign3A_77 = arith.extui %sign3A_76 : i1 to i32
    %sign3A_78 = arith.constant 0 : i32
    %sign3A_79 = arith.cmpi slt, %sub3A_74, %sign3A_78 : i32
    %sign3A_80 = arith.extui %sign3A_79 : i1 to i32
    %sign3A_81 = arith.subi %sign3A_77, %sign3A_80 : i32
    %sign3A_82 = arith.constant 0 : i32
    %sign3A_83 = arith.cmpi sgt, %jit3A_75, %sign3A_82 : i32
    %sign3A_84 = arith.extui %sign3A_83 : i1 to i32
    %sign3A_85 = arith.constant 0 : i32
    %sign3A_86 = arith.cmpi slt, %jit3A_75, %sign3A_85 : i32
    %sign3A_87 = arith.extui %sign3A_86 : i1 to i32
    %sign3A_88 = arith.subi %sign3A_84, %sign3A_87 : i32
    %ne3A = arith.cmpi ne, %sign3A_81, %sign3A_88 : i32
    %rem3A = arith.remsi %sub3A_74, %jit3A_75 : i32
    %ne3A_89 = arith.constant 0 : i32
    %ne3A_90 = arith.cmpi ne, %rem3A, %ne3A_89 : i32
    %and3A = arith.andi %ne3A, %ne3A_90 : i1
    %sub3A_91 = arith.constant 1 : i32
    %sub3A_92 = arith.subi %div3A, %sub3A_91 : i32
    %select_n3A_93 = arith.select %and3A, %sub3A_92, %div3A : i32
    %while3A = arith.constant 0 : i32
    %while3A_94 = arith.constant 0 : i32
    %while3A_95 = arith.subi %select_n3A_93, %while3A_94 : i32
    %while3A_96 = arith.addi %while3A_94, %while3A_95 : i32
    %while3A_97 = arith.constant 1 : i32
    %while3A_98 = arith.divsi %while3A_95, %while3A_97 : i32
    %while3A_99 = arith.muli %while3A_98, %while3A_97 : i32
    %while3A_100 = arith.addi %while3A_94, %while3A_99 : i32
    %while3A_101 = arith.constant 1 : i32
    scf.for %while3A_162 = %while3A_94 to %while3A_100 step %while3A_101  : i32 {
      %mul3A_163 = arith.constant 4 : i32
      %mul3A_164 = arith.muli %while3A_162, %mul3A_163 : i32
      %add3A_165 = arith.constant 0 : i32
      %add3A_166 = arith.addi %mul3A_164, %add3A_165 : i32
      %add3A_167 = arith.constant 2 : i32
      %add3A_168 = arith.addi %add3A_166, %add3A_167 : i32
      %dma_wait3A_169 = arith.constant 0 : i32
      %dma_wait3A_170 = arith.constant 0 : i32
      %dma_wait3A_171 = tpu.memref_slice %arg6[%dma_wait3A_169, %dma_wait3A_170] : memref<68x256xi32, #tpu.memory_space<vmem>> -> memref<1x256xi32, #tpu.memory_space<vmem>>
      %dma_wait3A_172 = tpu.memref_squeeze %dma_wait3A_171 : memref<1x256xi32, #tpu.memory_space<vmem>> -> memref<256xi32, #tpu.memory_space<vmem>>
      %dma_wait3A_173 = arith.constant 0 : i32
      %dma_wait3A_174 = arith.constant 0 : i32
      %dma_wait3A_175 = tpu.memref_slice %arg2[%dma_wait3A_173, %dma_wait3A_174] : memref<10000x32xf32, #tpu.memory_space<hbm>> -> memref<10000x32xf32, #tpu.memory_space<hbm>>
      tpu.wait_indirect_dma semaphore(%arg16 : memref<!tpu.dma_semaphore, #tpu.memory_space<semaphore_mem>>) src(%dma_wait3A_175 : memref<10000x32xf32, #tpu.memory_space<hbm>>) dst(%arg10 : memref<256x32xf32, #tpu.memory_space<vmem>>)
      %dma_start3A_176 = arith.constant 0 : i32
      %dma_start3A_177 = tpu.memref_slice %arg7[%add3A_168, %dma_start3A_176] : memref<68x256xi32, #tpu.memory_space<vmem>> -> memref<1x256xi32, #tpu.memory_space<vmem>>
      %dma_start3A_178 = tpu.memref_squeeze %dma_start3A_177 : memref<1x256xi32, #tpu.memory_space<vmem>> -> memref<256xi32, #tpu.memory_space<vmem>>
      %dma_start3A_179 = arith.constant 0 : i32
      %dma_start3A_180 = arith.constant 0 : i32
      %dma_start3A_181 = tpu.memref_slice %arg13[%dma_start3A_179, %dma_start3A_180] : memref<10112x32xf32, #tpu.memory_space<vmem_shared>> -> memref<10112x32xf32, #tpu.memory_space<vmem_shared>>
      tpu.enqueue_indirect_dma source(%arg10 : memref<256x32xf32, #tpu.memory_space<vmem>>) target(%dma_start3A_181 : memref<10112x32xf32, #tpu.memory_space<vmem_shared>>) offsets(%dma_start3A_178 : memref<256xi32, #tpu.memory_space<vmem>>) semaphore(%arg20 : memref<!tpu.dma_semaphore, #tpu.memory_space<semaphore_mem>>) {add = true}
      %dma_wait3A_182 = arith.constant 0 : i32
      %dma_wait3A_183 = arith.constant 0 : i32
      %dma_wait3A_184 = tpu.memref_slice %arg7[%dma_wait3A_182, %dma_wait3A_183] : memref<68x256xi32, #tpu.memory_space<vmem>> -> memref<1x256xi32, #tpu.memory_space<vmem>>
      %dma_wait3A_185 = tpu.memref_squeeze %dma_wait3A_184 : memref<1x256xi32, #tpu.memory_space<vmem>> -> memref<256xi32, #tpu.memory_space<vmem>>
      %dma_wait3A_186 = arith.constant 0 : i32
      %dma_wait3A_187 = arith.constant 0 : i32
      %dma_wait3A_188 = tpu.memref_slice %arg13[%dma_wait3A_186, %dma_wait3A_187] : memref<10112x32xf32, #tpu.memory_space<vmem_shared>> -> memref<10112x32xf32, #tpu.memory_space<vmem_shared>>
      tpu.wait_indirect_dma semaphore(%arg18 : memref<!tpu.dma_semaphore, #tpu.memory_space<semaphore_mem>>) src(%arg8 : memref<256x32xf32, #tpu.memory_space<vmem>>) dst(%dma_wait3A_188 : memref<10112x32xf32, #tpu.memory_space<vmem_shared>>)
      %add3A_189 = arith.constant 2 : i32
      %add3A_190 = arith.addi %add3A_168, %add3A_189 : i32
      %dma_start3A_191 = arith.constant 0 : i32
      %dma_start3A_192 = tpu.memref_slice %arg6[%add3A_190, %dma_start3A_191] : memref<68x256xi32, #tpu.memory_space<vmem>> -> memref<1x256xi32, #tpu.memory_space<vmem>>
      %dma_start3A_193 = tpu.memref_squeeze %dma_start3A_192 : memref<1x256xi32, #tpu.memory_space<vmem>> -> memref<256xi32, #tpu.memory_space<vmem>>
      %dma_start3A_194 = arith.constant 0 : i32
      %dma_start3A_195 = arith.constant 0 : i32
      %dma_start3A_196 = tpu.memref_slice %arg2[%dma_start3A_194, %dma_start3A_195] : memref<10000x32xf32, #tpu.memory_space<hbm>> -> memref<10000x32xf32, #tpu.memory_space<hbm>>
      tpu.enqueue_indirect_dma source(%dma_start3A_196 : memref<10000x32xf32, #tpu.memory_space<hbm>>) target(%arg8 : memref<256x32xf32, #tpu.memory_space<vmem>>) offsets(%dma_start3A_193 : memref<256xi32, #tpu.memory_space<vmem>>) semaphore(%arg14 : memref<!tpu.dma_semaphore, #tpu.memory_space<semaphore_mem>>)
      %mul3A_197 = arith.constant 4 : i32
      %mul3A_198 = arith.muli %while3A_162, %mul3A_197 : i32
      %add3A_199 = arith.constant 1 : i32
      %add3A_200 = arith.addi %mul3A_198, %add3A_199 : i32
      %add3A_201 = arith.constant 2 : i32
      %add3A_202 = arith.addi %add3A_200, %add3A_201 : i32
      %dma_wait3A_203 = arith.constant 0 : i32
      %dma_wait3A_204 = arith.constant 0 : i32
      %dma_wait3A_205 = tpu.memref_slice %arg6[%dma_wait3A_203, %dma_wait3A_204] : memref<68x256xi32, #tpu.memory_space<vmem>> -> memref<1x256xi32, #tpu.memory_space<vmem>>
      %dma_wait3A_206 = tpu.memref_squeeze %dma_wait3A_205 : memref<1x256xi32, #tpu.memory_space<vmem>> -> memref<256xi32, #tpu.memory_space<vmem>>
      %dma_wait3A_207 = arith.constant 0 : i32
      %dma_wait3A_208 = arith.constant 0 : i32
      %dma_wait3A_209 = tpu.memref_slice %arg2[%dma_wait3A_207, %dma_wait3A_208] : memref<10000x32xf32, #tpu.memory_space<hbm>> -> memref<10000x32xf32, #tpu.memory_space<hbm>>
      tpu.wait_indirect_dma semaphore(%arg17 : memref<!tpu.dma_semaphore, #tpu.memory_space<semaphore_mem>>) src(%dma_wait3A_209 : memref<10000x32xf32, #tpu.memory_space<hbm>>) dst(%arg11 : memref<256x32xf32, #tpu.memory_space<vmem>>)
      %dma_start3A_210 = arith.constant 0 : i32
      %dma_start3A_211 = tpu.memref_slice %arg7[%add3A_202, %dma_start3A_210] : memref<68x256xi32, #tpu.memory_space<vmem>> -> memref<1x256xi32, #tpu.memory_space<vmem>>
      %dma_start3A_212 = tpu.memref_squeeze %dma_start3A_211 : memref<1x256xi32, #tpu.memory_space<vmem>> -> memref<256xi32, #tpu.memory_space<vmem>>
      %dma_start3A_213 = arith.constant 0 : i32
      %dma_start3A_214 = arith.constant 0 : i32
      %dma_start3A_215 = tpu.memref_slice %arg13[%dma_start3A_213, %dma_start3A_214] : memref<10112x32xf32, #tpu.memory_space<vmem_shared>> -> memref<10112x32xf32, #tpu.memory_space<vmem_shared>>
      tpu.enqueue_indirect_dma source(%arg11 : memref<256x32xf32, #tpu.memory_space<vmem>>) target(%dma_start3A_215 : memref<10112x32xf32, #tpu.memory_space<vmem_shared>>) offsets(%dma_start3A_212 : memref<256xi32, #tpu.memory_space<vmem>>) semaphore(%arg21 : memref<!tpu.dma_semaphore, #tpu.memory_space<semaphore_mem>>) {add = true}
      %dma_wait3A_216 = arith.constant 0 : i32
      %dma_wait3A_217 = arith.constant 0 : i32
      %dma_wait3A_218 = tpu.memref_slice %arg7[%dma_wait3A_216, %dma_wait3A_217] : memref<68x256xi32, #tpu.memory_space<vmem>> -> memref<1x256xi32, #tpu.memory_space<vmem>>
      %dma_wait3A_219 = tpu.memref_squeeze %dma_wait3A_218 : memref<1x256xi32, #tpu.memory_space<vmem>> -> memref<256xi32, #tpu.memory_space<vmem>>
      %dma_wait3A_220 = arith.constant 0 : i32
      %dma_wait3A_221 = arith.constant 0 : i32
      %dma_wait3A_222 = tpu.memref_slice %arg13[%dma_wait3A_220, %dma_wait3A_221] : memref<10112x32xf32, #tpu.memory_space<vmem_shared>> -> memref<10112x32xf32, #tpu.memory_space<vmem_shared>>
      tpu.wait_indirect_dma semaphore(%arg19 : memref<!tpu.dma_semaphore, #tpu.memory_space<semaphore_mem>>) src(%arg9 : memref<256x32xf32, #tpu.memory_space<vmem>>) dst(%dma_wait3A_222 : memref<10112x32xf32, #tpu.memory_space<vmem_shared>>)
      %add3A_223 = arith.constant 2 : i32
      %add3A_224 = arith.addi %add3A_202, %add3A_223 : i32
      %dma_start3A_225 = arith.constant 0 : i32
      %dma_start3A_226 = tpu.memref_slice %arg6[%add3A_224, %dma_start3A_225] : memref<68x256xi32, #tpu.memory_space<vmem>> -> memref<1x256xi32, #tpu.memory_space<vmem>>
      %dma_start3A_227 = tpu.memref_squeeze %dma_start3A_226 : memref<1x256xi32, #tpu.memory_space<vmem>> -> memref<256xi32, #tpu.memory_space<vmem>>
      %dma_start3A_228 = arith.constant 0 : i32
      %dma_start3A_229 = arith.constant 0 : i32
      %dma_start3A_230 = tpu.memref_slice %arg2[%dma_start3A_228, %dma_start3A_229] : memref<10000x32xf32, #tpu.memory_space<hbm>> -> memref<10000x32xf32, #tpu.memory_space<hbm>>
      tpu.enqueue_indirect_dma source(%dma_start3A_230 : memref<10000x32xf32, #tpu.memory_space<hbm>>) target(%arg9 : memref<256x32xf32, #tpu.memory_space<vmem>>) offsets(%dma_start3A_227 : memref<256xi32, #tpu.memory_space<vmem>>) semaphore(%arg15 : memref<!tpu.dma_semaphore, #tpu.memory_space<semaphore_mem>>)
      %mul3A_231 = arith.constant 4 : i32
      %mul3A_232 = arith.muli %while3A_162, %mul3A_231 : i32
      %add3A_233 = arith.constant 2 : i32
      %add3A_234 = arith.addi %mul3A_232, %add3A_233 : i32
      %add3A_235 = arith.constant 2 : i32
      %add3A_236 = arith.addi %add3A_234, %add3A_235 : i32
      %dma_wait3A_237 = arith.constant 0 : i32
      %dma_wait3A_238 = arith.constant 0 : i32
      %dma_wait3A_239 = tpu.memref_slice %arg6[%dma_wait3A_237, %dma_wait3A_238] : memref<68x256xi32, #tpu.memory_space<vmem>> -> memref<1x256xi32, #tpu.memory_space<vmem>>
      %dma_wait3A_240 = tpu.memref_squeeze %dma_wait3A_239 : memref<1x256xi32, #tpu.memory_space<vmem>> -> memref<256xi32, #tpu.memory_space<vmem>>
      %dma_wait3A_241 = arith.constant 0 : i32
      %dma_wait3A_242 = arith.constant 0 : i32
      %dma_wait3A_243 = tpu.memref_slice %arg2[%dma_wait3A_241, %dma_wait3A_242] : memref<10000x32xf32, #tpu.memory_space<hbm>> -> memref<10000x32xf32, #tpu.memory_space<hbm>>
      tpu.wait_indirect_dma semaphore(%arg14 : memref<!tpu.dma_semaphore, #tpu.memory_space<semaphore_mem>>) src(%dma_wait3A_243 : memref<10000x32xf32, #tpu.memory_space<hbm>>) dst(%arg8 : memref<256x32xf32, #tpu.memory_space<vmem>>)
      %dma_start3A_244 = arith.constant 0 : i32
      %dma_start3A_245 = tpu.memref_slice %arg7[%add3A_236, %dma_start3A_244] : memref<68x256xi32, #tpu.memory_space<vmem>> -> memref<1x256xi32, #tpu.memory_space<vmem>>
      %dma_start3A_246 = tpu.memref_squeeze %dma_start3A_245 : memref<1x256xi32, #tpu.memory_space<vmem>> -> memref<256xi32, #tpu.memory_space<vmem>>
      %dma_start3A_247 = arith.constant 0 : i32
      %dma_start3A_248 = arith.constant 0 : i32
      %dma_start3A_249 = tpu.memref_slice %arg13[%dma_start3A_247, %dma_start3A_248] : memref<10112x32xf32, #tpu.memory_space<vmem_shared>> -> memref<10112x32xf32, #tpu.memory_space<vmem_shared>>
      tpu.enqueue_indirect_dma source(%arg8 : memref<256x32xf32, #tpu.memory_space<vmem>>) target(%dma_start3A_249 : memref<10112x32xf32, #tpu.memory_space<vmem_shared>>) offsets(%dma_start3A_246 : memref<256xi32, #tpu.memory_space<vmem>>) semaphore(%arg18 : memref<!tpu.dma_semaphore, #tpu.memory_space<semaphore_mem>>) {add = true}
      %dma_wait3A_250 = arith.constant 0 : i32
      %dma_wait3A_251 = arith.constant 0 : i32
      %dma_wait3A_252 = tpu.memref_slice %arg7[%dma_wait3A_250, %dma_wait3A_251] : memref<68x256xi32, #tpu.memory_space<vmem>> -> memref<1x256xi32, #tpu.memory_space<vmem>>
      %dma_wait3A_253 = tpu.memref_squeeze %dma_wait3A_252 : memref<1x256xi32, #tpu.memory_space<vmem>> -> memref<256xi32, #tpu.memory_space<vmem>>
      %dma_wait3A_254 = arith.constant 0 : i32
      %dma_wait3A_255 = arith.constant 0 : i32
      %dma_wait3A_256 = tpu.memref_slice %arg13[%dma_wait3A_254, %dma_wait3A_255] : memref<10112x32xf32, #tpu.memory_space<vmem_shared>> -> memref<10112x32xf32, #tpu.memory_space<vmem_shared>>
      tpu.wait_indirect_dma semaphore(%arg20 : memref<!tpu.dma_semaphore, #tpu.memory_space<semaphore_mem>>) src(%arg10 : memref<256x32xf32, #tpu.memory_space<vmem>>) dst(%dma_wait3A_256 : memref<10112x32xf32, #tpu.memory_space<vmem_shared>>)
      %add3A_257 = arith.constant 2 : i32
      %add3A_258 = arith.addi %add3A_236, %add3A_257 : i32
      %dma_start3A_259 = arith.constant 0 : i32
      %dma_start3A_260 = tpu.memref_slice %arg6[%add3A_258, %dma_start3A_259] : memref<68x256xi32, #tpu.memory_space<vmem>> -> memref<1x256xi32, #tpu.memory_space<vmem>>
      %dma_start3A_261 = tpu.memref_squeeze %dma_start3A_260 : memref<1x256xi32, #tpu.memory_space<vmem>> -> memref<256xi32, #tpu.memory_space<vmem>>
      %dma_start3A_262 = arith.constant 0 : i32
      %dma_start3A_263 = arith.constant 0 : i32
      %dma_start3A_264 = tpu.memref_slice %arg2[%dma_start3A_262, %dma_start3A_263] : memref<10000x32xf32, #tpu.memory_space<hbm>> -> memref<10000x32xf32, #tpu.memory_space<hbm>>
      tpu.enqueue_indirect_dma source(%dma_start3A_264 : memref<10000x32xf32, #tpu.memory_space<hbm>>) target(%arg10 : memref<256x32xf32, #tpu.memory_space<vmem>>) offsets(%dma_start3A_261 : memref<256xi32, #tpu.memory_space<vmem>>) semaphore(%arg16 : memref<!tpu.dma_semaphore, #tpu.memory_space<semaphore_mem>>)
      %mul3A_265 = arith.constant 4 : i32
      %mul3A_266 = arith.muli %while3A_162, %mul3A_265 : i32
      %add3A_267 = arith.constant 3 : i32
      %add3A_268 = arith.addi %mul3A_266, %add3A_267 : i32
      %add3A_269 = arith.constant 2 : i32
      %add3A_270 = arith.addi %add3A_268, %add3A_269 : i32
      %dma_wait3A_271 = arith.constant 0 : i32
      %dma_wait3A_272 = arith.constant 0 : i32
      %dma_wait3A_273 = tpu.memref_slice %arg6[%dma_wait3A_271, %dma_wait3A_272] : memref<68x256xi32, #tpu.memory_space<vmem>> -> memref<1x256xi32, #tpu.memory_space<vmem>>
      %dma_wait3A_274 = tpu.memref_squeeze %dma_wait3A_273 : memref<1x256xi32, #tpu.memory_space<vmem>> -> memref<256xi32, #tpu.memory_space<vmem>>
      %dma_wait3A_275 = arith.constant 0 : i32
      %dma_wait3A_276 = arith.constant 0 : i32
      %dma_wait3A_277 = tpu.memref_slice %arg2[%dma_wait3A_275, %dma_wait3A_276] : memref<10000x32xf32, #tpu.memory_space<hbm>> -> memref<10000x32xf32, #tpu.memory_space<hbm>>
      tpu.wait_indirect_dma semaphore(%arg15 : memref<!tpu.dma_semaphore, #tpu.memory_space<semaphore_mem>>) src(%dma_wait3A_277 : memref<10000x32xf32, #tpu.memory_space<hbm>>) dst(%arg9 : memref<256x32xf32, #tpu.memory_space<vmem>>)
      %dma_start3A_278 = arith.constant 0 : i32
      %dma_start3A_279 = tpu.memref_slice %arg7[%add3A_270, %dma_start3A_278] : memref<68x256xi32, #tpu.memory_space<vmem>> -> memref<1x256xi32, #tpu.memory_space<vmem>>
      %dma_start3A_280 = tpu.memref_squeeze %dma_start3A_279 : memref<1x256xi32, #tpu.memory_space<vmem>> -> memref<256xi32, #tpu.memory_space<vmem>>
      %dma_start3A_281 = arith.constant 0 : i32
      %dma_start3A_282 = arith.constant 0 : i32
      %dma_start3A_283 = tpu.memref_slice %arg13[%dma_start3A_281, %dma_start3A_282] : memref<10112x32xf32, #tpu.memory_space<vmem_shared>> -> memref<10112x32xf32, #tpu.memory_space<vmem_shared>>
      tpu.enqueue_indirect_dma source(%arg9 : memref<256x32xf32, #tpu.memory_space<vmem>>) target(%dma_start3A_283 : memref<10112x32xf32, #tpu.memory_space<vmem_shared>>) offsets(%dma_start3A_280 : memref<256xi32, #tpu.memory_space<vmem>>) semaphore(%arg19 : memref<!tpu.dma_semaphore, #tpu.memory_space<semaphore_mem>>) {add = true}
      %dma_wait3A_284 = arith.constant 0 : i32
      %dma_wait3A_285 = arith.constant 0 : i32
      %dma_wait3A_286 = tpu.memref_slice %arg7[%dma_wait3A_284, %dma_wait3A_285] : memref<68x256xi32, #tpu.memory_space<vmem>> -> memref<1x256xi32, #tpu.memory_space<vmem>>
      %dma_wait3A_287 = tpu.memref_squeeze %dma_wait3A_286 : memref<1x256xi32, #tpu.memory_space<vmem>> -> memref<256xi32, #tpu.memory_space<vmem>>
      %dma_wait3A_288 = arith.constant 0 : i32
      %dma_wait3A_289 = arith.constant 0 : i32
      %dma_wait3A_290 = tpu.memref_slice %arg13[%dma_wait3A_288, %dma_wait3A_289] : memref<10112x32xf32, #tpu.memory_space<vmem_shared>> -> memref<10112x32xf32, #tpu.memory_space<vmem_shared>>
      tpu.wait_indirect_dma semaphore(%arg21 : memref<!tpu.dma_semaphore, #tpu.memory_space<semaphore_mem>>) src(%arg11 : memref<256x32xf32, #tpu.memory_space<vmem>>) dst(%dma_wait3A_290 : memref<10112x32xf32, #tpu.memory_space<vmem_shared>>)
      %add3A_291 = arith.constant 2 : i32
      %add3A_292 = arith.addi %add3A_270, %add3A_291 : i32
      %dma_start3A_293 = arith.constant 0 : i32
      %dma_start3A_294 = tpu.memref_slice %arg6[%add3A_292, %dma_start3A_293] : memref<68x256xi32, #tpu.memory_space<vmem>> -> memref<1x256xi32, #tpu.memory_space<vmem>>
      %dma_start3A_295 = tpu.memref_squeeze %dma_start3A_294 : memref<1x256xi32, #tpu.memory_space<vmem>> -> memref<256xi32, #tpu.memory_space<vmem>>
      %dma_start3A_296 = arith.constant 0 : i32
      %dma_start3A_297 = arith.constant 0 : i32
      %dma_start3A_298 = tpu.memref_slice %arg2[%dma_start3A_296, %dma_start3A_297] : memref<10000x32xf32, #tpu.memory_space<hbm>> -> memref<10000x32xf32, #tpu.memory_space<hbm>>
      tpu.enqueue_indirect_dma source(%dma_start3A_298 : memref<10000x32xf32, #tpu.memory_space<hbm>>) target(%arg11 : memref<256x32xf32, #tpu.memory_space<vmem>>) offsets(%dma_start3A_295 : memref<256xi32, #tpu.memory_space<vmem>>) semaphore(%arg17 : memref<!tpu.dma_semaphore, #tpu.memory_space<semaphore_mem>>)
    }
    %while3A_102 = arith.constant 1 : i32
    scf.for %while3A_162 = %while3A_100 to %while3A_96 step %while3A_102  : i32 {
      %mul3A_163 = arith.constant 4 : i32
      %mul3A_164 = arith.muli %while3A_162, %mul3A_163 : i32
      %add3A_165 = arith.constant 0 : i32
      %add3A_166 = arith.addi %mul3A_164, %add3A_165 : i32
      %add3A_167 = arith.constant 2 : i32
      %add3A_168 = arith.addi %add3A_166, %add3A_167 : i32
      %dma_wait3A_169 = arith.constant 0 : i32
      %dma_wait3A_170 = arith.constant 0 : i32
      %dma_wait3A_171 = tpu.memref_slice %arg6[%dma_wait3A_169, %dma_wait3A_170] : memref<68x256xi32, #tpu.memory_space<vmem>> -> memref<1x256xi32, #tpu.memory_space<vmem>>
      %dma_wait3A_172 = tpu.memref_squeeze %dma_wait3A_171 : memref<1x256xi32, #tpu.memory_space<vmem>> -> memref<256xi32, #tpu.memory_space<vmem>>
      %dma_wait3A_173 = arith.constant 0 : i32
      %dma_wait3A_174 = arith.constant 0 : i32
      %dma_wait3A_175 = tpu.memref_slice %arg2[%dma_wait3A_173, %dma_wait3A_174] : memref<10000x32xf32, #tpu.memory_space<hbm>> -> memref<10000x32xf32, #tpu.memory_space<hbm>>
      tpu.wait_indirect_dma semaphore(%arg16 : memref<!tpu.dma_semaphore, #tpu.memory_space<semaphore_mem>>) src(%dma_wait3A_175 : memref<10000x32xf32, #tpu.memory_space<hbm>>) dst(%arg10 : memref<256x32xf32, #tpu.memory_space<vmem>>)
      %dma_start3A_176 = arith.constant 0 : i32
      %dma_start3A_177 = tpu.memref_slice %arg7[%add3A_168, %dma_start3A_176] : memref<68x256xi32, #tpu.memory_space<vmem>> -> memref<1x256xi32, #tpu.memory_space<vmem>>
      %dma_start3A_178 = tpu.memref_squeeze %dma_start3A_177 : memref<1x256xi32, #tpu.memory_space<vmem>> -> memref<256xi32, #tpu.memory_space<vmem>>
      %dma_start3A_179 = arith.constant 0 : i32
      %dma_start3A_180 = arith.constant 0 : i32
      %dma_start3A_181 = tpu.memref_slice %arg13[%dma_start3A_179, %dma_start3A_180] : memref<10112x32xf32, #tpu.memory_space<vmem_shared>> -> memref<10112x32xf32, #tpu.memory_space<vmem_shared>>
      tpu.enqueue_indirect_dma source(%arg10 : memref<256x32xf32, #tpu.memory_space<vmem>>) target(%dma_start3A_181 : memref<10112x32xf32, #tpu.memory_space<vmem_shared>>) offsets(%dma_start3A_178 : memref<256xi32, #tpu.memory_space<vmem>>) semaphore(%arg20 : memref<!tpu.dma_semaphore, #tpu.memory_space<semaphore_mem>>) {add = true}
      %dma_wait3A_182 = arith.constant 0 : i32
      %dma_wait3A_183 = arith.constant 0 : i32
      %dma_wait3A_184 = tpu.memref_slice %arg7[%dma_wait3A_182, %dma_wait3A_183] : memref<68x256xi32, #tpu.memory_space<vmem>> -> memref<1x256xi32, #tpu.memory_space<vmem>>
      %dma_wait3A_185 = tpu.memref_squeeze %dma_wait3A_184 : memref<1x256xi32, #tpu.memory_space<vmem>> -> memref<256xi32, #tpu.memory_space<vmem>>
      %dma_wait3A_186 = arith.constant 0 : i32
      %dma_wait3A_187 = arith.constant 0 : i32
      %dma_wait3A_188 = tpu.memref_slice %arg13[%dma_wait3A_186, %dma_wait3A_187] : memref<10112x32xf32, #tpu.memory_space<vmem_shared>> -> memref<10112x32xf32, #tpu.memory_space<vmem_shared>>
      tpu.wait_indirect_dma semaphore(%arg18 : memref<!tpu.dma_semaphore, #tpu.memory_space<semaphore_mem>>) src(%arg8 : memref<256x32xf32, #tpu.memory_space<vmem>>) dst(%dma_wait3A_188 : memref<10112x32xf32, #tpu.memory_space<vmem_shared>>)
      %add3A_189 = arith.constant 2 : i32
      %add3A_190 = arith.addi %add3A_168, %add3A_189 : i32
      %dma_start3A_191 = arith.constant 0 : i32
      %dma_start3A_192 = tpu.memref_slice %arg6[%add3A_190, %dma_start3A_191] : memref<68x256xi32, #tpu.memory_space<vmem>> -> memref<1x256xi32, #tpu.memory_space<vmem>>
      %dma_start3A_193 = tpu.memref_squeeze %dma_start3A_192 : memref<1x256xi32, #tpu.memory_space<vmem>> -> memref<256xi32, #tpu.memory_space<vmem>>
      %dma_start3A_194 = arith.constant 0 : i32
      %dma_start3A_195 = arith.constant 0 : i32
      %dma_start3A_196 = tpu.memref_slice %arg2[%dma_start3A_194, %dma_start3A_195] : memref<10000x32xf32, #tpu.memory_space<hbm>> -> memref<10000x32xf32, #tpu.memory_space<hbm>>
      tpu.enqueue_indirect_dma source(%dma_start3A_196 : memref<10000x32xf32, #tpu.memory_space<hbm>>) target(%arg8 : memref<256x32xf32, #tpu.memory_space<vmem>>) offsets(%dma_start3A_193 : memref<256xi32, #tpu.memory_space<vmem>>) semaphore(%arg14 : memref<!tpu.dma_semaphore, #tpu.memory_space<semaphore_mem>>)
      %mul3A_197 = arith.constant 4 : i32
      %mul3A_198 = arith.muli %while3A_162, %mul3A_197 : i32
      %add3A_199 = arith.constant 1 : i32
      %add3A_200 = arith.addi %mul3A_198, %add3A_199 : i32
      %add3A_201 = arith.constant 2 : i32
      %add3A_202 = arith.addi %add3A_200, %add3A_201 : i32
      %dma_wait3A_203 = arith.constant 0 : i32
      %dma_wait3A_204 = arith.constant 0 : i32
      %dma_wait3A_205 = tpu.memref_slice %arg6[%dma_wait3A_203, %dma_wait3A_204] : memref<68x256xi32, #tpu.memory_space<vmem>> -> memref<1x256xi32, #tpu.memory_space<vmem>>
      %dma_wait3A_206 = tpu.memref_squeeze %dma_wait3A_205 : memref<1x256xi32, #tpu.memory_space<vmem>> -> memref<256xi32, #tpu.memory_space<vmem>>
      %dma_wait3A_207 = arith.constant 0 : i32
      %dma_wait3A_208 = arith.constant 0 : i32
      %dma_wait3A_209 = tpu.memref_slice %arg2[%dma_wait3A_207, %dma_wait3A_208] : memref<10000x32xf32, #tpu.memory_space<hbm>> -> memref<10000x32xf32, #tpu.memory_space<hbm>>
      tpu.wait_indirect_dma semaphore(%arg17 : memref<!tpu.dma_semaphore, #tpu.memory_space<semaphore_mem>>) src(%dma_wait3A_209 : memref<10000x32xf32, #tpu.memory_space<hbm>>) dst(%arg11 : memref<256x32xf32, #tpu.memory_space<vmem>>)
      %dma_start3A_210 = arith.constant 0 : i32
      %dma_start3A_211 = tpu.memref_slice %arg7[%add3A_202, %dma_start3A_210] : memref<68x256xi32, #tpu.memory_space<vmem>> -> memref<1x256xi32, #tpu.memory_space<vmem>>
      %dma_start3A_212 = tpu.memref_squeeze %dma_start3A_211 : memref<1x256xi32, #tpu.memory_space<vmem>> -> memref<256xi32, #tpu.memory_space<vmem>>
      %dma_start3A_213 = arith.constant 0 : i32
      %dma_start3A_214 = arith.constant 0 : i32
      %dma_start3A_215 = tpu.memref_slice %arg13[%dma_start3A_213, %dma_start3A_214] : memref<10112x32xf32, #tpu.memory_space<vmem_shared>> -> memref<10112x32xf32, #tpu.memory_space<vmem_shared>>
      tpu.enqueue_indirect_dma source(%arg11 : memref<256x32xf32, #tpu.memory_space<vmem>>) target(%dma_start3A_215 : memref<10112x32xf32, #tpu.memory_space<vmem_shared>>) offsets(%dma_start3A_212 : memref<256xi32, #tpu.memory_space<vmem>>) semaphore(%arg21 : memref<!tpu.dma_semaphore, #tpu.memory_space<semaphore_mem>>) {add = true}
      %dma_wait3A_216 = arith.constant 0 : i32
      %dma_wait3A_217 = arith.constant 0 : i32
      %dma_wait3A_218 = tpu.memref_slice %arg7[%dma_wait3A_216, %dma_wait3A_217] : memref<68x256xi32, #tpu.memory_space<vmem>> -> memref<1x256xi32, #tpu.memory_space<vmem>>
      %dma_wait3A_219 = tpu.memref_squeeze %dma_wait3A_218 : memref<1x256xi32, #tpu.memory_space<vmem>> -> memref<256xi32, #tpu.memory_space<vmem>>
      %dma_wait3A_220 = arith.constant 0 : i32
      %dma_wait3A_221 = arith.constant 0 : i32
      %dma_wait3A_222 = tpu.memref_slice %arg13[%dma_wait3A_220, %dma_wait3A_221] : memref<10112x32xf32, #tpu.memory_space<vmem_shared>> -> memref<10112x32xf32, #tpu.memory_space<vmem_shared>>
      tpu.wait_indirect_dma semaphore(%arg19 : memref<!tpu.dma_semaphore, #tpu.memory_space<semaphore_mem>>) src(%arg9 : memref<256x32xf32, #tpu.memory_space<vmem>>) dst(%dma_wait3A_222 : memref<10112x32xf32, #tpu.memory_space<vmem_shared>>)
      %add3A_223 = arith.constant 2 : i32
      %add3A_224 = arith.addi %add3A_202, %add3A_223 : i32
      %dma_start3A_225 = arith.constant 0 : i32
      %dma_start3A_226 = tpu.memref_slice %arg6[%add3A_224, %dma_start3A_225] : memref<68x256xi32, #tpu.memory_space<vmem>> -> memref<1x256xi32, #tpu.memory_space<vmem>>
      %dma_start3A_227 = tpu.memref_squeeze %dma_start3A_226 : memref<1x256xi32, #tpu.memory_space<vmem>> -> memref<256xi32, #tpu.memory_space<vmem>>
      %dma_start3A_228 = arith.constant 0 : i32
      %dma_start3A_229 = arith.constant 0 : i32
      %dma_start3A_230 = tpu.memref_slice %arg2[%dma_start3A_228, %dma_start3A_229] : memref<10000x32xf32, #tpu.memory_space<hbm>> -> memref<10000x32xf32, #tpu.memory_space<hbm>>
      tpu.enqueue_indirect_dma source(%dma_start3A_230 : memref<10000x32xf32, #tpu.memory_space<hbm>>) target(%arg9 : memref<256x32xf32, #tpu.memory_space<vmem>>) offsets(%dma_start3A_227 : memref<256xi32, #tpu.memory_space<vmem>>) semaphore(%arg15 : memref<!tpu.dma_semaphore, #tpu.memory_space<semaphore_mem>>)
      %mul3A_231 = arith.constant 4 : i32
      %mul3A_232 = arith.muli %while3A_162, %mul3A_231 : i32
      %add3A_233 = arith.constant 2 : i32
      %add3A_234 = arith.addi %mul3A_232, %add3A_233 : i32
      %add3A_235 = arith.constant 2 : i32
      %add3A_236 = arith.addi %add3A_234, %add3A_235 : i32
      %dma_wait3A_237 = arith.constant 0 : i32
      %dma_wait3A_238 = arith.constant 0 : i32
      %dma_wait3A_239 = tpu.memref_slice %arg6[%dma_wait3A_237, %dma_wait3A_238] : memref<68x256xi32, #tpu.memory_space<vmem>> -> memref<1x256xi32, #tpu.memory_space<vmem>>
      %dma_wait3A_240 = tpu.memref_squeeze %dma_wait3A_239 : memref<1x256xi32, #tpu.memory_space<vmem>> -> memref<256xi32, #tpu.memory_space<vmem>>
      %dma_wait3A_241 = arith.constant 0 : i32
      %dma_wait3A_242 = arith.constant 0 : i32
      %dma_wait3A_243 = tpu.memref_slice %arg2[%dma_wait3A_241, %dma_wait3A_242] : memref<10000x32xf32, #tpu.memory_space<hbm>> -> memref<10000x32xf32, #tpu.memory_space<hbm>>
      tpu.wait_indirect_dma semaphore(%arg14 : memref<!tpu.dma_semaphore, #tpu.memory_space<semaphore_mem>>) src(%dma_wait3A_243 : memref<10000x32xf32, #tpu.memory_space<hbm>>) dst(%arg8 : memref<256x32xf32, #tpu.memory_space<vmem>>)
      %dma_start3A_244 = arith.constant 0 : i32
      %dma_start3A_245 = tpu.memref_slice %arg7[%add3A_236, %dma_start3A_244] : memref<68x256xi32, #tpu.memory_space<vmem>> -> memref<1x256xi32, #tpu.memory_space<vmem>>
      %dma_start3A_246 = tpu.memref_squeeze %dma_start3A_245 : memref<1x256xi32, #tpu.memory_space<vmem>> -> memref<256xi32, #tpu.memory_space<vmem>>
      %dma_start3A_247 = arith.constant 0 : i32
      %dma_start3A_248 = arith.constant 0 : i32
      %dma_start3A_249 = tpu.memref_slice %arg13[%dma_start3A_247, %dma_start3A_248] : memref<10112x32xf32, #tpu.memory_space<vmem_shared>> -> memref<10112x32xf32, #tpu.memory_space<vmem_shared>>
      tpu.enqueue_indirect_dma source(%arg8 : memref<256x32xf32, #tpu.memory_space<vmem>>) target(%dma_start3A_249 : memref<10112x32xf32, #tpu.memory_space<vmem_shared>>) offsets(%dma_start3A_246 : memref<256xi32, #tpu.memory_space<vmem>>) semaphore(%arg18 : memref<!tpu.dma_semaphore, #tpu.memory_space<semaphore_mem>>) {add = true}
      %dma_wait3A_250 = arith.constant 0 : i32
      %dma_wait3A_251 = arith.constant 0 : i32
      %dma_wait3A_252 = tpu.memref_slice %arg7[%dma_wait3A_250, %dma_wait3A_251] : memref<68x256xi32, #tpu.memory_space<vmem>> -> memref<1x256xi32, #tpu.memory_space<vmem>>
      %dma_wait3A_253 = tpu.memref_squeeze %dma_wait3A_252 : memref<1x256xi32, #tpu.memory_space<vmem>> -> memref<256xi32, #tpu.memory_space<vmem>>
      %dma_wait3A_254 = arith.constant 0 : i32
      %dma_wait3A_255 = arith.constant 0 : i32
      %dma_wait3A_256 = tpu.memref_slice %arg13[%dma_wait3A_254, %dma_wait3A_255] : memref<10112x32xf32, #tpu.memory_space<vmem_shared>> -> memref<10112x32xf32, #tpu.memory_space<vmem_shared>>
      tpu.wait_indirect_dma semaphore(%arg20 : memref<!tpu.dma_semaphore, #tpu.memory_space<semaphore_mem>>) src(%arg10 : memref<256x32xf32, #tpu.memory_space<vmem>>) dst(%dma_wait3A_256 : memref<10112x32xf32, #tpu.memory_space<vmem_shared>>)
      %add3A_257 = arith.constant 2 : i32
      %add3A_258 = arith.addi %add3A_236, %add3A_257 : i32
      %dma_start3A_259 = arith.constant 0 : i32
      %dma_start3A_260 = tpu.memref_slice %arg6[%add3A_258, %dma_start3A_259] : memref<68x256xi32, #tpu.memory_space<vmem>> -> memref<1x256xi32, #tpu.memory_space<vmem>>
      %dma_start3A_261 = tpu.memref_squeeze %dma_start3A_260 : memref<1x256xi32, #tpu.memory_space<vmem>> -> memref<256xi32, #tpu.memory_space<vmem>>
      %dma_start3A_262 = arith.constant 0 : i32
      %dma_start3A_263 = arith.constant 0 : i32
      %dma_start3A_264 = tpu.memref_slice %arg2[%dma_start3A_262, %dma_start3A_263] : memref<10000x32xf32, #tpu.memory_space<hbm>> -> memref<10000x32xf32, #tpu.memory_space<hbm>>
      tpu.enqueue_indirect_dma source(%dma_start3A_264 : memref<10000x32xf32, #tpu.memory_space<hbm>>) target(%arg10 : memref<256x32xf32, #tpu.memory_space<vmem>>) offsets(%dma_start3A_261 : memref<256xi32, #tpu.memory_space<vmem>>) semaphore(%arg16 : memref<!tpu.dma_semaphore, #tpu.memory_space<semaphore_mem>>)
      %mul3A_265 = arith.constant 4 : i32
      %mul3A_266 = arith.muli %while3A_162, %mul3A_265 : i32
      %add3A_267 = arith.constant 3 : i32
      %add3A_268 = arith.addi %mul3A_266, %add3A_267 : i32
      %add3A_269 = arith.constant 2 : i32
      %add3A_270 = arith.addi %add3A_268, %add3A_269 : i32
      %dma_wait3A_271 = arith.constant 0 : i32
      %dma_wait3A_272 = arith.constant 0 : i32
      %dma_wait3A_273 = tpu.memref_slice %arg6[%dma_wait3A_271, %dma_wait3A_272] : memref<68x256xi32, #tpu.memory_space<vmem>> -> memref<1x256xi32, #tpu.memory_space<vmem>>
      %dma_wait3A_274 = tpu.memref_squeeze %dma_wait3A_273 : memref<1x256xi32, #tpu.memory_space<vmem>> -> memref<256xi32, #tpu.memory_space<vmem>>
      %dma_wait3A_275 = arith.constant 0 : i32
      %dma_wait3A_276 = arith.constant 0 : i32
      %dma_wait3A_277 = tpu.memref_slice %arg2[%dma_wait3A_275, %dma_wait3A_276] : memref<10000x32xf32, #tpu.memory_space<hbm>> -> memref<10000x32xf32, #tpu.memory_space<hbm>>
      tpu.wait_indirect_dma semaphore(%arg15 : memref<!tpu.dma_semaphore, #tpu.memory_space<semaphore_mem>>) src(%dma_wait3A_277 : memref<10000x32xf32, #tpu.memory_space<hbm>>) dst(%arg9 : memref<256x32xf32, #tpu.memory_space<vmem>>)
      %dma_start3A_278 = arith.constant 0 : i32
      %dma_start3A_279 = tpu.memref_slice %arg7[%add3A_270, %dma_start3A_278] : memref<68x256xi32, #tpu.memory_space<vmem>> -> memref<1x256xi32, #tpu.memory_space<vmem>>
      %dma_start3A_280 = tpu.memref_squeeze %dma_start3A_279 : memref<1x256xi32, #tpu.memory_space<vmem>> -> memref<256xi32, #tpu.memory_space<vmem>>
      %dma_start3A_281 = arith.constant 0 : i32
      %dma_start3A_282 = arith.constant 0 : i32
      %dma_start3A_283 = tpu.memref_slice %arg13[%dma_start3A_281, %dma_start3A_282] : memref<10112x32xf32, #tpu.memory_space<vmem_shared>> -> memref<10112x32xf32, #tpu.memory_space<vmem_shared>>
      tpu.enqueue_indirect_dma source(%arg9 : memref<256x32xf32, #tpu.memory_space<vmem>>) target(%dma_start3A_283 : memref<10112x32xf32, #tpu.memory_space<vmem_shared>>) offsets(%dma_start3A_280 : memref<256xi32, #tpu.memory_space<vmem>>) semaphore(%arg19 : memref<!tpu.dma_semaphore, #tpu.memory_space<semaphore_mem>>) {add = true}
      %dma_wait3A_284 = arith.constant 0 : i32
      %dma_wait3A_285 = arith.constant 0 : i32
      %dma_wait3A_286 = tpu.memref_slice %arg7[%dma_wait3A_284, %dma_wait3A_285] : memref<68x256xi32, #tpu.memory_space<vmem>> -> memref<1x256xi32, #tpu.memory_space<vmem>>
      %dma_wait3A_287 = tpu.memref_squeeze %dma_wait3A_286 : memref<1x256xi32, #tpu.memory_space<vmem>> -> memref<256xi32, #tpu.memory_space<vmem>>
      %dma_wait3A_288 = arith.constant 0 : i32
      %dma_wait3A_289 = arith.constant 0 : i32
      %dma_wait3A_290 = tpu.memref_slice %arg13[%dma_wait3A_288, %dma_wait3A_289] : memref<10112x32xf32, #tpu.memory_space<vmem_shared>> -> memref<10112x32xf32, #tpu.memory_space<vmem_shared>>
      tpu.wait_indirect_dma semaphore(%arg21 : memref<!tpu.dma_semaphore, #tpu.memory_space<semaphore_mem>>) src(%arg11 : memref<256x32xf32, #tpu.memory_space<vmem>>) dst(%dma_wait3A_290 : memref<10112x32xf32, #tpu.memory_space<vmem_shared>>)
      %add3A_291 = arith.constant 2 : i32
      %add3A_292 = arith.addi %add3A_270, %add3A_291 : i32
      %dma_start3A_293 = arith.constant 0 : i32
      %dma_start3A_294 = tpu.memref_slice %arg6[%add3A_292, %dma_start3A_293] : memref<68x256xi32, #tpu.memory_space<vmem>> -> memref<1x256xi32, #tpu.memory_space<vmem>>
      %dma_start3A_295 = tpu.memref_squeeze %dma_start3A_294 : memref<1x256xi32, #tpu.memory_space<vmem>> -> memref<256xi32, #tpu.memory_space<vmem>>
      %dma_start3A_296 = arith.constant 0 : i32
      %dma_start3A_297 = arith.constant 0 : i32
      %dma_start3A_298 = tpu.memref_slice %arg2[%dma_start3A_296, %dma_start3A_297] : memref<10000x32xf32, #tpu.memory_space<hbm>> -> memref<10000x32xf32, #tpu.memory_space<hbm>>
      tpu.enqueue_indirect_dma source(%dma_start3A_298 : memref<10000x32xf32, #tpu.memory_space<hbm>>) target(%arg11 : memref<256x32xf32, #tpu.memory_space<vmem>>) offsets(%dma_start3A_295 : memref<256xi32, #tpu.memory_space<vmem>>) semaphore(%arg17 : memref<!tpu.dma_semaphore, #tpu.memory_space<semaphore_mem>>)
    }
    %sub3A_103 = arith.constant 2 : i32
    %sub3A_104 = arith.subi %select_n3A, %sub3A_103 : i32
    %dma_wait3A_105 = arith.constant 0 : i32
    %dma_wait3A_106 = arith.constant 0 : i32
    %dma_wait3A_107 = tpu.memref_slice %arg6[%dma_wait3A_105, %dma_wait3A_106] : memref<68x256xi32, #tpu.memory_space<vmem>> -> memref<1x256xi32, #tpu.memory_space<vmem>>
    %dma_wait3A_108 = tpu.memref_squeeze %dma_wait3A_107 : memref<1x256xi32, #tpu.memory_space<vmem>> -> memref<256xi32, #tpu.memory_space<vmem>>
    %dma_wait3A_109 = arith.constant 0 : i32
    %dma_wait3A_110 = arith.constant 0 : i32
    %dma_wait3A_111 = tpu.memref_slice %arg2[%dma_wait3A_109, %dma_wait3A_110] : memref<10000x32xf32, #tpu.memory_space<hbm>> -> memref<10000x32xf32, #tpu.memory_space<hbm>>
    tpu.wait_indirect_dma semaphore(%arg16 : memref<!tpu.dma_semaphore, #tpu.memory_space<semaphore_mem>>) src(%dma_wait3A_111 : memref<10000x32xf32, #tpu.memory_space<hbm>>) dst(%arg10 : memref<256x32xf32, #tpu.memory_space<vmem>>)
    %dma_start3A_112 = arith.constant 0 : i32
    %dma_start3A_113 = tpu.memref_slice %arg7[%sub3A_104, %dma_start3A_112] : memref<68x256xi32, #tpu.memory_space<vmem>> -> memref<1x256xi32, #tpu.memory_space<vmem>>
    %dma_start3A_114 = tpu.memref_squeeze %dma_start3A_113 : memref<1x256xi32, #tpu.memory_space<vmem>> -> memref<256xi32, #tpu.memory_space<vmem>>
    %dma_start3A_115 = arith.constant 0 : i32
    %dma_start3A_116 = arith.constant 0 : i32
    %dma_start3A_117 = tpu.memref_slice %arg13[%dma_start3A_115, %dma_start3A_116] : memref<10112x32xf32, #tpu.memory_space<vmem_shared>> -> memref<10112x32xf32, #tpu.memory_space<vmem_shared>>
    tpu.enqueue_indirect_dma source(%arg10 : memref<256x32xf32, #tpu.memory_space<vmem>>) target(%dma_start3A_117 : memref<10112x32xf32, #tpu.memory_space<vmem_shared>>) offsets(%dma_start3A_114 : memref<256xi32, #tpu.memory_space<vmem>>) semaphore(%arg20 : memref<!tpu.dma_semaphore, #tpu.memory_space<semaphore_mem>>) {add = true}
    %sub3A_118 = arith.constant 1 : i32
    %sub3A_119 = arith.subi %select_n3A, %sub3A_118 : i32
    %dma_wait3A_120 = arith.constant 0 : i32
    %dma_wait3A_121 = arith.constant 0 : i32
    %dma_wait3A_122 = tpu.memref_slice %arg6[%dma_wait3A_120, %dma_wait3A_121] : memref<68x256xi32, #tpu.memory_space<vmem>> -> memref<1x256xi32, #tpu.memory_space<vmem>>
    %dma_wait3A_123 = tpu.memref_squeeze %dma_wait3A_122 : memref<1x256xi32, #tpu.memory_space<vmem>> -> memref<256xi32, #tpu.memory_space<vmem>>
    %dma_wait3A_124 = arith.constant 0 : i32
    %dma_wait3A_125 = arith.constant 0 : i32
    %dma_wait3A_126 = tpu.memref_slice %arg2[%dma_wait3A_124, %dma_wait3A_125] : memref<10000x32xf32, #tpu.memory_space<hbm>> -> memref<10000x32xf32, #tpu.memory_space<hbm>>
    tpu.wait_indirect_dma semaphore(%arg17 : memref<!tpu.dma_semaphore, #tpu.memory_space<semaphore_mem>>) src(%dma_wait3A_126 : memref<10000x32xf32, #tpu.memory_space<hbm>>) dst(%arg11 : memref<256x32xf32, #tpu.memory_space<vmem>>)
    %dma_start3A_127 = arith.constant 0 : i32
    %dma_start3A_128 = tpu.memref_slice %arg7[%sub3A_119, %dma_start3A_127] : memref<68x256xi32, #tpu.memory_space<vmem>> -> memref<1x256xi32, #tpu.memory_space<vmem>>
    %dma_start3A_129 = tpu.memref_squeeze %dma_start3A_128 : memref<1x256xi32, #tpu.memory_space<vmem>> -> memref<256xi32, #tpu.memory_space<vmem>>
    %dma_start3A_130 = arith.constant 0 : i32
    %dma_start3A_131 = arith.constant 0 : i32
    %dma_start3A_132 = tpu.memref_slice %arg13[%dma_start3A_130, %dma_start3A_131] : memref<10112x32xf32, #tpu.memory_space<vmem_shared>> -> memref<10112x32xf32, #tpu.memory_space<vmem_shared>>
    tpu.enqueue_indirect_dma source(%arg11 : memref<256x32xf32, #tpu.memory_space<vmem>>) target(%dma_start3A_132 : memref<10112x32xf32, #tpu.memory_space<vmem_shared>>) offsets(%dma_start3A_129 : memref<256xi32, #tpu.memory_space<vmem>>) semaphore(%arg21 : memref<!tpu.dma_semaphore, #tpu.memory_space<semaphore_mem>>) {add = true}
    %dma_wait3A_133 = arith.constant 0 : i32
    %dma_wait3A_134 = arith.constant 0 : i32
    %dma_wait3A_135 = tpu.memref_slice %arg7[%dma_wait3A_133, %dma_wait3A_134] : memref<68x256xi32, #tpu.memory_space<vmem>> -> memref<1x256xi32, #tpu.memory_space<vmem>>
    %dma_wait3A_136 = tpu.memref_squeeze %dma_wait3A_135 : memref<1x256xi32, #tpu.memory_space<vmem>> -> memref<256xi32, #tpu.memory_space<vmem>>
    %dma_wait3A_137 = arith.constant 0 : i32
    %dma_wait3A_138 = arith.constant 0 : i32
    %dma_wait3A_139 = tpu.memref_slice %arg13[%dma_wait3A_137, %dma_wait3A_138] : memref<10112x32xf32, #tpu.memory_space<vmem_shared>> -> memref<10112x32xf32, #tpu.memory_space<vmem_shared>>
    tpu.wait_indirect_dma semaphore(%arg18 : memref<!tpu.dma_semaphore, #tpu.memory_space<semaphore_mem>>) src(%arg8 : memref<256x32xf32, #tpu.memory_space<vmem>>) dst(%dma_wait3A_139 : memref<10112x32xf32, #tpu.memory_space<vmem_shared>>)
    %dma_wait3A_140 = arith.constant 0 : i32
    %dma_wait3A_141 = arith.constant 0 : i32
    %dma_wait3A_142 = tpu.memref_slice %arg7[%dma_wait3A_140, %dma_wait3A_141] : memref<68x256xi32, #tpu.memory_space<vmem>> -> memref<1x256xi32, #tpu.memory_space<vmem>>
    %dma_wait3A_143 = tpu.memref_squeeze %dma_wait3A_142 : memref<1x256xi32, #tpu.memory_space<vmem>> -> memref<256xi32, #tpu.memory_space<vmem>>
    %dma_wait3A_144 = arith.constant 0 : i32
    %dma_wait3A_145 = arith.constant 0 : i32
    %dma_wait3A_146 = tpu.memref_slice %arg13[%dma_wait3A_144, %dma_wait3A_145] : memref<10112x32xf32, #tpu.memory_space<vmem_shared>> -> memref<10112x32xf32, #tpu.memory_space<vmem_shared>>
    tpu.wait_indirect_dma semaphore(%arg19 : memref<!tpu.dma_semaphore, #tpu.memory_space<semaphore_mem>>) src(%arg9 : memref<256x32xf32, #tpu.memory_space<vmem>>) dst(%dma_wait3A_146 : memref<10112x32xf32, #tpu.memory_space<vmem_shared>>)
    %dma_wait3A_147 = arith.constant 0 : i32
    %dma_wait3A_148 = arith.constant 0 : i32
    %dma_wait3A_149 = tpu.memref_slice %arg7[%dma_wait3A_147, %dma_wait3A_148] : memref<68x256xi32, #tpu.memory_space<vmem>> -> memref<1x256xi32, #tpu.memory_space<vmem>>
    %dma_wait3A_150 = tpu.memref_squeeze %dma_wait3A_149 : memref<1x256xi32, #tpu.memory_space<vmem>> -> memref<256xi32, #tpu.memory_space<vmem>>
    %dma_wait3A_151 = arith.constant 0 : i32
    %dma_wait3A_152 = arith.constant 0 : i32
    %dma_wait3A_153 = tpu.memref_slice %arg13[%dma_wait3A_151, %dma_wait3A_152] : memref<10112x32xf32, #tpu.memory_space<vmem_shared>> -> memref<10112x32xf32, #tpu.memory_space<vmem_shared>>
    tpu.wait_indirect_dma semaphore(%arg20 : memref<!tpu.dma_semaphore, #tpu.memory_space<semaphore_mem>>) src(%arg10 : memref<256x32xf32, #tpu.memory_space<vmem>>) dst(%dma_wait3A_153 : memref<10112x32xf32, #tpu.memory_space<vmem_shared>>)
    %dma_wait3A_154 = arith.constant 0 : i32
    %dma_wait3A_155 = arith.constant 0 : i32
    %dma_wait3A_156 = tpu.memref_slice %arg7[%dma_wait3A_154, %dma_wait3A_155] : memref<68x256xi32, #tpu.memory_space<vmem>> -> memref<1x256xi32, #tpu.memory_space<vmem>>
    %dma_wait3A_157 = tpu.memref_squeeze %dma_wait3A_156 : memref<1x256xi32, #tpu.memory_space<vmem>> -> memref<256xi32, #tpu.memory_space<vmem>>
    %dma_wait3A_158 = arith.constant 0 : i32
    %dma_wait3A_159 = arith.constant 0 : i32
    %dma_wait3A_160 = tpu.memref_slice %arg13[%dma_wait3A_158, %dma_wait3A_159] : memref<10112x32xf32, #tpu.memory_space<vmem_shared>> -> memref<10112x32xf32, #tpu.memory_space<vmem_shared>>
    tpu.wait_indirect_dma semaphore(%arg21 : memref<!tpu.dma_semaphore, #tpu.memory_space<semaphore_mem>>) src(%arg11 : memref<256x32xf32, #tpu.memory_space<vmem>>) dst(%dma_wait3A_160 : memref<10112x32xf32, #tpu.memory_space<vmem_shared>>)
    %barrier3A_161 = arith.constant 0 : index
    tpu.barrier barrier_id(%barrier3A_161)
    "tpu.region"() ({
      %run_scoped3A = tpu.sem_alloc : memref<!tpu.dma_semaphore, #tpu.memory_space<semaphore_mem>>
      %dma_start3A_162 = arith.constant 0 : i32
      %dma_start3A_163 = tpu.memref_slice %arg5[%arg0, %mul3A_10, %dma_start3A_162] : memref<2x10112x32xf32, #tpu.memory_space<hbm>> -> memref<1x632x32xf32, #tpu.memory_space<hbm>>
      %dma_start3A_164 = tpu.memref_squeeze %dma_start3A_163 : memref<1x632x32xf32, #tpu.memory_space<hbm>> -> memref<632x32xf32, #tpu.memory_space<hbm>>
      %dma_start3A_165 = arith.constant 0 : i32
      %dma_start3A_166 = tpu.memref_slice %arg13[%mul3A_10, %dma_start3A_165] : memref<10112x32xf32, #tpu.memory_space<vmem_shared>> -> memref<632x32xf32, #tpu.memory_space<vmem_shared>>
      tpu.enqueue_dma source(%dma_start3A_166 : memref<632x32xf32, #tpu.memory_space<vmem_shared>>) target(%dma_start3A_164 : memref<632x32xf32, #tpu.memory_space<hbm>>) target_semaphore(%run_scoped3A : memref<!tpu.dma_semaphore, #tpu.memory_space<semaphore_mem>>)
      %dma_wait3A_167 = arith.constant 0 : i32
      %dma_wait3A_168 = tpu.memref_slice %arg5[%arg0, %mul3A_10, %dma_wait3A_167] : memref<2x10112x32xf32, #tpu.memory_space<hbm>> -> memref<1x632x32xf32, #tpu.memory_space<hbm>>
      %dma_wait3A_169 = tpu.memref_squeeze %dma_wait3A_168 : memref<1x632x32xf32, #tpu.memory_space<hbm>> -> memref<632x32xf32, #tpu.memory_space<hbm>>
      %dma_wait3A_170 = arith.constant 0 : i32
      %dma_wait3A_171 = tpu.memref_slice %arg13[%mul3A_10, %dma_wait3A_170] : memref<10112x32xf32, #tpu.memory_space<vmem_shared>> -> memref<632x32xf32, #tpu.memory_space<vmem_shared>>
      tpu.wait_dma2 semaphore(%run_scoped3A : memref<!tpu.dma_semaphore, #tpu.memory_space<semaphore_mem>>) src(%dma_wait3A_171 : memref<632x32xf32, #tpu.memory_space<vmem_shared>>) dst(%dma_wait3A_169 : memref<632x32xf32, #tpu.memory_space<hbm>>)
      tpu.yield
    }) : () -> ()
    return
  }
}

module attributes {stable_mosaic.version = 14 : i64} {
  func.func @_dense_pre_body(%arg0: i32, %arg1: memref<1000x128xf32, #tpu.memory_space<vmem>>, %arg2: memref<128x16xf32, #tpu.memory_space<vmem>>, %arg3: memref<128x16xf32, #tpu.memory_space<vmem>>, %arg4: memref<1x16xf32, #tpu.memory_space<vmem>>, %arg5: memref<1000x32xf32, #tpu.memory_space<vmem>>, %arg6: memref<1000x16xf32, #tpu.memory_space<vmem>>) attributes {dimension_semantics = [#tpu.dimension_semantics<arbitrary>], iteration_bounds = array<i64: 10>, scalar_prefetch = 0 : i64, scratch_operands = 0 : i64, tpu.core_type = #tpu.core_type<tc>, window_params = [{transform_indices = @transform_0, window_bounds = array<i64: 1000, 128>}, {pipeline_mode = #tpu.pipeline_mode<synchronous>, transform_indices = @transform_1, window_bounds = array<i64: 128, 16>}, {pipeline_mode = #tpu.pipeline_mode<synchronous>, transform_indices = @transform_2, window_bounds = array<i64: 128, 16>}, {pipeline_mode = #tpu.pipeline_mode<synchronous>, transform_indices = @transform_3, window_bounds = array<i64: 1, 16>}, {transform_indices = @transform_4, window_bounds = array<i64: 1000, 32>}, {transform_indices = @transform_5, window_bounds = array<i64: 1000, 16>}]} {
    %get3A = arith.constant 0 : index
    %get3A_0 = arith.constant 0 : index
    %get3A_1 = vector.load %arg1[%get3A, %get3A_0] : memref<1000x128xf32, #tpu.memory_space<vmem>>, vector<1000x128xf32>
    %get3A_2 = arith.constant 0 : index
    %get3A_3 = arith.constant 0 : index
    %get3A_4 = vector.load %arg2[%get3A_2, %get3A_3] : memref<128x16xf32, #tpu.memory_space<vmem>>, vector<128x16xf32>
    %dot_general3A = arith.constant dense<0.000000e+00> : vector<1000x16xf32>
    %dot_general3A_5 = tpu.matmul %get3A_1, %get3A_4, %dot_general3A {dimension_numbers = #tpu.dot_dimension_numbers<[1], [0], [0], [1], [0, 0, 1, 1], [], []>, transpose_lhs_hint = false} : vector<1000x128xf32>, vector<128x16xf32>, vector<1000x16xf32> -> vector<1000x16xf32>
    %broadcast_in_dim3A = arith.constant 1.000000e+00 : f32
    %broadcast_in_dim3A_6 = vector.broadcast %broadcast_in_dim3A : f32 to vector<1000x1xf32>
    %broadcast_in_dim3A_7 = arith.constant 0.000000e+00 : f32
    %broadcast_in_dim3A_8 = vector.broadcast %broadcast_in_dim3A_7 : f32 to vector<1000x15xf32>
    %concatenate3A = tpu.concatenate %dot_general3A_5, %broadcast_in_dim3A_6, %broadcast_in_dim3A_8 in 1 : vector<1000x16xf32>, vector<1000x1xf32>, vector<1000x15xf32> -> vector<1000x32xf32>
    %swap3A = arith.constant 0 : index
    %swap3A_9 = arith.constant 0 : index
    %swap3A_10 = vector.load %arg5[%swap3A, %swap3A_9] : memref<1000x32xf32, #tpu.memory_space<vmem>>, vector<1000x32xf32>
    tpu.vector_store %arg5[%swap3A, %swap3A_9], %concatenate3A {strides = array<i32>} : memref<1000x32xf32, #tpu.memory_space<vmem>>, vector<1000x32xf32>,
    %get3A_11 = arith.constant 0 : index
    %get3A_12 = arith.constant 0 : index
    %get3A_13 = vector.load %arg3[%get3A_11, %get3A_12] : memref<128x16xf32, #tpu.memory_space<vmem>>, vector<128x16xf32>
    %dot_general3A_14 = arith.constant dense<0.000000e+00> : vector<1000x16xf32>
    %dot_general3A_15 = tpu.matmul %get3A_1, %get3A_13, %dot_general3A_14 {dimension_numbers = #tpu.dot_dimension_numbers<[1], [0], [0], [1], [0, 0, 1, 1], [], []>, transpose_lhs_hint = false} : vector<1000x128xf32>, vector<128x16xf32>, vector<1000x16xf32> -> vector<1000x16xf32>
    %get3A_16 = arith.constant 0 : index
    %get3A_17 = arith.constant 0 : index
    %get3A_18 = vector.load %arg4[%get3A_16, %get3A_17] : memref<1x16xf32, #tpu.memory_space<vmem>>, vector<1x16xf32>
    %add3A = vector.broadcast %get3A_18 : vector<1x16xf32> to vector<1000x16xf32>
    %add3A_19 = arith.addf %dot_general3A_15, %add3A : vector<1000x16xf32>
    %swap3A_20 = arith.constant 0 : index
    %swap3A_21 = arith.constant 0 : index
    %swap3A_22 = vector.load %arg6[%swap3A_20, %swap3A_21] : memref<1000x16xf32, #tpu.memory_space<vmem>>, vector<1000x16xf32>
    tpu.vector_store %arg6[%swap3A_20, %swap3A_21], %add3A_19 {strides = array<i32>} : memref<1000x16xf32, #tpu.memory_space<vmem>>, vector<1000x16xf32>,
    return
  }
  func.func @transform_0(%arg0: i32) -> (i32, i32) {
    %c0_i32 = arith.constant 0 : i32
    %c0_i32_0 = arith.constant 0 : i32
    return %arg0, %c0_i32 : i32, i32
  }
  func.func @transform_1(%arg0: i32) -> (i32, i32) {
    %c0_i32 = arith.constant 0 : i32
    %c0_i32_0 = arith.constant 0 : i32
    %c0_i32_1 = arith.constant 0 : i32
    return %c0_i32, %c0_i32_0 : i32, i32
  }
  func.func @transform_2(%arg0: i32) -> (i32, i32) {
    %c0_i32 = arith.constant 0 : i32
    %c0_i32_0 = arith.constant 0 : i32
    %c0_i32_1 = arith.constant 0 : i32
    return %c0_i32, %c0_i32_0 : i32, i32
  }
  func.func @transform_3(%arg0: i32) -> (i32, i32) {
    %c0_i32 = arith.constant 0 : i32
    %c0_i32_0 = arith.constant 0 : i32
    %c0_i32_1 = arith.constant 0 : i32
    return %c0_i32, %c0_i32_0 : i32, i32
  }
  func.func @transform_4(%arg0: i32) -> (i32, i32) {
    %c0_i32 = arith.constant 0 : i32
    %c0_i32_0 = arith.constant 0 : i32
    return %arg0, %c0_i32 : i32, i32
  }
  func.func @transform_5(%arg0: i32) -> (i32, i32) {
    %c0_i32 = arith.constant 0 : i32
    %c0_i32_0 = arith.constant 0 : i32
    return %arg0, %c0_i32 : i32, i32
  }
}

module attributes {stable_mosaic.version = 14 : i64} {
  func.func @_combine_pre_body(%arg0: i32, %arg1: memref<2x1000x32xf32, #tpu.memory_space<vmem>>, %arg2: memref<2x1000x32xf32, #tpu.memory_space<vmem>>, %arg3: memref<1000x16xf32, #tpu.memory_space<vmem>>, %arg4: memref<16x16xf32, #tpu.memory_space<vmem>>, %arg5: memref<16x16xf32, #tpu.memory_space<vmem>>, %arg6: memref<1x16xf32, #tpu.memory_space<vmem>>, %arg7: memref<1000x16xf32, #tpu.memory_space<vmem>>, %arg8: memref<1000x16xf32, #tpu.memory_space<vmem>>) attributes {dimension_semantics = [#tpu.dimension_semantics<arbitrary>], iteration_bounds = array<i64: 10>, scalar_prefetch = 0 : i64, scratch_operands = 0 : i64, tpu.core_type = #tpu.core_type<tc>, window_params = [{transform_indices = @transform_0, window_bounds = array<i64: 2, 1000, 32>}, {transform_indices = @transform_1, window_bounds = array<i64: 2, 1000, 32>}, {transform_indices = @transform_2, window_bounds = array<i64: 1000, 16>}, {pipeline_mode = #tpu.pipeline_mode<synchronous>, transform_indices = @transform_3, window_bounds = array<i64: 16, 16>}, {pipeline_mode = #tpu.pipeline_mode<synchronous>, transform_indices = @transform_4, window_bounds = array<i64: 16, 16>}, {pipeline_mode = #tpu.pipeline_mode<synchronous>, transform_indices = @transform_5, window_bounds = array<i64: 1, 16>}, {transform_indices = @transform_6, window_bounds = array<i64: 1000, 16>}, {transform_indices = @transform_7, window_bounds = array<i64: 1000, 16>}]} {
    %get3A = arith.constant 0 : index
    %get3A_0 = arith.constant 0 : index
    %get3A_1 = arith.constant 0 : index
    %get3A_2 = vector.load %arg1[%get3A, %get3A_0, %get3A_1] : memref<2x1000x32xf32, #tpu.memory_space<vmem>>, vector<1x1000x16xf32>
    %get3A_3 = vector.shape_cast %get3A_2 : vector<1x1000x16xf32> to vector<1000x16xf32>
    %get3A_4 = arith.constant 1 : index
    %get3A_5 = arith.constant 0 : index
    %get3A_6 = arith.constant 0 : index
    %get3A_7 = vector.load %arg1[%get3A_4, %get3A_5, %get3A_6] : memref<2x1000x32xf32, #tpu.memory_space<vmem>>, vector<1x1000x16xf32>
    %get3A_8 = vector.shape_cast %get3A_7 : vector<1x1000x16xf32> to vector<1000x16xf32>
    %add3A = arith.addf %get3A_3, %get3A_8 : vector<1000x16xf32>
    %get3A_9 = arith.constant 0 : index
    %get3A_10 = arith.constant 0 : index
    %get3A_11 = arith.constant 16 : index
    %get3A_12 = vector.load %arg2[%get3A_9, %get3A_10, %get3A_11] : memref<2x1000x32xf32, #tpu.memory_space<vmem>>, vector<1x1000x1xf32>
    %get3A_13 = vector.shape_cast %get3A_12 : vector<1x1000x1xf32> to vector<1000x1xf32>
    %get3A_14 = arith.constant 1 : index
    %get3A_15 = arith.constant 0 : index
    %get3A_16 = arith.constant 16 : index
    %get3A_17 = vector.load %arg2[%get3A_14, %get3A_15, %get3A_16] : memref<2x1000x32xf32, #tpu.memory_space<vmem>>, vector<1x1000x1xf32>
    %get3A_18 = vector.shape_cast %get3A_17 : vector<1x1000x1xf32> to vector<1000x1xf32>
    %add3A_19 = arith.addf %get3A_13, %get3A_18 : vector<1000x1xf32>
    %max3A = arith.constant 1.000000e+00 : f32
    %max3A_20 = vector.broadcast %max3A : f32 to vector<1000x1xf32>
    %max3A_21 = arith.maximumf %add3A_19, %max3A_20 : vector<1000x1xf32>
    %div3A = arith.constant 1.000000e+00 : f32
    %div3A_22 = vector.broadcast %div3A : f32 to vector<1000x1xf32>
    %div3A_23 = arith.divf %div3A_22, %max3A_21 : vector<1000x1xf32>
    %mul3A = vector.broadcast %div3A_23 : vector<1000x1xf32> to vector<1000x16xf32>
    %mul3A_24 = arith.mulf %add3A, %mul3A : vector<1000x16xf32>
    %get3A_25 = arith.constant 0 : index
    %get3A_26 = arith.constant 0 : index
    %get3A_27 = vector.load %arg3[%get3A_25, %get3A_26] : memref<1000x16xf32, #tpu.memory_space<vmem>>, vector<1000x16xf32>
    %add3A_28 = arith.addf %mul3A_24, %get3A_27 : vector<1000x16xf32>
    %gt3A = arith.constant 0.000000e+00 : f32
    %gt3A_29 = vector.broadcast %gt3A : f32 to vector<1000x16xf32>
    %gt3A_30 = arith.cmpf ogt, %add3A_28, %gt3A_29 : vector<1000x16xf32>
    %min3A = arith.constant 0.000000e+00 : f32
    %min3A_31 = vector.broadcast %min3A : f32 to vector<1000x16xf32>
    %min3A_32 = arith.minimumf %add3A_28, %min3A_31 : vector<1000x16xf32>
    %exp3A = math.exp %min3A_32 : vector<1000x16xf32>
    %sub3A = arith.constant 1.000000e+00 : f32
    %sub3A_33 = vector.broadcast %sub3A : f32 to vector<1000x16xf32>
    %sub3A_34 = arith.subf %exp3A, %sub3A_33 : vector<1000x16xf32>
    %select_n3A = arith.select %gt3A_30, %add3A_28, %sub3A_34 : vector<1000x16xi1>, vector<1000x16xf32>
    %get3A_35 = arith.constant 0 : index
    %get3A_36 = arith.constant 0 : index
    %get3A_37 = vector.load %arg4[%get3A_35, %get3A_36] : memref<16x16xf32, #tpu.memory_space<vmem>>, vector<16x16xf32>
    %dot_general3A = arith.constant dense<0.000000e+00> : vector<1000x16xf32>
    %dot_general3A_38 = tpu.matmul %select_n3A, %get3A_37, %dot_general3A {dimension_numbers = #tpu.dot_dimension_numbers<[1], [0], [0], [1], [0, 0, 1, 1], [], []>, transpose_lhs_hint = false} : vector<1000x16xf32>, vector<16x16xf32>, vector<1000x16xf32> -> vector<1000x16xf32>
    %swap3A = arith.constant 0 : index
    %swap3A_39 = arith.constant 0 : index
    %swap3A_40 = vector.load %arg7[%swap3A, %swap3A_39] : memref<1000x16xf32, #tpu.memory_space<vmem>>, vector<1000x16xf32>
    tpu.vector_store %arg7[%swap3A, %swap3A_39], %dot_general3A_38 {strides = array<i32>} : memref<1000x16xf32, #tpu.memory_space<vmem>>, vector<1000x16xf32>,
    %get3A_41 = arith.constant 0 : index
    %get3A_42 = arith.constant 0 : index
    %get3A_43 = vector.load %arg5[%get3A_41, %get3A_42] : memref<16x16xf32, #tpu.memory_space<vmem>>, vector<16x16xf32>
    %dot_general3A_44 = arith.constant dense<0.000000e+00> : vector<1000x16xf32>
    %dot_general3A_45 = tpu.matmul %select_n3A, %get3A_43, %dot_general3A_44 {dimension_numbers = #tpu.dot_dimension_numbers<[1], [0], [0], [1], [0, 0, 1, 1], [], []>, transpose_lhs_hint = false} : vector<1000x16xf32>, vector<16x16xf32>, vector<1000x16xf32> -> vector<1000x16xf32>
    %get3A_46 = arith.constant 0 : index
    %get3A_47 = arith.constant 0 : index
    %get3A_48 = vector.load %arg6[%get3A_46, %get3A_47] : memref<1x16xf32, #tpu.memory_space<vmem>>, vector<1x16xf32>
    %add3A_49 = vector.broadcast %get3A_48 : vector<1x16xf32> to vector<1000x16xf32>
    %add3A_50 = arith.addf %dot_general3A_45, %add3A_49 : vector<1000x16xf32>
    %swap3A_51 = arith.constant 0 : index
    %swap3A_52 = arith.constant 0 : index
    %swap3A_53 = vector.load %arg8[%swap3A_51, %swap3A_52] : memref<1000x16xf32, #tpu.memory_space<vmem>>, vector<1000x16xf32>
    tpu.vector_store %arg8[%swap3A_51, %swap3A_52], %add3A_50 {strides = array<i32>} : memref<1000x16xf32, #tpu.memory_space<vmem>>, vector<1000x16xf32>,
    return
  }
  func.func @transform_0(%arg0: i32) -> (i32, i32, i32) {
    %c0_i32 = arith.constant 0 : i32
    %c0_i32_0 = arith.constant 0 : i32
    %c0_i32_1 = arith.constant 0 : i32
    return %c0_i32, %arg0, %c0_i32_0 : i32, i32, i32
  }
  func.func @transform_1(%arg0: i32) -> (i32, i32, i32) {
    %c0_i32 = arith.constant 0 : i32
    %c0_i32_0 = arith.constant 0 : i32
    %c0_i32_1 = arith.constant 0 : i32
    return %c0_i32, %arg0, %c0_i32_0 : i32, i32, i32
  }
  func.func @transform_2(%arg0: i32) -> (i32, i32) {
    %c0_i32 = arith.constant 0 : i32
    %c0_i32_0 = arith.constant 0 : i32
    return %arg0, %c0_i32 : i32, i32
  }
  func.func @transform_3(%arg0: i32) -> (i32, i32) {
    %c0_i32 = arith.constant 0 : i32
    %c0_i32_0 = arith.constant 0 : i32
    %c0_i32_1 = arith.constant 0 : i32
    return %c0_i32, %c0_i32_0 : i32, i32
  }
  func.func @transform_4(%arg0: i32) -> (i32, i32) {
    %c0_i32 = arith.constant 0 : i32
    %c0_i32_0 = arith.constant 0 : i32
    %c0_i32_1 = arith.constant 0 : i32
    return %c0_i32, %c0_i32_0 : i32, i32
  }
  func.func @transform_5(%arg0: i32) -> (i32, i32) {
    %c0_i32 = arith.constant 0 : i32
    %c0_i32_0 = arith.constant 0 : i32
    %c0_i32_1 = arith.constant 0 : i32
    return %c0_i32, %c0_i32_0 : i32, i32
  }
  func.func @transform_6(%arg0: i32) -> (i32, i32) {
    %c0_i32 = arith.constant 0 : i32
    %c0_i32_0 = arith.constant 0 : i32
    return %arg0, %c0_i32 : i32, i32
  }
  func.func @transform_7(%arg0: i32) -> (i32, i32) {
    %c0_i32 = arith.constant 0 : i32
    %c0_i32_0 = arith.constant 0 : i32
    return %arg0, %c0_i32 : i32, i32
  }
}

module attributes {stable_mosaic.version = 14 : i64} {
  func.func @_combine_pre_body(%arg0: i32, %arg1: memref<2x1000x16xf32, #tpu.memory_space<vmem>>, %arg2: memref<2x1000x32xf32, #tpu.memory_space<vmem>>, %arg3: memref<1000x16xf32, #tpu.memory_space<vmem>>, %arg4: memref<16x16xf32, #tpu.memory_space<vmem>>, %arg5: memref<16x16xf32, #tpu.memory_space<vmem>>, %arg6: memref<1x16xf32, #tpu.memory_space<vmem>>, %arg7: memref<1000x16xf32, #tpu.memory_space<vmem>>, %arg8: memref<1000x16xf32, #tpu.memory_space<vmem>>) attributes {dimension_semantics = [#tpu.dimension_semantics<arbitrary>], iteration_bounds = array<i64: 10>, scalar_prefetch = 0 : i64, scratch_operands = 0 : i64, tpu.core_type = #tpu.core_type<tc>, window_params = [{transform_indices = @transform_0, window_bounds = array<i64: 2, 1000, 16>}, {transform_indices = @transform_1, window_bounds = array<i64: 2, 1000, 32>}, {transform_indices = @transform_2, window_bounds = array<i64: 1000, 16>}, {pipeline_mode = #tpu.pipeline_mode<synchronous>, transform_indices = @transform_3, window_bounds = array<i64: 16, 16>}, {pipeline_mode = #tpu.pipeline_mode<synchronous>, transform_indices = @transform_4, window_bounds = array<i64: 16, 16>}, {pipeline_mode = #tpu.pipeline_mode<synchronous>, transform_indices = @transform_5, window_bounds = array<i64: 1, 16>}, {transform_indices = @transform_6, window_bounds = array<i64: 1000, 16>}, {transform_indices = @transform_7, window_bounds = array<i64: 1000, 16>}]} {
    %get3A = arith.constant 0 : index
    %get3A_0 = arith.constant 0 : index
    %get3A_1 = arith.constant 0 : index
    %get3A_2 = vector.load %arg1[%get3A, %get3A_0, %get3A_1] : memref<2x1000x16xf32, #tpu.memory_space<vmem>>, vector<1x1000x16xf32>
    %get3A_3 = vector.shape_cast %get3A_2 : vector<1x1000x16xf32> to vector<1000x16xf32>
    %get3A_4 = arith.constant 1 : index
    %get3A_5 = arith.constant 0 : index
    %get3A_6 = arith.constant 0 : index
    %get3A_7 = vector.load %arg1[%get3A_4, %get3A_5, %get3A_6] : memref<2x1000x16xf32, #tpu.memory_space<vmem>>, vector<1x1000x16xf32>
    %get3A_8 = vector.shape_cast %get3A_7 : vector<1x1000x16xf32> to vector<1000x16xf32>
    %add3A = arith.addf %get3A_3, %get3A_8 : vector<1000x16xf32>
    %get3A_9 = arith.constant 0 : index
    %get3A_10 = arith.constant 0 : index
    %get3A_11 = arith.constant 16 : index
    %get3A_12 = vector.load %arg2[%get3A_9, %get3A_10, %get3A_11] : memref<2x1000x32xf32, #tpu.memory_space<vmem>>, vector<1x1000x1xf32>
    %get3A_13 = vector.shape_cast %get3A_12 : vector<1x1000x1xf32> to vector<1000x1xf32>
    %get3A_14 = arith.constant 1 : index
    %get3A_15 = arith.constant 0 : index
    %get3A_16 = arith.constant 16 : index
    %get3A_17 = vector.load %arg2[%get3A_14, %get3A_15, %get3A_16] : memref<2x1000x32xf32, #tpu.memory_space<vmem>>, vector<1x1000x1xf32>
    %get3A_18 = vector.shape_cast %get3A_17 : vector<1x1000x1xf32> to vector<1000x1xf32>
    %add3A_19 = arith.addf %get3A_13, %get3A_18 : vector<1000x1xf32>
    %max3A = arith.constant 1.000000e+00 : f32
    %max3A_20 = vector.broadcast %max3A : f32 to vector<1000x1xf32>
    %max3A_21 = arith.maximumf %add3A_19, %max3A_20 : vector<1000x1xf32>
    %div3A = arith.constant 1.000000e+00 : f32
    %div3A_22 = vector.broadcast %div3A : f32 to vector<1000x1xf32>
    %div3A_23 = arith.divf %div3A_22, %max3A_21 : vector<1000x1xf32>
    %mul3A = vector.broadcast %div3A_23 : vector<1000x1xf32> to vector<1000x16xf32>
    %mul3A_24 = arith.mulf %add3A, %mul3A : vector<1000x16xf32>
    %get3A_25 = arith.constant 0 : index
    %get3A_26 = arith.constant 0 : index
    %get3A_27 = vector.load %arg3[%get3A_25, %get3A_26] : memref<1000x16xf32, #tpu.memory_space<vmem>>, vector<1000x16xf32>
    %add3A_28 = arith.addf %mul3A_24, %get3A_27 : vector<1000x16xf32>
    %gt3A = arith.constant 0.000000e+00 : f32
    %gt3A_29 = vector.broadcast %gt3A : f32 to vector<1000x16xf32>
    %gt3A_30 = arith.cmpf ogt, %add3A_28, %gt3A_29 : vector<1000x16xf32>
    %min3A = arith.constant 0.000000e+00 : f32
    %min3A_31 = vector.broadcast %min3A : f32 to vector<1000x16xf32>
    %min3A_32 = arith.minimumf %add3A_28, %min3A_31 : vector<1000x16xf32>
    %exp3A = math.exp %min3A_32 : vector<1000x16xf32>
    %sub3A = arith.constant 1.000000e+00 : f32
    %sub3A_33 = vector.broadcast %sub3A : f32 to vector<1000x16xf32>
    %sub3A_34 = arith.subf %exp3A, %sub3A_33 : vector<1000x16xf32>
    %select_n3A = arith.select %gt3A_30, %add3A_28, %sub3A_34 : vector<1000x16xi1>, vector<1000x16xf32>
    %get3A_35 = arith.constant 0 : index
    %get3A_36 = arith.constant 0 : index
    %get3A_37 = vector.load %arg4[%get3A_35, %get3A_36] : memref<16x16xf32, #tpu.memory_space<vmem>>, vector<16x16xf32>
    %dot_general3A = arith.constant dense<0.000000e+00> : vector<1000x16xf32>
    %dot_general3A_38 = tpu.matmul %select_n3A, %get3A_37, %dot_general3A {dimension_numbers = #tpu.dot_dimension_numbers<[1], [0], [0], [1], [0, 0, 1, 1], [], []>, transpose_lhs_hint = false} : vector<1000x16xf32>, vector<16x16xf32>, vector<1000x16xf32> -> vector<1000x16xf32>
    %swap3A = arith.constant 0 : index
    %swap3A_39 = arith.constant 0 : index
    %swap3A_40 = vector.load %arg7[%swap3A, %swap3A_39] : memref<1000x16xf32, #tpu.memory_space<vmem>>, vector<1000x16xf32>
    tpu.vector_store %arg7[%swap3A, %swap3A_39], %dot_general3A_38 {strides = array<i32>} : memref<1000x16xf32, #tpu.memory_space<vmem>>, vector<1000x16xf32>,
    %get3A_41 = arith.constant 0 : index
    %get3A_42 = arith.constant 0 : index
    %get3A_43 = vector.load %arg5[%get3A_41, %get3A_42] : memref<16x16xf32, #tpu.memory_space<vmem>>, vector<16x16xf32>
    %dot_general3A_44 = arith.constant dense<0.000000e+00> : vector<1000x16xf32>
    %dot_general3A_45 = tpu.matmul %select_n3A, %get3A_43, %dot_general3A_44 {dimension_numbers = #tpu.dot_dimension_numbers<[1], [0], [0], [1], [0, 0, 1, 1], [], []>, transpose_lhs_hint = false} : vector<1000x16xf32>, vector<16x16xf32>, vector<1000x16xf32> -> vector<1000x16xf32>
    %get3A_46 = arith.constant 0 : index
    %get3A_47 = arith.constant 0 : index
    %get3A_48 = vector.load %arg6[%get3A_46, %get3A_47] : memref<1x16xf32, #tpu.memory_space<vmem>>, vector<1x16xf32>
    %add3A_49 = vector.broadcast %get3A_48 : vector<1x16xf32> to vector<1000x16xf32>
    %add3A_50 = arith.addf %dot_general3A_45, %add3A_49 : vector<1000x16xf32>
    %swap3A_51 = arith.constant 0 : index
    %swap3A_52 = arith.constant 0 : index
    %swap3A_53 = vector.load %arg8[%swap3A_51, %swap3A_52] : memref<1000x16xf32, #tpu.memory_space<vmem>>, vector<1000x16xf32>
    tpu.vector_store %arg8[%swap3A_51, %swap3A_52], %add3A_50 {strides = array<i32>} : memref<1000x16xf32, #tpu.memory_space<vmem>>, vector<1000x16xf32>,
    return
  }
  func.func @transform_0(%arg0: i32) -> (i32, i32, i32) {
    %c0_i32 = arith.constant 0 : i32
    %c0_i32_0 = arith.constant 0 : i32
    %c0_i32_1 = arith.constant 0 : i32
    return %c0_i32, %arg0, %c0_i32_0 : i32, i32, i32
  }
  func.func @transform_1(%arg0: i32) -> (i32, i32, i32) {
    %c0_i32 = arith.constant 0 : i32
    %c0_i32_0 = arith.constant 0 : i32
    %c0_i32_1 = arith.constant 0 : i32
    return %c0_i32, %arg0, %c0_i32_0 : i32, i32, i32
  }
  func.func @transform_2(%arg0: i32) -> (i32, i32) {
    %c0_i32 = arith.constant 0 : i32
    %c0_i32_0 = arith.constant 0 : i32
    return %arg0, %c0_i32 : i32, i32
  }
  func.func @transform_3(%arg0: i32) -> (i32, i32) {
    %c0_i32 = arith.constant 0 : i32
    %c0_i32_0 = arith.constant 0 : i32
    %c0_i32_1 = arith.constant 0 : i32
    return %c0_i32, %c0_i32_0 : i32, i32
  }
  func.func @transform_4(%arg0: i32) -> (i32, i32) {
    %c0_i32 = arith.constant 0 : i32
    %c0_i32_0 = arith.constant 0 : i32
    %c0_i32_1 = arith.constant 0 : i32
    return %c0_i32, %c0_i32_0 : i32, i32
  }
  func.func @transform_5(%arg0: i32) -> (i32, i32) {
    %c0_i32 = arith.constant 0 : i32
    %c0_i32_0 = arith.constant 0 : i32
    %c0_i32_1 = arith.constant 0 : i32
    return %c0_i32, %c0_i32_0 : i32, i32
  }
  func.func @transform_6(%arg0: i32) -> (i32, i32) {
    %c0_i32 = arith.constant 0 : i32
    %c0_i32_0 = arith.constant 0 : i32
    return %arg0, %c0_i32 : i32, i32
  }
  func.func @transform_7(%arg0: i32) -> (i32, i32) {
    %c0_i32 = arith.constant 0 : i32
    %c0_i32_0 = arith.constant 0 : i32
    return %arg0, %c0_i32 : i32, i32
  }
}

module attributes {stable_mosaic.version = 14 : i64} {
  func.func @_combine_mlp_body(%arg0: i32, %arg1: memref<2x1000x16xf32, #tpu.memory_space<vmem>>, %arg2: memref<2x1000x32xf32, #tpu.memory_space<vmem>>, %arg3: memref<1000x16xf32, #tpu.memory_space<vmem>>, %arg4: memref<16x64xf32, #tpu.memory_space<vmem>>, %arg5: memref<1x64xf32, #tpu.memory_space<vmem>>, %arg6: memref<64x64xf32, #tpu.memory_space<vmem>>, %arg7: memref<1x64xf32, #tpu.memory_space<vmem>>, %arg8: memref<64x64xf32, #tpu.memory_space<vmem>>, %arg9: memref<1x64xf32, #tpu.memory_space<vmem>>, %arg10: memref<64x64xf32, #tpu.memory_space<vmem>>, %arg11: memref<1x64xf32, #tpu.memory_space<vmem>>, %arg12: memref<1000x64xf32, #tpu.memory_space<vmem>>) attributes {dimension_semantics = [#tpu.dimension_semantics<arbitrary>], iteration_bounds = array<i64: 10>, scalar_prefetch = 0 : i64, scratch_operands = 0 : i64, tpu.core_type = #tpu.core_type<tc>, window_params = [{transform_indices = @transform_0, window_bounds = array<i64: 2, 1000, 16>}, {transform_indices = @transform_1, window_bounds = array<i64: 2, 1000, 32>}, {transform_indices = @transform_2, window_bounds = array<i64: 1000, 16>}, {pipeline_mode = #tpu.pipeline_mode<synchronous>, transform_indices = @transform_3, window_bounds = array<i64: 16, 64>}, {pipeline_mode = #tpu.pipeline_mode<synchronous>, transform_indices = @transform_4, window_bounds = array<i64: 1, 64>}, {pipeline_mode = #tpu.pipeline_mode<synchronous>, transform_indices = @transform_5, window_bounds = array<i64: 64, 64>}, {pipeline_mode = #tpu.pipeline_mode<synchronous>, transform_indices = @transform_6, window_bounds = array<i64: 1, 64>}, {pipeline_mode = #tpu.pipeline_mode<synchronous>, transform_indices = @transform_7, window_bounds = array<i64: 64, 64>}, {pipeline_mode = #tpu.pipeline_mode<synchronous>, transform_indices = @transform_8, window_bounds = array<i64: 1, 64>}, {pipeline_mode = #tpu.pipeline_mode<synchronous>, transform_indices = @transform_9, window_bounds = array<i64: 64, 64>}, {pipeline_mode = #tpu.pipeline_mode<synchronous>, transform_indices = @transform_10, window_bounds = array<i64: 1, 64>}, {transform_indices = @transform_11, window_bounds = array<i64: 1000, 64>}]} {
    %get3A = arith.constant 0 : index
    %get3A_0 = arith.constant 0 : index
    %get3A_1 = arith.constant 0 : index
    %get3A_2 = vector.load %arg1[%get3A, %get3A_0, %get3A_1] : memref<2x1000x16xf32, #tpu.memory_space<vmem>>, vector<1x1000x16xf32>
    %get3A_3 = vector.shape_cast %get3A_2 : vector<1x1000x16xf32> to vector<1000x16xf32>
    %get3A_4 = arith.constant 1 : index
    %get3A_5 = arith.constant 0 : index
    %get3A_6 = arith.constant 0 : index
    %get3A_7 = vector.load %arg1[%get3A_4, %get3A_5, %get3A_6] : memref<2x1000x16xf32, #tpu.memory_space<vmem>>, vector<1x1000x16xf32>
    %get3A_8 = vector.shape_cast %get3A_7 : vector<1x1000x16xf32> to vector<1000x16xf32>
    %add3A = arith.addf %get3A_3, %get3A_8 : vector<1000x16xf32>
    %get3A_9 = arith.constant 0 : index
    %get3A_10 = arith.constant 0 : index
    %get3A_11 = arith.constant 16 : index
    %get3A_12 = vector.load %arg2[%get3A_9, %get3A_10, %get3A_11] : memref<2x1000x32xf32, #tpu.memory_space<vmem>>, vector<1x1000x1xf32>
    %get3A_13 = vector.shape_cast %get3A_12 : vector<1x1000x1xf32> to vector<1000x1xf32>
    %get3A_14 = arith.constant 1 : index
    %get3A_15 = arith.constant 0 : index
    %get3A_16 = arith.constant 16 : index
    %get3A_17 = vector.load %arg2[%get3A_14, %get3A_15, %get3A_16] : memref<2x1000x32xf32, #tpu.memory_space<vmem>>, vector<1x1000x1xf32>
    %get3A_18 = vector.shape_cast %get3A_17 : vector<1x1000x1xf32> to vector<1000x1xf32>
    %add3A_19 = arith.addf %get3A_13, %get3A_18 : vector<1000x1xf32>
    %max3A = arith.constant 1.000000e+00 : f32
    %max3A_20 = vector.broadcast %max3A : f32 to vector<1000x1xf32>
    %max3A_21 = arith.maximumf %add3A_19, %max3A_20 : vector<1000x1xf32>
    %div3A = arith.constant 1.000000e+00 : f32
    %div3A_22 = vector.broadcast %div3A : f32 to vector<1000x1xf32>
    %div3A_23 = arith.divf %div3A_22, %max3A_21 : vector<1000x1xf32>
    %mul3A = vector.broadcast %div3A_23 : vector<1000x1xf32> to vector<1000x16xf32>
    %mul3A_24 = arith.mulf %add3A, %mul3A : vector<1000x16xf32>
    %get3A_25 = arith.constant 0 : index
    %get3A_26 = arith.constant 0 : index
    %get3A_27 = vector.load %arg3[%get3A_25, %get3A_26] : memref<1000x16xf32, #tpu.memory_space<vmem>>, vector<1000x16xf32>
    %add3A_28 = arith.addf %mul3A_24, %get3A_27 : vector<1000x16xf32>
    %gt3A = arith.constant 0.000000e+00 : f32
    %gt3A_29 = vector.broadcast %gt3A : f32 to vector<1000x16xf32>
    %gt3A_30 = arith.cmpf ogt, %add3A_28, %gt3A_29 : vector<1000x16xf32>
    %min3A = arith.constant 0.000000e+00 : f32
    %min3A_31 = vector.broadcast %min3A : f32 to vector<1000x16xf32>
    %min3A_32 = arith.minimumf %add3A_28, %min3A_31 : vector<1000x16xf32>
    %exp3A = math.exp %min3A_32 : vector<1000x16xf32>
    %sub3A = arith.constant 1.000000e+00 : f32
    %sub3A_33 = vector.broadcast %sub3A : f32 to vector<1000x16xf32>
    %sub3A_34 = arith.subf %exp3A, %sub3A_33 : vector<1000x16xf32>
    %select_n3A = arith.select %gt3A_30, %add3A_28, %sub3A_34 : vector<1000x16xi1>, vector<1000x16xf32>
    %get3A_35 = arith.constant 0 : index
    %get3A_36 = arith.constant 0 : index
    %get3A_37 = vector.load %arg4[%get3A_35, %get3A_36] : memref<16x64xf32, #tpu.memory_space<vmem>>, vector<16x64xf32>
    %dot_general3A = arith.constant dense<0.000000e+00> : vector<1000x64xf32>
    %dot_general3A_38 = tpu.matmul %select_n3A, %get3A_37, %dot_general3A {dimension_numbers = #tpu.dot_dimension_numbers<[1], [0], [0], [1], [0, 0, 1, 1], [], []>, transpose_lhs_hint = false} : vector<1000x16xf32>, vector<16x64xf32>, vector<1000x64xf32> -> vector<1000x64xf32>
    %get3A_39 = arith.constant 0 : index
    %get3A_40 = arith.constant 0 : index
    %get3A_41 = vector.load %arg5[%get3A_39, %get3A_40] : memref<1x64xf32, #tpu.memory_space<vmem>>, vector<1x64xf32>
    %add3A_42 = vector.broadcast %get3A_41 : vector<1x64xf32> to vector<1000x64xf32>
    %add3A_43 = arith.addf %dot_general3A_38, %add3A_42 : vector<1000x64xf32>
    %gt3A_44 = arith.constant 0.000000e+00 : f32
    %gt3A_45 = vector.broadcast %gt3A_44 : f32 to vector<1000x64xf32>
    %gt3A_46 = arith.cmpf ogt, %add3A_43, %gt3A_45 : vector<1000x64xf32>
    %min3A_47 = arith.constant 0.000000e+00 : f32
    %min3A_48 = vector.broadcast %min3A_47 : f32 to vector<1000x64xf32>
    %min3A_49 = arith.minimumf %add3A_43, %min3A_48 : vector<1000x64xf32>
    %exp3A_50 = math.exp %min3A_49 : vector<1000x64xf32>
    %sub3A_51 = arith.constant 1.000000e+00 : f32
    %sub3A_52 = vector.broadcast %sub3A_51 : f32 to vector<1000x64xf32>
    %sub3A_53 = arith.subf %exp3A_50, %sub3A_52 : vector<1000x64xf32>
    %select_n3A_54 = arith.select %gt3A_46, %add3A_43, %sub3A_53 : vector<1000x64xi1>, vector<1000x64xf32>
    %get3A_55 = arith.constant 0 : index
    %get3A_56 = arith.constant 0 : index
    %get3A_57 = vector.load %arg6[%get3A_55, %get3A_56] : memref<64x64xf32, #tpu.memory_space<vmem>>, vector<64x64xf32>
    %dot_general3A_58 = arith.constant dense<0.000000e+00> : vector<1000x64xf32>
    %dot_general3A_59 = tpu.matmul %select_n3A_54, %get3A_57, %dot_general3A_58 {dimension_numbers = #tpu.dot_dimension_numbers<[1], [0], [0], [1], [0, 0, 1, 1], [], []>, transpose_lhs_hint = false} : vector<1000x64xf32>, vector<64x64xf32>, vector<1000x64xf32> -> vector<1000x64xf32>
    %get3A_60 = arith.constant 0 : index
    %get3A_61 = arith.constant 0 : index
    %get3A_62 = vector.load %arg7[%get3A_60, %get3A_61] : memref<1x64xf32, #tpu.memory_space<vmem>>, vector<1x64xf32>
    %add3A_63 = vector.broadcast %get3A_62 : vector<1x64xf32> to vector<1000x64xf32>
    %add3A_64 = arith.addf %dot_general3A_59, %add3A_63 : vector<1000x64xf32>
    %gt3A_65 = arith.constant 0.000000e+00 : f32
    %gt3A_66 = vector.broadcast %gt3A_65 : f32 to vector<1000x64xf32>
    %gt3A_67 = arith.cmpf ogt, %add3A_64, %gt3A_66 : vector<1000x64xf32>
    %min3A_68 = arith.constant 0.000000e+00 : f32
    %min3A_69 = vector.broadcast %min3A_68 : f32 to vector<1000x64xf32>
    %min3A_70 = arith.minimumf %add3A_64, %min3A_69 : vector<1000x64xf32>
    %exp3A_71 = math.exp %min3A_70 : vector<1000x64xf32>
    %sub3A_72 = arith.constant 1.000000e+00 : f32
    %sub3A_73 = vector.broadcast %sub3A_72 : f32 to vector<1000x64xf32>
    %sub3A_74 = arith.subf %exp3A_71, %sub3A_73 : vector<1000x64xf32>
    %select_n3A_75 = arith.select %gt3A_67, %add3A_64, %sub3A_74 : vector<1000x64xi1>, vector<1000x64xf32>
    %get3A_76 = arith.constant 0 : index
    %get3A_77 = arith.constant 0 : index
    %get3A_78 = vector.load %arg8[%get3A_76, %get3A_77] : memref<64x64xf32, #tpu.memory_space<vmem>>, vector<64x64xf32>
    %dot_general3A_79 = arith.constant dense<0.000000e+00> : vector<1000x64xf32>
    %dot_general3A_80 = tpu.matmul %select_n3A_75, %get3A_78, %dot_general3A_79 {dimension_numbers = #tpu.dot_dimension_numbers<[1], [0], [0], [1], [0, 0, 1, 1], [], []>, transpose_lhs_hint = false} : vector<1000x64xf32>, vector<64x64xf32>, vector<1000x64xf32> -> vector<1000x64xf32>
    %get3A_81 = arith.constant 0 : index
    %get3A_82 = arith.constant 0 : index
    %get3A_83 = vector.load %arg9[%get3A_81, %get3A_82] : memref<1x64xf32, #tpu.memory_space<vmem>>, vector<1x64xf32>
    %add3A_84 = vector.broadcast %get3A_83 : vector<1x64xf32> to vector<1000x64xf32>
    %add3A_85 = arith.addf %dot_general3A_80, %add3A_84 : vector<1000x64xf32>
    %gt3A_86 = arith.constant 0.000000e+00 : f32
    %gt3A_87 = vector.broadcast %gt3A_86 : f32 to vector<1000x64xf32>
    %gt3A_88 = arith.cmpf ogt, %add3A_85, %gt3A_87 : vector<1000x64xf32>
    %min3A_89 = arith.constant 0.000000e+00 : f32
    %min3A_90 = vector.broadcast %min3A_89 : f32 to vector<1000x64xf32>
    %min3A_91 = arith.minimumf %add3A_85, %min3A_90 : vector<1000x64xf32>
    %exp3A_92 = math.exp %min3A_91 : vector<1000x64xf32>
    %sub3A_93 = arith.constant 1.000000e+00 : f32
    %sub3A_94 = vector.broadcast %sub3A_93 : f32 to vector<1000x64xf32>
    %sub3A_95 = arith.subf %exp3A_92, %sub3A_94 : vector<1000x64xf32>
    %select_n3A_96 = arith.select %gt3A_88, %add3A_85, %sub3A_95 : vector<1000x64xi1>, vector<1000x64xf32>
    %get3A_97 = arith.constant 0 : index
    %get3A_98 = arith.constant 0 : index
    %get3A_99 = vector.load %arg10[%get3A_97, %get3A_98] : memref<64x64xf32, #tpu.memory_space<vmem>>, vector<64x64xf32>
    %dot_general3A_100 = arith.constant dense<0.000000e+00> : vector<1000x64xf32>
    %dot_general3A_101 = tpu.matmul %select_n3A_96, %get3A_99, %dot_general3A_100 {dimension_numbers = #tpu.dot_dimension_numbers<[1], [0], [0], [1], [0, 0, 1, 1], [], []>, transpose_lhs_hint = false} : vector<1000x64xf32>, vector<64x64xf32>, vector<1000x64xf32> -> vector<1000x64xf32>
    %get3A_102 = arith.constant 0 : index
    %get3A_103 = arith.constant 0 : index
    %get3A_104 = vector.load %arg11[%get3A_102, %get3A_103] : memref<1x64xf32, #tpu.memory_space<vmem>>, vector<1x64xf32>
    %add3A_105 = vector.broadcast %get3A_104 : vector<1x64xf32> to vector<1000x64xf32>
    %add3A_106 = arith.addf %dot_general3A_101, %add3A_105 : vector<1000x64xf32>
    %swap3A = arith.constant 0 : index
    %swap3A_107 = arith.constant 0 : index
    %swap3A_108 = vector.load %arg12[%swap3A, %swap3A_107] : memref<1000x64xf32, #tpu.memory_space<vmem>>, vector<1000x64xf32>
    tpu.vector_store %arg12[%swap3A, %swap3A_107], %add3A_106 {strides = array<i32>} : memref<1000x64xf32, #tpu.memory_space<vmem>>, vector<1000x64xf32>,
    return
  }
  func.func @transform_0(%arg0: i32) -> (i32, i32, i32) {
    %c0_i32 = arith.constant 0 : i32
    %c0_i32_0 = arith.constant 0 : i32
    %c0_i32_1 = arith.constant 0 : i32
    return %c0_i32, %arg0, %c0_i32_0 : i32, i32, i32
  }
  func.func @transform_1(%arg0: i32) -> (i32, i32, i32) {
    %c0_i32 = arith.constant 0 : i32
    %c0_i32_0 = arith.constant 0 : i32
    %c0_i32_1 = arith.constant 0 : i32
    return %c0_i32, %arg0, %c0_i32_0 : i32, i32, i32
  }
  func.func @transform_2(%arg0: i32) -> (i32, i32) {
    %c0_i32 = arith.constant 0 : i32
    %c0_i32_0 = arith.constant 0 : i32
    return %arg0, %c0_i32 : i32, i32
  }
  func.func @transform_3(%arg0: i32) -> (i32, i32) {
    %c0_i32 = arith.constant 0 : i32
    %c0_i32_0 = arith.constant 0 : i32
    %c0_i32_1 = arith.constant 0 : i32
    return %c0_i32, %c0_i32_0 : i32, i32
  }
  func.func @transform_4(%arg0: i32) -> (i32, i32) {
    %c0_i32 = arith.constant 0 : i32
    %c0_i32_0 = arith.constant 0 : i32
    %c0_i32_1 = arith.constant 0 : i32
    return %c0_i32, %c0_i32_0 : i32, i32
  }
  func.func @transform_5(%arg0: i32) -> (i32, i32) {
    %c0_i32 = arith.constant 0 : i32
    %c0_i32_0 = arith.constant 0 : i32
    %c0_i32_1 = arith.constant 0 : i32
    return %c0_i32, %c0_i32_0 : i32, i32
  }
  func.func @transform_6(%arg0: i32) -> (i32, i32) {
    %c0_i32 = arith.constant 0 : i32
    %c0_i32_0 = arith.constant 0 : i32
    %c0_i32_1 = arith.constant 0 : i32
    return %c0_i32, %c0_i32_0 : i32, i32
  }
  func.func @transform_7(%arg0: i32) -> (i32, i32) {
    %c0_i32 = arith.constant 0 : i32
    %c0_i32_0 = arith.constant 0 : i32
    %c0_i32_1 = arith.constant 0 : i32
    return %c0_i32, %c0_i32_0 : i32, i32
  }
  func.func @transform_8(%arg0: i32) -> (i32, i32) {
    %c0_i32 = arith.constant 0 : i32
    %c0_i32_0 = arith.constant 0 : i32
    %c0_i32_1 = arith.constant 0 : i32
    return %c0_i32, %c0_i32_0 : i32, i32
  }
  func.func @transform_9(%arg0: i32) -> (i32, i32) {
    %c0_i32 = arith.constant 0 : i32
    %c0_i32_0 = arith.constant 0 : i32
    %c0_i32_1 = arith.constant 0 : i32
    return %c0_i32, %c0_i32_0 : i32, i32
  }
  func.func @transform_10(%arg0: i32) -> (i32, i32) {
    %c0_i32 = arith.constant 0 : i32
    %c0_i32_0 = arith.constant 0 : i32
    %c0_i32_1 = arith.constant 0 : i32
    return %c0_i32, %c0_i32_0 : i32, i32
  }
  func.func @transform_11(%arg0: i32) -> (i32, i32) {
    %c0_i32 = arith.constant 0 : i32
    %c0_i32_0 = arith.constant 0 : i32
    return %arg0, %c0_i32 : i32, i32
  }
}

</mosaic_0001>

<sc_bundles>
// kernel: kernel.12.cloned.1.call-start
scs
__scs_entry_jumppad:
0x0: {  	(pc) =	sbr.rel $0x88, $3  }
0x1: {  	(tag) =	ssettag $0x0;
	lr =	simm.s32 $0x1  }
0x2: {  	[smem:$0x3F8E] =	sst lr;
	_ =	strace $0xD0000000  }
0x3: {  	_ = 	snop  }
0x4: {  	_ = 	snop  }
0x5: {  	_ = 	snop  }
0x6: {  	_ = 	snop  }
0x7: {  	_ = 	snop  }
__scs_overlays_trampoline_lowered:
0x8: {  	[smem:$0x3F9D] =	sst s0  }
0x9: {  	[smem:$0x3F9E] =	sst s1  }
0xa: {  	[smem:$0x3F9F] =	sst s2  }
0xb: {  	[smem:$0x3FA0] =	sst s3  }
0xc: {  	[smem:$0x3FA1] =	sst s4  }
0xd: {  	[smem:$0x3FA2] =	sst s5  }
0xe: {  	[smem:$0x3FA3] =	sst s6  }
0xf: {  	[smem:$0x3FA4] =	sst s7  }
0x10: {  	[smem:$0x3FA5] =	sst s8  }
0x11: {  	[smem:$0x3FA6] =	sst s9;
	s0 =	simm.s32 @!p0 $0x0  }
0x12: {  	s1 =	sld [smem:$0x3F8C];
	s0 =	simm.s32 @p0 $0x1  }
0x13: {  	[smem:$0x3FA7] =	sst s0;
	s0 =	simm.s32 @!p1 $0x0  }
0x14: {  	s2 =	sld [smem:$0x3F8B];
	s0 =	simm.s32 @p1 $0x1  }
0x15: {  	[smem:$0x3FA8] =	sst s0;
	s0 =	simm.s32 @!p2 $0x0  }
0x16: {  	s3 =	sld [smem:$0x3FDB];
	s0 =	simm.s32 @p2 $0x1  }
0x17: {  	s4 =	simm.s32 $0x1BF5;
	[smem:$0x3FAA] =	sst s0  }
0x18: {  	s0 =	sld [smem:$0x3F8D];
	_ =	swait.ge [sflag:s4], $0x0  }
0x19: {  	s7 =	sld [smem:$0x3F8E]  }
0x1a: {  	s8 =	sadd.s32 $0xFFFFE003, lr  }
0x1b: {  	s9 =	sadd.s32 $0xFFFFFEF7, lr;
	s5 =	simm.s32 $0xFFFFFFFF;
	p2 =	slt.u32 s8, $0xFFFFF086  }
0x1c: {  	p1 =	slt.u32 s9, $0xF7A;
	s5 =	simm.s32 @!p2 $0x0  }
0x1d: {  	s5 =	simm.s32 @p1 $0x1;
	p0 =	seq.s32 s7, s2  }
0x1e: {  	s7 =	smul.u32 @!p0 $0xF7A, s2;
	p2 =	seq.s32 @!p0 s5, $0x0  }
0x1f: {  	s9 =	smul.u32 $0xF7A, s1;
	s8 =	simm.s32 @!p0 $0x1BF5;
	p2 =	por !p2, p0  }
0x20: {  	[sflag:s8] =	ssyncset.s32 @!p0 $0xFFFFF086;
	s6 =	sadd.s32 @!p0 s3, s7;
	s7 =	simm.s32 @!p0 $0x108  }
0x21: {  	s3 =	sadd.s32 s3, s9;
	s6 =	sadd.s32 @!p0 $0x88, s6;
	s7 =	simm.s32 @p2 $0x1082  }
0x22: {  	[simem:s7], [sflag:s8] =	dma.local @!p0 [hbm:s6], $0xF7A  }
0x23: {  	s9 =	sor.u32 $0xD0000000, s2;
	s6 =	simm.s32 $0x108;
	_ =	swait.ge @!p0 [sflag:s8], $0x0  }
0x24: {  	s3 =	sadd.s32 $0x88, s3;
	s6 =	simm.s32 @!p1 $0x1082;
	[sflag:s4] =	ssyncset.s32 $0xFFFFF086  }
0x25: {  	[simem:s6], [sflag:s4] =	dma.local [hbm:s3], $0xF7A  }
0x26: {  	[smem:$0x3F8E] =	sst s1;
	(tag) =	ssettag s2;
	_ =	strace s9  }
0x27: {  	s1 =	sld [smem:$0x3F9E]  }
0x28: {  	s2 =	sld [smem:$0x3F9F]  }
0x29: {  	s4 =	sld [smem:$0x3FA1]  }
0x2a: {  	p0 =	seq.s32 s5, $0x0;
	s5 =	sld [smem:$0x3FA2]  }
0x2b: {  	s6 =	sld [smem:$0x3FA3]  }
0x2c: {  	s7 =	sld [smem:$0x3FA4]  }
0x2d: {  	s3 =	simm.s32 $0x108;
	s8 =	sld [smem:$0x3FA5]  }
0x2e: {  	s3 =	simm.s32 @!p0 $0x1082;
	s9 =	sld [smem:$0x3FA6]  }
0x2f: {  	lr =	sadd.s32 s0, s3;
	s0 =	sld [smem:$0x3F9D]  }
0x30: {  	s3 =	sld [smem:$0x3FA0]  }
0x31: {  	[smem:$0x3FA9] =	sst s10  }
0x32: {  	s10 =	sld [smem:$0x3FA7];
	_ =	sdelay $0x3  }
0x33: {  	p0 =	seq.s32 s10, $0x1;
	s10 =	sld [smem:$0x3FA9];
	_ =	sdelay $0x3  }
0x34: {  	[smem:$0x3FA9] =	sst s10  }
0x35: {  	s10 =	sld [smem:$0x3FA8];
	_ =	sdelay $0x3  }
0x36: {  	p1 =	seq.s32 s10, $0x1;
	s10 =	sld [smem:$0x3FA9];
	_ =	sdelay $0x3  }
0x37: {  	[smem:$0x3FA9] =	sst s10  }
0x38: {  	s10 =	sld [smem:$0x3FAA]  }
0x39: {  	_ = 	snop;
	(pc) =	sbr.ind lr, $3  }
0x3a: {  	_ = 	snop  }
0x3b: {  	_ = 	snop  }
0x3c: {  	p2 =	seq.s32 s10, $0x1;
	s10 =	sld [smem:$0x3FA9]  }
0x3d: {  	_ =	shalt  }
0x3e: {  	_ =	shalt  }
0x3f: {  	_ =	shalt  }
0x40: {  	_ =	shalt  }
0x41: {  	_ =	shalt  }
0x42: {  	_ =	shalt  }
0x43: {  	_ =	shalt  }
0x44: {  	_ =	shalt  }
0x45: {  	_ =	shalt  }
0x46: {  	_ =	shalt  }
0x47: {  	_ =	shalt  }
0x48: {  	_ =	shalt  }
0x49: {  	_ =	shalt  }
0x4a: {  	_ =	shalt  }
0x4b: {  	_ =	shalt  }
0x4c: {  	_ =	shalt  }
0x4d: {  	_ =	shalt  }
0x4e: {  	_ =	shalt  }
0x4f: {  	_ =	shalt  }
0x50: {  	_ =	shalt  }
0x51: {  	_ =	shalt  }
0x52: {  	_ =	shalt  }
0x53: {  	_ =	shalt  }
0x54: {  	_ =	shalt  }
0x55: {  	_ =	shalt  }
0x56: {  	_ =	shalt  }
0x57: {  	_ =	shalt  }
0x58: {  	_ =	shalt  }
0x59: {  	_ =	shalt  }
0x5a: {  	_ =	shalt  }
0x5b: {  	_ =	shalt  }
0x5c: {  	_ =	shalt  }
0x5d: {  	_ =	shalt  }
0x5e: {  	_ =	shalt  }
0x5f: {  	_ =	shalt  }
0x60: {  	_ =	shalt  }
0x61: {  	_ =	shalt  }
0x62: {  	_ =	shalt  }
0x63: {  	_ =	shalt  }
0x64: {  	_ =	shalt  }
0x65: {  	_ =	shalt  }
0x66: {  	_ =	shalt  }
0x67: {  	_ =	shalt  }
0x68: {  	_ =	shalt  }
0x69: {  	_ =	shalt  }
0x6a: {  	_ =	shalt  }
0x6b: {  	_ =	shalt  }
0x6c: {  	_ =	shalt  }
0x6d: {  	_ =	shalt  }
0x6e: {  	_ =	shalt  }
0x6f: {  	_ =	shalt  }
0x70: {  	_ =	shalt  }
0x71: {  	_ =	shalt  }
0x72: {  	_ =	shalt  }
0x73: {  	_ =	shalt  }
0x74: {  	_ =	shalt  }
0x75: {  	_ =	shalt  }
0x76: {  	_ =	shalt  }
0x77: {  	_ =	shalt  }
0x78: {  	_ =	shalt  }
0x79: {  	_ =	shalt  }
0x7a: {  	_ =	shalt  }
0x7b: {  	_ =	shalt  }
0x7c: {  	_ =	shalt  }
0x7d: {  	_ =	shalt  }
0x7e: {  	_ =	shalt  }
0x7f: {  	_ =	shalt  }
0x80: {  	_ =	shalt  }
0x81: {  	_ =	shalt  }
0x82: {  	_ =	shalt  }
0x83: {  	_ =	shalt  }
0x84: {  	_ =	shalt  }
0x85: {  	_ =	shalt  }
0x86: {  	_ =	shalt  }
0x87: {  	_ =	shalt  }
.Lfunc_end0:
.L_simem_size_0:
called_computation.1_lowered:
.L_overlay_start_0:
0x88: {  	s2 =	sld [smem:$0x3FD9]  }
0x89: {  	s3 =	sld [smem:$0x3FFE];
	_ =	sdelay $0x1  }
0x8a: {  	s1 =	srdreg.scid  }
0x8b: {  	s0 =	sand.u32 $0x1, s1  }
0x8c: {  	s17 =	sshll.u32 s0, $0xA;
	s2 =	sadd.s32 s3, s2  }
0x8d: {  	s2 =	sadd.s32 s2, s17  }
0x8e: {  	[smem:$0x3FB5] =	sst s2  }
0x8f: {  	_ = 	snop  }
0x90: {  	s2 =	sld [smem:$0x3FD0];
	(tm) =	ssettm $0x1  }
0x91: {  	s18 =	sld [smem:$0x3FFB];
	_ =	sdelay $0x3  }
0x92: {  	_ =	strace s18  }
0x93: {  	s3 =	sld [smem:$0x3FFC];
	_ =	sdelay $0x3  }
0x94: {  	_ =	strace s3  }
0x95: {  	s3 =	sld [smem:$0x3FFD];
	_ =	sdelay $0x3  }
0x96: {  	_ =	strace s3  }
0x97: {  	_ =	strace $0x8FFFFFFF  }
0x98: {  	s19 =	sld [smem:$0x3FDB];
	_ =	sdelay $0x1  }
0x99: {  	s4 =	simm.s32 $_scs_section_size  }
0x9a: {  	s5 =	simm.s32 $_size__tile_overlayer_lowered;
	s6 =	simm.s32 $_tile_overlayer_lowered  }
0x9b: {  	s22 =	simm.s32 $0x1BFF;
	s21 =	sshll.u32 s6, $0x1;
	s3 =	sadd.s32 s4, s19  }
0x9c: {  	s7 =	simm.s32 $0x0;
	s20 =	sshll.u32 s5, $0x1;
	s5 =	sadd.s32 s21, s3  }
0x9d: {  	[timem:s7], [sflag:s22] =	dma.local [hbm:s5], s20  }
0x9e: {  	_ =	swait.ge [sflag:s22], s20  }
0x9f: {  	s4 =	ssub.s32 $0x0, s20;
	[sflag:s22] =	ssyncset.done $0x0  }
0xa0: {  	[sflag:s22] =	ssyncadd.s32 s4;
	_ =	sdelay $0x1  }
0xa1: {  	s23 =	simm.s32 $0x1B8B  }
0xa2: {  	_ =	swait.ge [sflag:s23], $0x1  }
0xa3: {  	[sflag:s23] =	ssyncset.done $0x0  }
0xa4: {  	s25 =	simm.s32 $0x1B8E;
	s24 =	sld [smem:$0x3FFE];
	[sflag:s23] =	ssyncadd.s32 $0xFFFFFFFF  }
0xa5: {  	s26 =	simm.s32 $execute0_lowered;
	[smem:$0x3FD2] =	sst s25  }
0xa6: {  	s5 =	sshll.u32 s26, $0x1;
	_ =	strace $0x80000049;
	[dreg:$0x1] =	wrdreg $0xFFFFFFFF  }
0xa7: {  	s28 =	simm.s32 $_size_execute0_lowered;
	s3 =	sadd.s32 s3, s5;
	[dreg:$0x0] =	wrdreg $0x0  }
0xa8: {  	s5 =	sshll.u32 s28, $0x1;
	[dreg:$0x2] =	wrdreg s3  }
0xa9: {  	[dreg:$0x3] =	wrdreg s5  }
0xaa: {  	[dreg:$0x4] =	wrdreg $0xC0  }
0xab: {  	_ =	task [dreg:s7], $0x5FFFF  }
0xac: {  	[dreg:$0x1] =	wrdreg $0xFFFFFFFF  }
0xad: {  	[dreg:$0x0] =	wrdreg $0x60  }
0xae: {  	[dreg:$0x2] =	wrdreg s24  }
0xaf: {  	[dreg:$0x3] =	wrdreg s2  }
0xb0: {  	[dreg:$0x4] =	wrdreg $0xEF800  }
0xb1: {  	[dreg:$0x5] =	wrdreg $0x9  }
0xb2: {  	_ =	task.clear_ibuf [dreg:s7], $0x6FFFF;
	_ =	strace $0x90000049  }
0xb3: {  	s29 =	simm.s32 $0x9;
	_ =	strace $0x8000004B  }
0xb4: {  	_ =	swait.ge [sflag:s29], $0x1  }
0xb5: {  	[sflag:s29] =	ssyncadd.s32 $0xFFFFFFFF  }
0xb6: {  	_ =	strace $0x9000004B  }
0xb7: {  	_ =	sfence  }
0xb8: {  	s30 =	sld [smem:$0x0];
	_ =	sdelay $0x2  }
0xb9: {  	s31 =	sshll.u32 s1, $0xD;
	s1 =	sshrl.u32 s1, $0x2  }
0xba: {  	s3 =	sand.u32 $0x4000, s31;
	s1 =	sadd.s32 s1, s30  }
0xbb: {  	s0 =	sor.u32 s3, s0;
	s1 =	sshll.u32 s1, $0x11  }
0xbc: {  	s0 =	sor.u32 s1, s0  }
0xbd: {  	s0 =	sadd.s32 $0x8F2B, s0  }
0xbe: {  	[sflag:s0] =	ssyncadd.remote.s32 $0x1  }
0xbf: {  	_ =	sfence.sel $0xFFFF  }
0xc0: {  	[dreg:$0x0] =	wrdreg $0xFFFFFFFF;
	(pc) =	sbr.abs _section_cstart, $3  }
0xc1: {  	[dreg:$0x1] =	wrdreg $0xFFFFFFFF  }
0xc2: {  	_ =	task.clear_ibuf [dreg:s7], $0x2FFFF;
	_ =	strace $0x9FFFFFFF  }
0xc3: {  	(tm) =	ssettm $0x7FFFFFFF  }
tec
execute0_lowered:
.L_overlay_start_1:
0x0: {  	(tag) =	ssettag $0x1  }
0x1: {  	s0 =	rddreg [dreg:$0x0]  }
0x2: {  	s2 =	rddreg [dreg:$0x1]  }
0x3: {  	s1 =	rddreg [dreg:$0x2]  }
0x4: {  	s3 =	simm.s32 $0x0;
	s21 =	srdreg.scid;
	s12 =	stileid.u32  }
0x5: {  	s11 =	simm.s32 $0x44;
	s16 =	simm.s32 $0x9;
	s17 =	simm.s32 $0x4400  }
0x6: {  	s18 =	simm.s32 $0x100;
	s19 =	simm.s32 $0x8800;
	s20 =	simm.s32 $0x9800  }
0x7: {  	s28 =	simm.s32 $0xB800;
	s29 =	simm.s32 $0x3;
	s30 =	simm.s32 $0x5  }
0x8: {  	s31 =	simm.s32 $0x4;
	s15 =	simm.s32 $0x7;
	s5 =	smul.u32 $0x44, s12  }
0x9: {  	[smem:$0x7FF] =	sst s3;
	s4 =	sadd.s32 $0x2A00, s0;
	s7 =	smul.u32 $0xC, s12  }
0xa: {  	s8 =	sadd.s32 $0x17200, s0;
	s3 =	sand.u32 $0x1, s21;
	s10 =	smul.u32 $0x2780, s12  }
0xb: {  	s0 =	sadd.s32 $0xC800, s0;
	s12 =	smul.u32 $0x4400, s12;
	s21 =	simm.s32 $0x1  }
0xc: {  	_ =	strace $0x8000004A;
	s6 =	ssub.s32 $0x2, s3;
	p0 =	seq.s32 s3, $0x0  }
0xd: {  	s24 =	smul.u32 $0x27800, s3;
	s9 =	sshrl.u32 s6, $0x1;
	s7 =	sadd.s32 $0x440, s7  }
0xe: {  	s11 =	simm.s32 @!p0 $0xC;
	s22 =	sshrl.u32 s12, $0x3;
	s14 =	ssub.s32 s6, s9  }
0xf: {  	s7 =	smov.u32 @p0 s5;
	s5 =	sadd.s32 s10, s1;
	s9 =	sadd.s32 $0x180, s22  }
0x10: {  	s25 =	sadd.s32 $0xFFFFFFFC, s11;
	s13 =	sshll.u32 s11, $0x8;
	s12 =	sadd.s32 s10, s24  }
0x11: {  	p0 =	sne.s32 s3, $0x0;
	s24 =	simm.s32 $0x2;
	s3 =	simm.s32 $0x8  }
0x12: {  	s22 =	simm.s32 $0x0;
	s7 =	sshll.u32 s7, $0x5;
	s10 =	sshrl.u32 s25, $0x2  }
0x13: {  	s11 =	sadd.s32 $0x4200, s13;
	s26 =	sshrl.u32 s12, $0x3;
	s12 =	sadd.s32 $0x4300, s13  }
0x14: {  	s14 =	smax.u32 s14, $0x1;
	s23 =	sadd.s32 s8, s7;
	s7 =	sadd.s32 s0, s7  }
0x15: {  	s8 =	sadd.s32 s8, s9;
	s9 =	sadd.s32 s0, s9;
	s13 =	sadd.s32 s2, s26  }
0x16: {  	v0 =	vimm.f32 $0.0e+00;
	s0 =	simm.s32 $0x6;
	[dreg:$0x4] =	wrdreg s23;
	s23 =	simm.s32 $0xA800  }
.LBB2_1:
0x17: {  	s2 =	simm.s32 $0x40;
	s25 =	simm.s32 $0x0  }
.LBB2_2:
0x18: {  	p1 =	sne.s32 s2, $0x9DC0;
	[tilespmem:s25+$0xC800] =	vst v0;
	s25 =	smov.u32 s2;
	s2 =	sadd.s32 $0x40, s2  }
.Ltmp0:
0x19: {  	(pc) =	sbr.rel @p1 .LBB2_2-.Ltmp0, $2  }
0x1a: {  	_ =	sdelay $0x2  }
0x1b: {  	s25 =	sshra.s32 s25, $0x2  }
0x1c: {  	[tilespmem:s25+$0xC800] =	vst v0;
	s2 =	simm.s32 $0xC800  }
0x1d: {  	[spmem:s5] =	stream.linear.scatter [tilespmem:s2], [sflag:$0x9], $0x2780, $0x38;
	[tilespmem:$0x11700] =	vst v63  }
0x1e: {  	_ =	swait.ge [sflag:s16], $0x2780  }
0x1f: {  	[sflag:s16] =	ssyncset.done $0x0  }
0x20: {  	s26 =	simm.s32 $0x0;
	s6 =	rddreg [dreg:$0x4];
	[sflag:s16] =	ssyncadd.s32 $0xFFFFD880  }
0x21: {  	[tilespmem:s26], [sflag:$0x9] =	stream.linear.gather [hbm4b:s6+s26], $0xC00, $0x38;
	[tilespmem:$0x11700] =	vst v63  }
0x22: {  	_ =	swait.ge [sflag:s16], $0xC00  }
0x23: {  	[sflag:s16] =	ssyncset.done $0x0  }
0x24: {  	[sflag:s16] =	ssyncadd.s32 $0xFFFFF400  }
0x25: {  	[tilespmem:s17], [sflag:$0x9] =	stream.linear.gather [hbm4b:s7+s26], $0xC00, $0x38;
	[tilespmem:$0x11700] =	vst v63  }
0x26: {  	_ =	swait.ge [sflag:s16], $0xC00  }
0x27: {  	[sflag:s16] =	ssyncset.done $0x0  }
0x28: {  	s25 =	simm.s32 @!p0 $0xC00;
	s2 =	simm.s32 @!p0 $0x0;
	[sflag:s16] =	ssyncadd.s32 $0xFFFFF400  }
0x29: {  	[tilespmem:s25], [sflag:$0x9] =	stream.linear.gather @!p0 [hbm4b:s8+s2], $0x3800, $0x38;
	[tilespmem:$0x11700] =	vst v63  }
0x2a: {  	s25 =	simm.s32 @!p0 $0x9  }
0x2b: {  	_ =	swait.ge @!p0 [sflag:s25], $0x3800  }
0x2c: {  	[sflag:s25] =	ssyncset.done @!p0 $0x0  }
0x2d: {  	s26 =	simm.s32 @!p0 $0x5000;
	[sflag:s25] =	ssyncadd.s32 @!p0 $0xFFFFC800  }
0x2e: {  	[tilespmem:s26], [sflag:$0x9] =	stream.linear.gather @!p0 [hbm4b:s9+s2], $0x3800, $0x38;
	[tilespmem:$0x11700] =	vst v63  }
0x2f: {  	_ =	swait.ge @!p0 [sflag:s25], $0x3800  }
0x30: {  	[sflag:s25] =	ssyncset.done @!p0 $0x0  }
0x31: {  	[sflag:s25] =	ssyncadd.s32 @!p0 $0xFFFFC800  }
0x32: {  	s25 =	simm.s32 $0x0;
	[bflag:$0x0] =	sbarrier.arrive $0xFFFF  }
0x33: {  	[tilespmem:s19], [sflag:$0x1] =	stream.indirect.gather [hbm4b:s4+s18], $0x10, s25, s18, $0xb8;
	[tilespmem:$0x11700] =	vst v63  }
0x34: {  	_ = 	snop  }
0x35: {  	[tilespmem:s20], [sflag:$0x2] =	stream.indirect.gather [hbm4b:s4+s18], $0x10, s18, s18, $0xb8;
	[tilespmem:$0x11700] =	vst v63  }
0x36: {  	_ =	swait.ge [sflag:s21], $0x1000  }
0x37: {  	[sflag:s21] =	ssyncset.done $0x0  }
0x38: {  	[sflag:s21] =	ssyncadd.s32 $0xFFFFF000  }
0x39: {  	[spmem:s1] =	stream.indirect.scatter.add.f32 [tilespmem:s19], [sflag:$0x5], $0x10, s17, s18, $0xb8;
	[tilespmem:$0x11700] =	vst v63  }
0x3a: {  	s26 =	simm.s32 $0x200  }
0x3b: {  	[tilespmem:s23], [sflag:$0x3] =	stream.indirect.gather [hbm4b:s4+s18], $0x10, s26, s18, $0xb8;
	[tilespmem:$0x11700] =	vst v63  }
0x3c: {  	_ =	swait.ge [sflag:s24], $0x1000  }
0x3d: {  	[sflag:s24] =	ssyncset.done $0x0  }
0x3e: {  	s6 =	simm.s32 $0x4500;
	[sflag:s24] =	ssyncadd.s32 $0xFFFFF000  }
0x3f: {  	[spmem:s1] =	stream.indirect.scatter.add.f32 [tilespmem:s20], [sflag:$0x6], $0x10, s6, s18, $0xb8;
	[tilespmem:$0x11700] =	vst v63  }
0x40: {  	s25 =	simm.s32 $0x300  }
0x41: {  	[tilespmem:s28], [sflag:$0x4] =	stream.indirect.gather [hbm4b:s4+s18], $0x10, s25, s18, $0xb8;
	[tilespmem:$0x11700] =	vst v63  }
0x42: {  	_ =	swait.ge [sflag:s29], $0x1000  }
0x43: {  	[sflag:s29] =	ssyncset.done $0x0  }
0x44: {  	s26 =	simm.s32 $0x4600;
	[sflag:s29] =	ssyncadd.s32 $0xFFFFF000  }
0x45: {  	[spmem:s1] =	stream.indirect.scatter.add.f32 [tilespmem:s23], [sflag:$0x7], $0x10, s26, s18, $0xb8;
	[tilespmem:$0x11700] =	vst v63  }
0x46: {  	_ =	swait.ge [sflag:s30], $0x1000  }
0x47: {  	[sflag:s30] =	ssyncset.done $0x0  }
0x48: {  	s6 =	simm.s32 $0x400;
	[sflag:s30] =	ssyncadd.s32 $0xFFFFF000  }
0x49: {  	[tilespmem:s19], [sflag:$0x1] =	stream.indirect.gather [hbm4b:s4+s18], $0x10, s6, s18, $0xb8;
	[tilespmem:$0x11700] =	vst v63  }
0x4a: {  	_ =	swait.ge [sflag:s31], $0x1000  }
0x4b: {  	[sflag:s31] =	ssyncset.done $0x0  }
0x4c: {  	s25 =	simm.s32 $0x4700;
	[sflag:s31] =	ssyncadd.s32 $0xFFFFF000  }
0x4d: {  	[spmem:s1] =	stream.indirect.scatter.add.f32 [tilespmem:s28], [sflag:$0x8], $0x10, s25, s18, $0xb8;
	[tilespmem:$0x11700] =	vst v63  }
0x4e: {  	_ =	swait.ge [sflag:s0], $0x1000  }
0x4f: {  	[sflag:s0] =	ssyncset.done $0x0  }
0x50: {  	s26 =	simm.s32 $0x500;
	[sflag:s0] =	ssyncadd.s32 $0xFFFFF000  }
0x51: {  	[tilespmem:s20], [sflag:$0x2] =	stream.indirect.gather [hbm4b:s4+s18], $0x10, s26, s18, $0xb8;
	[tilespmem:$0x11700] =	vst v63  }
0x52: {  	_ =	swait.ge [sflag:s21], $0x1000  }
0x53: {  	[sflag:s21] =	ssyncset.done $0x0  }
0x54: {  	s6 =	simm.s32 $0x4800;
	[sflag:s21] =	ssyncadd.s32 $0xFFFFF000  }
0x55: {  	[spmem:s1] =	stream.indirect.scatter.add.f32 [tilespmem:s19], [sflag:$0x5], $0x10, s6, s18, $0xb8;
	[tilespmem:$0x11700] =	vst v63  }
0x56: {  	_ =	swait.ge [sflag:s15], $0x1000  }
0x57: {  	[sflag:s15] =	ssyncset.done $0x0  }
0x58: {  	s25 =	simm.s32 $0x600;
	[sflag:s15] =	ssyncadd.s32 $0xFFFFF000  }
0x59: {  	[tilespmem:s23], [sflag:$0x3] =	stream.indirect.gather [hbm4b:s4+s18], $0x10, s25, s18, $0xb8;
	[tilespmem:$0x11700] =	vst v63  }
0x5a: {  	_ =	swait.ge [sflag:s24], $0x1000  }
0x5b: {  	p1 =	sne.s32 s10, $0x1;
	[sflag:s24] =	ssyncset.done $0x0  }
.Ltmp1:
0x5c: {  	s26 =	simm.s32 $0x4900;
	[sflag:s24] =	ssyncadd.s32 $0xFFFFF000;
	(pc) =	sbr.rel @!p1 .LBB2_5-.Ltmp1, $4  }
0x5d: {  	[spmem:s1] =	stream.indirect.scatter.add.f32 [tilespmem:s20], [sflag:$0x6], $0x10, s26, s18, $0xb8;
	[tilespmem:$0x11700] =	vst v63  }
0x5e: {  	_ =	swait.ge [sflag:s3], $0x1000  }
0x5f: {  	s2 =	simm.s32 $0x700;
	[sflag:s3] =	ssyncset.done $0x0  }
0x60: {  	s25 =	sadd.s32 $0xFFFFFFFF, s10;
	s26 =	simm.s32 $0x1000;
	[sflag:s3] =	ssyncadd.s32 $0xFFFFF000  }
.LBB2_4:
0x61: {  	[tilespmem:s28], [sflag:$0x4] =	stream.indirect.gather [hbm4b:s4+s18], $0x10, s2, s18, $0xb8;
	[tilespmem:$0x11700] =	vst v63  }
0x62: {  	p1 =	sne.s32 s25, $0x1;
	s25 =	sadd.s32 $0xFFFFFFFF, s25;
	_ =	swait.ge [sflag:s29], $0x1000  }
0x63: {  	s2 =	sshra.s32 s26, $0x2;
	[sflag:s29] =	ssyncset.done $0x0  }
0x64: {  	s6 =	sadd.s32 $0x4600, s2;
	[sflag:s29] =	ssyncadd.s32 $0xFFFFF000  }
0x65: {  	[spmem:s1] =	stream.indirect.scatter.add.f32 [tilespmem:s23], [sflag:$0x7], $0x10, s6, s18, $0xb8;
	[tilespmem:$0x11700] =	vst v63  }
0x66: {  	_ =	swait.ge [sflag:s30], $0x1000  }
0x67: {  	[sflag:s30] =	ssyncset.done $0x0  }
0x68: {  	s6 =	sadd.s32 $0x400, s2;
	[sflag:s30] =	ssyncadd.s32 $0xFFFFF000  }
0x69: {  	[tilespmem:s19], [sflag:$0x1] =	stream.indirect.gather [hbm4b:s4+s18], $0x10, s6, s18, $0xb8;
	[tilespmem:$0x11700] =	vst v63  }
0x6a: {  	_ =	swait.ge [sflag:s31], $0x1000  }
0x6b: {  	[sflag:s31] =	ssyncset.done $0x0  }
0x6c: {  	s6 =	sadd.s32 $0x4700, s2;
	[sflag:s31] =	ssyncadd.s32 $0xFFFFF000  }
0x6d: {  	[spmem:s1] =	stream.indirect.scatter.add.f32 [tilespmem:s28], [sflag:$0x8], $0x10, s6, s18, $0xb8;
	[tilespmem:$0x11700] =	vst v63  }
0x6e: {  	_ =	swait.ge [sflag:s0], $0x1000  }
0x6f: {  	[sflag:s0] =	ssyncset.done $0x0  }
0x70: {  	s6 =	sadd.s32 $0x500, s2;
	[sflag:s0] =	ssyncadd.s32 $0xFFFFF000  }
0x71: {  	[tilespmem:s20], [sflag:$0x2] =	stream.indirect.gather [hbm4b:s4+s18], $0x10, s6, s18, $0xb8;
	[tilespmem:$0x11700] =	vst v63  }
0x72: {  	_ =	swait.ge [sflag:s21], $0x1000  }
0x73: {  	[sflag:s21] =	ssyncset.done $0x0  }
0x74: {  	s6 =	sadd.s32 $0x4800, s2;
	[sflag:s21] =	ssyncadd.s32 $0xFFFFF000  }
0x75: {  	[spmem:s1] =	stream.indirect.scatter.add.f32 [tilespmem:s19], [sflag:$0x5], $0x10, s6, s18, $0xb8;
	[tilespmem:$0x11700] =	vst v63  }
0x76: {  	_ =	swait.ge [sflag:s15], $0x1000  }
0x77: {  	[sflag:s15] =	ssyncset.done $0x0  }
0x78: {  	s6 =	sadd.s32 $0x600, s2;
	[sflag:s15] =	ssyncadd.s32 $0xFFFFF000  }
0x79: {  	[tilespmem:s23], [sflag:$0x3] =	stream.indirect.gather [hbm4b:s4+s18], $0x10, s6, s18, $0xb8;
	[tilespmem:$0x11700] =	vst v63  }
0x7a: {  	_ =	swait.ge [sflag:s24], $0x1000  }
0x7b: {  	[sflag:s24] =	ssyncset.done $0x0  }
.Ltmp2:
0x7c: {  	s6 =	sadd.s32 $0x4900, s2;
	[sflag:s24] =	ssyncadd.s32 $0xFFFFF000;
	(pc) =	sbr.rel @p1 .LBB2_4-.Ltmp2, $4  }
0x7d: {  	[spmem:s1] =	stream.indirect.scatter.add.f32 [tilespmem:s20], [sflag:$0x6], $0x10, s6, s18, $0xb8;
	[tilespmem:$0x11700] =	vst v63  }
0x7e: {  	_ =	swait.ge [sflag:s3], $0x1000  }
0x7f: {  	[sflag:s3] =	ssyncset.done $0x0  }
0x80: {  	s26 =	sadd.s32 $0x1000, s26;
	s2 =	sadd.s32 $0x700, s2;
	[sflag:s3] =	ssyncadd.s32 $0xFFFFF000  }
.LBB2_5:
0x81: {  	[tilespmem:s28], [sflag:$0x4] =	stream.indirect.gather [hbm4b:s4+s18], $0x10, s2, s18, $0xb8;
	[tilespmem:$0x11700] =	vst v63  }
0x82: {  	_ =	swait.ge [sflag:s29], $0x1000  }
0x83: {  	[sflag:s29] =	ssyncset.done $0x0  }
0x84: {  	[sflag:s29] =	ssyncadd.s32 $0xFFFFF000  }
0x85: {  	[spmem:s1] =	stream.indirect.scatter.add.f32 [tilespmem:s23], [sflag:$0x7], $0x10, s11, s18, $0xb8;
	[tilespmem:$0x11700] =	vst v63  }
0x86: {  	_ =	swait.ge [sflag:s31], $0x1000  }
0x87: {  	[sflag:s31] =	ssyncset.done $0x0  }
0x88: {  	[sflag:s31] =	ssyncadd.s32 $0xFFFFF000  }
0x89: {  	[spmem:s1] =	stream.indirect.scatter.add.f32 [tilespmem:s28], [sflag:$0x8], $0x10, s12, s18, $0xb8;
	[tilespmem:$0x11700] =	vst v63  }
0x8a: {  	_ =	swait.ge [sflag:s30], $0x1000  }
0x8b: {  	[sflag:s30] =	ssyncset.done $0x0  }
0x8c: {  	[sflag:s30] =	ssyncadd.s32 $0xFFFFF000  }
0x8d: {  	_ =	swait.ge [sflag:s0], $0x1000  }
0x8e: {  	[sflag:s0] =	ssyncset.done $0x0  }
0x8f: {  	[sflag:s0] =	ssyncadd.s32 $0xFFFFF000  }
0x90: {  	_ =	swait.ge [sflag:s15], $0x1000  }
0x91: {  	[sflag:s15] =	ssyncset.done $0x0  }
0x92: {  	[sflag:s15] =	ssyncadd.s32 $0xFFFFF000  }
0x93: {  	s26 =	stileid.u32;
	_ =	swait.ge [sflag:s3], $0x1000  }
0x94: {  	s6 =	sshrl.u32 s5, $0x3;
	s22 =	sadd.s32 $0x1, s22;
	[sflag:s3] =	ssyncset.done $0x0  }
0x95: {  	s2 =	sshll.u32 s26, $0x6;
	p1 =	sne.s32 s22, s14;
	[sflag:s3] =	ssyncadd.s32 $0xFFFFF000  }
.Ltmp3:
0x96: {  	s2 =	sor.u32 $0x1C09, s2;
	[bflag:$0x0] =	sbarrier.arrive $0xFFFF;
	(pc) =	sbr.rel @p1 .LBB2_1-.Ltmp3, $4  }
0x97: {  	[hbm:s13], [sflag:s2] =	dma.local [spmem:s6], $0x4F0  }
0x98: {  	_ =	swait.ge [sflag:s16], $0x4F0  }
0x99: {  	[sflag:s16] =	ssyncset.done $0x0  }
0x9a: {  	[sflag:s16] =	ssyncadd.s32 $0xFFFFFB10  }
0x9b: {  	_ =	sfence.sel $0x180000  }
0x9c: {  	[bflag:$0x0] =	sbarrier.arrive $0xFFFF  }
0x9d: {  	_ =	strace $0x9000004A  }
0x9e: {  	s0 =	stileid.u32;
	[bflag:$0x2] =	sbarrier.arrive $0xFFFF  }
0x9f: {  	p0 =	sne.s32 s0, $0x0;
	s0 =	rddreg [dreg:$0x3]  }
0xa0: {  	s0 =	sadd.s32 @!p0 $0x100000, s0  }
0xa1: {  	[sflag:s0] =	ssyncadd.tile.s32 @!p0 $0x1;
	_ =	shalt  }
.Lfunc_end2:
_tile_overlayer_lowered:
.L_overlay_start_2:
0xa2: {  	(tag) =	ssettag $0x2  }
0xa3: {  	s0 =	rddreg [dreg:$0x0];
	s2 =	stileid.u32  }
0xa4: {  	s1 =	rddreg [dreg:$0x1];
	p0 =	sne.s32 s2, $0x0  }
0xa5: {  	s3 =	rddreg [dreg:$0x2];
	[bflag:$0x3] =	sbarrier.arrive $0xFFFF;
	s2 =	simm.s32 @!p0 $0x1C09  }
0xa6: {  	[timem:s3], [sflag:s2] =	dma.local @!p0 [hbm:s0], s1  }
0xa7: {  	s0 =	simm.s32 @!p0 $0x9  }
0xa8: {  	_ =	swait.ge @!p0 [sflag:s0], s1  }
0xa9: {  	s1 =	ssub.s32 @!p0 $0x0, s1;
	[sflag:s0] =	ssyncset.done @!p0 $0x0  }
0xaa: {  	[sflag:s0] =	ssyncadd.s32 @!p0 s1  }
0xab: {  	[bflag:$0x3] =	sbarrier.arrive $0xFFFF  }
0xac: {  	_ =	shalt  }

// kernel: kernel.15.cloned.1.call-start
scs
__scs_entry_jumppad:
0x0: {  	(pc) =	sbr.rel $0x88, $3  }
0x1: {  	(tag) =	ssettag $0x0;
	lr =	simm.s32 $0x1  }
0x2: {  	[smem:$0x3F8E] =	sst lr;
	_ =	strace $0xD0000000  }
0x3: {  	_ = 	snop  }
0x4: {  	_ = 	snop  }
0x5: {  	_ = 	snop  }
0x6: {  	_ = 	snop  }
0x7: {  	_ = 	snop  }
__scs_overlays_trampoline_lowered:
0x8: {  	[smem:$0x3F9D] =	sst s0  }
0x9: {  	[smem:$0x3F9E] =	sst s1  }
0xa: {  	[smem:$0x3F9F] =	sst s2  }
0xb: {  	[smem:$0x3FA0] =	sst s3  }
0xc: {  	[smem:$0x3FA1] =	sst s4  }
0xd: {  	[smem:$0x3FA2] =	sst s5  }
0xe: {  	[smem:$0x3FA3] =	sst s6  }
0xf: {  	[smem:$0x3FA4] =	sst s7  }
0x10: {  	[smem:$0x3FA5] =	sst s8  }
0x11: {  	[smem:$0x3FA6] =	sst s9;
	s0 =	simm.s32 @!p0 $0x0  }
0x12: {  	s1 =	sld [smem:$0x3F8C];
	s0 =	simm.s32 @p0 $0x1  }
0x13: {  	[smem:$0x3FA7] =	sst s0;
	s0 =	simm.s32 @!p1 $0x0  }
0x14: {  	s2 =	sld [smem:$0x3F8B];
	s0 =	simm.s32 @p1 $0x1  }
0x15: {  	[smem:$0x3FA8] =	sst s0;
	s0 =	simm.s32 @!p2 $0x0  }
0x16: {  	s3 =	sld [smem:$0x3FDB];
	s0 =	simm.s32 @p2 $0x1  }
0x17: {  	s4 =	simm.s32 $0x1BF5;
	[smem:$0x3FAA] =	sst s0  }
0x18: {  	s0 =	sld [smem:$0x3F8D];
	_ =	swait.ge [sflag:s4], $0x0  }
0x19: {  	s7 =	sld [smem:$0x3F8E]  }
0x1a: {  	s8 =	sadd.s32 $0xFFFFE003, lr  }
0x1b: {  	s9 =	sadd.s32 $0xFFFFFEF7, lr;
	s5 =	simm.s32 $0xFFFFFFFF;
	p2 =	slt.u32 s8, $0xFFFFF086  }
0x1c: {  	p1 =	slt.u32 s9, $0xF7A;
	s5 =	simm.s32 @!p2 $0x0  }
0x1d: {  	s5 =	simm.s32 @p1 $0x1;
	p0 =	seq.s32 s7, s2  }
0x1e: {  	s7 =	smul.u32 @!p0 $0xF7A, s2;
	p2 =	seq.s32 @!p0 s5, $0x0  }
0x1f: {  	s9 =	smul.u32 $0xF7A, s1;
	s8 =	simm.s32 @!p0 $0x1BF5;
	p2 =	por !p2, p0  }
0x20: {  	[sflag:s8] =	ssyncset.s32 @!p0 $0xFFFFF086;
	s6 =	sadd.s32 @!p0 s3, s7;
	s7 =	simm.s32 @!p0 $0x108  }
0x21: {  	s3 =	sadd.s32 s3, s9;
	s6 =	sadd.s32 @!p0 $0x88, s6;
	s7 =	simm.s32 @p2 $0x1082  }
0x22: {  	[simem:s7], [sflag:s8] =	dma.local @!p0 [hbm:s6], $0xF7A  }
0x23: {  	s9 =	sor.u32 $0xD0000000, s2;
	s6 =	simm.s32 $0x108;
	_ =	swait.ge @!p0 [sflag:s8], $0x0  }
0x24: {  	s3 =	sadd.s32 $0x88, s3;
	s6 =	simm.s32 @!p1 $0x1082;
	[sflag:s4] =	ssyncset.s32 $0xFFFFF086  }
0x25: {  	[simem:s6], [sflag:s4] =	dma.local [hbm:s3], $0xF7A  }
0x26: {  	[smem:$0x3F8E] =	sst s1;
	(tag) =	ssettag s2;
	_ =	strace s9  }
0x27: {  	s1 =	sld [smem:$0x3F9E]  }
0x28: {  	s2 =	sld [smem:$0x3F9F]  }
0x29: {  	s4 =	sld [smem:$0x3FA1]  }
0x2a: {  	p0 =	seq.s32 s5, $0x0;
	s5 =	sld [smem:$0x3FA2]  }
0x2b: {  	s6 =	sld [smem:$0x3FA3]  }
0x2c: {  	s7 =	sld [smem:$0x3FA4]  }
0x2d: {  	s3 =	simm.s32 $0x108;
	s8 =	sld [smem:$0x3FA5]  }
0x2e: {  	s3 =	simm.s32 @!p0 $0x1082;
	s9 =	sld [smem:$0x3FA6]  }
0x2f: {  	lr =	sadd.s32 s0, s3;
	s0 =	sld [smem:$0x3F9D]  }
0x30: {  	s3 =	sld [smem:$0x3FA0]  }
0x31: {  	[smem:$0x3FA9] =	sst s10  }
0x32: {  	s10 =	sld [smem:$0x3FA7];
	_ =	sdelay $0x3  }
0x33: {  	p0 =	seq.s32 s10, $0x1;
	s10 =	sld [smem:$0x3FA9];
	_ =	sdelay $0x3  }
0x34: {  	[smem:$0x3FA9] =	sst s10  }
0x35: {  	s10 =	sld [smem:$0x3FA8];
	_ =	sdelay $0x3  }
0x36: {  	p1 =	seq.s32 s10, $0x1;
	s10 =	sld [smem:$0x3FA9];
	_ =	sdelay $0x3  }
0x37: {  	[smem:$0x3FA9] =	sst s10  }
0x38: {  	s10 =	sld [smem:$0x3FAA]  }
0x39: {  	_ = 	snop;
	(pc) =	sbr.ind lr, $3  }
0x3a: {  	_ = 	snop  }
0x3b: {  	_ = 	snop  }
0x3c: {  	p2 =	seq.s32 s10, $0x1;
	s10 =	sld [smem:$0x3FA9]  }
0x3d: {  	_ =	shalt  }
0x3e: {  	_ =	shalt  }
0x3f: {  	_ =	shalt  }
0x40: {  	_ =	shalt  }
0x41: {  	_ =	shalt  }
0x42: {  	_ =	shalt  }
0x43: {  	_ =	shalt  }
0x44: {  	_ =	shalt  }
0x45: {  	_ =	shalt  }
0x46: {  	_ =	shalt  }
0x47: {  	_ =	shalt  }
0x48: {  	_ =	shalt  }
0x49: {  	_ =	shalt  }
0x4a: {  	_ =	shalt  }
0x4b: {  	_ =	shalt  }
0x4c: {  	_ =	shalt  }
0x4d: {  	_ =	shalt  }
0x4e: {  	_ =	shalt  }
0x4f: {  	_ =	shalt  }
0x50: {  	_ =	shalt  }
0x51: {  	_ =	shalt  }
0x52: {  	_ =	shalt  }
0x53: {  	_ =	shalt  }
0x54: {  	_ =	shalt  }
0x55: {  	_ =	shalt  }
0x56: {  	_ =	shalt  }
0x57: {  	_ =	shalt  }
0x58: {  	_ =	shalt  }
0x59: {  	_ =	shalt  }
0x5a: {  	_ =	shalt  }
0x5b: {  	_ =	shalt  }
0x5c: {  	_ =	shalt  }
0x5d: {  	_ =	shalt  }
0x5e: {  	_ =	shalt  }
0x5f: {  	_ =	shalt  }
0x60: {  	_ =	shalt  }
0x61: {  	_ =	shalt  }
0x62: {  	_ =	shalt  }
0x63: {  	_ =	shalt  }
0x64: {  	_ =	shalt  }
0x65: {  	_ =	shalt  }
0x66: {  	_ =	shalt  }
0x67: {  	_ =	shalt  }
0x68: {  	_ =	shalt  }
0x69: {  	_ =	shalt  }
0x6a: {  	_ =	shalt  }
0x6b: {  	_ =	shalt  }
0x6c: {  	_ =	shalt  }
0x6d: {  	_ =	shalt  }
0x6e: {  	_ =	shalt  }
0x6f: {  	_ =	shalt  }
0x70: {  	_ =	shalt  }
0x71: {  	_ =	shalt  }
0x72: {  	_ =	shalt  }
0x73: {  	_ =	shalt  }
0x74: {  	_ =	shalt  }
0x75: {  	_ =	shalt  }
0x76: {  	_ =	shalt  }
0x77: {  	_ =	shalt  }
0x78: {  	_ =	shalt  }
0x79: {  	_ =	shalt  }
0x7a: {  	_ =	shalt  }
0x7b: {  	_ =	shalt  }
0x7c: {  	_ =	shalt  }
0x7d: {  	_ =	shalt  }
0x7e: {  	_ =	shalt  }
0x7f: {  	_ =	shalt  }
0x80: {  	_ =	shalt  }
0x81: {  	_ =	shalt  }
0x82: {  	_ =	shalt  }
0x83: {  	_ =	shalt  }
0x84: {  	_ =	shalt  }
0x85: {  	_ =	shalt  }
0x86: {  	_ =	shalt  }
0x87: {  	_ =	shalt  }
.Lfunc_end0:
.L_simem_size_0:
called_computation.2_lowered:
.L_overlay_start_0:
0x88: {  	s2 =	sld [smem:$0x3FD9]  }
0x89: {  	s3 =	sld [smem:$0x3FFE];
	_ =	sdelay $0x1  }
0x8a: {  	s1 =	srdreg.scid  }
0x8b: {  	s0 =	sand.u32 $0x1, s1  }
0x8c: {  	s17 =	sshll.u32 s0, $0xA;
	s2 =	sadd.s32 s3, s2  }
0x8d: {  	s2 =	sadd.s32 s2, s17  }
0x8e: {  	[smem:$0x3FB5] =	sst s2  }
0x8f: {  	_ = 	snop  }
0x90: {  	s2 =	sld [smem:$0x3FD0];
	(tm) =	ssettm $0x1  }
0x91: {  	s18 =	sld [smem:$0x3FFB];
	_ =	sdelay $0x3  }
0x92: {  	_ =	strace s18  }
0x93: {  	s3 =	sld [smem:$0x3FFC];
	_ =	sdelay $0x3  }
0x94: {  	_ =	strace s3  }
0x95: {  	s3 =	sld [smem:$0x3FFD];
	_ =	sdelay $0x3  }
0x96: {  	_ =	strace s3  }
0x97: {  	_ =	strace $0x8FFFFFFF  }
0x98: {  	s19 =	sld [smem:$0x3FDB];
	_ =	sdelay $0x1  }
0x99: {  	s4 =	simm.s32 $_scs_section_size  }
0x9a: {  	s5 =	simm.s32 $_size__tile_overlayer_lowered;
	s6 =	simm.s32 $_tile_overlayer_lowered  }
0x9b: {  	s22 =	simm.s32 $0x1BFF;
	s21 =	sshll.u32 s6, $0x1;
	s3 =	sadd.s32 s4, s19  }
0x9c: {  	s7 =	simm.s32 $0x0;
	s20 =	sshll.u32 s5, $0x1;
	s5 =	sadd.s32 s21, s3  }
0x9d: {  	[timem:s7], [sflag:s22] =	dma.local [hbm:s5], s20  }
0x9e: {  	_ =	swait.ge [sflag:s22], s20  }
0x9f: {  	s4 =	ssub.s32 $0x0, s20;
	[sflag:s22] =	ssyncset.done $0x0  }
0xa0: {  	[sflag:s22] =	ssyncadd.s32 s4;
	_ =	sdelay $0x1  }
0xa1: {  	s23 =	simm.s32 $0x1B8B  }
0xa2: {  	_ =	swait.ge [sflag:s23], $0x1  }
0xa3: {  	[sflag:s23] =	ssyncset.done $0x0  }
0xa4: {  	s25 =	simm.s32 $0x1B8E;
	s24 =	sld [smem:$0x3FFE];
	[sflag:s23] =	ssyncadd.s32 $0xFFFFFFFF  }
0xa5: {  	s26 =	simm.s32 $execute0_lowered;
	[smem:$0x3FD2] =	sst s25  }
0xa6: {  	s5 =	sshll.u32 s26, $0x1;
	_ =	strace $0x8000004C;
	[dreg:$0x1] =	wrdreg $0xFFFFFFFF  }
0xa7: {  	s28 =	simm.s32 $_size_execute0_lowered;
	s3 =	sadd.s32 s3, s5;
	[dreg:$0x0] =	wrdreg $0x0  }
0xa8: {  	s5 =	sshll.u32 s28, $0x1;
	[dreg:$0x2] =	wrdreg s3  }
0xa9: {  	[dreg:$0x3] =	wrdreg s5  }
0xaa: {  	[dreg:$0x4] =	wrdreg $0xC0  }
0xab: {  	_ =	task [dreg:s7], $0x5FFFF  }
0xac: {  	[dreg:$0x1] =	wrdreg $0xFFFFFFFF  }
0xad: {  	[dreg:$0x0] =	wrdreg $0x60  }
0xae: {  	[dreg:$0x2] =	wrdreg s24  }
0xaf: {  	[dreg:$0x3] =	wrdreg s2  }
0xb0: {  	[dreg:$0x4] =	wrdreg $0xEF800  }
0xb1: {  	[dreg:$0x5] =	wrdreg $0x9  }
0xb2: {  	_ =	task.clear_ibuf [dreg:s7], $0x6FFFF;
	_ =	strace $0x9000004C  }
0xb3: {  	s29 =	simm.s32 $0x9;
	_ =	strace $0x8000004E  }
0xb4: {  	_ =	swait.ge [sflag:s29], $0x1  }
0xb5: {  	[sflag:s29] =	ssyncadd.s32 $0xFFFFFFFF  }
0xb6: {  	_ =	strace $0x9000004E  }
0xb7: {  	_ =	sfence  }
0xb8: {  	s30 =	sld [smem:$0x0];
	_ =	sdelay $0x2  }
0xb9: {  	s31 =	sshll.u32 s1, $0xD;
	s1 =	sshrl.u32 s1, $0x2  }
0xba: {  	s3 =	sand.u32 $0x4000, s31;
	s1 =	sadd.s32 s1, s30  }
0xbb: {  	s0 =	sor.u32 s3, s0;
	s1 =	sshll.u32 s1, $0x11  }
0xbc: {  	s0 =	sor.u32 s1, s0  }
0xbd: {  	s0 =	sadd.s32 $0x8F2B, s0  }
0xbe: {  	[sflag:s0] =	ssyncadd.remote.s32 $0x1  }
0xbf: {  	_ =	sfence.sel $0xFFFF  }
0xc0: {  	[dreg:$0x0] =	wrdreg $0xFFFFFFFF;
	(pc) =	sbr.abs _section_cstart, $3  }
0xc1: {  	[dreg:$0x1] =	wrdreg $0xFFFFFFFF  }
0xc2: {  	_ =	task.clear_ibuf [dreg:s7], $0x2FFFF;
	_ =	strace $0x9FFFFFFF  }
0xc3: {  	(tm) =	ssettm $0x7FFFFFFF  }
tec
execute0_lowered:
.L_overlay_start_1:
0x0: {  	(tag) =	ssettag $0x1  }
0x1: {  	s0 =	rddreg [dreg:$0x0]  }
0x2: {  	s2 =	rddreg [dreg:$0x1]  }
0x3: {  	s1 =	rddreg [dreg:$0x2]  }
0x4: {  	s3 =	simm.s32 $0x0;
	s21 =	srdreg.scid;
	s12 =	stileid.u32  }
0x5: {  	s11 =	simm.s32 $0x44;
	s16 =	simm.s32 $0x9;
	s17 =	simm.s32 $0x4400  }
0x6: {  	s18 =	simm.s32 $0x100;
	s19 =	simm.s32 $0x8800;
	s20 =	simm.s32 $0x9800  }
0x7: {  	s28 =	simm.s32 $0xB800;
	s29 =	simm.s32 $0x3;
	s30 =	simm.s32 $0x5  }
0x8: {  	s31 =	simm.s32 $0x4;
	s15 =	simm.s32 $0x7;
	s5 =	smul.u32 $0x44, s12  }
0x9: {  	[smem:$0x7FF] =	sst s3;
	s4 =	sadd.s32 $0x2A00, s0;
	s7 =	smul.u32 $0xC, s12  }
0xa: {  	s8 =	sadd.s32 $0x17200, s0;
	s3 =	sand.u32 $0x1, s21;
	s10 =	smul.u32 $0x2780, s12  }
0xb: {  	s0 =	sadd.s32 $0xC800, s0;
	s12 =	smul.u32 $0x4400, s12;
	s21 =	simm.s32 $0x1  }
0xc: {  	_ =	strace $0x8000004D;
	s6 =	ssub.s32 $0x2, s3;
	p0 =	seq.s32 s3, $0x0  }
0xd: {  	s24 =	smul.u32 $0x27800, s3;
	s9 =	sshrl.u32 s6, $0x1;
	s7 =	sadd.s32 $0x440, s7  }
0xe: {  	s11 =	simm.s32 @!p0 $0xC;
	s22 =	sshrl.u32 s12, $0x3;
	s14 =	ssub.s32 s6, s9  }
0xf: {  	s7 =	smov.u32 @p0 s5;
	s5 =	sadd.s32 s10, s1;
	s9 =	sadd.s32 $0x180, s22  }
0x10: {  	s25 =	sadd.s32 $0xFFFFFFFC, s11;
	s13 =	sshll.u32 s11, $0x8;
	s12 =	sadd.s32 s10, s24  }
0x11: {  	p0 =	sne.s32 s3, $0x0;
	s24 =	simm.s32 $0x2;
	s3 =	simm.s32 $0x8  }
0x12: {  	s22 =	simm.s32 $0x0;
	s7 =	sshll.u32 s7, $0x5;
	s10 =	sshrl.u32 s25, $0x2  }
0x13: {  	s11 =	sadd.s32 $0x4200, s13;
	s26 =	sshrl.u32 s12, $0x3;
	s12 =	sadd.s32 $0x4300, s13  }
0x14: {  	s14 =	smax.u32 s14, $0x1;
	s23 =	sadd.s32 s8, s7;
	s7 =	sadd.s32 s0, s7  }
0x15: {  	s8 =	sadd.s32 s8, s9;
	s9 =	sadd.s32 s0, s9;
	s13 =	sadd.s32 s2, s26  }
0x16: {  	v0 =	vimm.f32 $0.0e+00;
	s0 =	simm.s32 $0x6;
	[dreg:$0x4] =	wrdreg s23;
	s23 =	simm.s32 $0xA800  }
.LBB2_1:
0x17: {  	s2 =	simm.s32 $0x40;
	s25 =	simm.s32 $0x0  }
.LBB2_2:
0x18: {  	p1 =	sne.s32 s2, $0x9DC0;
	[tilespmem:s25+$0xC800] =	vst v0;
	s25 =	smov.u32 s2;
	s2 =	sadd.s32 $0x40, s2  }
.Ltmp0:
0x19: {  	(pc) =	sbr.rel @p1 .LBB2_2-.Ltmp0, $2  }
0x1a: {  	_ =	sdelay $0x2  }
0x1b: {  	s25 =	sshra.s32 s25, $0x2  }
0x1c: {  	[tilespmem:s25+$0xC800] =	vst v0;
	s2 =	simm.s32 $0xC800  }
0x1d: {  	[spmem:s5] =	stream.linear.scatter [tilespmem:s2], [sflag:$0x9], $0x2780, $0x38;
	[tilespmem:$0x11700] =	vst v63  }
0x1e: {  	_ =	swait.ge [sflag:s16], $0x2780  }
0x1f: {  	[sflag:s16] =	ssyncset.done $0x0  }
0x20: {  	s26 =	simm.s32 $0x0;
	s6 =	rddreg [dreg:$0x4];
	[sflag:s16] =	ssyncadd.s32 $0xFFFFD880  }
0x21: {  	[tilespmem:s26], [sflag:$0x9] =	stream.linear.gather [hbm4b:s6+s26], $0xC00, $0x38;
	[tilespmem:$0x11700] =	vst v63  }
0x22: {  	_ =	swait.ge [sflag:s16], $0xC00  }
0x23: {  	[sflag:s16] =	ssyncset.done $0x0  }
0x24: {  	[sflag:s16] =	ssyncadd.s32 $0xFFFFF400  }
0x25: {  	[tilespmem:s17], [sflag:$0x9] =	stream.linear.gather [hbm4b:s7+s26], $0xC00, $0x38;
	[tilespmem:$0x11700] =	vst v63  }
0x26: {  	_ =	swait.ge [sflag:s16], $0xC00  }
0x27: {  	[sflag:s16] =	ssyncset.done $0x0  }
0x28: {  	s25 =	simm.s32 @!p0 $0xC00;
	s2 =	simm.s32 @!p0 $0x0;
	[sflag:s16] =	ssyncadd.s32 $0xFFFFF400  }
0x29: {  	[tilespmem:s25], [sflag:$0x9] =	stream.linear.gather @!p0 [hbm4b:s8+s2], $0x3800, $0x38;
	[tilespmem:$0x11700] =	vst v63  }
0x2a: {  	s25 =	simm.s32 @!p0 $0x9  }
0x2b: {  	_ =	swait.ge @!p0 [sflag:s25], $0x3800  }
0x2c: {  	[sflag:s25] =	ssyncset.done @!p0 $0x0  }
0x2d: {  	s26 =	simm.s32 @!p0 $0x5000;
	[sflag:s25] =	ssyncadd.s32 @!p0 $0xFFFFC800  }
0x2e: {  	[tilespmem:s26], [sflag:$0x9] =	stream.linear.gather @!p0 [hbm4b:s9+s2], $0x3800, $0x38;
	[tilespmem:$0x11700] =	vst v63  }
0x2f: {  	_ =	swait.ge @!p0 [sflag:s25], $0x3800  }
0x30: {  	[sflag:s25] =	ssyncset.done @!p0 $0x0  }
0x31: {  	[sflag:s25] =	ssyncadd.s32 @!p0 $0xFFFFC800  }
0x32: {  	s25 =	simm.s32 $0x0;
	[bflag:$0x0] =	sbarrier.arrive $0xFFFF  }
0x33: {  	[tilespmem:s19], [sflag:$0x1] =	stream.indirect.gather [hbm4b:s4+s18], $0x10, s25, s18, $0xb8;
	[tilespmem:$0x11700] =	vst v63  }
0x34: {  	_ = 	snop  }
0x35: {  	[tilespmem:s20], [sflag:$0x2] =	stream.indirect.gather [hbm4b:s4+s18], $0x10, s18, s18, $0xb8;
	[tilespmem:$0x11700] =	vst v63  }
0x36: {  	_ =	swait.ge [sflag:s21], $0x1000  }
0x37: {  	[sflag:s21] =	ssyncset.done $0x0  }
0x38: {  	[sflag:s21] =	ssyncadd.s32 $0xFFFFF000  }
0x39: {  	[spmem:s1] =	stream.indirect.scatter.add.f32 [tilespmem:s19], [sflag:$0x5], $0x10, s17, s18, $0xb8;
	[tilespmem:$0x11700] =	vst v63  }
0x3a: {  	s26 =	simm.s32 $0x200  }
0x3b: {  	[tilespmem:s23], [sflag:$0x3] =	stream.indirect.gather [hbm4b:s4+s18], $0x10, s26, s18, $0xb8;
	[tilespmem:$0x11700] =	vst v63  }
0x3c: {  	_ =	swait.ge [sflag:s24], $0x1000  }
0x3d: {  	[sflag:s24] =	ssyncset.done $0x0  }
0x3e: {  	s6 =	simm.s32 $0x4500;
	[sflag:s24] =	ssyncadd.s32 $0xFFFFF000  }
0x3f: {  	[spmem:s1] =	stream.indirect.scatter.add.f32 [tilespmem:s20], [sflag:$0x6], $0x10, s6, s18, $0xb8;
	[tilespmem:$0x11700] =	vst v63  }
0x40: {  	s25 =	simm.s32 $0x300  }
0x41: {  	[tilespmem:s28], [sflag:$0x4] =	stream.indirect.gather [hbm4b:s4+s18], $0x10, s25, s18, $0xb8;
	[tilespmem:$0x11700] =	vst v63  }
0x42: {  	_ =	swait.ge [sflag:s29], $0x1000  }
0x43: {  	[sflag:s29] =	ssyncset.done $0x0  }
0x44: {  	s26 =	simm.s32 $0x4600;
	[sflag:s29] =	ssyncadd.s32 $0xFFFFF000  }
0x45: {  	[spmem:s1] =	stream.indirect.scatter.add.f32 [tilespmem:s23], [sflag:$0x7], $0x10, s26, s18, $0xb8;
	[tilespmem:$0x11700] =	vst v63  }
0x46: {  	_ =	swait.ge [sflag:s30], $0x1000  }
0x47: {  	[sflag:s30] =	ssyncset.done $0x0  }
0x48: {  	s6 =	simm.s32 $0x400;
	[sflag:s30] =	ssyncadd.s32 $0xFFFFF000  }
0x49: {  	[tilespmem:s19], [sflag:$0x1] =	stream.indirect.gather [hbm4b:s4+s18], $0x10, s6, s18, $0xb8;
	[tilespmem:$0x11700] =	vst v63  }
0x4a: {  	_ =	swait.ge [sflag:s31], $0x1000  }
0x4b: {  	[sflag:s31] =	ssyncset.done $0x0  }
0x4c: {  	s25 =	simm.s32 $0x4700;
	[sflag:s31] =	ssyncadd.s32 $0xFFFFF000  }
0x4d: {  	[spmem:s1] =	stream.indirect.scatter.add.f32 [tilespmem:s28], [sflag:$0x8], $0x10, s25, s18, $0xb8;
	[tilespmem:$0x11700] =	vst v63  }
0x4e: {  	_ =	swait.ge [sflag:s0], $0x1000  }
0x4f: {  	[sflag:s0] =	ssyncset.done $0x0  }
0x50: {  	s26 =	simm.s32 $0x500;
	[sflag:s0] =	ssyncadd.s32 $0xFFFFF000  }
0x51: {  	[tilespmem:s20], [sflag:$0x2] =	stream.indirect.gather [hbm4b:s4+s18], $0x10, s26, s18, $0xb8;
	[tilespmem:$0x11700] =	vst v63  }
0x52: {  	_ =	swait.ge [sflag:s21], $0x1000  }
0x53: {  	[sflag:s21] =	ssyncset.done $0x0  }
0x54: {  	s6 =	simm.s32 $0x4800;
	[sflag:s21] =	ssyncadd.s32 $0xFFFFF000  }
0x55: {  	[spmem:s1] =	stream.indirect.scatter.add.f32 [tilespmem:s19], [sflag:$0x5], $0x10, s6, s18, $0xb8;
	[tilespmem:$0x11700] =	vst v63  }
0x56: {  	_ =	swait.ge [sflag:s15], $0x1000  }
0x57: {  	[sflag:s15] =	ssyncset.done $0x0  }
0x58: {  	s25 =	simm.s32 $0x600;
	[sflag:s15] =	ssyncadd.s32 $0xFFFFF000  }
0x59: {  	[tilespmem:s23], [sflag:$0x3] =	stream.indirect.gather [hbm4b:s4+s18], $0x10, s25, s18, $0xb8;
	[tilespmem:$0x11700] =	vst v63  }
0x5a: {  	_ =	swait.ge [sflag:s24], $0x1000  }
0x5b: {  	p1 =	sne.s32 s10, $0x1;
	[sflag:s24] =	ssyncset.done $0x0  }
.Ltmp1:
0x5c: {  	s26 =	simm.s32 $0x4900;
	[sflag:s24] =	ssyncadd.s32 $0xFFFFF000;
	(pc) =	sbr.rel @!p1 .LBB2_5-.Ltmp1, $4  }
0x5d: {  	[spmem:s1] =	stream.indirect.scatter.add.f32 [tilespmem:s20], [sflag:$0x6], $0x10, s26, s18, $0xb8;
	[tilespmem:$0x11700] =	vst v63  }
0x5e: {  	_ =	swait.ge [sflag:s3], $0x1000  }
0x5f: {  	s2 =	simm.s32 $0x700;
	[sflag:s3] =	ssyncset.done $0x0  }
0x60: {  	s25 =	sadd.s32 $0xFFFFFFFF, s10;
	s26 =	simm.s32 $0x1000;
	[sflag:s3] =	ssyncadd.s32 $0xFFFFF000  }
.LBB2_4:
0x61: {  	[tilespmem:s28], [sflag:$0x4] =	stream.indirect.gather [hbm4b:s4+s18], $0x10, s2, s18, $0xb8;
	[tilespmem:$0x11700] =	vst v63  }
0x62: {  	p1 =	sne.s32 s25, $0x1;
	s25 =	sadd.s32 $0xFFFFFFFF, s25;
	_ =	swait.ge [sflag:s29], $0x1000  }
0x63: {  	s2 =	sshra.s32 s26, $0x2;
	[sflag:s29] =	ssyncset.done $0x0  }
0x64: {  	s6 =	sadd.s32 $0x4600, s2;
	[sflag:s29] =	ssyncadd.s32 $0xFFFFF000  }
0x65: {  	[spmem:s1] =	stream.indirect.scatter.add.f32 [tilespmem:s23], [sflag:$0x7], $0x10, s6, s18, $0xb8;
	[tilespmem:$0x11700] =	vst v63  }
0x66: {  	_ =	swait.ge [sflag:s30], $0x1000  }
0x67: {  	[sflag:s30] =	ssyncset.done $0x0  }
0x68: {  	s6 =	sadd.s32 $0x400, s2;
	[sflag:s30] =	ssyncadd.s32 $0xFFFFF000  }
0x69: {  	[tilespmem:s19], [sflag:$0x1] =	stream.indirect.gather [hbm4b:s4+s18], $0x10, s6, s18, $0xb8;
	[tilespmem:$0x11700] =	vst v63  }
0x6a: {  	_ =	swait.ge [sflag:s31], $0x1000  }
0x6b: {  	[sflag:s31] =	ssyncset.done $0x0  }
0x6c: {  	s6 =	sadd.s32 $0x4700, s2;
	[sflag:s31] =	ssyncadd.s32 $0xFFFFF000  }
0x6d: {  	[spmem:s1] =	stream.indirect.scatter.add.f32 [tilespmem:s28], [sflag:$0x8], $0x10, s6, s18, $0xb8;
	[tilespmem:$0x11700] =	vst v63  }
0x6e: {  	_ =	swait.ge [sflag:s0], $0x1000  }
0x6f: {  	[sflag:s0] =	ssyncset.done $0x0  }
0x70: {  	s6 =	sadd.s32 $0x500, s2;
	[sflag:s0] =	ssyncadd.s32 $0xFFFFF000  }
0x71: {  	[tilespmem:s20], [sflag:$0x2] =	stream.indirect.gather [hbm4b:s4+s18], $0x10, s6, s18, $0xb8;
	[tilespmem:$0x11700] =	vst v63  }
0x72: {  	_ =	swait.ge [sflag:s21], $0x1000  }
0x73: {  	[sflag:s21] =	ssyncset.done $0x0  }
0x74: {  	s6 =	sadd.s32 $0x4800, s2;
	[sflag:s21] =	ssyncadd.s32 $0xFFFFF000  }
0x75: {  	[spmem:s1] =	stream.indirect.scatter.add.f32 [tilespmem:s19], [sflag:$0x5], $0x10, s6, s18, $0xb8;
	[tilespmem:$0x11700] =	vst v63  }
0x76: {  	_ =	swait.ge [sflag:s15], $0x1000  }
0x77: {  	[sflag:s15] =	ssyncset.done $0x0  }
0x78: {  	s6 =	sadd.s32 $0x600, s2;
	[sflag:s15] =	ssyncadd.s32 $0xFFFFF000  }
0x79: {  	[tilespmem:s23], [sflag:$0x3] =	stream.indirect.gather [hbm4b:s4+s18], $0x10, s6, s18, $0xb8;
	[tilespmem:$0x11700] =	vst v63  }
0x7a: {  	_ =	swait.ge [sflag:s24], $0x1000  }
0x7b: {  	[sflag:s24] =	ssyncset.done $0x0  }
.Ltmp2:
0x7c: {  	s6 =	sadd.s32 $0x4900, s2;
	[sflag:s24] =	ssyncadd.s32 $0xFFFFF000;
	(pc) =	sbr.rel @p1 .LBB2_4-.Ltmp2, $4  }
0x7d: {  	[spmem:s1] =	stream.indirect.scatter.add.f32 [tilespmem:s20], [sflag:$0x6], $0x10, s6, s18, $0xb8;
	[tilespmem:$0x11700] =	vst v63  }
0x7e: {  	_ =	swait.ge [sflag:s3], $0x1000  }
0x7f: {  	[sflag:s3] =	ssyncset.done $0x0  }
0x80: {  	s26 =	sadd.s32 $0x1000, s26;
	s2 =	sadd.s32 $0x700, s2;
	[sflag:s3] =	ssyncadd.s32 $0xFFFFF000  }
.LBB2_5:
0x81: {  	[tilespmem:s28], [sflag:$0x4] =	stream.indirect.gather [hbm4b:s4+s18], $0x10, s2, s18, $0xb8;
	[tilespmem:$0x11700] =	vst v63  }
0x82: {  	_ =	swait.ge [sflag:s29], $0x1000  }
0x83: {  	[sflag:s29] =	ssyncset.done $0x0  }
0x84: {  	[sflag:s29] =	ssyncadd.s32 $0xFFFFF000  }
0x85: {  	[spmem:s1] =	stream.indirect.scatter.add.f32 [tilespmem:s23], [sflag:$0x7], $0x10, s11, s18, $0xb8;
	[tilespmem:$0x11700] =	vst v63  }
0x86: {  	_ =	swait.ge [sflag:s31], $0x1000  }
0x87: {  	[sflag:s31] =	ssyncset.done $0x0  }
0x88: {  	[sflag:s31] =	ssyncadd.s32 $0xFFFFF000  }
0x89: {  	[spmem:s1] =	stream.indirect.scatter.add.f32 [tilespmem:s28], [sflag:$0x8], $0x10, s12, s18, $0xb8;
	[tilespmem:$0x11700] =	vst v63  }
0x8a: {  	_ =	swait.ge [sflag:s30], $0x1000  }
0x8b: {  	[sflag:s30] =	ssyncset.done $0x0  }
0x8c: {  	[sflag:s30] =	ssyncadd.s32 $0xFFFFF000  }
0x8d: {  	_ =	swait.ge [sflag:s0], $0x1000  }
0x8e: {  	[sflag:s0] =	ssyncset.done $0x0  }
0x8f: {  	[sflag:s0] =	ssyncadd.s32 $0xFFFFF000  }
0x90: {  	_ =	swait.ge [sflag:s15], $0x1000  }
0x91: {  	[sflag:s15] =	ssyncset.done $0x0  }
0x92: {  	[sflag:s15] =	ssyncadd.s32 $0xFFFFF000  }
0x93: {  	s26 =	stileid.u32;
	_ =	swait.ge [sflag:s3], $0x1000  }
0x94: {  	s6 =	sshrl.u32 s5, $0x3;
	s22 =	sadd.s32 $0x1, s22;
	[sflag:s3] =	ssyncset.done $0x0  }
0x95: {  	s2 =	sshll.u32 s26, $0x6;
	p1 =	sne.s32 s22, s14;
	[sflag:s3] =	ssyncadd.s32 $0xFFFFF000  }
.Ltmp3:
0x96: {  	s2 =	sor.u32 $0x1C09, s2;
	[bflag:$0x0] =	sbarrier.arrive $0xFFFF;
	(pc) =	sbr.rel @p1 .LBB2_1-.Ltmp3, $4  }
0x97: {  	[hbm:s13], [sflag:s2] =	dma.local [spmem:s6], $0x4F0  }
0x98: {  	_ =	swait.ge [sflag:s16], $0x4F0  }
0x99: {  	[sflag:s16] =	ssyncset.done $0x0  }
0x9a: {  	[sflag:s16] =	ssyncadd.s32 $0xFFFFFB10  }
0x9b: {  	_ =	sfence.sel $0x180000  }
0x9c: {  	[bflag:$0x0] =	sbarrier.arrive $0xFFFF  }
0x9d: {  	_ =	strace $0x9000004D  }
0x9e: {  	s0 =	stileid.u32;
	[bflag:$0x2] =	sbarrier.arrive $0xFFFF  }
0x9f: {  	p0 =	sne.s32 s0, $0x0;
	s0 =	rddreg [dreg:$0x3]  }
0xa0: {  	s0 =	sadd.s32 @!p0 $0x100000, s0  }
0xa1: {  	[sflag:s0] =	ssyncadd.tile.s32 @!p0 $0x1;
	_ =	shalt  }
.Lfunc_end2:
_tile_overlayer_lowered:
.L_overlay_start_2:
0xa2: {  	(tag) =	ssettag $0x2  }
0xa3: {  	s0 =	rddreg [dreg:$0x0];
	s2 =	stileid.u32  }
0xa4: {  	s1 =	rddreg [dreg:$0x1];
	p0 =	sne.s32 s2, $0x0  }
0xa5: {  	s3 =	rddreg [dreg:$0x2];
	[bflag:$0x3] =	sbarrier.arrive $0xFFFF;
	s2 =	simm.s32 @!p0 $0x1C09  }
0xa6: {  	[timem:s3], [sflag:s2] =	dma.local @!p0 [hbm:s0], s1  }
0xa7: {  	s0 =	simm.s32 @!p0 $0x9  }
0xa8: {  	_ =	swait.ge @!p0 [sflag:s0], s1  }
0xa9: {  	s1 =	ssub.s32 @!p0 $0x0, s1;
	[sflag:s0] =	ssyncset.done @!p0 $0x0  }
0xaa: {  	[sflag:s0] =	ssyncadd.s32 @!p0 s1  }
0xab: {  	[bflag:$0x3] =	sbarrier.arrive $0xFFFF  }
0xac: {  	_ =	shalt  }

// kernel: kernel.9.cloned.1.call-start
scs
__scs_entry_jumppad:
0x0: {  	(pc) =	sbr.rel $0x88, $3  }
0x1: {  	(tag) =	ssettag $0x0;
	lr =	simm.s32 $0x1  }
0x2: {  	[smem:$0x3F8E] =	sst lr;
	_ =	strace $0xD0000000  }
0x3: {  	_ = 	snop  }
0x4: {  	_ = 	snop  }
0x5: {  	_ = 	snop  }
0x6: {  	_ = 	snop  }
0x7: {  	_ = 	snop  }
__scs_overlays_trampoline_lowered:
0x8: {  	[smem:$0x3F9D] =	sst s0  }
0x9: {  	[smem:$0x3F9E] =	sst s1  }
0xa: {  	[smem:$0x3F9F] =	sst s2  }
0xb: {  	[smem:$0x3FA0] =	sst s3  }
0xc: {  	[smem:$0x3FA1] =	sst s4  }
0xd: {  	[smem:$0x3FA2] =	sst s5  }
0xe: {  	[smem:$0x3FA3] =	sst s6  }
0xf: {  	[smem:$0x3FA4] =	sst s7  }
0x10: {  	[smem:$0x3FA5] =	sst s8  }
0x11: {  	[smem:$0x3FA6] =	sst s9;
	s0 =	simm.s32 @!p0 $0x0  }
0x12: {  	s1 =	sld [smem:$0x3F8C];
	s0 =	simm.s32 @p0 $0x1  }
0x13: {  	[smem:$0x3FA7] =	sst s0;
	s0 =	simm.s32 @!p1 $0x0  }
0x14: {  	s2 =	sld [smem:$0x3F8B];
	s0 =	simm.s32 @p1 $0x1  }
0x15: {  	[smem:$0x3FA8] =	sst s0;
	s0 =	simm.s32 @!p2 $0x0  }
0x16: {  	s3 =	sld [smem:$0x3FDB];
	s0 =	simm.s32 @p2 $0x1  }
0x17: {  	s4 =	simm.s32 $0x1BF5;
	[smem:$0x3FAA] =	sst s0  }
0x18: {  	s0 =	sld [smem:$0x3F8D];
	_ =	swait.ge [sflag:s4], $0x0  }
0x19: {  	s7 =	sld [smem:$0x3F8E]  }
0x1a: {  	s8 =	sadd.s32 $0xFFFFE003, lr  }
0x1b: {  	s9 =	sadd.s32 $0xFFFFFEF7, lr;
	s5 =	simm.s32 $0xFFFFFFFF;
	p2 =	slt.u32 s8, $0xFFFFF086  }
0x1c: {  	p1 =	slt.u32 s9, $0xF7A;
	s5 =	simm.s32 @!p2 $0x0  }
0x1d: {  	s5 =	simm.s32 @p1 $0x1;
	p0 =	seq.s32 s7, s2  }
0x1e: {  	s7 =	smul.u32 @!p0 $0xF7A, s2;
	p2 =	seq.s32 @!p0 s5, $0x0  }
0x1f: {  	s9 =	smul.u32 $0xF7A, s1;
	s8 =	simm.s32 @!p0 $0x1BF5;
	p2 =	por !p2, p0  }
0x20: {  	[sflag:s8] =	ssyncset.s32 @!p0 $0xFFFFF086;
	s6 =	sadd.s32 @!p0 s3, s7;
	s7 =	simm.s32 @!p0 $0x108  }
0x21: {  	s3 =	sadd.s32 s3, s9;
	s6 =	sadd.s32 @!p0 $0x88, s6;
	s7 =	simm.s32 @p2 $0x1082  }
0x22: {  	[simem:s7], [sflag:s8] =	dma.local @!p0 [hbm:s6], $0xF7A  }
0x23: {  	s9 =	sor.u32 $0xD0000000, s2;
	s6 =	simm.s32 $0x108;
	_ =	swait.ge @!p0 [sflag:s8], $0x0  }
0x24: {  	s3 =	sadd.s32 $0x88, s3;
	s6 =	simm.s32 @!p1 $0x1082;
	[sflag:s4] =	ssyncset.s32 $0xFFFFF086  }
0x25: {  	[simem:s6], [sflag:s4] =	dma.local [hbm:s3], $0xF7A  }
0x26: {  	[smem:$0x3F8E] =	sst s1;
	(tag) =	ssettag s2;
	_ =	strace s9  }
0x27: {  	s1 =	sld [smem:$0x3F9E]  }
0x28: {  	s2 =	sld [smem:$0x3F9F]  }
0x29: {  	s4 =	sld [smem:$0x3FA1]  }
0x2a: {  	p0 =	seq.s32 s5, $0x0;
	s5 =	sld [smem:$0x3FA2]  }
0x2b: {  	s6 =	sld [smem:$0x3FA3]  }
0x2c: {  	s7 =	sld [smem:$0x3FA4]  }
0x2d: {  	s3 =	simm.s32 $0x108;
	s8 =	sld [smem:$0x3FA5]  }
0x2e: {  	s3 =	simm.s32 @!p0 $0x1082;
	s9 =	sld [smem:$0x3FA6]  }
0x2f: {  	lr =	sadd.s32 s0, s3;
	s0 =	sld [smem:$0x3F9D]  }
0x30: {  	s3 =	sld [smem:$0x3FA0]  }
0x31: {  	[smem:$0x3FA9] =	sst s10  }
0x32: {  	s10 =	sld [smem:$0x3FA7];
	_ =	sdelay $0x3  }
0x33: {  	p0 =	seq.s32 s10, $0x1;
	s10 =	sld [smem:$0x3FA9];
	_ =	sdelay $0x3  }
0x34: {  	[smem:$0x3FA9] =	sst s10  }
0x35: {  	s10 =	sld [smem:$0x3FA8];
	_ =	sdelay $0x3  }
0x36: {  	p1 =	seq.s32 s10, $0x1;
	s10 =	sld [smem:$0x3FA9];
	_ =	sdelay $0x3  }
0x37: {  	[smem:$0x3FA9] =	sst s10  }
0x38: {  	s10 =	sld [smem:$0x3FAA]  }
0x39: {  	_ = 	snop;
	(pc) =	sbr.ind lr, $3  }
0x3a: {  	_ = 	snop  }
0x3b: {  	_ = 	snop  }
0x3c: {  	p2 =	seq.s32 s10, $0x1;
	s10 =	sld [smem:$0x3FA9]  }
0x3d: {  	_ =	shalt  }
0x3e: {  	_ =	shalt  }
0x3f: {  	_ =	shalt  }
0x40: {  	_ =	shalt  }
0x41: {  	_ =	shalt  }
0x42: {  	_ =	shalt  }
0x43: {  	_ =	shalt  }
0x44: {  	_ =	shalt  }
0x45: {  	_ =	shalt  }
0x46: {  	_ =	shalt  }
0x47: {  	_ =	shalt  }
0x48: {  	_ =	shalt  }
0x49: {  	_ =	shalt  }
0x4a: {  	_ =	shalt  }
0x4b: {  	_ =	shalt  }
0x4c: {  	_ =	shalt  }
0x4d: {  	_ =	shalt  }
0x4e: {  	_ =	shalt  }
0x4f: {  	_ =	shalt  }
0x50: {  	_ =	shalt  }
0x51: {  	_ =	shalt  }
0x52: {  	_ =	shalt  }
0x53: {  	_ =	shalt  }
0x54: {  	_ =	shalt  }
0x55: {  	_ =	shalt  }
0x56: {  	_ =	shalt  }
0x57: {  	_ =	shalt  }
0x58: {  	_ =	shalt  }
0x59: {  	_ =	shalt  }
0x5a: {  	_ =	shalt  }
0x5b: {  	_ =	shalt  }
0x5c: {  	_ =	shalt  }
0x5d: {  	_ =	shalt  }
0x5e: {  	_ =	shalt  }
0x5f: {  	_ =	shalt  }
0x60: {  	_ =	shalt  }
0x61: {  	_ =	shalt  }
0x62: {  	_ =	shalt  }
0x63: {  	_ =	shalt  }
0x64: {  	_ =	shalt  }
0x65: {  	_ =	shalt  }
0x66: {  	_ =	shalt  }
0x67: {  	_ =	shalt  }
0x68: {  	_ =	shalt  }
0x69: {  	_ =	shalt  }
0x6a: {  	_ =	shalt  }
0x6b: {  	_ =	shalt  }
0x6c: {  	_ =	shalt  }
0x6d: {  	_ =	shalt  }
0x6e: {  	_ =	shalt  }
0x6f: {  	_ =	shalt  }
0x70: {  	_ =	shalt  }
0x71: {  	_ =	shalt  }
0x72: {  	_ =	shalt  }
0x73: {  	_ =	shalt  }
0x74: {  	_ =	shalt  }
0x75: {  	_ =	shalt  }
0x76: {  	_ =	shalt  }
0x77: {  	_ =	shalt  }
0x78: {  	_ =	shalt  }
0x79: {  	_ =	shalt  }
0x7a: {  	_ =	shalt  }
0x7b: {  	_ =	shalt  }
0x7c: {  	_ =	shalt  }
0x7d: {  	_ =	shalt  }
0x7e: {  	_ =	shalt  }
0x7f: {  	_ =	shalt  }
0x80: {  	_ =	shalt  }
0x81: {  	_ =	shalt  }
0x82: {  	_ =	shalt  }
0x83: {  	_ =	shalt  }
0x84: {  	_ =	shalt  }
0x85: {  	_ =	shalt  }
0x86: {  	_ =	shalt  }
0x87: {  	_ =	shalt  }
.Lfunc_end0:
.L_simem_size_0:
called_computation_lowered:
.L_overlay_start_0:
0x88: {  	s2 =	sld [smem:$0x3FD9]  }
0x89: {  	s3 =	sld [smem:$0x3FFE];
	_ =	sdelay $0x1  }
0x8a: {  	s1 =	srdreg.scid  }
0x8b: {  	s0 =	sand.u32 $0x1, s1  }
0x8c: {  	s17 =	sshll.u32 s0, $0xA;
	s2 =	sadd.s32 s3, s2  }
0x8d: {  	s2 =	sadd.s32 s2, s17  }
0x8e: {  	[smem:$0x3FB5] =	sst s2  }
0x8f: {  	_ = 	snop  }
0x90: {  	s2 =	sld [smem:$0x3FD0];
	(tm) =	ssettm $0x1  }
0x91: {  	s18 =	sld [smem:$0x3FFB];
	_ =	sdelay $0x3  }
0x92: {  	_ =	strace s18  }
0x93: {  	s3 =	sld [smem:$0x3FFC];
	_ =	sdelay $0x3  }
0x94: {  	_ =	strace s3  }
0x95: {  	s3 =	sld [smem:$0x3FFD];
	_ =	sdelay $0x3  }
0x96: {  	_ =	strace s3  }
0x97: {  	_ =	strace $0x8FFFFFFF  }
0x98: {  	s19 =	sld [smem:$0x3FDB];
	_ =	sdelay $0x1  }
0x99: {  	s4 =	simm.s32 $_scs_section_size  }
0x9a: {  	s5 =	simm.s32 $_size__tile_overlayer_lowered;
	s6 =	simm.s32 $_tile_overlayer_lowered  }
0x9b: {  	s22 =	simm.s32 $0x1BFF;
	s21 =	sshll.u32 s6, $0x1;
	s3 =	sadd.s32 s4, s19  }
0x9c: {  	s7 =	simm.s32 $0x0;
	s20 =	sshll.u32 s5, $0x1;
	s5 =	sadd.s32 s21, s3  }
0x9d: {  	[timem:s7], [sflag:s22] =	dma.local [hbm:s5], s20  }
0x9e: {  	_ =	swait.ge [sflag:s22], s20  }
0x9f: {  	s4 =	ssub.s32 $0x0, s20;
	[sflag:s22] =	ssyncset.done $0x0  }
0xa0: {  	[sflag:s22] =	ssyncadd.s32 s4;
	_ =	sdelay $0x1  }
0xa1: {  	s23 =	simm.s32 $0x1B8B  }
0xa2: {  	_ =	swait.ge [sflag:s23], $0x1  }
0xa3: {  	[sflag:s23] =	ssyncset.done $0x0  }
0xa4: {  	s25 =	simm.s32 $0x1B8E;
	s24 =	sld [smem:$0x3FFE];
	[sflag:s23] =	ssyncadd.s32 $0xFFFFFFFF  }
0xa5: {  	s26 =	simm.s32 $execute0_lowered;
	[smem:$0x3FD2] =	sst s25  }
0xa6: {  	s5 =	sshll.u32 s26, $0x1;
	_ =	strace $0x80000046;
	[dreg:$0x1] =	wrdreg $0xFFFFFFFF  }
0xa7: {  	s28 =	simm.s32 $_size_execute0_lowered;
	s3 =	sadd.s32 s3, s5;
	[dreg:$0x0] =	wrdreg $0x0  }
0xa8: {  	s5 =	sshll.u32 s28, $0x1;
	[dreg:$0x2] =	wrdreg s3  }
0xa9: {  	[dreg:$0x3] =	wrdreg s5  }
0xaa: {  	[dreg:$0x4] =	wrdreg $0xC0  }
0xab: {  	_ =	task [dreg:s7], $0x5FFFF  }
0xac: {  	[dreg:$0x1] =	wrdreg $0xFFFFFFFF  }
0xad: {  	[dreg:$0x0] =	wrdreg $0x60  }
0xae: {  	[dreg:$0x2] =	wrdreg s24  }
0xaf: {  	[dreg:$0x3] =	wrdreg s2  }
0xb0: {  	[dreg:$0x4] =	wrdreg $0x157000  }
0xb1: {  	[dreg:$0x5] =	wrdreg $0x9  }
0xb2: {  	_ =	task.clear_ibuf [dreg:s7], $0x6FFFF;
	_ =	strace $0x90000046  }
0xb3: {  	s29 =	simm.s32 $0x9;
	_ =	strace $0x80000048  }
0xb4: {  	_ =	swait.ge [sflag:s29], $0x1  }
0xb5: {  	[sflag:s29] =	ssyncadd.s32 $0xFFFFFFFF  }
0xb6: {  	_ =	strace $0x90000048  }
0xb7: {  	_ =	sfence  }
0xb8: {  	s30 =	sld [smem:$0x0];
	_ =	sdelay $0x2  }
0xb9: {  	s31 =	sshll.u32 s1, $0xD;
	s1 =	sshrl.u32 s1, $0x2  }
0xba: {  	s3 =	sand.u32 $0x4000, s31;
	s1 =	sadd.s32 s1, s30  }
0xbb: {  	s0 =	sor.u32 s3, s0;
	s1 =	sshll.u32 s1, $0x11  }
0xbc: {  	s0 =	sor.u32 s1, s0  }
0xbd: {  	s0 =	sadd.s32 $0x8F2B, s0  }
0xbe: {  	[sflag:s0] =	ssyncadd.remote.s32 $0x1  }
0xbf: {  	_ =	sfence.sel $0xFFFF  }
0xc0: {  	[dreg:$0x0] =	wrdreg $0xFFFFFFFF;
	(pc) =	sbr.abs _section_cstart, $3  }
0xc1: {  	[dreg:$0x1] =	wrdreg $0xFFFFFFFF  }
0xc2: {  	_ =	task.clear_ibuf [dreg:s7], $0x2FFFF;
	_ =	strace $0x9FFFFFFF  }
0xc3: {  	(tm) =	ssettm $0x7FFFFFFF  }
tec
execute0_lowered:
.L_overlay_start_1:
0x0: {  	(tag) =	ssettag $0x1  }
0x1: {  	s0 =	rddreg [dreg:$0x0]  }
0x2: {  	s2 =	rddreg [dreg:$0x1]  }
0x3: {  	s1 =	rddreg [dreg:$0x2]  }
0x4: {  	s3 =	simm.s32 $0x0;
	s21 =	srdreg.scid;
	s12 =	stileid.u32  }
0x5: {  	s11 =	simm.s32 $0x44;
	s16 =	simm.s32 $0x9;
	s17 =	simm.s32 $0x4400  }
0x6: {  	s18 =	simm.s32 $0x100;
	s19 =	simm.s32 $0x8800;
	s20 =	simm.s32 $0xA800  }
0x7: {  	s28 =	simm.s32 $0xE800;
	s29 =	simm.s32 $0x3;
	s30 =	simm.s32 $0x5  }
0x8: {  	s31 =	simm.s32 $0x4;
	s15 =	simm.s32 $0x7;
	s5 =	smul.u32 $0x44, s12  }
0x9: {  	[smem:$0x7FF] =	sst s3;
	s4 =	sadd.s32 $0x2A00, s0;
	s7 =	smul.u32 $0xC, s12  }
0xa: {  	s8 =	sadd.s32 $0x17200, s0;
	s3 =	sand.u32 $0x1, s21;
	s10 =	smul.u32 $0x4F00, s12  }
0xb: {  	s0 =	sadd.s32 $0xC800, s0;
	s12 =	smul.u32 $0x4400, s12;
	s21 =	simm.s32 $0x1  }
0xc: {  	_ =	strace $0x80000047;
	s6 =	ssub.s32 $0x2, s3;
	p0 =	seq.s32 s3, $0x0  }
0xd: {  	s24 =	smul.u32 $0x4F000, s3;
	s9 =	sshrl.u32 s6, $0x1;
	s7 =	sadd.s32 $0x440, s7  }
0xe: {  	s11 =	simm.s32 @!p0 $0xC;
	s22 =	sshrl.u32 s12, $0x3;
	s14 =	ssub.s32 s6, s9  }
0xf: {  	s7 =	smov.u32 @p0 s5;
	s5 =	sadd.s32 s10, s1;
	s9 =	sadd.s32 $0x180, s22  }
0x10: {  	s25 =	sadd.s32 $0xFFFFFFFC, s11;
	s13 =	sshll.u32 s11, $0x8;
	s12 =	sadd.s32 s10, s24  }
0x11: {  	p0 =	sne.s32 s3, $0x0;
	s24 =	simm.s32 $0x2;
	s3 =	simm.s32 $0x8  }
0x12: {  	s22 =	simm.s32 $0x0;
	s7 =	sshll.u32 s7, $0x5;
	s10 =	sshrl.u32 s25, $0x2  }
0x13: {  	s11 =	sadd.s32 $0x4200, s13;
	s26 =	sshrl.u32 s12, $0x3;
	s12 =	sadd.s32 $0x4300, s13  }
0x14: {  	s14 =	smax.u32 s14, $0x1;
	s23 =	sadd.s32 s8, s7;
	s7 =	sadd.s32 s0, s7  }
0x15: {  	s8 =	sadd.s32 s8, s9;
	s9 =	sadd.s32 s0, s9;
	s13 =	sadd.s32 s2, s26  }
0x16: {  	v0 =	vimm.f32 $0.0e+00;
	s0 =	simm.s32 $0x6;
	[dreg:$0x4] =	wrdreg s23;
	s23 =	simm.s32 $0xC800  }
.LBB2_1:
0x17: {  	s2 =	simm.s32 $0x80;
	s25 =	simm.s32 $0x0  }
.LBB2_2:
0x18: {  	p1 =	sne.s32 s2, $0x13B80;
	[tilespmem:s25+$0x10800] =	vst v0;
	s26 =	smov.u32 s2;
	s2 =	sadd.s32 $0x80, s2  }
.Ltmp0:
0x19: {  	[tilespmem:s25+$0x10810] =	vst v0;
	(pc) =	sbr.rel @p1 .LBB2_2-.Ltmp0, $2  }
0x1a: {  	_ =	sdelay $0x2  }
0x1b: {  	s25 =	sshra.s32 s26, $0x2  }
0x1c: {  	[tilespmem:s25+$0x10800] =	vst v0  }
0x1d: {  	[tilespmem:s25+$0x10810] =	vst v0;
	s2 =	simm.s32 $0x10800  }
0x1e: {  	[spmem:s5] =	stream.linear.scatter [tilespmem:s2], [sflag:$0x9], $0x4F00, $0x38;
	[tilespmem:$0x1A600] =	vst v63  }
0x1f: {  	_ =	swait.ge [sflag:s16], $0x4F00  }
0x20: {  	[sflag:s16] =	ssyncset.done $0x0  }
0x21: {  	s26 =	simm.s32 $0x0;
	s6 =	rddreg [dreg:$0x4];
	[sflag:s16] =	ssyncadd.s32 $0xFFFFB100  }
0x22: {  	[tilespmem:s26], [sflag:$0x9] =	stream.linear.gather [hbm4b:s6+s26], $0xC00, $0x38;
	[tilespmem:$0x1A600] =	vst v63  }
0x23: {  	_ =	swait.ge [sflag:s16], $0xC00  }
0x24: {  	[sflag:s16] =	ssyncset.done $0x0  }
0x25: {  	[sflag:s16] =	ssyncadd.s32 $0xFFFFF400  }
0x26: {  	[tilespmem:s17], [sflag:$0x9] =	stream.linear.gather [hbm4b:s7+s26], $0xC00, $0x38;
	[tilespmem:$0x1A600] =	vst v63  }
0x27: {  	_ =	swait.ge [sflag:s16], $0xC00  }
0x28: {  	[sflag:s16] =	ssyncset.done $0x0  }
0x29: {  	s25 =	simm.s32 @!p0 $0xC00;
	s2 =	simm.s32 @!p0 $0x0;
	[sflag:s16] =	ssyncadd.s32 $0xFFFFF400  }
0x2a: {  	[tilespmem:s25], [sflag:$0x9] =	stream.linear.gather @!p0 [hbm4b:s8+s2], $0x3800, $0x38;
	[tilespmem:$0x1A600] =	vst v63  }
0x2b: {  	s25 =	simm.s32 @!p0 $0x9  }
0x2c: {  	_ =	swait.ge @!p0 [sflag:s25], $0x3800  }
0x2d: {  	[sflag:s25] =	ssyncset.done @!p0 $0x0  }
0x2e: {  	s26 =	simm.s32 @!p0 $0x5000;
	[sflag:s25] =	ssyncadd.s32 @!p0 $0xFFFFC800  }
0x2f: {  	[tilespmem:s26], [sflag:$0x9] =	stream.linear.gather @!p0 [hbm4b:s9+s2], $0x3800, $0x38;
	[tilespmem:$0x1A600] =	vst v63  }
0x30: {  	_ =	swait.ge @!p0 [sflag:s25], $0x3800  }
0x31: {  	[sflag:s25] =	ssyncset.done @!p0 $0x0  }
0x32: {  	[sflag:s25] =	ssyncadd.s32 @!p0 $0xFFFFC800  }
0x33: {  	s25 =	simm.s32 $0x0;
	[bflag:$0x0] =	sbarrier.arrive $0xFFFF  }
0x34: {  	[tilespmem:s19], [sflag:$0x1] =	stream.indirect.gather [hbm4b:s4+s18], $0x20, s25, s18, $0xb8;
	[tilespmem:$0x1A600] =	vst v63  }
0x35: {  	_ = 	snop  }
0x36: {  	[tilespmem:s20], [sflag:$0x2] =	stream.indirect.gather [hbm4b:s4+s18], $0x20, s18, s18, $0xb8;
	[tilespmem:$0x1A600] =	vst v63  }
0x37: {  	_ =	swait.ge [sflag:s21], $0x2000  }
0x38: {  	[sflag:s21] =	ssyncset.done $0x0  }
0x39: {  	[sflag:s21] =	ssyncadd.s32 $0xFFFFE000  }
0x3a: {  	[spmem:s1] =	stream.indirect.scatter.add.f32 [tilespmem:s19], [sflag:$0x5], $0x20, s17, s18, $0xb8;
	[tilespmem:$0x1A600] =	vst v63  }
0x3b: {  	s26 =	simm.s32 $0x200  }
0x3c: {  	[tilespmem:s23], [sflag:$0x3] =	stream.indirect.gather [hbm4b:s4+s18], $0x20, s26, s18, $0xb8;
	[tilespmem:$0x1A600] =	vst v63  }
0x3d: {  	_ =	swait.ge [sflag:s24], $0x2000  }
0x3e: {  	[sflag:s24] =	ssyncset.done $0x0  }
0x3f: {  	s6 =	simm.s32 $0x4500;
	[sflag:s24] =	ssyncadd.s32 $0xFFFFE000  }
0x40: {  	[spmem:s1] =	stream.indirect.scatter.add.f32 [tilespmem:s20], [sflag:$0x6], $0x20, s6, s18, $0xb8;
	[tilespmem:$0x1A600] =	vst v63  }
0x41: {  	s25 =	simm.s32 $0x300  }
0x42: {  	[tilespmem:s28], [sflag:$0x4] =	stream.indirect.gather [hbm4b:s4+s18], $0x20, s25, s18, $0xb8;
	[tilespmem:$0x1A600] =	vst v63  }
0x43: {  	_ =	swait.ge [sflag:s29], $0x2000  }
0x44: {  	[sflag:s29] =	ssyncset.done $0x0  }
0x45: {  	s26 =	simm.s32 $0x4600;
	[sflag:s29] =	ssyncadd.s32 $0xFFFFE000  }
0x46: {  	[spmem:s1] =	stream.indirect.scatter.add.f32 [tilespmem:s23], [sflag:$0x7], $0x20, s26, s18, $0xb8;
	[tilespmem:$0x1A600] =	vst v63  }
0x47: {  	_ =	swait.ge [sflag:s30], $0x2000  }
0x48: {  	[sflag:s30] =	ssyncset.done $0x0  }
0x49: {  	s6 =	simm.s32 $0x400;
	[sflag:s30] =	ssyncadd.s32 $0xFFFFE000  }
0x4a: {  	[tilespmem:s19], [sflag:$0x1] =	stream.indirect.gather [hbm4b:s4+s18], $0x20, s6, s18, $0xb8;
	[tilespmem:$0x1A600] =	vst v63  }
0x4b: {  	_ =	swait.ge [sflag:s31], $0x2000  }
0x4c: {  	[sflag:s31] =	ssyncset.done $0x0  }
0x4d: {  	s25 =	simm.s32 $0x4700;
	[sflag:s31] =	ssyncadd.s32 $0xFFFFE000  }
0x4e: {  	[spmem:s1] =	stream.indirect.scatter.add.f32 [tilespmem:s28], [sflag:$0x8], $0x20, s25, s18, $0xb8;
	[tilespmem:$0x1A600] =	vst v63  }
0x4f: {  	_ =	swait.ge [sflag:s0], $0x2000  }
0x50: {  	[sflag:s0] =	ssyncset.done $0x0  }
0x51: {  	s26 =	simm.s32 $0x500;
	[sflag:s0] =	ssyncadd.s32 $0xFFFFE000  }
0x52: {  	[tilespmem:s20], [sflag:$0x2] =	stream.indirect.gather [hbm4b:s4+s18], $0x20, s26, s18, $0xb8;
	[tilespmem:$0x1A600] =	vst v63  }
0x53: {  	_ =	swait.ge [sflag:s21], $0x2000  }
0x54: {  	[sflag:s21] =	ssyncset.done $0x0  }
0x55: {  	s6 =	simm.s32 $0x4800;
	[sflag:s21] =	ssyncadd.s32 $0xFFFFE000  }
0x56: {  	[spmem:s1] =	stream.indirect.scatter.add.f32 [tilespmem:s19], [sflag:$0x5], $0x20, s6, s18, $0xb8;
	[tilespmem:$0x1A600] =	vst v63  }
0x57: {  	_ =	swait.ge [sflag:s15], $0x2000  }
0x58: {  	[sflag:s15] =	ssyncset.done $0x0  }
0x59: {  	s25 =	simm.s32 $0x600;
	[sflag:s15] =	ssyncadd.s32 $0xFFFFE000  }
0x5a: {  	[tilespmem:s23], [sflag:$0x3] =	stream.indirect.gather [hbm4b:s4+s18], $0x20, s25, s18, $0xb8;
	[tilespmem:$0x1A600] =	vst v63  }
0x5b: {  	_ =	swait.ge [sflag:s24], $0x2000  }
0x5c: {  	p1 =	sne.s32 s10, $0x1;
	[sflag:s24] =	ssyncset.done $0x0  }
.Ltmp1:
0x5d: {  	s26 =	simm.s32 $0x4900;
	[sflag:s24] =	ssyncadd.s32 $0xFFFFE000;
	(pc) =	sbr.rel @!p1 .LBB2_5-.Ltmp1, $4  }
0x5e: {  	[spmem:s1] =	stream.indirect.scatter.add.f32 [tilespmem:s20], [sflag:$0x6], $0x20, s26, s18, $0xb8;
	[tilespmem:$0x1A600] =	vst v63  }
0x5f: {  	_ =	swait.ge [sflag:s3], $0x2000  }
0x60: {  	s2 =	simm.s32 $0x700;
	[sflag:s3] =	ssyncset.done $0x0  }
0x61: {  	s25 =	sadd.s32 $0xFFFFFFFF, s10;
	s26 =	simm.s32 $0x1000;
	[sflag:s3] =	ssyncadd.s32 $0xFFFFE000  }
.LBB2_4:
0x62: {  	[tilespmem:s28], [sflag:$0x4] =	stream.indirect.gather [hbm4b:s4+s18], $0x20, s2, s18, $0xb8;
	[tilespmem:$0x1A600] =	vst v63  }
0x63: {  	p1 =	sne.s32 s25, $0x1;
	s25 =	sadd.s32 $0xFFFFFFFF, s25;
	_ =	swait.ge [sflag:s29], $0x2000  }
0x64: {  	s2 =	sshra.s32 s26, $0x2;
	[sflag:s29] =	ssyncset.done $0x0  }
0x65: {  	s6 =	sadd.s32 $0x4600, s2;
	[sflag:s29] =	ssyncadd.s32 $0xFFFFE000  }
0x66: {  	[spmem:s1] =	stream.indirect.scatter.add.f32 [tilespmem:s23], [sflag:$0x7], $0x20, s6, s18, $0xb8;
	[tilespmem:$0x1A600] =	vst v63  }
0x67: {  	_ =	swait.ge [sflag:s30], $0x2000  }
0x68: {  	[sflag:s30] =	ssyncset.done $0x0  }
0x69: {  	s6 =	sadd.s32 $0x400, s2;
	[sflag:s30] =	ssyncadd.s32 $0xFFFFE000  }
0x6a: {  	[tilespmem:s19], [sflag:$0x1] =	stream.indirect.gather [hbm4b:s4+s18], $0x20, s6, s18, $0xb8;
	[tilespmem:$0x1A600] =	vst v63  }
0x6b: {  	_ =	swait.ge [sflag:s31], $0x2000  }
0x6c: {  	[sflag:s31] =	ssyncset.done $0x0  }
0x6d: {  	s6 =	sadd.s32 $0x4700, s2;
	[sflag:s31] =	ssyncadd.s32 $0xFFFFE000  }
0x6e: {  	[spmem:s1] =	stream.indirect.scatter.add.f32 [tilespmem:s28], [sflag:$0x8], $0x20, s6, s18, $0xb8;
	[tilespmem:$0x1A600] =	vst v63  }
0x6f: {  	_ =	swait.ge [sflag:s0], $0x2000  }
0x70: {  	[sflag:s0] =	ssyncset.done $0x0  }
0x71: {  	s6 =	sadd.s32 $0x500, s2;
	[sflag:s0] =	ssyncadd.s32 $0xFFFFE000  }
0x72: {  	[tilespmem:s20], [sflag:$0x2] =	stream.indirect.gather [hbm4b:s4+s18], $0x20, s6, s18, $0xb8;
	[tilespmem:$0x1A600] =	vst v63  }
0x73: {  	_ =	swait.ge [sflag:s21], $0x2000  }
0x74: {  	[sflag:s21] =	ssyncset.done $0x0  }
0x75: {  	s6 =	sadd.s32 $0x4800, s2;
	[sflag:s21] =	ssyncadd.s32 $0xFFFFE000  }
0x76: {  	[spmem:s1] =	stream.indirect.scatter.add.f32 [tilespmem:s19], [sflag:$0x5], $0x20, s6, s18, $0xb8;
	[tilespmem:$0x1A600] =	vst v63  }
0x77: {  	_ =	swait.ge [sflag:s15], $0x2000  }
0x78: {  	[sflag:s15] =	ssyncset.done $0x0  }
0x79: {  	s6 =	sadd.s32 $0x600, s2;
	[sflag:s15] =	ssyncadd.s32 $0xFFFFE000  }
0x7a: {  	[tilespmem:s23], [sflag:$0x3] =	stream.indirect.gather [hbm4b:s4+s18], $0x20, s6, s18, $0xb8;
	[tilespmem:$0x1A600] =	vst v63  }
0x7b: {  	_ =	swait.ge [sflag:s24], $0x2000  }
0x7c: {  	[sflag:s24] =	ssyncset.done $0x0  }
.Ltmp2:
0x7d: {  	s6 =	sadd.s32 $0x4900, s2;
	[sflag:s24] =	ssyncadd.s32 $0xFFFFE000;
	(pc) =	sbr.rel @p1 .LBB2_4-.Ltmp2, $4  }
0x7e: {  	[spmem:s1] =	stream.indirect.scatter.add.f32 [tilespmem:s20], [sflag:$0x6], $0x20, s6, s18, $0xb8;
	[tilespmem:$0x1A600] =	vst v63  }
0x7f: {  	_ =	swait.ge [sflag:s3], $0x2000  }
0x80: {  	[sflag:s3] =	ssyncset.done $0x0  }
0x81: {  	s26 =	sadd.s32 $0x1000, s26;
	s2 =	sadd.s32 $0x700, s2;
	[sflag:s3] =	ssyncadd.s32 $0xFFFFE000  }
.LBB2_5:
0x82: {  	[tilespmem:s28], [sflag:$0x4] =	stream.indirect.gather [hbm4b:s4+s18], $0x20, s2, s18, $0xb8;
	[tilespmem:$0x1A600] =	vst v63  }
0x83: {  	_ =	swait.ge [sflag:s29], $0x2000  }
0x84: {  	[sflag:s29] =	ssyncset.done $0x0  }
0x85: {  	[sflag:s29] =	ssyncadd.s32 $0xFFFFE000  }
0x86: {  	[spmem:s1] =	stream.indirect.scatter.add.f32 [tilespmem:s23], [sflag:$0x7], $0x20, s11, s18, $0xb8;
	[tilespmem:$0x1A600] =	vst v63  }
0x87: {  	_ =	swait.ge [sflag:s31], $0x2000  }
0x88: {  	[sflag:s31] =	ssyncset.done $0x0  }
0x89: {  	[sflag:s31] =	ssyncadd.s32 $0xFFFFE000  }
0x8a: {  	[spmem:s1] =	stream.indirect.scatter.add.f32 [tilespmem:s28], [sflag:$0x8], $0x20, s12, s18, $0xb8;
	[tilespmem:$0x1A600] =	vst v63  }
0x8b: {  	_ =	swait.ge [sflag:s30], $0x2000  }
0x8c: {  	[sflag:s30] =	ssyncset.done $0x0  }
0x8d: {  	[sflag:s30] =	ssyncadd.s32 $0xFFFFE000  }
0x8e: {  	_ =	swait.ge [sflag:s0], $0x2000  }
0x8f: {  	[sflag:s0] =	ssyncset.done $0x0  }
0x90: {  	[sflag:s0] =	ssyncadd.s32 $0xFFFFE000  }
0x91: {  	_ =	swait.ge [sflag:s15], $0x2000  }
0x92: {  	[sflag:s15] =	ssyncset.done $0x0  }
0x93: {  	[sflag:s15] =	ssyncadd.s32 $0xFFFFE000  }
0x94: {  	s26 =	stileid.u32;
	_ =	swait.ge [sflag:s3], $0x2000  }
0x95: {  	s6 =	sshrl.u32 s5, $0x3;
	s22 =	sadd.s32 $0x1, s22;
	[sflag:s3] =	ssyncset.done $0x0  }
0x96: {  	s2 =	sshll.u32 s26, $0x6;
	p1 =	sne.s32 s22, s14;
	[sflag:s3] =	ssyncadd.s32 $0xFFFFE000  }
.Ltmp3:
0x97: {  	s2 =	sor.u32 $0x1C09, s2;
	[bflag:$0x0] =	sbarrier.arrive $0xFFFF;
	(pc) =	sbr.rel @p1 .LBB2_1-.Ltmp3, $4  }
0x98: {  	[hbm:s13], [sflag:s2] =	dma.local [spmem:s6], $0x9E0  }
0x99: {  	_ =	swait.ge [sflag:s16], $0x9E0  }
0x9a: {  	[sflag:s16] =	ssyncset.done $0x0  }
0x9b: {  	[sflag:s16] =	ssyncadd.s32 $0xFFFFF620  }
0x9c: {  	_ =	sfence.sel $0x180000  }
0x9d: {  	[bflag:$0x0] =	sbarrier.arrive $0xFFFF  }
0x9e: {  	_ =	strace $0x90000047  }
0x9f: {  	s0 =	stileid.u32;
	[bflag:$0x2] =	sbarrier.arrive $0xFFFF  }
0xa0: {  	p0 =	sne.s32 s0, $0x0;
	s0 =	rddreg [dreg:$0x3]  }
0xa1: {  	s0 =	sadd.s32 @!p0 $0x100000, s0  }
0xa2: {  	[sflag:s0] =	ssyncadd.tile.s32 @!p0 $0x1;
	_ =	shalt  }
.Lfunc_end2:
_tile_overlayer_lowered:
.L_overlay_start_2:
0xa3: {  	(tag) =	ssettag $0x2  }
0xa4: {  	s0 =	rddreg [dreg:$0x0];
	s2 =	stileid.u32  }
0xa5: {  	s1 =	rddreg [dreg:$0x1];
	p0 =	sne.s32 s2, $0x0  }
0xa6: {  	s3 =	rddreg [dreg:$0x2];
	[bflag:$0x3] =	sbarrier.arrive $0xFFFF;
	s2 =	simm.s32 @!p0 $0x1C09  }
0xa7: {  	[timem:s3], [sflag:s2] =	dma.local @!p0 [hbm:s0], s1  }
0xa8: {  	s0 =	simm.s32 @!p0 $0x9  }
0xa9: {  	_ =	swait.ge @!p0 [sflag:s0], s1  }
0xaa: {  	s1 =	ssub.s32 @!p0 $0x0, s1;
	[sflag:s0] =	ssyncset.done @!p0 $0x0  }
0xab: {  	[sflag:s0] =	ssyncadd.s32 @!p0 s1  }
0xac: {  	[bflag:$0x3] =	sbarrier.arrive $0xFFFF  }
0xad: {  	_ =	shalt  }

</sc_bundles>
